<compile_context>
chip_gen: v7x
topology: tpu7x:2x2x1
jax: 0.10.2.dev20260603
libtpu: 0.0.44.dev20260713+nightly
codegen_flags: <defaults>
</compile_context>

<pallas_src>
import functools

import jax
import jax.numpy as jnp
from jax import lax
from jax.experimental import pallas as pl
from jax.experimental.pallas import tpu as pltpu
from jax.experimental.pallas import tpu_sc as plsc

_EA = (0, 1, 4, 0, 2, 3, 6, 2, 2, 3, 7, 6)
_EB = (1, 5, 5, 4, 3, 7, 7, 6, 0, 1, 5, 4)


def _scan_kernel(idx_hbm, w_out, w_v, idxwin_v, N, RANGE, WIN):
    h = lax.axis_index("c")
    r = lax.axis_index("s")
    lo = r * RANGE
    KH = N * 4
    nwin = KH // WIN

    def init_body(i, _):
        w_v[pl.ds(i * 16, 16)] = jnp.full((16,), -1, jnp.int32)
        return _

    lax.fori_loop(0, RANGE // 16, init_body, 0, unroll=4)

    iota = lax.iota(jnp.int32, 16)

    def win_body(w, _):
        base = h * KH + w * WIN
        pltpu.sync_copy(idx_hbm.at[pl.ds(base, WIN)], idxwin_v)
        c = base // N
        inplane = base - c * N
        kv8 = (inplane + iota) * 8 + c

        def v_body(i, _):
            iv = idxwin_v[pl.ds(i * 16, 16)]
            off = iv - lo
            m = plsc.bitcast(off, jnp.uint32) < jnp.uint32(RANGE)
            cur = plsc.load_gather(w_v, [off], mask=m)
            kv = kv8 + i * 128
            m2 = m & (kv > cur)
            plsc.store_scatter(w_v, [off], kv, mask=m2)
            return _

        lax.fori_loop(0, WIN // 16, v_body, 0, unroll=16)
        return _

    lax.fori_loop(0, nwin, win_body, 0)
    pltpu.sync_copy(w_v, w_out.at[pl.ds((h * 16 + r) * RANGE, RANGE)])


def _merge_kernel(w_halves, voxf_hbm, sdf_hbm, defst_hbm, table_out,
                  w0_v, w1_v, kbuf_v, iv_v, voxcols_v, sdfwin_v, defwin_v,
                  out_v, sem, N, RANGE, RB2, WIN2, NV):
    t = lax.axis_index("s") * 2 + lax.axis_index("c")
    r = t // 2
    iota = lax.iota(jnp.int32, 16)
    zeros16 = jnp.zeros((16,), jnp.int32)
    ones16 = jnp.full((16,), 1, jnp.int32)
    twos16 = jnp.full((16,), 2, jnp.int32)
    threes16 = jnp.full((16,), 3, jnp.int32)

    def win_body(w, _):
        off_in_range = (t % 2) * RB2 + w * WIN2
        row_base = r * RANGE + off_in_range
        pltpu.sync_copy(w_halves.at[pl.ds(r * RANGE + off_in_range, WIN2)],
                        w0_v)
        pltpu.sync_copy(
            w_halves.at[pl.ds((16 + r) * RANGE + off_in_range, WIN2)], w1_v)
        pltpu.sync_copy(sdf_hbm.at[pl.ds(row_base, WIN2)], sdfwin_v)
        for comp in range(3):
            pltpu.sync_copy(defst_hbm.at[comp, pl.ds(row_base, WIN2)],
                            defwin_v.at[pl.ds(comp * WIN2, WIN2)])

        def merge_body(i, _):
            k = jnp.maximum(w0_v[pl.ds(i * 16, 16)], w1_v[pl.ds(i * 16, 16)])
            kbuf_v[pl.ds(i * 16, 16)] = k
            i_safe = jnp.where(k >= 0, lax.shift_right_logical(k, 3), 0)
            iv_v[pl.ds(i * 16, 16)] = i_safe
            iv_v[pl.ds(WIN2 + i * 16, 16)] = i_safe + N
            iv_v[pl.ds(2 * WIN2 + i * 16, 16)] = i_safe + 2 * N
            return _

        lax.fori_loop(0, NV, merge_body, 0, unroll=8)
        pltpu.async_copy(voxf_hbm.at[iv_v], voxcols_v, sem).wait()

        def build_body(i, _):
            rows = i * 16 + iota
            k = kbuf_v[pl.ds(i * 16, 16)]
            valid = k >= 0
            vx = voxcols_v[pl.ds(i * 16, 16)]
            vy = voxcols_v[pl.ds(WIN2 + i * 16, 16)]
            vz = voxcols_v[pl.ds(2 * WIN2 + i * 16, 16)]
            px = jnp.where(valid, (vx + (k & 1)).astype(jnp.float32), 0.0)
            py = jnp.where(
                valid,
                (vy + (lax.shift_right_logical(k, 1) & 1)).astype(jnp.float32),
                0.0)
            pz = jnp.where(
                valid,
                (vz + (lax.shift_right_logical(k, 2) & 1)).astype(jnp.float32),
                0.0)
            dx = defwin_v[pl.ds(i * 16, 16)]
            dy = defwin_v[pl.ds(WIN2 + i * 16, 16)]
            dz = defwin_v[pl.ds(2 * WIN2 + i * 16, 16)]
            s = sdfwin_v[pl.ds(i * 16, 16)]
            plsc.store_scatter(out_v, [rows, zeros16], px + dx)
            plsc.store_scatter(out_v, [rows, ones16], py + dy)
            plsc.store_scatter(out_v, [rows, twos16], pz + dz)
            plsc.store_scatter(out_v, [rows, threes16], s)
            return _

        lax.fori_loop(0, NV, build_body, 0, unroll=4)
        pltpu.sync_copy(out_v, table_out.at[pl.ds(row_base, WIN2)])
        return _

    lax.fori_loop(0, RB2 // WIN2, win_body, 0)


def _gather_kernel(idx_hbm, table_hbm, g_out, idxwin_v, rows_v,
                   t0_v, t1_v, t2_v, t3_v, sem, KC, WC):
    t = lax.axis_index("s") * 2 + lax.axis_index("c")
    iota = lax.iota(jnp.int32, 16)
    comps = (jnp.zeros((16,), jnp.int32), jnp.full((16,), 1, jnp.int32),
             jnp.full((16,), 2, jnp.int32), jnp.full((16,), 3, jnp.int32))
    tbufs = (t0_v, t1_v, t2_v, t3_v)

    def win_body(w, _):
        base = t * KC + w * WC
        pltpu.sync_copy(idx_hbm.at[pl.ds(base, WC)], idxwin_v)
        pltpu.async_copy(table_hbm.at[idxwin_v], rows_v, sem).wait()

        def tr_body(i, _):
            rows = i * 16 + iota
            for comp in range(4):
                tbufs[comp][pl.ds(i * 16, 16)] = plsc.load_gather(
                    rows_v, [rows, comps[comp]])
            return _

        lax.fori_loop(0, WC // 16, tr_body, 0, unroll=4)
        for comp in range(4):
            pltpu.sync_copy(tbufs[comp], g_out.at[comp, pl.ds(base, WC)])
        return _

    lax.fori_loop(0, KC // WC, win_body, 0)


def _dense_kernel(g4_ref, bt_ref, at_ref, gm_ref, ws_ref, out_ref):
    ws = ws_ref[0, 0]
    s = [g4_ref[24 + c, :] for c in range(8)]
    px = [(g4_ref[0 + c, :] + 0.5) * ws - 1.0 for c in range(8)]
    py = [(g4_ref[8 + c, :] + 0.5) * ws - 1.0 for c in range(8)]
    pz = [(g4_ref[16 + c, :] + 0.5) * ws - 1.0 for c in range(8)]

    occ_sum = sum((sc < 0).astype(jnp.float32) for sc in s)
    surf = ((occ_sum > 0) & (occ_sum < 8)).astype(jnp.float32)

    wsc = 0.99
    alpha_n = [jnp.tanh(at_ref[c, :]) * wsc + 1.0 for c in range(8)]
    gm = gm_ref[0, :]
    gamma_n = (1.0 / (1.0 + jnp.exp(-gm))) * wsc + (1.0 - wsc) / 2.0

    nx = jnp.zeros_like(gm)
    ny = jnp.zeros_like(gm)
    nz = jnp.zeros_like(gm)
    bw_sum = jnp.zeros_like(gm)
    for e in range(12):
        beta_n = jnp.tanh(bt_ref[e, :]) * wsc + 1.0
        sa = s[_EA[e]]
        sb = s[_EB[e]]
        denom = sa - sb
        denom = jnp.where(jnp.abs(denom) < 1e-8, 1e-8, denom)
        te = jnp.clip(sa / denom, 0.0, 1.0)
        crossing = ((sa * sb) < 0).astype(jnp.float32)
        bw = beta_n * crossing + 1e-6
        bw_sum = bw_sum + bw
        pax, pbx = px[_EA[e]], px[_EB[e]]
        pay, pby = py[_EA[e]], py[_EB[e]]
        paz, pbz = pz[_EA[e]], pz[_EB[e]]
        nx = nx + bw * (pax + te * (pbx - pax))
        ny = ny + bw * (pay + te * (pby - pay))
        nz = nz + bw * (paz + te * (pbz - paz))
    vex = nx / bw_sum
    vey = ny / bw_sum
    vez = nz / bw_sum

    a_sum = sum(alpha_n)
    vcx = sum(alpha_n[c] * px[c] for c in range(8)) / a_sum
    vcy = sum(alpha_n[c] * py[c] for c in range(8)) / a_sum
    vcz = sum(alpha_n[c] * pz[c] for c in range(8)) / a_sum

    out_ref[0, :] = (gamma_n * vex + (1.0 - gamma_n) * vcx) * surf
    out_ref[1, :] = (gamma_n * vey + (1.0 - gamma_n) * vcy) * surf
    out_ref[2, :] = (gamma_n * vez + (1.0 - gamma_n) * vcz) * surf


def kernel(voxel_coords, sdf, cube_idx, resolution, deform, beta, alpha, gamma):
    N_ = cube_idx.shape[0]
    M_ = sdf.shape[0]
    K = N_ * 8

    RB2 = ((M_ + 32 * 16 - 1) // (32 * 16)) * 16
    MP = RB2 * 32
    RANGE = MP // 16
    WIN = 20000
    WIN2 = 2344
    KC = K // 32
    WC = 2000

    ws = 2.0 / jnp.asarray(resolution, jnp.float32)
    idx_cm = cube_idx.T.reshape(-1)
    voxf = voxel_coords.T.reshape(-1)
    sdf_p = jnp.pad(sdf, (0, MP - M_))
    defst = (deform * (jnp.asarray(resolution, jnp.float32) * 0.5)).T
    defst_p = jnp.pad(defst, ((0, 0), (0, MP - M_)))

    mesh = plsc.VectorSubcoreMesh(core_axis_name="c", subcore_axis_name="s")
    scp = pltpu.CompilerParams(needs_layout_passes=False,
                               use_tc_tiling_on_sc=False)

    scan = functools.partial(
        pl.kernel,
        mesh=mesh,
        compiler_params=scp,
        out_type=jax.ShapeDtypeStruct((2 * 16 * RANGE,), jnp.int32),
        scratch_types=[
            pltpu.VMEM((RANGE,), jnp.int32),
            pltpu.VMEM((WIN,), jnp.int32),
        ],
    )(functools.partial(_scan_kernel, N=N_, RANGE=RANGE, WIN=WIN))
    w_halves = scan(idx_cm)

    merge = functools.partial(
        pl.kernel,
        mesh=mesh,
        compiler_params=scp,
        out_type=jax.ShapeDtypeStruct((MP, 4), jnp.float32),
        scratch_types=[
            pltpu.VMEM((WIN2,), jnp.int32),
            pltpu.VMEM((WIN2,), jnp.int32),
            pltpu.VMEM((WIN2,), jnp.int32),
            pltpu.VMEM((3 * WIN2,), jnp.int32),
            pltpu.VMEM((3 * WIN2,), jnp.int32),
            pltpu.VMEM((WIN2,), jnp.float32),
            pltpu.VMEM((3 * WIN2,), jnp.float32),
            pltpu.VMEM((WIN2, 4), jnp.float32),
            pltpu.SemaphoreType.DMA,
        ],
    )(functools.partial(_merge_kernel, N=N_, RANGE=RB2 * 2, RB2=RB2,
                        WIN2=WIN2, NV=WIN2 // 16))
    table = merge(w_halves, voxf, sdf_p, defst_p)

    gather = functools.partial(
        pl.kernel,
        mesh=mesh,
        compiler_params=scp,
        out_type=jax.ShapeDtypeStruct((4, K), jnp.float32),
        scratch_types=[
            pltpu.VMEM((WC,), jnp.int32),
            pltpu.VMEM((WC, 4), jnp.float32),
            pltpu.VMEM((WC,), jnp.float32),
            pltpu.VMEM((WC,), jnp.float32),
            pltpu.VMEM((WC,), jnp.float32),
            pltpu.VMEM((WC,), jnp.float32),
            pltpu.SemaphoreType.DMA,
        ],
    )(functools.partial(_gather_kernel, KC=KC, WC=WC))
    g4 = gather(idx_cm, table)

    B = 2048
    out_t = pl.pallas_call(
        _dense_kernel,
        grid=(pl.cdiv(N_, B),),
        in_specs=[
            pl.BlockSpec((32, B), lambda i: (0, i)),
            pl.BlockSpec((12, B), lambda i: (0, i)),
            pl.BlockSpec((8, B), lambda i: (0, i)),
            pl.BlockSpec((1, B), lambda i: (0, i)),
            pl.BlockSpec((8, 128), lambda i: (0, 0)),
        ],
        out_specs=pl.BlockSpec((3, B), lambda i: (0, i)),
        out_shape=jax.ShapeDtypeStruct((3, N_), jnp.float32),
    )(g4.reshape(32, N_), beta.T, alpha.T,
      gamma.reshape(1, N_),
      jnp.broadcast_to(ws.reshape(1, 1), (8, 128)))
    return out_t.T

# --- scband reference (transcript-rebuilt; emitter-appended) ---
"""Pipeline reference for scband-sparse-diff-dmc-45045617000961 (READ-ONLY COPY).

The authoritative reference and input builder live on the scoring server;
editing this copy changes nothing except your own understanding.
"""

import jax, jax.numpy as jnp
import numpy as np

N = 1000000
M = 1200000

CUBE_CORNERS = jnp.array([[0,0,0],[1,0,0],[0,1,0],[1,1,0],[0,0,1],[1,0,1],[0,1,1],[1,1,1]], dtype=jnp.float32)
CUBE_EDGES = jnp.array([0,1,1,5,4,5,0,4,2,3,3,7,6,7,2,6,2,0,3,1,7,5,6,4], dtype=jnp.int32).reshape(12, 2)


def setup_inputs(seed: int = 0) -> dict:
    key = jax.random.key(seed)
    ks = jax.random.split(key, 8)
    voxel_coords = jax.random.randint(ks[0], (N, 3), 0, 511)
    cube_idx = jax.random.randint(ks[1], (N, 8), 0, M)
    sdf = jax.random.normal(ks[2], (M,), dtype=jnp.float32) * 0.1
    deform = jax.random.normal(ks[3], (M, 3), dtype=jnp.float32) * 0.01
    beta = jax.random.normal(ks[4], (N, 12), dtype=jnp.float32)
    alpha = jax.random.normal(ks[5], (N, 8), dtype=jnp.float32)
    gamma = jax.random.normal(ks[6], (N,), dtype=jnp.float32)
    return {"voxel_coords": voxel_coords, "sdf": sdf, "cube_idx": cube_idx,
            "resolution": 512, "deform": deform, "beta": beta,
            "alpha": alpha, "gamma": gamma}


def reference(voxel_coords, sdf, cube_idx, resolution, deform, beta, alpha, gamma):
    # SparseDiffDMC core (train / weighted_avg mode):
    # 1) scatter cube-corner grid positions into the unique-corner memory (index_put_)
    # 2) world-space transform + deform
    # 3) gather SDF per cube corner, identify surface cubes (occupancy)
    # 4) FlexiCubes-style normalized weights (beta/alpha/gamma)
    # 5) dual vertex = gamma-mix of beta-weighted edge-crossing avg and alpha-weighted corner avg
    weight_scale = 0.99
    isovalue = 0.0
    M_ = sdf.shape[0]
    cube_corner_pos = voxel_coords[:, None, :].astype(jnp.float32) + CUBE_CORNERS[None, :, :]
    flat_indices = cube_idx.reshape(-1)
    flat_pos = cube_corner_pos.reshape(-1, 3)
    # scatter-overwrite: unique_corners_pos.index_put_((flat_indices,), flat_pos)
    unique_corners_pos = jnp.zeros((M_, 3), dtype=jnp.float32).at[flat_indices].set(flat_pos)
    world_scale = 2.0 / resolution
    world_pos = (unique_corners_pos + 0.5) * world_scale - 1.0 + deform
    scalar_field = sdf - isovalue
    # gather per-cube corner SDF values
    s_fx8 = scalar_field[cube_idx]
    occ_fx8 = s_fx8 < 0
    occ_sum = occ_fx8.sum(axis=-1)
    surf_cubes = (occ_sum > 0) & (occ_sum < 8)
    # _normalize_weights
    beta_n = jnp.tanh(beta) * weight_scale + 1.0
    alpha_n = jnp.tanh(alpha) * weight_scale + 1.0
    gamma_n = jax.nn.sigmoid(gamma) * weight_scale + (1.0 - weight_scale) / 2.0
    # gather per-cube corner positions
    p_fx8 = world_pos[cube_idx]
    ea = CUBE_EDGES[:, 0]
    eb = CUBE_EDGES[:, 1]
    sa = s_fx8[:, ea]
    sb = s_fx8[:, eb]
    denom = sa - sb
    denom = jnp.where(jnp.abs(denom) < 1e-8, 1e-8, denom)
    t = jnp.clip(sa / denom, 0.0, 1.0)
    pa = p_fx8[:, ea]
    pb = p_fx8[:, eb]
    ue = pa + t[..., None] * (pb - pa)  # zero-crossing points on the 12 edges
    crossing = ((sa * sb) < 0).astype(jnp.float32)
    bw = beta_n * crossing + 1e-6
    vd_edge = (bw[..., None] * ue).sum(axis=1) / bw.sum(axis=1)[..., None]
    vd_corner = (alpha_n[..., None] * p_fx8).sum(axis=1) / alpha_n.sum(axis=1)[..., None]
    vd = gamma_n[:, None] * vd_edge + (1.0 - gamma_n[:, None]) * vd_corner
    return vd * surf_cubes[:, None].astype(jnp.float32)

if __name__ == "__main__":
    import jax
    _d = setup_inputs()
    print(jax.jit(kernel)(*tuple(_d.values())))

</pallas_src>

<mosaic_0001>
#map = affine_map<(d0, d1) -> (0)>
#map1 = affine_map<(d0, d1) -> (0, 0)>
module attributes {stable_mosaic.version = 14 : i64} {
  func.func @_merge_kernel(%arg0: i32, %arg1: i32, %arg2: memref<2400256xi32, #tpu.memory_space<hbm>>, %arg3: memref<3000000xi32, #tpu.memory_space<hbm>>, %arg4: memref<1200128xf32, #tpu.memory_space<hbm>>, %arg5: memref<3x1200128xf32, #tpu.memory_space<hbm>>, %arg6: memref<1200128x4xf32, #tpu.memory_space<hbm>>, %arg7: memref<2344xi32, #tpu.memory_space<vmem>>, %arg8: memref<2344xi32, #tpu.memory_space<vmem>>, %arg9: memref<2344xi32, #tpu.memory_space<vmem>>, %arg10: memref<7032xi32, #tpu.memory_space<vmem>>, %arg11: memref<7032xi32, #tpu.memory_space<vmem>>, %arg12: memref<2344xf32, #tpu.memory_space<vmem>>, %arg13: memref<7032xf32, #tpu.memory_space<vmem>>, %arg14: memref<2344x4xf32, #tpu.memory_space<vmem>>, %arg15: memref<!tpu.dma_semaphore, #tpu.memory_space<semaphore_mem>>) attributes {dimension_semantics = [#tpu.dimension_semantics<core_parallel>, #tpu.dimension_semantics<subcore_parallel>], iteration_bounds = array<i64: 2, 16>, scalar_prefetch = 0 : i64, scratch_operands = 9 : i64, tpu.core_type = #tpu.core_type<sc_vector_subcore>, window_params = [{transform_indices = #map}, {transform_indices = #map}, {transform_indices = #map}, {transform_indices = #map1}, {transform_indices = #map1}]} {
    %mul3A = arith.constant 2 : i32
    %mul3A_0 = arith.muli %arg1, %mul3A : i32
    %add3A = arith.addi %mul3A_0, %arg0 : i32
    %jit3A = arith.constant 2 : i32
    %div3A = arith.divsi %add3A, %jit3A : i32
    %sign3A = arith.constant 0 : i32
    %sign3A_1 = arith.cmpi sgt, %add3A, %sign3A : i32
    %sign3A_2 = arith.extui %sign3A_1 : i1 to i32
    %sign3A_3 = arith.constant 0 : i32
    %sign3A_4 = arith.cmpi slt, %add3A, %sign3A_3 : i32
    %sign3A_5 = arith.extui %sign3A_4 : i1 to i32
    %sign3A_6 = arith.subi %sign3A_2, %sign3A_5 : i32
    %sign3A_7 = arith.constant 0 : i32
    %sign3A_8 = arith.cmpi sgt, %jit3A, %sign3A_7 : i32
    %sign3A_9 = arith.extui %sign3A_8 : i1 to i32
    %sign3A_10 = arith.constant 0 : i32
    %sign3A_11 = arith.cmpi slt, %jit3A, %sign3A_10 : i32
    %sign3A_12 = arith.extui %sign3A_11 : i1 to i32
    %sign3A_13 = arith.subi %sign3A_9, %sign3A_12 : i32
    %ne3A = arith.cmpi ne, %sign3A_6, %sign3A_13 : i32
    %rem3A = arith.remsi %add3A, %jit3A : i32
    %ne3A_14 = arith.constant 0 : i32
    %ne3A_15 = arith.cmpi ne, %rem3A, %ne3A_14 : i32
    %and3A = arith.andi %ne3A, %ne3A_15 : i1
    %sub3A = arith.constant 1 : i32
    %sub3A_16 = arith.subi %div3A, %sub3A : i32
    %select_n3A = arith.select %and3A, %sub3A_16, %div3A : i32
    %iota3A = tpu.iota {dimensions = array<i32: 0>} : vector<16xi32>
    %broadcast_in_dim3A = arith.constant 0 : i32
    %broadcast_in_dim3A_17 = vector.broadcast %broadcast_in_dim3A : i32 to vector<16xi32>
    %broadcast_in_dim3A_18 = arith.constant 1 : i32
    %broadcast_in_dim3A_19 = vector.broadcast %broadcast_in_dim3A_18 : i32 to vector<16xi32>
    %broadcast_in_dim3A_20 = arith.constant 2 : i32
    %broadcast_in_dim3A_21 = vector.broadcast %broadcast_in_dim3A_20 : i32 to vector<16xi32>
    %broadcast_in_dim3A_22 = arith.constant 3 : i32
    %broadcast_in_dim3A_23 = vector.broadcast %broadcast_in_dim3A_22 : i32 to vector<16xi32>
    %scan3A = arith.constant 0 : i32
    %scan3A_24 = arith.constant 0 : i32
    %scan3A_25 = arith.constant 16 : i32
    %scan3A_26 = arith.addi %scan3A_24, %scan3A_25 : i32
    %scan3A_27 = arith.constant 1 : i32
    scf.for %scan3A_29 = %scan3A_24 to %scan3A_26 step %scan3A_27  : i32 {
      %jit3A_30 = arith.constant 2 : i32
      %eq3A = arith.constant 0 : i32
      %eq3A_31 = arith.cmpi eq, %jit3A_30, %eq3A : i32
      %jit3A_32 = arith.constant 1 : i32
      %select_n3A_33 = arith.select %eq3A_31, %jit3A_32, %jit3A_30 : i32
      %rem3A_34 = arith.remsi %add3A, %select_n3A_33 : i32
      %ne3A_35 = arith.constant 0 : i32
      %ne3A_36 = arith.cmpi ne, %rem3A_34, %ne3A_35 : i32
      %lt3A = arith.constant 0 : i32
      %lt3A_37 = arith.cmpi slt, %rem3A_34, %lt3A : i32
      %lt3A_38 = arith.constant 0 : i32
      %lt3A_39 = arith.cmpi slt, %select_n3A_33, %lt3A_38 : i32
      %ne3A_40 = arith.xori %lt3A_37, %lt3A_39 : i1
      %and3A_41 = arith.andi %ne3A_40, %ne3A_36 : i1
      %add3A_42 = arith.addi %rem3A_34, %select_n3A_33 : i32
      %select_n3A_43 = arith.select %and3A_41, %add3A_42, %rem3A_34 : i32
      %mul3A_44 = arith.constant 37504 : i32
      %mul3A_45 = arith.muli %select_n3A_43, %mul3A_44 : i32
      %mul3A_46 = arith.constant 2344 : i32
      %mul3A_47 = arith.muli %scan3A_29, %mul3A_46 : i32
      %add3A_48 = arith.addi %mul3A_45, %mul3A_47 : i32
      %mul3A_49 = arith.constant 75008 : i32
      %mul3A_50 = arith.muli %select_n3A, %mul3A_49 : i32
      %add3A_51 = arith.addi %mul3A_50, %add3A_48 : i32
      %mul3A_52 = arith.constant 75008 : i32
      %mul3A_53 = arith.muli %select_n3A, %mul3A_52 : i32
      %add3A_54 = arith.addi %mul3A_53, %add3A_48 : i32
      "tpu.region"() ({
        %run_scoped3A_326 = tpu.sem_alloc : memref<!tpu.dma_semaphore, #tpu.memory_space<semaphore_mem>>
        %dma_start3A_327 = tpu.memref_slice %arg2[%add3A_54] : memref<2400256xi32, #tpu.memory_space<hbm>> -> memref<2344xi32, #tpu.memory_space<hbm>>
        %dma_start3A_328 = tpu.memref_slice %arg2[%add3A_54] : memref<2400256xi32, #tpu.memory_space<hbm>> -> memref<2344xi32, #tpu.memory_space<hbm>>
        tpu.enqueue_dma source(%dma_start3A_328 : memref<2344xi32, #tpu.memory_space<hbm>>) target(%arg7 : memref<2344xi32, #tpu.memory_space<vmem>>) target_semaphore(%run_scoped3A_326 : memref<!tpu.dma_semaphore, #tpu.memory_space<semaphore_mem>>)
        %dma_wait3A_329 = tpu.memref_slice %arg2[%add3A_54] : memref<2400256xi32, #tpu.memory_space<hbm>> -> memref<2344xi32, #tpu.memory_space<hbm>>
        %dma_wait3A_330 = tpu.memref_slice %arg2[%add3A_54] : memref<2400256xi32, #tpu.memory_space<hbm>> -> memref<2344xi32, #tpu.memory_space<hbm>>
        tpu.wait_dma2 semaphore(%run_scoped3A_326 : memref<!tpu.dma_semaphore, #tpu.memory_space<semaphore_mem>>) src(%dma_wait3A_330 : memref<2344xi32, #tpu.memory_space<hbm>>) dst(%arg7 : memref<2344xi32, #tpu.memory_space<vmem>>)
        tpu.yield
      }) : () -> ()
      %add3A_55 = arith.constant 16 : i32
      %add3A_56 = arith.addi %add3A_55, %select_n3A : i32
      %mul3A_57 = arith.constant 75008 : i32
      %mul3A_58 = arith.muli %add3A_56, %mul3A_57 : i32
      %add3A_59 = arith.addi %mul3A_58, %add3A_48 : i32
      "tpu.region"() ({
        %run_scoped3A_326 = tpu.sem_alloc : memref<!tpu.dma_semaphore, #tpu.memory_space<semaphore_mem>>
        %dma_start3A_327 = tpu.memref_slice %arg2[%add3A_59] : memref<2400256xi32, #tpu.memory_space<hbm>> -> memref<2344xi32, #tpu.memory_space<hbm>>
        %dma_start3A_328 = tpu.memref_slice %arg2[%add3A_59] : memref<2400256xi32, #tpu.memory_space<hbm>> -> memref<2344xi32, #tpu.memory_space<hbm>>
        tpu.enqueue_dma source(%dma_start3A_328 : memref<2344xi32, #tpu.memory_space<hbm>>) target(%arg8 : memref<2344xi32, #tpu.memory_space<vmem>>) target_semaphore(%run_scoped3A_326 : memref<!tpu.dma_semaphore, #tpu.memory_space<semaphore_mem>>)
        %dma_wait3A_329 = tpu.memref_slice %arg2[%add3A_59] : memref<2400256xi32, #tpu.memory_space<hbm>> -> memref<2344xi32, #tpu.memory_space<hbm>>
        %dma_wait3A_330 = tpu.memref_slice %arg2[%add3A_59] : memref<2400256xi32, #tpu.memory_space<hbm>> -> memref<2344xi32, #tpu.memory_space<hbm>>
        tpu.wait_dma2 semaphore(%run_scoped3A_326 : memref<!tpu.dma_semaphore, #tpu.memory_space<semaphore_mem>>) src(%dma_wait3A_330 : memref<2344xi32, #tpu.memory_space<hbm>>) dst(%arg8 : memref<2344xi32, #tpu.memory_space<vmem>>)
        tpu.yield
      }) : () -> ()
      "tpu.region"() ({
        %run_scoped3A_326 = tpu.sem_alloc : memref<!tpu.dma_semaphore, #tpu.memory_space<semaphore_mem>>
        %dma_start3A_327 = tpu.memref_slice %arg4[%add3A_51] : memref<1200128xf32, #tpu.memory_space<hbm>> -> memref<2344xf32, #tpu.memory_space<hbm>>
        %dma_start3A_328 = tpu.memref_slice %arg4[%add3A_51] : memref<1200128xf32, #tpu.memory_space<hbm>> -> memref<2344xf32, #tpu.memory_space<hbm>>
        tpu.enqueue_dma source(%dma_start3A_328 : memref<2344xf32, #tpu.memory_space<hbm>>) target(%arg12 : memref<2344xf32, #tpu.memory_space<vmem>>) target_semaphore(%run_scoped3A_326 : memref<!tpu.dma_semaphore, #tpu.memory_space<semaphore_mem>>)
        %dma_wait3A_329 = tpu.memref_slice %arg4[%add3A_51] : memref<1200128xf32, #tpu.memory_space<hbm>> -> memref<2344xf32, #tpu.memory_space<hbm>>
        %dma_wait3A_330 = tpu.memref_slice %arg4[%add3A_51] : memref<1200128xf32, #tpu.memory_space<hbm>> -> memref<2344xf32, #tpu.memory_space<hbm>>
        tpu.wait_dma2 semaphore(%run_scoped3A_326 : memref<!tpu.dma_semaphore, #tpu.memory_space<semaphore_mem>>) src(%dma_wait3A_330 : memref<2344xf32, #tpu.memory_space<hbm>>) dst(%arg12 : memref<2344xf32, #tpu.memory_space<vmem>>)
        tpu.yield
      }) : () -> ()
      %run_scoped3A = arith.constant 0 : i32
      "tpu.region"() ({
        %run_scoped3A_326 = tpu.sem_alloc : memref<!tpu.dma_semaphore, #tpu.memory_space<semaphore_mem>>
        %dma_start3A_327 = arith.constant 0 : i32
        %dma_start3A_328 = tpu.memref_slice %arg13[%dma_start3A_327] : memref<7032xf32, #tpu.memory_space<vmem>> -> memref<2344xf32, #tpu.memory_space<vmem>>
        %dma_start3A_329 = tpu.memref_slice %arg5[%run_scoped3A, %add3A_51] : memref<3x1200128xf32, #tpu.memory_space<hbm>> -> memref<1x2344xf32, #tpu.memory_space<hbm>>
        %dma_start3A_330 = tpu.memref_squeeze %dma_start3A_329 : memref<1x2344xf32, #tpu.memory_space<hbm>> -> memref<2344xf32, #tpu.memory_space<hbm>>
        %dma_start3A_331 = arith.constant 0 : i32
        %dma_start3A_332 = tpu.memref_slice %arg13[%dma_start3A_331] : memref<7032xf32, #tpu.memory_space<vmem>> -> memref<2344xf32, #tpu.memory_space<vmem>>
        %dma_start3A_333 = tpu.memref_slice %arg5[%run_scoped3A, %add3A_51] : memref<3x1200128xf32, #tpu.memory_space<hbm>> -> memref<1x2344xf32, #tpu.memory_space<hbm>>
        %dma_start3A_334 = tpu.memref_squeeze %dma_start3A_333 : memref<1x2344xf32, #tpu.memory_space<hbm>> -> memref<2344xf32, #tpu.memory_space<hbm>>
        tpu.enqueue_dma source(%dma_start3A_334 : memref<2344xf32, #tpu.memory_space<hbm>>) target(%dma_start3A_332 : memref<2344xf32, #tpu.memory_space<vmem>>) target_semaphore(%run_scoped3A_326 : memref<!tpu.dma_semaphore, #tpu.memory_space<semaphore_mem>>)
        %dma_wait3A_335 = arith.constant 0 : i32
        %dma_wait3A_336 = tpu.memref_slice %arg13[%dma_wait3A_335] : memref<7032xf32, #tpu.memory_space<vmem>> -> memref<2344xf32, #tpu.memory_space<vmem>>
        %dma_wait3A_337 = tpu.memref_slice %arg5[%run_scoped3A, %add3A_51] : memref<3x1200128xf32, #tpu.memory_space<hbm>> -> memref<1x2344xf32, #tpu.memory_space<hbm>>
        %dma_wait3A_338 = tpu.memref_squeeze %dma_wait3A_337 : memref<1x2344xf32, #tpu.memory_space<hbm>> -> memref<2344xf32, #tpu.memory_space<hbm>>
        %dma_wait3A_339 = arith.constant 0 : i32
        %dma_wait3A_340 = tpu.memref_slice %arg13[%dma_wait3A_339] : memref<7032xf32, #tpu.memory_space<vmem>> -> memref<2344xf32, #tpu.memory_space<vmem>>
        %dma_wait3A_341 = tpu.memref_slice %arg5[%run_scoped3A, %add3A_51] : memref<3x1200128xf32, #tpu.memory_space<hbm>> -> memref<1x2344xf32, #tpu.memory_space<hbm>>
        %dma_wait3A_342 = tpu.memref_squeeze %dma_wait3A_341 : memref<1x2344xf32, #tpu.memory_space<hbm>> -> memref<2344xf32, #tpu.memory_space<hbm>>
        tpu.wait_dma2 semaphore(%run_scoped3A_326 : memref<!tpu.dma_semaphore, #tpu.memory_space<semaphore_mem>>) src(%dma_wait3A_342 : memref<2344xf32, #tpu.memory_space<hbm>>) dst(%dma_wait3A_340 : memref<2344xf32, #tpu.memory_space<vmem>>)
        tpu.yield
      }) : () -> ()
      %run_scoped3A_60 = arith.constant 1 : i32
      "tpu.region"() ({
        %run_scoped3A_326 = tpu.sem_alloc : memref<!tpu.dma_semaphore, #tpu.memory_space<semaphore_mem>>
        %dma_start3A_327 = arith.constant 2344 : i32
        %dma_start3A_328 = tpu.memref_slice %arg13[%dma_start3A_327] : memref<7032xf32, #tpu.memory_space<vmem>> -> memref<2344xf32, #tpu.memory_space<vmem>>
        %dma_start3A_329 = tpu.memref_slice %arg5[%run_scoped3A_60, %add3A_51] : memref<3x1200128xf32, #tpu.memory_space<hbm>> -> memref<1x2344xf32, #tpu.memory_space<hbm>>
        %dma_start3A_330 = tpu.memref_squeeze %dma_start3A_329 : memref<1x2344xf32, #tpu.memory_space<hbm>> -> memref<2344xf32, #tpu.memory_space<hbm>>
        %dma_start3A_331 = arith.constant 2344 : i32
        %dma_start3A_332 = tpu.memref_slice %arg13[%dma_start3A_331] : memref<7032xf32, #tpu.memory_space<vmem>> -> memref<2344xf32, #tpu.memory_space<vmem>>
        %dma_start3A_333 = tpu.memref_slice %arg5[%run_scoped3A_60, %add3A_51] : memref<3x1200128xf32, #tpu.memory_space<hbm>> -> memref<1x2344xf32, #tpu.memory_space<hbm>>
        %dma_start3A_334 = tpu.memref_squeeze %dma_start3A_333 : memref<1x2344xf32, #tpu.memory_space<hbm>> -> memref<2344xf32, #tpu.memory_space<hbm>>
        tpu.enqueue_dma source(%dma_start3A_334 : memref<2344xf32, #tpu.memory_space<hbm>>) target(%dma_start3A_332 : memref<2344xf32, #tpu.memory_space<vmem>>) target_semaphore(%run_scoped3A_326 : memref<!tpu.dma_semaphore, #tpu.memory_space<semaphore_mem>>)
        %dma_wait3A_335 = arith.constant 2344 : i32
        %dma_wait3A_336 = tpu.memref_slice %arg13[%dma_wait3A_335] : memref<7032xf32, #tpu.memory_space<vmem>> -> memref<2344xf32, #tpu.memory_space<vmem>>
        %dma_wait3A_337 = tpu.memref_slice %arg5[%run_scoped3A_60, %add3A_51] : memref<3x1200128xf32, #tpu.memory_space<hbm>> -> memref<1x2344xf32, #tpu.memory_space<hbm>>
        %dma_wait3A_338 = tpu.memref_squeeze %dma_wait3A_337 : memref<1x2344xf32, #tpu.memory_space<hbm>> -> memref<2344xf32, #tpu.memory_space<hbm>>
        %dma_wait3A_339 = arith.constant 2344 : i32
        %dma_wait3A_340 = tpu.memref_slice %arg13[%dma_wait3A_339] : memref<7032xf32, #tpu.memory_space<vmem>> -> memref<2344xf32, #tpu.memory_space<vmem>>
        %dma_wait3A_341 = tpu.memref_slice %arg5[%run_scoped3A_60, %add3A_51] : memref<3x1200128xf32, #tpu.memory_space<hbm>> -> memref<1x2344xf32, #tpu.memory_space<hbm>>
        %dma_wait3A_342 = tpu.memref_squeeze %dma_wait3A_341 : memref<1x2344xf32, #tpu.memory_space<hbm>> -> memref<2344xf32, #tpu.memory_space<hbm>>
        tpu.wait_dma2 semaphore(%run_scoped3A_326 : memref<!tpu.dma_semaphore, #tpu.memory_space<semaphore_mem>>) src(%dma_wait3A_342 : memref<2344xf32, #tpu.memory_space<hbm>>) dst(%dma_wait3A_340 : memref<2344xf32, #tpu.memory_space<vmem>>)
        tpu.yield
      }) : () -> ()
      %run_scoped3A_61 = arith.constant 2 : i32
      "tpu.region"() ({
        %run_scoped3A_326 = tpu.sem_alloc : memref<!tpu.dma_semaphore, #tpu.memory_space<semaphore_mem>>
        %dma_start3A_327 = arith.constant 4688 : i32
        %dma_start3A_328 = tpu.memref_slice %arg13[%dma_start3A_327] : memref<7032xf32, #tpu.memory_space<vmem>> -> memref<2344xf32, #tpu.memory_space<vmem>>
        %dma_start3A_329 = tpu.memref_slice %arg5[%run_scoped3A_61, %add3A_51] : memref<3x1200128xf32, #tpu.memory_space<hbm>> -> memref<1x2344xf32, #tpu.memory_space<hbm>>
        %dma_start3A_330 = tpu.memref_squeeze %dma_start3A_329 : memref<1x2344xf32, #tpu.memory_space<hbm>> -> memref<2344xf32, #tpu.memory_space<hbm>>
        %dma_start3A_331 = arith.constant 4688 : i32
        %dma_start3A_332 = tpu.memref_slice %arg13[%dma_start3A_331] : memref<7032xf32, #tpu.memory_space<vmem>> -> memref<2344xf32, #tpu.memory_space<vmem>>
        %dma_start3A_333 = tpu.memref_slice %arg5[%run_scoped3A_61, %add3A_51] : memref<3x1200128xf32, #tpu.memory_space<hbm>> -> memref<1x2344xf32, #tpu.memory_space<hbm>>
        %dma_start3A_334 = tpu.memref_squeeze %dma_start3A_333 : memref<1x2344xf32, #tpu.memory_space<hbm>> -> memref<2344xf32, #tpu.memory_space<hbm>>
        tpu.enqueue_dma source(%dma_start3A_334 : memref<2344xf32, #tpu.memory_space<hbm>>) target(%dma_start3A_332 : memref<2344xf32, #tpu.memory_space<vmem>>) target_semaphore(%run_scoped3A_326 : memref<!tpu.dma_semaphore, #tpu.memory_space<semaphore_mem>>)
        %dma_wait3A_335 = arith.constant 4688 : i32
        %dma_wait3A_336 = tpu.memref_slice %arg13[%dma_wait3A_335] : memref<7032xf32, #tpu.memory_space<vmem>> -> memref<2344xf32, #tpu.memory_space<vmem>>
        %dma_wait3A_337 = tpu.memref_slice %arg5[%run_scoped3A_61, %add3A_51] : memref<3x1200128xf32, #tpu.memory_space<hbm>> -> memref<1x2344xf32, #tpu.memory_space<hbm>>
        %dma_wait3A_338 = tpu.memref_squeeze %dma_wait3A_337 : memref<1x2344xf32, #tpu.memory_space<hbm>> -> memref<2344xf32, #tpu.memory_space<hbm>>
        %dma_wait3A_339 = arith.constant 4688 : i32
        %dma_wait3A_340 = tpu.memref_slice %arg13[%dma_wait3A_339] : memref<7032xf32, #tpu.memory_space<vmem>> -> memref<2344xf32, #tpu.memory_space<vmem>>
        %dma_wait3A_341 = tpu.memref_slice %arg5[%run_scoped3A_61, %add3A_51] : memref<3x1200128xf32, #tpu.memory_space<hbm>> -> memref<1x2344xf32, #tpu.memory_space<hbm>>
        %dma_wait3A_342 = tpu.memref_squeeze %dma_wait3A_341 : memref<1x2344xf32, #tpu.memory_space<hbm>> -> memref<2344xf32, #tpu.memory_space<hbm>>
        tpu.wait_dma2 semaphore(%run_scoped3A_326 : memref<!tpu.dma_semaphore, #tpu.memory_space<semaphore_mem>>) src(%dma_wait3A_342 : memref<2344xf32, #tpu.memory_space<hbm>>) dst(%dma_wait3A_340 : memref<2344xf32, #tpu.memory_space<vmem>>)
        tpu.yield
      }) : () -> ()
      %scan3A_62 = arith.constant 0 : i32
      %scan3A_63 = arith.constant 0 : i32
      %scan3A_64 = arith.constant 144 : i32
      %scan3A_65 = arith.addi %scan3A_63, %scan3A_64 : i32
      %scan3A_66 = arith.constant 8 : i32
      scf.for %scan3A_326 = %scan3A_63 to %scan3A_65 step %scan3A_66  : i32 {
        %mul3A_327 = arith.constant 16 : i32
        %mul3A_328 = arith.muli %scan3A_326, %mul3A_327 : i32
        %get3A_329 = arith.index_cast %mul3A_328 : i32 to index
        %get3A_330 = tpu.vector_load %arg7[%get3A_329] {strides = array<i32>} : memref<2344xi32, #tpu.memory_space<vmem>>, vector<16xi32>,
        %mul3A_331 = arith.constant 16 : i32
        %mul3A_332 = arith.muli %scan3A_326, %mul3A_331 : i32
        %get3A_333 = arith.index_cast %mul3A_332 : i32 to index
        %get3A_334 = tpu.vector_load %arg8[%get3A_333] {strides = array<i32>} : memref<2344xi32, #tpu.memory_space<vmem>>, vector<16xi32>,
        %max3A_335 = arith.maxsi %get3A_330, %get3A_334 : vector<16xi32>
        %mul3A_336 = arith.constant 16 : i32
        %mul3A_337 = arith.muli %scan3A_326, %mul3A_336 : i32
        %swap3A_338 = arith.index_cast %mul3A_337 : i32 to index
        %swap3A_339 = tpu.vector_load %arg9[%swap3A_338] {strides = array<i32>} : memref<2344xi32, #tpu.memory_space<vmem>>, vector<16xi32>,
        tpu.vector_store %arg9[%swap3A_338], %max3A_335 {strides = array<i32>} : memref<2344xi32, #tpu.memory_space<vmem>>, vector<16xi32>,
        %ge3A_340 = arith.constant 0 : i32
        %ge3A_341 = vector.broadcast %ge3A_340 : i32 to vector<16xi32>
        %ge3A_342 = arith.cmpi sge, %max3A_335, %ge3A_341 : vector<16xi32>
        %shift_right_logical3A_343 = arith.constant 3 : i32
        %shift_right_logical3A_344 = vector.broadcast %shift_right_logical3A_343 : i32 to vector<16xi32>
        %shift_right_logical3A_345 = arith.shrui %max3A_335, %shift_right_logical3A_344 : vector<16xi32>
        %jit3A_346 = arith.constant 0 : i32
        %broadcast_in_dim3A_347 = vector.broadcast %jit3A_346 : i32 to vector<16xi32>
        %select_n3A_348 = arith.select %ge3A_342, %shift_right_logical3A_345, %broadcast_in_dim3A_347 : vector<16xi1>, vector<16xi32>
        %mul3A_349 = arith.constant 16 : i32
        %mul3A_350 = arith.muli %scan3A_326, %mul3A_349 : i32
        %swap3A_351 = arith.index_cast %mul3A_350 : i32 to index
        %swap3A_352 = tpu.vector_load %arg10[%swap3A_351] {strides = array<i32>} : memref<7032xi32, #tpu.memory_space<vmem>>, vector<16xi32>,
        tpu.vector_store %arg10[%swap3A_351], %select_n3A_348 {strides = array<i32>} : memref<7032xi32, #tpu.memory_space<vmem>>, vector<16xi32>,
        %add3A_353 = arith.constant 1000000 : i32
        %add3A_354 = vector.broadcast %add3A_353 : i32 to vector<16xi32>
        %add3A_355 = arith.addi %select_n3A_348, %add3A_354 : vector<16xi32>
        %mul3A_356 = arith.constant 16 : i32
        %mul3A_357 = arith.muli %scan3A_326, %mul3A_356 : i32
        %add3A_358 = arith.constant 2344 : i32
        %add3A_359 = arith.addi %add3A_358, %mul3A_357 : i32
        %swap3A_360 = arith.index_cast %add3A_359 : i32 to index
        %swap3A_361 = tpu.vector_load %arg10[%swap3A_360] {strides = array<i32>} : memref<7032xi32, #tpu.memory_space<vmem>>, vector<16xi32>,
        tpu.vector_store %arg10[%swap3A_360], %add3A_355 {strides = array<i32>} : memref<7032xi32, #tpu.memory_space<vmem>>, vector<16xi32>,
        %add3A_362 = arith.constant 2000000 : i32
        %add3A_363 = vector.broadcast %add3A_362 : i32 to vector<16xi32>
        %add3A_364 = arith.addi %select_n3A_348, %add3A_363 : vector<16xi32>
        %mul3A_365 = arith.constant 16 : i32
        %mul3A_366 = arith.muli %scan3A_326, %mul3A_365 : i32
        %add3A_367 = arith.constant 4688 : i32
        %add3A_368 = arith.addi %add3A_367, %mul3A_366 : i32
        %swap3A_369 = arith.index_cast %add3A_368 : i32 to index
        %swap3A_370 = tpu.vector_load %arg10[%swap3A_369] {strides = array<i32>} : memref<7032xi32, #tpu.memory_space<vmem>>, vector<16xi32>,
        tpu.vector_store %arg10[%swap3A_369], %add3A_364 {strides = array<i32>} : memref<7032xi32, #tpu.memory_space<vmem>>, vector<16xi32>,
        %scan3A_371 = arith.constant 1 : i32
        %scan3A_372 = arith.addi %scan3A_326, %scan3A_371 : i32
        %mul3A_373 = arith.constant 16 : i32
        %mul3A_374 = arith.muli %scan3A_372, %mul3A_373 : i32
        %get3A_375 = arith.index_cast %mul3A_374 : i32 to index
        %get3A_376 = tpu.vector_load %arg7[%get3A_375] {strides = array<i32>} : memref<2344xi32, #tpu.memory_space<vmem>>, vector<16xi32>,
        %mul3A_377 = arith.constant 16 : i32
        %mul3A_378 = arith.muli %scan3A_372, %mul3A_377 : i32
        %get3A_379 = arith.index_cast %mul3A_378 : i32 to index
        %get3A_380 = tpu.vector_load %arg8[%get3A_379] {strides = array<i32>} : memref<2344xi32, #tpu.memory_space<vmem>>, vector<16xi32>,
        %max3A_381 = arith.maxsi %get3A_376, %get3A_380 : vector<16xi32>
        %mul3A_382 = arith.constant 16 : i32
        %mul3A_383 = arith.muli %scan3A_372, %mul3A_382 : i32
        %swap3A_384 = arith.index_cast %mul3A_383 : i32 to index
        %swap3A_385 = tpu.vector_load %arg9[%swap3A_384] {strides = array<i32>} : memref<2344xi32, #tpu.memory_space<vmem>>, vector<16xi32>,
        tpu.vector_store %arg9[%swap3A_384], %max3A_381 {strides = array<i32>} : memref<2344xi32, #tpu.memory_space<vmem>>, vector<16xi32>,
        %ge3A_386 = arith.constant 0 : i32
        %ge3A_387 = vector.broadcast %ge3A_386 : i32 to vector<16xi32>
        %ge3A_388 = arith.cmpi sge, %max3A_381, %ge3A_387 : vector<16xi32>
        %shift_right_logical3A_389 = arith.constant 3 : i32
        %shift_right_logical3A_390 = vector.broadcast %shift_right_logical3A_389 : i32 to vector<16xi32>
        %shift_right_logical3A_391 = arith.shrui %max3A_381, %shift_right_logical3A_390 : vector<16xi32>
        %jit3A_392 = arith.constant 0 : i32
        %broadcast_in_dim3A_393 = vector.broadcast %jit3A_392 : i32 to vector<16xi32>
        %select_n3A_394 = arith.select %ge3A_388, %shift_right_logical3A_391, %broadcast_in_dim3A_393 : vector<16xi1>, vector<16xi32>
        %mul3A_395 = arith.constant 16 : i32
        %mul3A_396 = arith.muli %scan3A_372, %mul3A_395 : i32
        %swap3A_397 = arith.index_cast %mul3A_396 : i32 to index
        %swap3A_398 = tpu.vector_load %arg10[%swap3A_397] {strides = array<i32>} : memref<7032xi32, #tpu.memory_space<vmem>>, vector<16xi32>,
        tpu.vector_store %arg10[%swap3A_397], %select_n3A_394 {strides = array<i32>} : memref<7032xi32, #tpu.memory_space<vmem>>, vector<16xi32>,
        %add3A_399 = arith.constant 1000000 : i32
        %add3A_400 = vector.broadcast %add3A_399 : i32 to vector<16xi32>
        %add3A_401 = arith.addi %select_n3A_394, %add3A_400 : vector<16xi32>
        %mul3A_402 = arith.constant 16 : i32
        %mul3A_403 = arith.muli %scan3A_372, %mul3A_402 : i32
        %add3A_404 = arith.constant 2344 : i32
        %add3A_405 = arith.addi %add3A_404, %mul3A_403 : i32
        %swap3A_406 = arith.index_cast %add3A_405 : i32 to index
        %swap3A_407 = tpu.vector_load %arg10[%swap3A_406] {strides = array<i32>} : memref<7032xi32, #tpu.memory_space<vmem>>, vector<16xi32>,
        tpu.vector_store %arg10[%swap3A_406], %add3A_401 {strides = array<i32>} : memref<7032xi32, #tpu.memory_space<vmem>>, vector<16xi32>,
        %add3A_408 = arith.constant 2000000 : i32
        %add3A_409 = vector.broadcast %add3A_408 : i32 to vector<16xi32>
        %add3A_410 = arith.addi %select_n3A_394, %add3A_409 : vector<16xi32>
        %mul3A_411 = arith.constant 16 : i32
        %mul3A_412 = arith.muli %scan3A_372, %mul3A_411 : i32
        %add3A_413 = arith.constant 4688 : i32
        %add3A_414 = arith.addi %add3A_413, %mul3A_412 : i32
        %swap3A_415 = arith.index_cast %add3A_414 : i32 to index
        %swap3A_416 = tpu.vector_load %arg10[%swap3A_415] {strides = array<i32>} : memref<7032xi32, #tpu.memory_space<vmem>>, vector<16xi32>,
        tpu.vector_store %arg10[%swap3A_415], %add3A_410 {strides = array<i32>} : memref<7032xi32, #tpu.memory_space<vmem>>, vector<16xi32>,
        %scan3A_417 = arith.constant 2 : i32
        %scan3A_418 = arith.addi %scan3A_326, %scan3A_417 : i32
        %mul3A_419 = arith.constant 16 : i32
        %mul3A_420 = arith.muli %scan3A_418, %mul3A_419 : i32
        %get3A_421 = arith.index_cast %mul3A_420 : i32 to index
        %get3A_422 = tpu.vector_load %arg7[%get3A_421] {strides = array<i32>} : memref<2344xi32, #tpu.memory_space<vmem>>, vector<16xi32>,
        %mul3A_423 = arith.constant 16 : i32
        %mul3A_424 = arith.muli %scan3A_418, %mul3A_423 : i32
        %get3A_425 = arith.index_cast %mul3A_424 : i32 to index
        %get3A_426 = tpu.vector_load %arg8[%get3A_425] {strides = array<i32>} : memref<2344xi32, #tpu.memory_space<vmem>>, vector<16xi32>,
        %max3A_427 = arith.maxsi %get3A_422, %get3A_426 : vector<16xi32>
        %mul3A_428 = arith.constant 16 : i32
        %mul3A_429 = arith.muli %scan3A_418, %mul3A_428 : i32
        %swap3A_430 = arith.index_cast %mul3A_429 : i32 to index
        %swap3A_431 = tpu.vector_load %arg9[%swap3A_430] {strides = array<i32>} : memref<2344xi32, #tpu.memory_space<vmem>>, vector<16xi32>,
        tpu.vector_store %arg9[%swap3A_430], %max3A_427 {strides = array<i32>} : memref<2344xi32, #tpu.memory_space<vmem>>, vector<16xi32>,
        %ge3A_432 = arith.constant 0 : i32
        %ge3A_433 = vector.broadcast %ge3A_432 : i32 to vector<16xi32>
        %ge3A_434 = arith.cmpi sge, %max3A_427, %ge3A_433 : vector<16xi32>
        %shift_right_logical3A_435 = arith.constant 3 : i32
        %shift_right_logical3A_436 = vector.broadcast %shift_right_logical3A_435 : i32 to vector<16xi32>
        %shift_right_logical3A_437 = arith.shrui %max3A_427, %shift_right_logical3A_436 : vector<16xi32>
        %jit3A_438 = arith.constant 0 : i32
        %broadcast_in_dim3A_439 = vector.broadcast %jit3A_438 : i32 to vector<16xi32>
        %select_n3A_440 = arith.select %ge3A_434, %shift_right_logical3A_437, %broadcast_in_dim3A_439 : vector<16xi1>, vector<16xi32>
        %mul3A_441 = arith.constant 16 : i32
        %mul3A_442 = arith.muli %scan3A_418, %mul3A_441 : i32
        %swap3A_443 = arith.index_cast %mul3A_442 : i32 to index
        %swap3A_444 = tpu.vector_load %arg10[%swap3A_443] {strides = array<i32>} : memref<7032xi32, #tpu.memory_space<vmem>>, vector<16xi32>,
        tpu.vector_store %arg10[%swap3A_443], %select_n3A_440 {strides = array<i32>} : memref<7032xi32, #tpu.memory_space<vmem>>, vector<16xi32>,
        %add3A_445 = arith.constant 1000000 : i32
        %add3A_446 = vector.broadcast %add3A_445 : i32 to vector<16xi32>
        %add3A_447 = arith.addi %select_n3A_440, %add3A_446 : vector<16xi32>
        %mul3A_448 = arith.constant 16 : i32
        %mul3A_449 = arith.muli %scan3A_418, %mul3A_448 : i32
        %add3A_450 = arith.constant 2344 : i32
        %add3A_451 = arith.addi %add3A_450, %mul3A_449 : i32
        %swap3A_452 = arith.index_cast %add3A_451 : i32 to index
        %swap3A_453 = tpu.vector_load %arg10[%swap3A_452] {strides = array<i32>} : memref<7032xi32, #tpu.memory_space<vmem>>, vector<16xi32>,
        tpu.vector_store %arg10[%swap3A_452], %add3A_447 {strides = array<i32>} : memref<7032xi32, #tpu.memory_space<vmem>>, vector<16xi32>,
        %add3A_454 = arith.constant 2000000 : i32
        %add3A_455 = vector.broadcast %add3A_454 : i32 to vector<16xi32>
        %add3A_456 = arith.addi %select_n3A_440, %add3A_455 : vector<16xi32>
        %mul3A_457 = arith.constant 16 : i32
        %mul3A_458 = arith.muli %scan3A_418, %mul3A_457 : i32
        %add3A_459 = arith.constant 4688 : i32
        %add3A_460 = arith.addi %add3A_459, %mul3A_458 : i32
        %swap3A_461 = arith.index_cast %add3A_460 : i32 to index
        %swap3A_462 = tpu.vector_load %arg10[%swap3A_461] {strides = array<i32>} : memref<7032xi32, #tpu.memory_space<vmem>>, vector<16xi32>,
        tpu.vector_store %arg10[%swap3A_461], %add3A_456 {strides = array<i32>} : memref<7032xi32, #tpu.memory_space<vmem>>, vector<16xi32>,
        %scan3A_463 = arith.constant 3 : i32
        %scan3A_464 = arith.addi %scan3A_326, %scan3A_463 : i32
        %mul3A_465 = arith.constant 16 : i32
        %mul3A_466 = arith.muli %scan3A_464, %mul3A_465 : i32
        %get3A_467 = arith.index_cast %mul3A_466 : i32 to index
        %get3A_468 = tpu.vector_load %arg7[%get3A_467] {strides = array<i32>} : memref<2344xi32, #tpu.memory_space<vmem>>, vector<16xi32>,
        %mul3A_469 = arith.constant 16 : i32
        %mul3A_470 = arith.muli %scan3A_464, %mul3A_469 : i32
        %get3A_471 = arith.index_cast %mul3A_470 : i32 to index
        %get3A_472 = tpu.vector_load %arg8[%get3A_471] {strides = array<i32>} : memref<2344xi32, #tpu.memory_space<vmem>>, vector<16xi32>,
        %max3A_473 = arith.maxsi %get3A_468, %get3A_472 : vector<16xi32>
        %mul3A_474 = arith.constant 16 : i32
        %mul3A_475 = arith.muli %scan3A_464, %mul3A_474 : i32
        %swap3A_476 = arith.index_cast %mul3A_475 : i32 to index
        %swap3A_477 = tpu.vector_load %arg9[%swap3A_476] {strides = array<i32>} : memref<2344xi32, #tpu.memory_space<vmem>>, vector<16xi32>,
        tpu.vector_store %arg9[%swap3A_476], %max3A_473 {strides = array<i32>} : memref<2344xi32, #tpu.memory_space<vmem>>, vector<16xi32>,
        %ge3A_478 = arith.constant 0 : i32
        %ge3A_479 = vector.broadcast %ge3A_478 : i32 to vector<16xi32>
        %ge3A_480 = arith.cmpi sge, %max3A_473, %ge3A_479 : vector<16xi32>
        %shift_right_logical3A_481 = arith.constant 3 : i32
        %shift_right_logical3A_482 = vector.broadcast %shift_right_logical3A_481 : i32 to vector<16xi32>
        %shift_right_logical3A_483 = arith.shrui %max3A_473, %shift_right_logical3A_482 : vector<16xi32>
        %jit3A_484 = arith.constant 0 : i32
        %broadcast_in_dim3A_485 = vector.broadcast %jit3A_484 : i32 to vector<16xi32>
        %select_n3A_486 = arith.select %ge3A_480, %shift_right_logical3A_483, %broadcast_in_dim3A_485 : vector<16xi1>, vector<16xi32>
        %mul3A_487 = arith.constant 16 : i32
        %mul3A_488 = arith.muli %scan3A_464, %mul3A_487 : i32
        %swap3A_489 = arith.index_cast %mul3A_488 : i32 to index
        %swap3A_490 = tpu.vector_load %arg10[%swap3A_489] {strides = array<i32>} : memref<7032xi32, #tpu.memory_space<vmem>>, vector<16xi32>,
        tpu.vector_store %arg10[%swap3A_489], %select_n3A_486 {strides = array<i32>} : memref<7032xi32, #tpu.memory_space<vmem>>, vector<16xi32>,
        %add3A_491 = arith.constant 1000000 : i32
        %add3A_492 = vector.broadcast %add3A_491 : i32 to vector<16xi32>
        %add3A_493 = arith.addi %select_n3A_486, %add3A_492 : vector<16xi32>
        %mul3A_494 = arith.constant 16 : i32
        %mul3A_495 = arith.muli %scan3A_464, %mul3A_494 : i32
        %add3A_496 = arith.constant 2344 : i32
        %add3A_497 = arith.addi %add3A_496, %mul3A_495 : i32
        %swap3A_498 = arith.index_cast %add3A_497 : i32 to index
        %swap3A_499 = tpu.vector_load %arg10[%swap3A_498] {strides = array<i32>} : memref<7032xi32, #tpu.memory_space<vmem>>, vector<16xi32>,
        tpu.vector_store %arg10[%swap3A_498], %add3A_493 {strides = array<i32>} : memref<7032xi32, #tpu.memory_space<vmem>>, vector<16xi32>,
        %add3A_500 = arith.constant 2000000 : i32
        %add3A_501 = vector.broadcast %add3A_500 : i32 to vector<16xi32>
        %add3A_502 = arith.addi %select_n3A_486, %add3A_501 : vector<16xi32>
        %mul3A_503 = arith.constant 16 : i32
        %mul3A_504 = arith.muli %scan3A_464, %mul3A_503 : i32
        %add3A_505 = arith.constant 4688 : i32
        %add3A_506 = arith.addi %add3A_505, %mul3A_504 : i32
        %swap3A_507 = arith.index_cast %add3A_506 : i32 to index
        %swap3A_508 = tpu.vector_load %arg10[%swap3A_507] {strides = array<i32>} : memref<7032xi32, #tpu.memory_space<vmem>>, vector<16xi32>,
        tpu.vector_store %arg10[%swap3A_507], %add3A_502 {strides = array<i32>} : memref<7032xi32, #tpu.memory_space<vmem>>, vector<16xi32>,
        %scan3A_509 = arith.constant 4 : i32
        %scan3A_510 = arith.addi %scan3A_326, %scan3A_509 : i32
        %mul3A_511 = arith.constant 16 : i32
        %mul3A_512 = arith.muli %scan3A_510, %mul3A_511 : i32
        %get3A_513 = arith.index_cast %mul3A_512 : i32 to index
        %get3A_514 = tpu.vector_load %arg7[%get3A_513] {strides = array<i32>} : memref<2344xi32, #tpu.memory_space<vmem>>, vector<16xi32>,
        %mul3A_515 = arith.constant 16 : i32
        %mul3A_516 = arith.muli %scan3A_510, %mul3A_515 : i32
        %get3A_517 = arith.index_cast %mul3A_516 : i32 to index
        %get3A_518 = tpu.vector_load %arg8[%get3A_517] {strides = array<i32>} : memref<2344xi32, #tpu.memory_space<vmem>>, vector<16xi32>,
        %max3A_519 = arith.maxsi %get3A_514, %get3A_518 : vector<16xi32>
        %mul3A_520 = arith.constant 16 : i32
        %mul3A_521 = arith.muli %scan3A_510, %mul3A_520 : i32
        %swap3A_522 = arith.index_cast %mul3A_521 : i32 to index
        %swap3A_523 = tpu.vector_load %arg9[%swap3A_522] {strides = array<i32>} : memref<2344xi32, #tpu.memory_space<vmem>>, vector<16xi32>,
        tpu.vector_store %arg9[%swap3A_522], %max3A_519 {strides = array<i32>} : memref<2344xi32, #tpu.memory_space<vmem>>, vector<16xi32>,
        %ge3A_524 = arith.constant 0 : i32
        %ge3A_525 = vector.broadcast %ge3A_524 : i32 to vector<16xi32>
        %ge3A_526 = arith.cmpi sge, %max3A_519, %ge3A_525 : vector<16xi32>
        %shift_right_logical3A_527 = arith.constant 3 : i32
        %shift_right_logical3A_528 = vector.broadcast %shift_right_logical3A_527 : i32 to vector<16xi32>
        %shift_right_logical3A_529 = arith.shrui %max3A_519, %shift_right_logical3A_528 : vector<16xi32>
        %jit3A_530 = arith.constant 0 : i32
        %broadcast_in_dim3A_531 = vector.broadcast %jit3A_530 : i32 to vector<16xi32>
        %select_n3A_532 = arith.select %ge3A_526, %shift_right_logical3A_529, %broadcast_in_dim3A_531 : vector<16xi1>, vector<16xi32>
        %mul3A_533 = arith.constant 16 : i32
        %mul3A_534 = arith.muli %scan3A_510, %mul3A_533 : i32
        %swap3A_535 = arith.index_cast %mul3A_534 : i32 to index
        %swap3A_536 = tpu.vector_load %arg10[%swap3A_535] {strides = array<i32>} : memref<7032xi32, #tpu.memory_space<vmem>>, vector<16xi32>,
        tpu.vector_store %arg10[%swap3A_535], %select_n3A_532 {strides = array<i32>} : memref<7032xi32, #tpu.memory_space<vmem>>, vector<16xi32>,
        %add3A_537 = arith.constant 1000000 : i32
        %add3A_538 = vector.broadcast %add3A_537 : i32 to vector<16xi32>
        %add3A_539 = arith.addi %select_n3A_532, %add3A_538 : vector<16xi32>
        %mul3A_540 = arith.constant 16 : i32
        %mul3A_541 = arith.muli %scan3A_510, %mul3A_540 : i32
        %add3A_542 = arith.constant 2344 : i32
        %add3A_543 = arith.addi %add3A_542, %mul3A_541 : i32
        %swap3A_544 = arith.index_cast %add3A_543 : i32 to index
        %swap3A_545 = tpu.vector_load %arg10[%swap3A_544] {strides = array<i32>} : memref<7032xi32, #tpu.memory_space<vmem>>, vector<16xi32>,
        tpu.vector_store %arg10[%swap3A_544], %add3A_539 {strides = array<i32>} : memref<7032xi32, #tpu.memory_space<vmem>>, vector<16xi32>,
        %add3A_546 = arith.constant 2000000 : i32
        %add3A_547 = vector.broadcast %add3A_546 : i32 to vector<16xi32>
        %add3A_548 = arith.addi %select_n3A_532, %add3A_547 : vector<16xi32>
        %mul3A_549 = arith.constant 16 : i32
        %mul3A_550 = arith.muli %scan3A_510, %mul3A_549 : i32
        %add3A_551 = arith.constant 4688 : i32
        %add3A_552 = arith.addi %add3A_551, %mul3A_550 : i32
        %swap3A_553 = arith.index_cast %add3A_552 : i32 to index
        %swap3A_554 = tpu.vector_load %arg10[%swap3A_553] {strides = array<i32>} : memref<7032xi32, #tpu.memory_space<vmem>>, vector<16xi32>,
        tpu.vector_store %arg10[%swap3A_553], %add3A_548 {strides = array<i32>} : memref<7032xi32, #tpu.memory_space<vmem>>, vector<16xi32>,
        %scan3A_555 = arith.constant 5 : i32
        %scan3A_556 = arith.addi %scan3A_326, %scan3A_555 : i32
        %mul3A_557 = arith.constant 16 : i32
        %mul3A_558 = arith.muli %scan3A_556, %mul3A_557 : i32
        %get3A_559 = arith.index_cast %mul3A_558 : i32 to index
        %get3A_560 = tpu.vector_load %arg7[%get3A_559] {strides = array<i32>} : memref<2344xi32, #tpu.memory_space<vmem>>, vector<16xi32>,
        %mul3A_561 = arith.constant 16 : i32
        %mul3A_562 = arith.muli %scan3A_556, %mul3A_561 : i32
        %get3A_563 = arith.index_cast %mul3A_562 : i32 to index
        %get3A_564 = tpu.vector_load %arg8[%get3A_563] {strides = array<i32>} : memref<2344xi32, #tpu.memory_space<vmem>>, vector<16xi32>,
        %max3A_565 = arith.maxsi %get3A_560, %get3A_564 : vector<16xi32>
        %mul3A_566 = arith.constant 16 : i32
        %mul3A_567 = arith.muli %scan3A_556, %mul3A_566 : i32
        %swap3A_568 = arith.index_cast %mul3A_567 : i32 to index
        %swap3A_569 = tpu.vector_load %arg9[%swap3A_568] {strides = array<i32>} : memref<2344xi32, #tpu.memory_space<vmem>>, vector<16xi32>,
        tpu.vector_store %arg9[%swap3A_568], %max3A_565 {strides = array<i32>} : memref<2344xi32, #tpu.memory_space<vmem>>, vector<16xi32>,
        %ge3A_570 = arith.constant 0 : i32
        %ge3A_571 = vector.broadcast %ge3A_570 : i32 to vector<16xi32>
        %ge3A_572 = arith.cmpi sge, %max3A_565, %ge3A_571 : vector<16xi32>
        %shift_right_logical3A_573 = arith.constant 3 : i32
        %shift_right_logical3A_574 = vector.broadcast %shift_right_logical3A_573 : i32 to vector<16xi32>
        %shift_right_logical3A_575 = arith.shrui %max3A_565, %shift_right_logical3A_574 : vector<16xi32>
        %jit3A_576 = arith.constant 0 : i32
        %broadcast_in_dim3A_577 = vector.broadcast %jit3A_576 : i32 to vector<16xi32>
        %select_n3A_578 = arith.select %ge3A_572, %shift_right_logical3A_575, %broadcast_in_dim3A_577 : vector<16xi1>, vector<16xi32>
        %mul3A_579 = arith.constant 16 : i32
        %mul3A_580 = arith.muli %scan3A_556, %mul3A_579 : i32
        %swap3A_581 = arith.index_cast %mul3A_580 : i32 to index
        %swap3A_582 = tpu.vector_load %arg10[%swap3A_581] {strides = array<i32>} : memref<7032xi32, #tpu.memory_space<vmem>>, vector<16xi32>,
        tpu.vector_store %arg10[%swap3A_581], %select_n3A_578 {strides = array<i32>} : memref<7032xi32, #tpu.memory_space<vmem>>, vector<16xi32>,
        %add3A_583 = arith.constant 1000000 : i32
        %add3A_584 = vector.broadcast %add3A_583 : i32 to vector<16xi32>
        %add3A_585 = arith.addi %select_n3A_578, %add3A_584 : vector<16xi32>
        %mul3A_586 = arith.constant 16 : i32
        %mul3A_587 = arith.muli %scan3A_556, %mul3A_586 : i32
        %add3A_588 = arith.constant 2344 : i32
        %add3A_589 = arith.addi %add3A_588, %mul3A_587 : i32
        %swap3A_590 = arith.index_cast %add3A_589 : i32 to index
        %swap3A_591 = tpu.vector_load %arg10[%swap3A_590] {strides = array<i32>} : memref<7032xi32, #tpu.memory_space<vmem>>, vector<16xi32>,
        tpu.vector_store %arg10[%swap3A_590], %add3A_585 {strides = array<i32>} : memref<7032xi32, #tpu.memory_space<vmem>>, vector<16xi32>,
        %add3A_592 = arith.constant 2000000 : i32
        %add3A_593 = vector.broadcast %add3A_592 : i32 to vector<16xi32>
        %add3A_594 = arith.addi %select_n3A_578, %add3A_593 : vector<16xi32>
        %mul3A_595 = arith.constant 16 : i32
        %mul3A_596 = arith.muli %scan3A_556, %mul3A_595 : i32
        %add3A_597 = arith.constant 4688 : i32
        %add3A_598 = arith.addi %add3A_597, %mul3A_596 : i32
        %swap3A_599 = arith.index_cast %add3A_598 : i32 to index
        %swap3A_600 = tpu.vector_load %arg10[%swap3A_599] {strides = array<i32>} : memref<7032xi32, #tpu.memory_space<vmem>>, vector<16xi32>,
        tpu.vector_store %arg10[%swap3A_599], %add3A_594 {strides = array<i32>} : memref<7032xi32, #tpu.memory_space<vmem>>, vector<16xi32>,
        %scan3A_601 = arith.constant 6 : i32
        %scan3A_602 = arith.addi %scan3A_326, %scan3A_601 : i32
        %mul3A_603 = arith.constant 16 : i32
        %mul3A_604 = arith.muli %scan3A_602, %mul3A_603 : i32
        %get3A_605 = arith.index_cast %mul3A_604 : i32 to index
        %get3A_606 = tpu.vector_load %arg7[%get3A_605] {strides = array<i32>} : memref<2344xi32, #tpu.memory_space<vmem>>, vector<16xi32>,
        %mul3A_607 = arith.constant 16 : i32
        %mul3A_608 = arith.muli %scan3A_602, %mul3A_607 : i32
        %get3A_609 = arith.index_cast %mul3A_608 : i32 to index
        %get3A_610 = tpu.vector_load %arg8[%get3A_609] {strides = array<i32>} : memref<2344xi32, #tpu.memory_space<vmem>>, vector<16xi32>,
        %max3A_611 = arith.maxsi %get3A_606, %get3A_610 : vector<16xi32>
        %mul3A_612 = arith.constant 16 : i32
        %mul3A_613 = arith.muli %scan3A_602, %mul3A_612 : i32
        %swap3A_614 = arith.index_cast %mul3A_613 : i32 to index
        %swap3A_615 = tpu.vector_load %arg9[%swap3A_614] {strides = array<i32>} : memref<2344xi32, #tpu.memory_space<vmem>>, vector<16xi32>,
        tpu.vector_store %arg9[%swap3A_614], %max3A_611 {strides = array<i32>} : memref<2344xi32, #tpu.memory_space<vmem>>, vector<16xi32>,
        %ge3A_616 = arith.constant 0 : i32
        %ge3A_617 = vector.broadcast %ge3A_616 : i32 to vector<16xi32>
        %ge3A_618 = arith.cmpi sge, %max3A_611, %ge3A_617 : vector<16xi32>
        %shift_right_logical3A_619 = arith.constant 3 : i32
        %shift_right_logical3A_620 = vector.broadcast %shift_right_logical3A_619 : i32 to vector<16xi32>
        %shift_right_logical3A_621 = arith.shrui %max3A_611, %shift_right_logical3A_620 : vector<16xi32>
        %jit3A_622 = arith.constant 0 : i32
        %broadcast_in_dim3A_623 = vector.broadcast %jit3A_622 : i32 to vector<16xi32>
        %select_n3A_624 = arith.select %ge3A_618, %shift_right_logical3A_621, %broadcast_in_dim3A_623 : vector<16xi1>, vector<16xi32>
        %mul3A_625 = arith.constant 16 : i32
        %mul3A_626 = arith.muli %scan3A_602, %mul3A_625 : i32
        %swap3A_627 = arith.index_cast %mul3A_626 : i32 to index
        %swap3A_628 = tpu.vector_load %arg10[%swap3A_627] {strides = array<i32>} : memref<7032xi32, #tpu.memory_space<vmem>>, vector<16xi32>,
        tpu.vector_store %arg10[%swap3A_627], %select_n3A_624 {strides = array<i32>} : memref<7032xi32, #tpu.memory_space<vmem>>, vector<16xi32>,
        %add3A_629 = arith.constant 1000000 : i32
        %add3A_630 = vector.broadcast %add3A_629 : i32 to vector<16xi32>
        %add3A_631 = arith.addi %select_n3A_624, %add3A_630 : vector<16xi32>
        %mul3A_632 = arith.constant 16 : i32
        %mul3A_633 = arith.muli %scan3A_602, %mul3A_632 : i32
        %add3A_634 = arith.constant 2344 : i32
        %add3A_635 = arith.addi %add3A_634, %mul3A_633 : i32
        %swap3A_636 = arith.index_cast %add3A_635 : i32 to index
        %swap3A_637 = tpu.vector_load %arg10[%swap3A_636] {strides = array<i32>} : memref<7032xi32, #tpu.memory_space<vmem>>, vector<16xi32>,
        tpu.vector_store %arg10[%swap3A_636], %add3A_631 {strides = array<i32>} : memref<7032xi32, #tpu.memory_space<vmem>>, vector<16xi32>,
        %add3A_638 = arith.constant 2000000 : i32
        %add3A_639 = vector.broadcast %add3A_638 : i32 to vector<16xi32>
        %add3A_640 = arith.addi %select_n3A_624, %add3A_639 : vector<16xi32>
        %mul3A_641 = arith.constant 16 : i32
        %mul3A_642 = arith.muli %scan3A_602, %mul3A_641 : i32
        %add3A_643 = arith.constant 4688 : i32
        %add3A_644 = arith.addi %add3A_643, %mul3A_642 : i32
        %swap3A_645 = arith.index_cast %add3A_644 : i32 to index
        %swap3A_646 = tpu.vector_load %arg10[%swap3A_645] {strides = array<i32>} : memref<7032xi32, #tpu.memory_space<vmem>>, vector<16xi32>,
        tpu.vector_store %arg10[%swap3A_645], %add3A_640 {strides = array<i32>} : memref<7032xi32, #tpu.memory_space<vmem>>, vector<16xi32>,
        %scan3A_647 = arith.constant 7 : i32
        %scan3A_648 = arith.addi %scan3A_326, %scan3A_647 : i32
        %mul3A_649 = arith.constant 16 : i32
        %mul3A_650 = arith.muli %scan3A_648, %mul3A_649 : i32
        %get3A_651 = arith.index_cast %mul3A_650 : i32 to index
        %get3A_652 = tpu.vector_load %arg7[%get3A_651] {strides = array<i32>} : memref<2344xi32, #tpu.memory_space<vmem>>, vector<16xi32>,
        %mul3A_653 = arith.constant 16 : i32
        %mul3A_654 = arith.muli %scan3A_648, %mul3A_653 : i32
        %get3A_655 = arith.index_cast %mul3A_654 : i32 to index
        %get3A_656 = tpu.vector_load %arg8[%get3A_655] {strides = array<i32>} : memref<2344xi32, #tpu.memory_space<vmem>>, vector<16xi32>,
        %max3A_657 = arith.maxsi %get3A_652, %get3A_656 : vector<16xi32>
        %mul3A_658 = arith.constant 16 : i32
        %mul3A_659 = arith.muli %scan3A_648, %mul3A_658 : i32
        %swap3A_660 = arith.index_cast %mul3A_659 : i32 to index
        %swap3A_661 = tpu.vector_load %arg9[%swap3A_660] {strides = array<i32>} : memref<2344xi32, #tpu.memory_space<vmem>>, vector<16xi32>,
        tpu.vector_store %arg9[%swap3A_660], %max3A_657 {strides = array<i32>} : memref<2344xi32, #tpu.memory_space<vmem>>, vector<16xi32>,
        %ge3A_662 = arith.constant 0 : i32
        %ge3A_663 = vector.broadcast %ge3A_662 : i32 to vector<16xi32>
        %ge3A_664 = arith.cmpi sge, %max3A_657, %ge3A_663 : vector<16xi32>
        %shift_right_logical3A_665 = arith.constant 3 : i32
        %shift_right_logical3A_666 = vector.broadcast %shift_right_logical3A_665 : i32 to vector<16xi32>
        %shift_right_logical3A_667 = arith.shrui %max3A_657, %shift_right_logical3A_666 : vector<16xi32>
        %jit3A_668 = arith.constant 0 : i32
        %broadcast_in_dim3A_669 = vector.broadcast %jit3A_668 : i32 to vector<16xi32>
        %select_n3A_670 = arith.select %ge3A_664, %shift_right_logical3A_667, %broadcast_in_dim3A_669 : vector<16xi1>, vector<16xi32>
        %mul3A_671 = arith.constant 16 : i32
        %mul3A_672 = arith.muli %scan3A_648, %mul3A_671 : i32
        %swap3A_673 = arith.index_cast %mul3A_672 : i32 to index
        %swap3A_674 = tpu.vector_load %arg10[%swap3A_673] {strides = array<i32>} : memref<7032xi32, #tpu.memory_space<vmem>>, vector<16xi32>,
        tpu.vector_store %arg10[%swap3A_673], %select_n3A_670 {strides = array<i32>} : memref<7032xi32, #tpu.memory_space<vmem>>, vector<16xi32>,
        %add3A_675 = arith.constant 1000000 : i32
        %add3A_676 = vector.broadcast %add3A_675 : i32 to vector<16xi32>
        %add3A_677 = arith.addi %select_n3A_670, %add3A_676 : vector<16xi32>
        %mul3A_678 = arith.constant 16 : i32
        %mul3A_679 = arith.muli %scan3A_648, %mul3A_678 : i32
        %add3A_680 = arith.constant 2344 : i32
        %add3A_681 = arith.addi %add3A_680, %mul3A_679 : i32
        %swap3A_682 = arith.index_cast %add3A_681 : i32 to index
        %swap3A_683 = tpu.vector_load %arg10[%swap3A_682] {strides = array<i32>} : memref<7032xi32, #tpu.memory_space<vmem>>, vector<16xi32>,
        tpu.vector_store %arg10[%swap3A_682], %add3A_677 {strides = array<i32>} : memref<7032xi32, #tpu.memory_space<vmem>>, vector<16xi32>,
        %add3A_684 = arith.constant 2000000 : i32
        %add3A_685 = vector.broadcast %add3A_684 : i32 to vector<16xi32>
        %add3A_686 = arith.addi %select_n3A_670, %add3A_685 : vector<16xi32>
        %mul3A_687 = arith.constant 16 : i32
        %mul3A_688 = arith.muli %scan3A_648, %mul3A_687 : i32
        %add3A_689 = arith.constant 4688 : i32
        %add3A_690 = arith.addi %add3A_689, %mul3A_688 : i32
        %swap3A_691 = arith.index_cast %add3A_690 : i32 to index
        %swap3A_692 = tpu.vector_load %arg10[%swap3A_691] {strides = array<i32>} : memref<7032xi32, #tpu.memory_space<vmem>>, vector<16xi32>,
        tpu.vector_store %arg10[%swap3A_691], %add3A_686 {strides = array<i32>} : memref<7032xi32, #tpu.memory_space<vmem>>, vector<16xi32>,
      }
      %scan3A_67 = arith.constant 144 : i32
      %scan3A_68 = arith.addi %scan3A_63, %scan3A_67 : i32
      %mul3A_69 = arith.constant 16 : i32
      %mul3A_70 = arith.muli %scan3A_68, %mul3A_69 : i32
      %get3A = arith.index_cast %mul3A_70 : i32 to index
      %get3A_71 = tpu.vector_load %arg7[%get3A] {strides = array<i32>} : memref<2344xi32, #tpu.memory_space<vmem>>, vector<16xi32>,
      %mul3A_72 = arith.constant 16 : i32
      %mul3A_73 = arith.muli %scan3A_68, %mul3A_72 : i32
      %get3A_74 = arith.index_cast %mul3A_73 : i32 to index
      %get3A_75 = tpu.vector_load %arg8[%get3A_74] {strides = array<i32>} : memref<2344xi32, #tpu.memory_space<vmem>>, vector<16xi32>,
      %max3A = arith.maxsi %get3A_71, %get3A_75 : vector<16xi32>
      %mul3A_76 = arith.constant 16 : i32
      %mul3A_77 = arith.muli %scan3A_68, %mul3A_76 : i32
      %swap3A = arith.index_cast %mul3A_77 : i32 to index
      %swap3A_78 = tpu.vector_load %arg9[%swap3A] {strides = array<i32>} : memref<2344xi32, #tpu.memory_space<vmem>>, vector<16xi32>,
      tpu.vector_store %arg9[%swap3A], %max3A {strides = array<i32>} : memref<2344xi32, #tpu.memory_space<vmem>>, vector<16xi32>,
      %ge3A = arith.constant 0 : i32
      %ge3A_79 = vector.broadcast %ge3A : i32 to vector<16xi32>
      %ge3A_80 = arith.cmpi sge, %max3A, %ge3A_79 : vector<16xi32>
      %shift_right_logical3A = arith.constant 3 : i32
      %shift_right_logical3A_81 = vector.broadcast %shift_right_logical3A : i32 to vector<16xi32>
      %shift_right_logical3A_82 = arith.shrui %max3A, %shift_right_logical3A_81 : vector<16xi32>
      %jit3A_83 = arith.constant 0 : i32
      %broadcast_in_dim3A_84 = vector.broadcast %jit3A_83 : i32 to vector<16xi32>
      %select_n3A_85 = arith.select %ge3A_80, %shift_right_logical3A_82, %broadcast_in_dim3A_84 : vector<16xi1>, vector<16xi32>
      %mul3A_86 = arith.constant 16 : i32
      %mul3A_87 = arith.muli %scan3A_68, %mul3A_86 : i32
      %swap3A_88 = arith.index_cast %mul3A_87 : i32 to index
      %swap3A_89 = tpu.vector_load %arg10[%swap3A_88] {strides = array<i32>} : memref<7032xi32, #tpu.memory_space<vmem>>, vector<16xi32>,
      tpu.vector_store %arg10[%swap3A_88], %select_n3A_85 {strides = array<i32>} : memref<7032xi32, #tpu.memory_space<vmem>>, vector<16xi32>,
      %add3A_90 = arith.constant 1000000 : i32
      %add3A_91 = vector.broadcast %add3A_90 : i32 to vector<16xi32>
      %add3A_92 = arith.addi %select_n3A_85, %add3A_91 : vector<16xi32>
      %mul3A_93 = arith.constant 16 : i32
      %mul3A_94 = arith.muli %scan3A_68, %mul3A_93 : i32
      %add3A_95 = arith.constant 2344 : i32
      %add3A_96 = arith.addi %add3A_95, %mul3A_94 : i32
      %swap3A_97 = arith.index_cast %add3A_96 : i32 to index
      %swap3A_98 = tpu.vector_load %arg10[%swap3A_97] {strides = array<i32>} : memref<7032xi32, #tpu.memory_space<vmem>>, vector<16xi32>,
      tpu.vector_store %arg10[%swap3A_97], %add3A_92 {strides = array<i32>} : memref<7032xi32, #tpu.memory_space<vmem>>, vector<16xi32>,
      %add3A_99 = arith.constant 2000000 : i32
      %add3A_100 = vector.broadcast %add3A_99 : i32 to vector<16xi32>
      %add3A_101 = arith.addi %select_n3A_85, %add3A_100 : vector<16xi32>
      %mul3A_102 = arith.constant 16 : i32
      %mul3A_103 = arith.muli %scan3A_68, %mul3A_102 : i32
      %add3A_104 = arith.constant 4688 : i32
      %add3A_105 = arith.addi %add3A_104, %mul3A_103 : i32
      %swap3A_106 = arith.index_cast %add3A_105 : i32 to index
      %swap3A_107 = tpu.vector_load %arg10[%swap3A_106] {strides = array<i32>} : memref<7032xi32, #tpu.memory_space<vmem>>, vector<16xi32>,
      tpu.vector_store %arg10[%swap3A_106], %add3A_101 {strides = array<i32>} : memref<7032xi32, #tpu.memory_space<vmem>>, vector<16xi32>,
      %scan3A_108 = arith.constant 145 : i32
      %scan3A_109 = arith.addi %scan3A_63, %scan3A_108 : i32
      %mul3A_110 = arith.constant 16 : i32
      %mul3A_111 = arith.muli %scan3A_109, %mul3A_110 : i32
      %get3A_112 = arith.index_cast %mul3A_111 : i32 to index
      %get3A_113 = tpu.vector_load %arg7[%get3A_112] {strides = array<i32>} : memref<2344xi32, #tpu.memory_space<vmem>>, vector<16xi32>,
      %mul3A_114 = arith.constant 16 : i32
      %mul3A_115 = arith.muli %scan3A_109, %mul3A_114 : i32
      %get3A_116 = arith.index_cast %mul3A_115 : i32 to index
      %get3A_117 = tpu.vector_load %arg8[%get3A_116] {strides = array<i32>} : memref<2344xi32, #tpu.memory_space<vmem>>, vector<16xi32>,
      %max3A_118 = arith.maxsi %get3A_113, %get3A_117 : vector<16xi32>
      %mul3A_119 = arith.constant 16 : i32
      %mul3A_120 = arith.muli %scan3A_109, %mul3A_119 : i32
      %swap3A_121 = arith.index_cast %mul3A_120 : i32 to index
      %swap3A_122 = tpu.vector_load %arg9[%swap3A_121] {strides = array<i32>} : memref<2344xi32, #tpu.memory_space<vmem>>, vector<16xi32>,
      tpu.vector_store %arg9[%swap3A_121], %max3A_118 {strides = array<i32>} : memref<2344xi32, #tpu.memory_space<vmem>>, vector<16xi32>,
      %ge3A_123 = arith.constant 0 : i32
      %ge3A_124 = vector.broadcast %ge3A_123 : i32 to vector<16xi32>
      %ge3A_125 = arith.cmpi sge, %max3A_118, %ge3A_124 : vector<16xi32>
      %shift_right_logical3A_126 = arith.constant 3 : i32
      %shift_right_logical3A_127 = vector.broadcast %shift_right_logical3A_126 : i32 to vector<16xi32>
      %shift_right_logical3A_128 = arith.shrui %max3A_118, %shift_right_logical3A_127 : vector<16xi32>
      %jit3A_129 = arith.constant 0 : i32
      %broadcast_in_dim3A_130 = vector.broadcast %jit3A_129 : i32 to vector<16xi32>
      %select_n3A_131 = arith.select %ge3A_125, %shift_right_logical3A_128, %broadcast_in_dim3A_130 : vector<16xi1>, vector<16xi32>
      %mul3A_132 = arith.constant 16 : i32
      %mul3A_133 = arith.muli %scan3A_109, %mul3A_132 : i32
      %swap3A_134 = arith.index_cast %mul3A_133 : i32 to index
      %swap3A_135 = tpu.vector_load %arg10[%swap3A_134] {strides = array<i32>} : memref<7032xi32, #tpu.memory_space<vmem>>, vector<16xi32>,
      tpu.vector_store %arg10[%swap3A_134], %select_n3A_131 {strides = array<i32>} : memref<7032xi32, #tpu.memory_space<vmem>>, vector<16xi32>,
      %add3A_136 = arith.constant 1000000 : i32
      %add3A_137 = vector.broadcast %add3A_136 : i32 to vector<16xi32>
      %add3A_138 = arith.addi %select_n3A_131, %add3A_137 : vector<16xi32>
      %mul3A_139 = arith.constant 16 : i32
      %mul3A_140 = arith.muli %scan3A_109, %mul3A_139 : i32
      %add3A_141 = arith.constant 2344 : i32
      %add3A_142 = arith.addi %add3A_141, %mul3A_140 : i32
      %swap3A_143 = arith.index_cast %add3A_142 : i32 to index
      %swap3A_144 = tpu.vector_load %arg10[%swap3A_143] {strides = array<i32>} : memref<7032xi32, #tpu.memory_space<vmem>>, vector<16xi32>,
      tpu.vector_store %arg10[%swap3A_143], %add3A_138 {strides = array<i32>} : memref<7032xi32, #tpu.memory_space<vmem>>, vector<16xi32>,
      %add3A_145 = arith.constant 2000000 : i32
      %add3A_146 = vector.broadcast %add3A_145 : i32 to vector<16xi32>
      %add3A_147 = arith.addi %select_n3A_131, %add3A_146 : vector<16xi32>
      %mul3A_148 = arith.constant 16 : i32
      %mul3A_149 = arith.muli %scan3A_109, %mul3A_148 : i32
      %add3A_150 = arith.constant 4688 : i32
      %add3A_151 = arith.addi %add3A_150, %mul3A_149 : i32
      %swap3A_152 = arith.index_cast %add3A_151 : i32 to index
      %swap3A_153 = tpu.vector_load %arg10[%swap3A_152] {strides = array<i32>} : memref<7032xi32, #tpu.memory_space<vmem>>, vector<16xi32>,
      tpu.vector_store %arg10[%swap3A_152], %add3A_147 {strides = array<i32>} : memref<7032xi32, #tpu.memory_space<vmem>>, vector<16xi32>,
      %scan3A_154 = arith.constant 146 : i32
      %dma_start3A = arith.constant 0 : i32
      %dma_start3A_155 = tpu.memref_slice %arg3[%dma_start3A] : memref<3000000xi32, #tpu.memory_space<hbm>> -> memref<3000000xi32, #tpu.memory_space<hbm>>
      tpu.enqueue_indirect_dma source(%dma_start3A_155 : memref<3000000xi32, #tpu.memory_space<hbm>>) target(%arg11 : memref<7032xi32, #tpu.memory_space<vmem>>) offsets(%arg10 : memref<7032xi32, #tpu.memory_space<vmem>>) semaphore(%arg15 : memref<!tpu.dma_semaphore, #tpu.memory_space<semaphore_mem>>)
      %dma_wait3A = arith.constant 0 : i32
      %dma_wait3A_156 = tpu.memref_slice %arg3[%dma_wait3A] : memref<3000000xi32, #tpu.memory_space<hbm>> -> memref<3000000xi32, #tpu.memory_space<hbm>>
      tpu.wait_indirect_dma semaphore(%arg15 : memref<!tpu.dma_semaphore, #tpu.memory_space<semaphore_mem>>) src(%dma_wait3A_156 : memref<3000000xi32, #tpu.memory_space<hbm>>) dst(%arg11 : memref<7032xi32, #tpu.memory_space<vmem>>)
      %scan3A_157 = arith.constant 0 : i32
      %scan3A_158 = arith.constant 0 : i32
      %scan3A_159 = arith.constant 144 : i32
      %scan3A_160 = arith.addi %scan3A_158, %scan3A_159 : i32
      %scan3A_161 = arith.constant 4 : i32
      scf.for %scan3A_326 = %scan3A_158 to %scan3A_160 step %scan3A_161  : i32 {
        %mul3A_327 = arith.constant 16 : i32
        %mul3A_328 = arith.muli %scan3A_326, %mul3A_327 : i32
        %add3A_329 = vector.broadcast %mul3A_328 : i32 to vector<16xi32>
        %add3A_330 = arith.addi %add3A_329, %iota3A : vector<16xi32>
        %mul3A_331 = arith.constant 16 : i32
        %mul3A_332 = arith.muli %scan3A_326, %mul3A_331 : i32
        %get3A_333 = arith.index_cast %mul3A_332 : i32 to index
        %get3A_334 = tpu.vector_load %arg9[%get3A_333] {strides = array<i32>} : memref<2344xi32, #tpu.memory_space<vmem>>, vector<16xi32>,
        %ge3A_335 = arith.constant 0 : i32
        %ge3A_336 = vector.broadcast %ge3A_335 : i32 to vector<16xi32>
        %ge3A_337 = arith.cmpi sge, %get3A_334, %ge3A_336 : vector<16xi32>
        %mul3A_338 = arith.constant 16 : i32
        %mul3A_339 = arith.muli %scan3A_326, %mul3A_338 : i32
        %get3A_340 = arith.index_cast %mul3A_339 : i32 to index
        %get3A_341 = tpu.vector_load %arg11[%get3A_340] {strides = array<i32>} : memref<7032xi32, #tpu.memory_space<vmem>>, vector<16xi32>,
        %mul3A_342 = arith.constant 16 : i32
        %mul3A_343 = arith.muli %scan3A_326, %mul3A_342 : i32
        %add3A_344 = arith.constant 2344 : i32
        %add3A_345 = arith.addi %add3A_344, %mul3A_343 : i32
        %get3A_346 = arith.index_cast %add3A_345 : i32 to index
        %get3A_347 = tpu.vector_load %arg11[%get3A_346] {strides = array<i32>} : memref<7032xi32, #tpu.memory_space<vmem>>, vector<16xi32>,
        %mul3A_348 = arith.constant 16 : i32
        %mul3A_349 = arith.muli %scan3A_326, %mul3A_348 : i32
        %add3A_350 = arith.constant 4688 : i32
        %add3A_351 = arith.addi %add3A_350, %mul3A_349 : i32
        %get3A_352 = arith.index_cast %add3A_351 : i32 to index
        %get3A_353 = tpu.vector_load %arg11[%get3A_352] {strides = array<i32>} : memref<7032xi32, #tpu.memory_space<vmem>>, vector<16xi32>,
        %and3A_354 = arith.constant 1 : i32
        %and3A_355 = vector.broadcast %and3A_354 : i32 to vector<16xi32>
        %and3A_356 = arith.andi %get3A_334, %and3A_355 : vector<16xi32>
        %add3A_357 = arith.addi %get3A_341, %and3A_356 : vector<16xi32>
        %convert_element_type3A_358 = arith.sitofp %add3A_357 : vector<16xi32> to vector<16xf32>
        %jit3A_359 = arith.constant 0.000000e+00 : f32
        %broadcast_in_dim3A_360 = vector.broadcast %jit3A_359 : f32 to vector<16xf32>
        %select_n3A_361 = arith.select %ge3A_337, %convert_element_type3A_358, %broadcast_in_dim3A_360 : vector<16xi1>, vector<16xf32>
        %shift_right_logical3A_362 = arith.constant 1 : i32
        %shift_right_logical3A_363 = vector.broadcast %shift_right_logical3A_362 : i32 to vector<16xi32>
        %shift_right_logical3A_364 = arith.shrui %get3A_334, %shift_right_logical3A_363 : vector<16xi32>
        %and3A_365 = arith.constant 1 : i32
        %and3A_366 = vector.broadcast %and3A_365 : i32 to vector<16xi32>
        %and3A_367 = arith.andi %shift_right_logical3A_364, %and3A_366 : vector<16xi32>
        %add3A_368 = arith.addi %get3A_347, %and3A_367 : vector<16xi32>
        %convert_element_type3A_369 = arith.sitofp %add3A_368 : vector<16xi32> to vector<16xf32>
        %jit3A_370 = arith.constant 0.000000e+00 : f32
        %broadcast_in_dim3A_371 = vector.broadcast %jit3A_370 : f32 to vector<16xf32>
        %select_n3A_372 = arith.select %ge3A_337, %convert_element_type3A_369, %broadcast_in_dim3A_371 : vector<16xi1>, vector<16xf32>
        %shift_right_logical3A_373 = arith.constant 2 : i32
        %shift_right_logical3A_374 = vector.broadcast %shift_right_logical3A_373 : i32 to vector<16xi32>
        %shift_right_logical3A_375 = arith.shrui %get3A_334, %shift_right_logical3A_374 : vector<16xi32>
        %and3A_376 = arith.constant 1 : i32
        %and3A_377 = vector.broadcast %and3A_376 : i32 to vector<16xi32>
        %and3A_378 = arith.andi %shift_right_logical3A_375, %and3A_377 : vector<16xi32>
        %add3A_379 = arith.addi %get3A_353, %and3A_378 : vector<16xi32>
        %convert_element_type3A_380 = arith.sitofp %add3A_379 : vector<16xi32> to vector<16xf32>
        %jit3A_381 = arith.constant 0.000000e+00 : f32
        %broadcast_in_dim3A_382 = vector.broadcast %jit3A_381 : f32 to vector<16xf32>
        %select_n3A_383 = arith.select %ge3A_337, %convert_element_type3A_380, %broadcast_in_dim3A_382 : vector<16xi1>, vector<16xf32>
        %mul3A_384 = arith.constant 16 : i32
        %mul3A_385 = arith.muli %scan3A_326, %mul3A_384 : i32
        %get3A_386 = arith.index_cast %mul3A_385 : i32 to index
        %get3A_387 = tpu.vector_load %arg13[%get3A_386] {strides = array<i32>} : memref<7032xf32, #tpu.memory_space<vmem>>, vector<16xf32>,
        %mul3A_388 = arith.constant 16 : i32
        %mul3A_389 = arith.muli %scan3A_326, %mul3A_388 : i32
        %add3A_390 = arith.constant 2344 : i32
        %add3A_391 = arith.addi %add3A_390, %mul3A_389 : i32
        %get3A_392 = arith.index_cast %add3A_391 : i32 to index
        %get3A_393 = tpu.vector_load %arg13[%get3A_392] {strides = array<i32>} : memref<7032xf32, #tpu.memory_space<vmem>>, vector<16xf32>,
        %mul3A_394 = arith.constant 16 : i32
        %mul3A_395 = arith.muli %scan3A_326, %mul3A_394 : i32
        %add3A_396 = arith.constant 4688 : i32
        %add3A_397 = arith.addi %add3A_396, %mul3A_395 : i32
        %get3A_398 = arith.index_cast %add3A_397 : i32 to index
        %get3A_399 = tpu.vector_load %arg13[%get3A_398] {strides = array<i32>} : memref<7032xf32, #tpu.memory_space<vmem>>, vector<16xf32>,
        %mul3A_400 = arith.constant 16 : i32
        %mul3A_401 = arith.muli %scan3A_326, %mul3A_400 : i32
        %get3A_402 = arith.index_cast %mul3A_401 : i32 to index
        %get3A_403 = tpu.vector_load %arg12[%get3A_402] {strides = array<i32>} : memref<2344xf32, #tpu.memory_space<vmem>>, vector<16xf32>,
        %add3A_404 = arith.addf %select_n3A_361, %get3A_387 : vector<16xf32>
        tpu.vector_store_idx %arg14[%add3A_330, %broadcast_in_dim3A_17], %add3A_404 : memref<2344x4xf32, #tpu.memory_space<vmem>>[vector<16xi32>, vector<16xi32>], vector<16xf32>,
        %add3A_405 = arith.addf %select_n3A_372, %get3A_393 : vector<16xf32>
        tpu.vector_store_idx %arg14[%add3A_330, %broadcast_in_dim3A_19], %add3A_405 : memref<2344x4xf32, #tpu.memory_space<vmem>>[vector<16xi32>, vector<16xi32>], vector<16xf32>,
        %add3A_406 = arith.addf %select_n3A_383, %get3A_399 : vector<16xf32>
        tpu.vector_store_idx %arg14[%add3A_330, %broadcast_in_dim3A_21], %add3A_406 : memref<2344x4xf32, #tpu.memory_space<vmem>>[vector<16xi32>, vector<16xi32>], vector<16xf32>,
        tpu.vector_store_idx %arg14[%add3A_330, %broadcast_in_dim3A_23], %get3A_403 : memref<2344x4xf32, #tpu.memory_space<vmem>>[vector<16xi32>, vector<16xi32>], vector<16xf32>,
        %scan3A_407 = arith.constant 1 : i32
        %scan3A_408 = arith.addi %scan3A_326, %scan3A_407 : i32
        %mul3A_409 = arith.constant 16 : i32
        %mul3A_410 = arith.muli %scan3A_408, %mul3A_409 : i32
        %add3A_411 = vector.broadcast %mul3A_410 : i32 to vector<16xi32>
        %add3A_412 = arith.addi %add3A_411, %iota3A : vector<16xi32>
        %mul3A_413 = arith.constant 16 : i32
        %mul3A_414 = arith.muli %scan3A_408, %mul3A_413 : i32
        %get3A_415 = arith.index_cast %mul3A_414 : i32 to index
        %get3A_416 = tpu.vector_load %arg9[%get3A_415] {strides = array<i32>} : memref<2344xi32, #tpu.memory_space<vmem>>, vector<16xi32>,
        %ge3A_417 = arith.constant 0 : i32
        %ge3A_418 = vector.broadcast %ge3A_417 : i32 to vector<16xi32>
        %ge3A_419 = arith.cmpi sge, %get3A_416, %ge3A_418 : vector<16xi32>
        %mul3A_420 = arith.constant 16 : i32
        %mul3A_421 = arith.muli %scan3A_408, %mul3A_420 : i32
        %get3A_422 = arith.index_cast %mul3A_421 : i32 to index
        %get3A_423 = tpu.vector_load %arg11[%get3A_422] {strides = array<i32>} : memref<7032xi32, #tpu.memory_space<vmem>>, vector<16xi32>,
        %mul3A_424 = arith.constant 16 : i32
        %mul3A_425 = arith.muli %scan3A_408, %mul3A_424 : i32
        %add3A_426 = arith.constant 2344 : i32
        %add3A_427 = arith.addi %add3A_426, %mul3A_425 : i32
        %get3A_428 = arith.index_cast %add3A_427 : i32 to index
        %get3A_429 = tpu.vector_load %arg11[%get3A_428] {strides = array<i32>} : memref<7032xi32, #tpu.memory_space<vmem>>, vector<16xi32>,
        %mul3A_430 = arith.constant 16 : i32
        %mul3A_431 = arith.muli %scan3A_408, %mul3A_430 : i32
        %add3A_432 = arith.constant 4688 : i32
        %add3A_433 = arith.addi %add3A_432, %mul3A_431 : i32
        %get3A_434 = arith.index_cast %add3A_433 : i32 to index
        %get3A_435 = tpu.vector_load %arg11[%get3A_434] {strides = array<i32>} : memref<7032xi32, #tpu.memory_space<vmem>>, vector<16xi32>,
        %and3A_436 = arith.constant 1 : i32
        %and3A_437 = vector.broadcast %and3A_436 : i32 to vector<16xi32>
        %and3A_438 = arith.andi %get3A_416, %and3A_437 : vector<16xi32>
        %add3A_439 = arith.addi %get3A_423, %and3A_438 : vector<16xi32>
        %convert_element_type3A_440 = arith.sitofp %add3A_439 : vector<16xi32> to vector<16xf32>
        %jit3A_441 = arith.constant 0.000000e+00 : f32
        %broadcast_in_dim3A_442 = vector.broadcast %jit3A_441 : f32 to vector<16xf32>
        %select_n3A_443 = arith.select %ge3A_419, %convert_element_type3A_440, %broadcast_in_dim3A_442 : vector<16xi1>, vector<16xf32>
        %shift_right_logical3A_444 = arith.constant 1 : i32
        %shift_right_logical3A_445 = vector.broadcast %shift_right_logical3A_444 : i32 to vector<16xi32>
        %shift_right_logical3A_446 = arith.shrui %get3A_416, %shift_right_logical3A_445 : vector<16xi32>
        %and3A_447 = arith.constant 1 : i32
        %and3A_448 = vector.broadcast %and3A_447 : i32 to vector<16xi32>
        %and3A_449 = arith.andi %shift_right_logical3A_446, %and3A_448 : vector<16xi32>
        %add3A_450 = arith.addi %get3A_429, %and3A_449 : vector<16xi32>
        %convert_element_type3A_451 = arith.sitofp %add3A_450 : vector<16xi32> to vector<16xf32>
        %jit3A_452 = arith.constant 0.000000e+00 : f32
        %broadcast_in_dim3A_453 = vector.broadcast %jit3A_452 : f32 to vector<16xf32>
        %select_n3A_454 = arith.select %ge3A_419, %convert_element_type3A_451, %broadcast_in_dim3A_453 : vector<16xi1>, vector<16xf32>
        %shift_right_logical3A_455 = arith.constant 2 : i32
        %shift_right_logical3A_456 = vector.broadcast %shift_right_logical3A_455 : i32 to vector<16xi32>
        %shift_right_logical3A_457 = arith.shrui %get3A_416, %shift_right_logical3A_456 : vector<16xi32>
        %and3A_458 = arith.constant 1 : i32
        %and3A_459 = vector.broadcast %and3A_458 : i32 to vector<16xi32>
        %and3A_460 = arith.andi %shift_right_logical3A_457, %and3A_459 : vector<16xi32>
        %add3A_461 = arith.addi %get3A_435, %and3A_460 : vector<16xi32>
        %convert_element_type3A_462 = arith.sitofp %add3A_461 : vector<16xi32> to vector<16xf32>
        %jit3A_463 = arith.constant 0.000000e+00 : f32
        %broadcast_in_dim3A_464 = vector.broadcast %jit3A_463 : f32 to vector<16xf32>
        %select_n3A_465 = arith.select %ge3A_419, %convert_element_type3A_462, %broadcast_in_dim3A_464 : vector<16xi1>, vector<16xf32>
        %mul3A_466 = arith.constant 16 : i32
        %mul3A_467 = arith.muli %scan3A_408, %mul3A_466 : i32
        %get3A_468 = arith.index_cast %mul3A_467 : i32 to index
        %get3A_469 = tpu.vector_load %arg13[%get3A_468] {strides = array<i32>} : memref<7032xf32, #tpu.memory_space<vmem>>, vector<16xf32>,
        %mul3A_470 = arith.constant 16 : i32
        %mul3A_471 = arith.muli %scan3A_408, %mul3A_470 : i32
        %add3A_472 = arith.constant 2344 : i32
        %add3A_473 = arith.addi %add3A_472, %mul3A_471 : i32
        %get3A_474 = arith.index_cast %add3A_473 : i32 to index
        %get3A_475 = tpu.vector_load %arg13[%get3A_474] {strides = array<i32>} : memref<7032xf32, #tpu.memory_space<vmem>>, vector<16xf32>,
        %mul3A_476 = arith.constant 16 : i32
        %mul3A_477 = arith.muli %scan3A_408, %mul3A_476 : i32
        %add3A_478 = arith.constant 4688 : i32
        %add3A_479 = arith.addi %add3A_478, %mul3A_477 : i32
        %get3A_480 = arith.index_cast %add3A_479 : i32 to index
        %get3A_481 = tpu.vector_load %arg13[%get3A_480] {strides = array<i32>} : memref<7032xf32, #tpu.memory_space<vmem>>, vector<16xf32>,
        %mul3A_482 = arith.constant 16 : i32
        %mul3A_483 = arith.muli %scan3A_408, %mul3A_482 : i32
        %get3A_484 = arith.index_cast %mul3A_483 : i32 to index
        %get3A_485 = tpu.vector_load %arg12[%get3A_484] {strides = array<i32>} : memref<2344xf32, #tpu.memory_space<vmem>>, vector<16xf32>,
        %add3A_486 = arith.addf %select_n3A_443, %get3A_469 : vector<16xf32>
        tpu.vector_store_idx %arg14[%add3A_412, %broadcast_in_dim3A_17], %add3A_486 : memref<2344x4xf32, #tpu.memory_space<vmem>>[vector<16xi32>, vector<16xi32>], vector<16xf32>,
        %add3A_487 = arith.addf %select_n3A_454, %get3A_475 : vector<16xf32>
        tpu.vector_store_idx %arg14[%add3A_412, %broadcast_in_dim3A_19], %add3A_487 : memref<2344x4xf32, #tpu.memory_space<vmem>>[vector<16xi32>, vector<16xi32>], vector<16xf32>,
        %add3A_488 = arith.addf %select_n3A_465, %get3A_481 : vector<16xf32>
        tpu.vector_store_idx %arg14[%add3A_412, %broadcast_in_dim3A_21], %add3A_488 : memref<2344x4xf32, #tpu.memory_space<vmem>>[vector<16xi32>, vector<16xi32>], vector<16xf32>,
        tpu.vector_store_idx %arg14[%add3A_412, %broadcast_in_dim3A_23], %get3A_485 : memref<2344x4xf32, #tpu.memory_space<vmem>>[vector<16xi32>, vector<16xi32>], vector<16xf32>,
        %scan3A_489 = arith.constant 2 : i32
        %scan3A_490 = arith.addi %scan3A_326, %scan3A_489 : i32
        %mul3A_491 = arith.constant 16 : i32
        %mul3A_492 = arith.muli %scan3A_490, %mul3A_491 : i32
        %add3A_493 = vector.broadcast %mul3A_492 : i32 to vector<16xi32>
        %add3A_494 = arith.addi %add3A_493, %iota3A : vector<16xi32>
        %mul3A_495 = arith.constant 16 : i32
        %mul3A_496 = arith.muli %scan3A_490, %mul3A_495 : i32
        %get3A_497 = arith.index_cast %mul3A_496 : i32 to index
        %get3A_498 = tpu.vector_load %arg9[%get3A_497] {strides = array<i32>} : memref<2344xi32, #tpu.memory_space<vmem>>, vector<16xi32>,
        %ge3A_499 = arith.constant 0 : i32
        %ge3A_500 = vector.broadcast %ge3A_499 : i32 to vector<16xi32>
        %ge3A_501 = arith.cmpi sge, %get3A_498, %ge3A_500 : vector<16xi32>
        %mul3A_502 = arith.constant 16 : i32
        %mul3A_503 = arith.muli %scan3A_490, %mul3A_502 : i32
        %get3A_504 = arith.index_cast %mul3A_503 : i32 to index
        %get3A_505 = tpu.vector_load %arg11[%get3A_504] {strides = array<i32>} : memref<7032xi32, #tpu.memory_space<vmem>>, vector<16xi32>,
        %mul3A_506 = arith.constant 16 : i32
        %mul3A_507 = arith.muli %scan3A_490, %mul3A_506 : i32
        %add3A_508 = arith.constant 2344 : i32
        %add3A_509 = arith.addi %add3A_508, %mul3A_507 : i32
        %get3A_510 = arith.index_cast %add3A_509 : i32 to index
        %get3A_511 = tpu.vector_load %arg11[%get3A_510] {strides = array<i32>} : memref<7032xi32, #tpu.memory_space<vmem>>, vector<16xi32>,
        %mul3A_512 = arith.constant 16 : i32
        %mul3A_513 = arith.muli %scan3A_490, %mul3A_512 : i32
        %add3A_514 = arith.constant 4688 : i32
        %add3A_515 = arith.addi %add3A_514, %mul3A_513 : i32
        %get3A_516 = arith.index_cast %add3A_515 : i32 to index
        %get3A_517 = tpu.vector_load %arg11[%get3A_516] {strides = array<i32>} : memref<7032xi32, #tpu.memory_space<vmem>>, vector<16xi32>,
        %and3A_518 = arith.constant 1 : i32
        %and3A_519 = vector.broadcast %and3A_518 : i32 to vector<16xi32>
        %and3A_520 = arith.andi %get3A_498, %and3A_519 : vector<16xi32>
        %add3A_521 = arith.addi %get3A_505, %and3A_520 : vector<16xi32>
        %convert_element_type3A_522 = arith.sitofp %add3A_521 : vector<16xi32> to vector<16xf32>
        %jit3A_523 = arith.constant 0.000000e+00 : f32
        %broadcast_in_dim3A_524 = vector.broadcast %jit3A_523 : f32 to vector<16xf32>
        %select_n3A_525 = arith.select %ge3A_501, %convert_element_type3A_522, %broadcast_in_dim3A_524 : vector<16xi1>, vector<16xf32>
        %shift_right_logical3A_526 = arith.constant 1 : i32
        %shift_right_logical3A_527 = vector.broadcast %shift_right_logical3A_526 : i32 to vector<16xi32>
        %shift_right_logical3A_528 = arith.shrui %get3A_498, %shift_right_logical3A_527 : vector<16xi32>
        %and3A_529 = arith.constant 1 : i32
        %and3A_530 = vector.broadcast %and3A_529 : i32 to vector<16xi32>
        %and3A_531 = arith.andi %shift_right_logical3A_528, %and3A_530 : vector<16xi32>
        %add3A_532 = arith.addi %get3A_511, %and3A_531 : vector<16xi32>
        %convert_element_type3A_533 = arith.sitofp %add3A_532 : vector<16xi32> to vector<16xf32>
        %jit3A_534 = arith.constant 0.000000e+00 : f32
        %broadcast_in_dim3A_535 = vector.broadcast %jit3A_534 : f32 to vector<16xf32>
        %select_n3A_536 = arith.select %ge3A_501, %convert_element_type3A_533, %broadcast_in_dim3A_535 : vector<16xi1>, vector<16xf32>
        %shift_right_logical3A_537 = arith.constant 2 : i32
        %shift_right_logical3A_538 = vector.broadcast %shift_right_logical3A_537 : i32 to vector<16xi32>
        %shift_right_logical3A_539 = arith.shrui %get3A_498, %shift_right_logical3A_538 : vector<16xi32>
        %and3A_540 = arith.constant 1 : i32
        %and3A_541 = vector.broadcast %and3A_540 : i32 to vector<16xi32>
        %and3A_542 = arith.andi %shift_right_logical3A_539, %and3A_541 : vector<16xi32>
        %add3A_543 = arith.addi %get3A_517, %and3A_542 : vector<16xi32>
        %convert_element_type3A_544 = arith.sitofp %add3A_543 : vector<16xi32> to vector<16xf32>
        %jit3A_545 = arith.constant 0.000000e+00 : f32
        %broadcast_in_dim3A_546 = vector.broadcast %jit3A_545 : f32 to vector<16xf32>
        %select_n3A_547 = arith.select %ge3A_501, %convert_element_type3A_544, %broadcast_in_dim3A_546 : vector<16xi1>, vector<16xf32>
        %mul3A_548 = arith.constant 16 : i32
        %mul3A_549 = arith.muli %scan3A_490, %mul3A_548 : i32
        %get3A_550 = arith.index_cast %mul3A_549 : i32 to index
        %get3A_551 = tpu.vector_load %arg13[%get3A_550] {strides = array<i32>} : memref<7032xf32, #tpu.memory_space<vmem>>, vector<16xf32>,
        %mul3A_552 = arith.constant 16 : i32
        %mul3A_553 = arith.muli %scan3A_490, %mul3A_552 : i32
        %add3A_554 = arith.constant 2344 : i32
        %add3A_555 = arith.addi %add3A_554, %mul3A_553 : i32
        %get3A_556 = arith.index_cast %add3A_555 : i32 to index
        %get3A_557 = tpu.vector_load %arg13[%get3A_556] {strides = array<i32>} : memref<7032xf32, #tpu.memory_space<vmem>>, vector<16xf32>,
        %mul3A_558 = arith.constant 16 : i32
        %mul3A_559 = arith.muli %scan3A_490, %mul3A_558 : i32
        %add3A_560 = arith.constant 4688 : i32
        %add3A_561 = arith.addi %add3A_560, %mul3A_559 : i32
        %get3A_562 = arith.index_cast %add3A_561 : i32 to index
        %get3A_563 = tpu.vector_load %arg13[%get3A_562] {strides = array<i32>} : memref<7032xf32, #tpu.memory_space<vmem>>, vector<16xf32>,
        %mul3A_564 = arith.constant 16 : i32
        %mul3A_565 = arith.muli %scan3A_490, %mul3A_564 : i32
        %get3A_566 = arith.index_cast %mul3A_565 : i32 to index
        %get3A_567 = tpu.vector_load %arg12[%get3A_566] {strides = array<i32>} : memref<2344xf32, #tpu.memory_space<vmem>>, vector<16xf32>,
        %add3A_568 = arith.addf %select_n3A_525, %get3A_551 : vector<16xf32>
        tpu.vector_store_idx %arg14[%add3A_494, %broadcast_in_dim3A_17], %add3A_568 : memref<2344x4xf32, #tpu.memory_space<vmem>>[vector<16xi32>, vector<16xi32>], vector<16xf32>,
        %add3A_569 = arith.addf %select_n3A_536, %get3A_557 : vector<16xf32>
        tpu.vector_store_idx %arg14[%add3A_494, %broadcast_in_dim3A_19], %add3A_569 : memref<2344x4xf32, #tpu.memory_space<vmem>>[vector<16xi32>, vector<16xi32>], vector<16xf32>,
        %add3A_570 = arith.addf %select_n3A_547, %get3A_563 : vector<16xf32>
        tpu.vector_store_idx %arg14[%add3A_494, %broadcast_in_dim3A_21], %add3A_570 : memref<2344x4xf32, #tpu.memory_space<vmem>>[vector<16xi32>, vector<16xi32>], vector<16xf32>,
        tpu.vector_store_idx %arg14[%add3A_494, %broadcast_in_dim3A_23], %get3A_567 : memref<2344x4xf32, #tpu.memory_space<vmem>>[vector<16xi32>, vector<16xi32>], vector<16xf32>,
        %scan3A_571 = arith.constant 3 : i32
        %scan3A_572 = arith.addi %scan3A_326, %scan3A_571 : i32
        %mul3A_573 = arith.constant 16 : i32
        %mul3A_574 = arith.muli %scan3A_572, %mul3A_573 : i32
        %add3A_575 = vector.broadcast %mul3A_574 : i32 to vector<16xi32>
        %add3A_576 = arith.addi %add3A_575, %iota3A : vector<16xi32>
        %mul3A_577 = arith.constant 16 : i32
        %mul3A_578 = arith.muli %scan3A_572, %mul3A_577 : i32
        %get3A_579 = arith.index_cast %mul3A_578 : i32 to index
        %get3A_580 = tpu.vector_load %arg9[%get3A_579] {strides = array<i32>} : memref<2344xi32, #tpu.memory_space<vmem>>, vector<16xi32>,
        %ge3A_581 = arith.constant 0 : i32
        %ge3A_582 = vector.broadcast %ge3A_581 : i32 to vector<16xi32>
        %ge3A_583 = arith.cmpi sge, %get3A_580, %ge3A_582 : vector<16xi32>
        %mul3A_584 = arith.constant 16 : i32
        %mul3A_585 = arith.muli %scan3A_572, %mul3A_584 : i32
        %get3A_586 = arith.index_cast %mul3A_585 : i32 to index
        %get3A_587 = tpu.vector_load %arg11[%get3A_586] {strides = array<i32>} : memref<7032xi32, #tpu.memory_space<vmem>>, vector<16xi32>,
        %mul3A_588 = arith.constant 16 : i32
        %mul3A_589 = arith.muli %scan3A_572, %mul3A_588 : i32
        %add3A_590 = arith.constant 2344 : i32
        %add3A_591 = arith.addi %add3A_590, %mul3A_589 : i32
        %get3A_592 = arith.index_cast %add3A_591 : i32 to index
        %get3A_593 = tpu.vector_load %arg11[%get3A_592] {strides = array<i32>} : memref<7032xi32, #tpu.memory_space<vmem>>, vector<16xi32>,
        %mul3A_594 = arith.constant 16 : i32
        %mul3A_595 = arith.muli %scan3A_572, %mul3A_594 : i32
        %add3A_596 = arith.constant 4688 : i32
        %add3A_597 = arith.addi %add3A_596, %mul3A_595 : i32
        %get3A_598 = arith.index_cast %add3A_597 : i32 to index
        %get3A_599 = tpu.vector_load %arg11[%get3A_598] {strides = array<i32>} : memref<7032xi32, #tpu.memory_space<vmem>>, vector<16xi32>,
        %and3A_600 = arith.constant 1 : i32
        %and3A_601 = vector.broadcast %and3A_600 : i32 to vector<16xi32>
        %and3A_602 = arith.andi %get3A_580, %and3A_601 : vector<16xi32>
        %add3A_603 = arith.addi %get3A_587, %and3A_602 : vector<16xi32>
        %convert_element_type3A_604 = arith.sitofp %add3A_603 : vector<16xi32> to vector<16xf32>
        %jit3A_605 = arith.constant 0.000000e+00 : f32
        %broadcast_in_dim3A_606 = vector.broadcast %jit3A_605 : f32 to vector<16xf32>
        %select_n3A_607 = arith.select %ge3A_583, %convert_element_type3A_604, %broadcast_in_dim3A_606 : vector<16xi1>, vector<16xf32>
        %shift_right_logical3A_608 = arith.constant 1 : i32
        %shift_right_logical3A_609 = vector.broadcast %shift_right_logical3A_608 : i32 to vector<16xi32>
        %shift_right_logical3A_610 = arith.shrui %get3A_580, %shift_right_logical3A_609 : vector<16xi32>
        %and3A_611 = arith.constant 1 : i32
        %and3A_612 = vector.broadcast %and3A_611 : i32 to vector<16xi32>
        %and3A_613 = arith.andi %shift_right_logical3A_610, %and3A_612 : vector<16xi32>
        %add3A_614 = arith.addi %get3A_593, %and3A_613 : vector<16xi32>
        %convert_element_type3A_615 = arith.sitofp %add3A_614 : vector<16xi32> to vector<16xf32>
        %jit3A_616 = arith.constant 0.000000e+00 : f32
        %broadcast_in_dim3A_617 = vector.broadcast %jit3A_616 : f32 to vector<16xf32>
        %select_n3A_618 = arith.select %ge3A_583, %convert_element_type3A_615, %broadcast_in_dim3A_617 : vector<16xi1>, vector<16xf32>
        %shift_right_logical3A_619 = arith.constant 2 : i32
        %shift_right_logical3A_620 = vector.broadcast %shift_right_logical3A_619 : i32 to vector<16xi32>
        %shift_right_logical3A_621 = arith.shrui %get3A_580, %shift_right_logical3A_620 : vector<16xi32>
        %and3A_622 = arith.constant 1 : i32
        %and3A_623 = vector.broadcast %and3A_622 : i32 to vector<16xi32>
        %and3A_624 = arith.andi %shift_right_logical3A_621, %and3A_623 : vector<16xi32>
        %add3A_625 = arith.addi %get3A_599, %and3A_624 : vector<16xi32>
        %convert_element_type3A_626 = arith.sitofp %add3A_625 : vector<16xi32> to vector<16xf32>
        %jit3A_627 = arith.constant 0.000000e+00 : f32
        %broadcast_in_dim3A_628 = vector.broadcast %jit3A_627 : f32 to vector<16xf32>
        %select_n3A_629 = arith.select %ge3A_583, %convert_element_type3A_626, %broadcast_in_dim3A_628 : vector<16xi1>, vector<16xf32>
        %mul3A_630 = arith.constant 16 : i32
        %mul3A_631 = arith.muli %scan3A_572, %mul3A_630 : i32
        %get3A_632 = arith.index_cast %mul3A_631 : i32 to index
        %get3A_633 = tpu.vector_load %arg13[%get3A_632] {strides = array<i32>} : memref<7032xf32, #tpu.memory_space<vmem>>, vector<16xf32>,
        %mul3A_634 = arith.constant 16 : i32
        %mul3A_635 = arith.muli %scan3A_572, %mul3A_634 : i32
        %add3A_636 = arith.constant 2344 : i32
        %add3A_637 = arith.addi %add3A_636, %mul3A_635 : i32
        %get3A_638 = arith.index_cast %add3A_637 : i32 to index
        %get3A_639 = tpu.vector_load %arg13[%get3A_638] {strides = array<i32>} : memref<7032xf32, #tpu.memory_space<vmem>>, vector<16xf32>,
        %mul3A_640 = arith.constant 16 : i32
        %mul3A_641 = arith.muli %scan3A_572, %mul3A_640 : i32
        %add3A_642 = arith.constant 4688 : i32
        %add3A_643 = arith.addi %add3A_642, %mul3A_641 : i32
        %get3A_644 = arith.index_cast %add3A_643 : i32 to index
        %get3A_645 = tpu.vector_load %arg13[%get3A_644] {strides = array<i32>} : memref<7032xf32, #tpu.memory_space<vmem>>, vector<16xf32>,
        %mul3A_646 = arith.constant 16 : i32
        %mul3A_647 = arith.muli %scan3A_572, %mul3A_646 : i32
        %get3A_648 = arith.index_cast %mul3A_647 : i32 to index
        %get3A_649 = tpu.vector_load %arg12[%get3A_648] {strides = array<i32>} : memref<2344xf32, #tpu.memory_space<vmem>>, vector<16xf32>,
        %add3A_650 = arith.addf %select_n3A_607, %get3A_633 : vector<16xf32>
        tpu.vector_store_idx %arg14[%add3A_576, %broadcast_in_dim3A_17], %add3A_650 : memref<2344x4xf32, #tpu.memory_space<vmem>>[vector<16xi32>, vector<16xi32>], vector<16xf32>,
        %add3A_651 = arith.addf %select_n3A_618, %get3A_639 : vector<16xf32>
        tpu.vector_store_idx %arg14[%add3A_576, %broadcast_in_dim3A_19], %add3A_651 : memref<2344x4xf32, #tpu.memory_space<vmem>>[vector<16xi32>, vector<16xi32>], vector<16xf32>,
        %add3A_652 = arith.addf %select_n3A_629, %get3A_645 : vector<16xf32>
        tpu.vector_store_idx %arg14[%add3A_576, %broadcast_in_dim3A_21], %add3A_652 : memref<2344x4xf32, #tpu.memory_space<vmem>>[vector<16xi32>, vector<16xi32>], vector<16xf32>,
        tpu.vector_store_idx %arg14[%add3A_576, %broadcast_in_dim3A_23], %get3A_649 : memref<2344x4xf32, #tpu.memory_space<vmem>>[vector<16xi32>, vector<16xi32>], vector<16xf32>,
      }
      %scan3A_162 = arith.constant 144 : i32
      %scan3A_163 = arith.addi %scan3A_158, %scan3A_162 : i32
      %mul3A_164 = arith.constant 16 : i32
      %mul3A_165 = arith.muli %scan3A_163, %mul3A_164 : i32
      %add3A_166 = vector.broadcast %mul3A_165 : i32 to vector<16xi32>
      %add3A_167 = arith.addi %add3A_166, %iota3A : vector<16xi32>
      %mul3A_168 = arith.constant 16 : i32
      %mul3A_169 = arith.muli %scan3A_163, %mul3A_168 : i32
      %get3A_170 = arith.index_cast %mul3A_169 : i32 to index
      %get3A_171 = tpu.vector_load %arg9[%get3A_170] {strides = array<i32>} : memref<2344xi32, #tpu.memory_space<vmem>>, vector<16xi32>,
      %ge3A_172 = arith.constant 0 : i32
      %ge3A_173 = vector.broadcast %ge3A_172 : i32 to vector<16xi32>
      %ge3A_174 = arith.cmpi sge, %get3A_171, %ge3A_173 : vector<16xi32>
      %mul3A_175 = arith.constant 16 : i32
      %mul3A_176 = arith.muli %scan3A_163, %mul3A_175 : i32
      %get3A_177 = arith.index_cast %mul3A_176 : i32 to index
      %get3A_178 = tpu.vector_load %arg11[%get3A_177] {strides = array<i32>} : memref<7032xi32, #tpu.memory_space<vmem>>, vector<16xi32>,
      %mul3A_179 = arith.constant 16 : i32
      %mul3A_180 = arith.muli %scan3A_163, %mul3A_179 : i32
      %add3A_181 = arith.constant 2344 : i32
      %add3A_182 = arith.addi %add3A_181, %mul3A_180 : i32
      %get3A_183 = arith.index_cast %add3A_182 : i32 to index
      %get3A_184 = tpu.vector_load %arg11[%get3A_183] {strides = array<i32>} : memref<7032xi32, #tpu.memory_space<vmem>>, vector<16xi32>,
      %mul3A_185 = arith.constant 16 : i32
      %mul3A_186 = arith.muli %scan3A_163, %mul3A_185 : i32
      %add3A_187 = arith.constant 4688 : i32
      %add3A_188 = arith.addi %add3A_187, %mul3A_186 : i32
      %get3A_189 = arith.index_cast %add3A_188 : i32 to index
      %get3A_190 = tpu.vector_load %arg11[%get3A_189] {strides = array<i32>} : memref<7032xi32, #tpu.memory_space<vmem>>, vector<16xi32>,
      %and3A_191 = arith.constant 1 : i32
      %and3A_192 = vector.broadcast %and3A_191 : i32 to vector<16xi32>
      %and3A_193 = arith.andi %get3A_171, %and3A_192 : vector<16xi32>
      %add3A_194 = arith.addi %get3A_178, %and3A_193 : vector<16xi32>
      %convert_element_type3A = arith.sitofp %add3A_194 : vector<16xi32> to vector<16xf32>
      %jit3A_195 = arith.constant 0.000000e+00 : f32
      %broadcast_in_dim3A_196 = vector.broadcast %jit3A_195 : f32 to vector<16xf32>
      %select_n3A_197 = arith.select %ge3A_174, %convert_element_type3A, %broadcast_in_dim3A_196 : vector<16xi1>, vector<16xf32>
      %shift_right_logical3A_198 = arith.constant 1 : i32
      %shift_right_logical3A_199 = vector.broadcast %shift_right_logical3A_198 : i32 to vector<16xi32>
      %shift_right_logical3A_200 = arith.shrui %get3A_171, %shift_right_logical3A_199 : vector<16xi32>
      %and3A_201 = arith.constant 1 : i32
      %and3A_202 = vector.broadcast %and3A_201 : i32 to vector<16xi32>
      %and3A_203 = arith.andi %shift_right_logical3A_200, %and3A_202 : vector<16xi32>
      %add3A_204 = arith.addi %get3A_184, %and3A_203 : vector<16xi32>
      %convert_element_type3A_205 = arith.sitofp %add3A_204 : vector<16xi32> to vector<16xf32>
      %jit3A_206 = arith.constant 0.000000e+00 : f32
      %broadcast_in_dim3A_207 = vector.broadcast %jit3A_206 : f32 to vector<16xf32>
      %select_n3A_208 = arith.select %ge3A_174, %convert_element_type3A_205, %broadcast_in_dim3A_207 : vector<16xi1>, vector<16xf32>
      %shift_right_logical3A_209 = arith.constant 2 : i32
      %shift_right_logical3A_210 = vector.broadcast %shift_right_logical3A_209 : i32 to vector<16xi32>
      %shift_right_logical3A_211 = arith.shrui %get3A_171, %shift_right_logical3A_210 : vector<16xi32>
      %and3A_212 = arith.constant 1 : i32
      %and3A_213 = vector.broadcast %and3A_212 : i32 to vector<16xi32>
      %and3A_214 = arith.andi %shift_right_logical3A_211, %and3A_213 : vector<16xi32>
      %add3A_215 = arith.addi %get3A_190, %and3A_214 : vector<16xi32>
      %convert_element_type3A_216 = arith.sitofp %add3A_215 : vector<16xi32> to vector<16xf32>
      %jit3A_217 = arith.constant 0.000000e+00 : f32
      %broadcast_in_dim3A_218 = vector.broadcast %jit3A_217 : f32 to vector<16xf32>
      %select_n3A_219 = arith.select %ge3A_174, %convert_element_type3A_216, %broadcast_in_dim3A_218 : vector<16xi1>, vector<16xf32>
      %mul3A_220 = arith.constant 16 : i32
      %mul3A_221 = arith.muli %scan3A_163, %mul3A_220 : i32
      %get3A_222 = arith.index_cast %mul3A_221 : i32 to index
      %get3A_223 = tpu.vector_load %arg13[%get3A_222] {strides = array<i32>} : memref<7032xf32, #tpu.memory_space<vmem>>, vector<16xf32>,
      %mul3A_224 = arith.constant 16 : i32
      %mul3A_225 = arith.muli %scan3A_163, %mul3A_224 : i32
      %add3A_226 = arith.constant 2344 : i32
      %add3A_227 = arith.addi %add3A_226, %mul3A_225 : i32
      %get3A_228 = arith.index_cast %add3A_227 : i32 to index
      %get3A_229 = tpu.vector_load %arg13[%get3A_228] {strides = array<i32>} : memref<7032xf32, #tpu.memory_space<vmem>>, vector<16xf32>,
      %mul3A_230 = arith.constant 16 : i32
      %mul3A_231 = arith.muli %scan3A_163, %mul3A_230 : i32
      %add3A_232 = arith.constant 4688 : i32
      %add3A_233 = arith.addi %add3A_232, %mul3A_231 : i32
      %get3A_234 = arith.index_cast %add3A_233 : i32 to index
      %get3A_235 = tpu.vector_load %arg13[%get3A_234] {strides = array<i32>} : memref<7032xf32, #tpu.memory_space<vmem>>, vector<16xf32>,
      %mul3A_236 = arith.constant 16 : i32
      %mul3A_237 = arith.muli %scan3A_163, %mul3A_236 : i32
      %get3A_238 = arith.index_cast %mul3A_237 : i32 to index
      %get3A_239 = tpu.vector_load %arg12[%get3A_238] {strides = array<i32>} : memref<2344xf32, #tpu.memory_space<vmem>>, vector<16xf32>,
      %add3A_240 = arith.addf %select_n3A_197, %get3A_223 : vector<16xf32>
      tpu.vector_store_idx %arg14[%add3A_167, %broadcast_in_dim3A_17], %add3A_240 : memref<2344x4xf32, #tpu.memory_space<vmem>>[vector<16xi32>, vector<16xi32>], vector<16xf32>,
      %add3A_241 = arith.addf %select_n3A_208, %get3A_229 : vector<16xf32>
      tpu.vector_store_idx %arg14[%add3A_167, %broadcast_in_dim3A_19], %add3A_241 : memref<2344x4xf32, #tpu.memory_space<vmem>>[vector<16xi32>, vector<16xi32>], vector<16xf32>,
      %add3A_242 = arith.addf %select_n3A_219, %get3A_235 : vector<16xf32>
      tpu.vector_store_idx %arg14[%add3A_167, %broadcast_in_dim3A_21], %add3A_242 : memref<2344x4xf32, #tpu.memory_space<vmem>>[vector<16xi32>, vector<16xi32>], vector<16xf32>,
      tpu.vector_store_idx %arg14[%add3A_167, %broadcast_in_dim3A_23], %get3A_239 : memref<2344x4xf32, #tpu.memory_space<vmem>>[vector<16xi32>, vector<16xi32>], vector<16xf32>,
      %scan3A_243 = arith.constant 145 : i32
      %scan3A_244 = arith.addi %scan3A_158, %scan3A_243 : i32
      %mul3A_245 = arith.constant 16 : i32
      %mul3A_246 = arith.muli %scan3A_244, %mul3A_245 : i32
      %add3A_247 = vector.broadcast %mul3A_246 : i32 to vector<16xi32>
      %add3A_248 = arith.addi %add3A_247, %iota3A : vector<16xi32>
      %mul3A_249 = arith.constant 16 : i32
      %mul3A_250 = arith.muli %scan3A_244, %mul3A_249 : i32
      %get3A_251 = arith.index_cast %mul3A_250 : i32 to index
      %get3A_252 = tpu.vector_load %arg9[%get3A_251] {strides = array<i32>} : memref<2344xi32, #tpu.memory_space<vmem>>, vector<16xi32>,
      %ge3A_253 = arith.constant 0 : i32
      %ge3A_254 = vector.broadcast %ge3A_253 : i32 to vector<16xi32>
      %ge3A_255 = arith.cmpi sge, %get3A_252, %ge3A_254 : vector<16xi32>
      %mul3A_256 = arith.constant 16 : i32
      %mul3A_257 = arith.muli %scan3A_244, %mul3A_256 : i32
      %get3A_258 = arith.index_cast %mul3A_257 : i32 to index
      %get3A_259 = tpu.vector_load %arg11[%get3A_258] {strides = array<i32>} : memref<7032xi32, #tpu.memory_space<vmem>>, vector<16xi32>,
      %mul3A_260 = arith.constant 16 : i32
      %mul3A_261 = arith.muli %scan3A_244, %mul3A_260 : i32
      %add3A_262 = arith.constant 2344 : i32
      %add3A_263 = arith.addi %add3A_262, %mul3A_261 : i32
      %get3A_264 = arith.index_cast %add3A_263 : i32 to index
      %get3A_265 = tpu.vector_load %arg11[%get3A_264] {strides = array<i32>} : memref<7032xi32, #tpu.memory_space<vmem>>, vector<16xi32>,
      %mul3A_266 = arith.constant 16 : i32
      %mul3A_267 = arith.muli %scan3A_244, %mul3A_266 : i32
      %add3A_268 = arith.constant 4688 : i32
      %add3A_269 = arith.addi %add3A_268, %mul3A_267 : i32
      %get3A_270 = arith.index_cast %add3A_269 : i32 to index
      %get3A_271 = tpu.vector_load %arg11[%get3A_270] {strides = array<i32>} : memref<7032xi32, #tpu.memory_space<vmem>>, vector<16xi32>,
      %and3A_272 = arith.constant 1 : i32
      %and3A_273 = vector.broadcast %and3A_272 : i32 to vector<16xi32>
      %and3A_274 = arith.andi %get3A_252, %and3A_273 : vector<16xi32>
      %add3A_275 = arith.addi %get3A_259, %and3A_274 : vector<16xi32>
      %convert_element_type3A_276 = arith.sitofp %add3A_275 : vector<16xi32> to vector<16xf32>
      %jit3A_277 = arith.constant 0.000000e+00 : f32
      %broadcast_in_dim3A_278 = vector.broadcast %jit3A_277 : f32 to vector<16xf32>
      %select_n3A_279 = arith.select %ge3A_255, %convert_element_type3A_276, %broadcast_in_dim3A_278 : vector<16xi1>, vector<16xf32>
      %shift_right_logical3A_280 = arith.constant 1 : i32
      %shift_right_logical3A_281 = vector.broadcast %shift_right_logical3A_280 : i32 to vector<16xi32>
      %shift_right_logical3A_282 = arith.shrui %get3A_252, %shift_right_logical3A_281 : vector<16xi32>
      %and3A_283 = arith.constant 1 : i32
      %and3A_284 = vector.broadcast %and3A_283 : i32 to vector<16xi32>
      %and3A_285 = arith.andi %shift_right_logical3A_282, %and3A_284 : vector<16xi32>
      %add3A_286 = arith.addi %get3A_265, %and3A_285 : vector<16xi32>
      %convert_element_type3A_287 = arith.sitofp %add3A_286 : vector<16xi32> to vector<16xf32>
      %jit3A_288 = arith.constant 0.000000e+00 : f32
      %broadcast_in_dim3A_289 = vector.broadcast %jit3A_288 : f32 to vector<16xf32>
      %select_n3A_290 = arith.select %ge3A_255, %convert_element_type3A_287, %broadcast_in_dim3A_289 : vector<16xi1>, vector<16xf32>
      %shift_right_logical3A_291 = arith.constant 2 : i32
      %shift_right_logical3A_292 = vector.broadcast %shift_right_logical3A_291 : i32 to vector<16xi32>
      %shift_right_logical3A_293 = arith.shrui %get3A_252, %shift_right_logical3A_292 : vector<16xi32>
      %and3A_294 = arith.constant 1 : i32
      %and3A_295 = vector.broadcast %and3A_294 : i32 to vector<16xi32>
      %and3A_296 = arith.andi %shift_right_logical3A_293, %and3A_295 : vector<16xi32>
      %add3A_297 = arith.addi %get3A_271, %and3A_296 : vector<16xi32>
      %convert_element_type3A_298 = arith.sitofp %add3A_297 : vector<16xi32> to vector<16xf32>
      %jit3A_299 = arith.constant 0.000000e+00 : f32
      %broadcast_in_dim3A_300 = vector.broadcast %jit3A_299 : f32 to vector<16xf32>
      %select_n3A_301 = arith.select %ge3A_255, %convert_element_type3A_298, %broadcast_in_dim3A_300 : vector<16xi1>, vector<16xf32>
      %mul3A_302 = arith.constant 16 : i32
      %mul3A_303 = arith.muli %scan3A_244, %mul3A_302 : i32
      %get3A_304 = arith.index_cast %mul3A_303 : i32 to index
      %get3A_305 = tpu.vector_load %arg13[%get3A_304] {strides = array<i32>} : memref<7032xf32, #tpu.memory_space<vmem>>, vector<16xf32>,
      %mul3A_306 = arith.constant 16 : i32
      %mul3A_307 = arith.muli %scan3A_244, %mul3A_306 : i32
      %add3A_308 = arith.constant 2344 : i32
      %add3A_309 = arith.addi %add3A_308, %mul3A_307 : i32
      %get3A_310 = arith.index_cast %add3A_309 : i32 to index
      %get3A_311 = tpu.vector_load %arg13[%get3A_310] {strides = array<i32>} : memref<7032xf32, #tpu.memory_space<vmem>>, vector<16xf32>,
      %mul3A_312 = arith.constant 16 : i32
      %mul3A_313 = arith.muli %scan3A_244, %mul3A_312 : i32
      %add3A_314 = arith.constant 4688 : i32
      %add3A_315 = arith.addi %add3A_314, %mul3A_313 : i32
      %get3A_316 = arith.index_cast %add3A_315 : i32 to index
      %get3A_317 = tpu.vector_load %arg13[%get3A_316] {strides = array<i32>} : memref<7032xf32, #tpu.memory_space<vmem>>, vector<16xf32>,
      %mul3A_318 = arith.constant 16 : i32
      %mul3A_319 = arith.muli %scan3A_244, %mul3A_318 : i32
      %get3A_320 = arith.index_cast %mul3A_319 : i32 to index
      %get3A_321 = tpu.vector_load %arg12[%get3A_320] {strides = array<i32>} : memref<2344xf32, #tpu.memory_space<vmem>>, vector<16xf32>,
      %add3A_322 = arith.addf %select_n3A_279, %get3A_305 : vector<16xf32>
      tpu.vector_store_idx %arg14[%add3A_248, %broadcast_in_dim3A_17], %add3A_322 : memref<2344x4xf32, #tpu.memory_space<vmem>>[vector<16xi32>, vector<16xi32>], vector<16xf32>,
      %add3A_323 = arith.addf %select_n3A_290, %get3A_311 : vector<16xf32>
      tpu.vector_store_idx %arg14[%add3A_248, %broadcast_in_dim3A_19], %add3A_323 : memref<2344x4xf32, #tpu.memory_space<vmem>>[vector<16xi32>, vector<16xi32>], vector<16xf32>,
      %add3A_324 = arith.addf %select_n3A_301, %get3A_317 : vector<16xf32>
      tpu.vector_store_idx %arg14[%add3A_248, %broadcast_in_dim3A_21], %add3A_324 : memref<2344x4xf32, #tpu.memory_space<vmem>>[vector<16xi32>, vector<16xi32>], vector<16xf32>,
      tpu.vector_store_idx %arg14[%add3A_248, %broadcast_in_dim3A_23], %get3A_321 : memref<2344x4xf32, #tpu.memory_space<vmem>>[vector<16xi32>, vector<16xi32>], vector<16xf32>,
      %scan3A_325 = arith.constant 146 : i32
      "tpu.region"() ({
        %run_scoped3A_326 = tpu.sem_alloc : memref<!tpu.dma_semaphore, #tpu.memory_space<semaphore_mem>>
        %dma_start3A_327 = arith.constant 0 : i32
        %dma_start3A_328 = tpu.memref_slice %arg6[%add3A_51, %dma_start3A_327] : memref<1200128x4xf32, #tpu.memory_space<hbm>> -> memref<2344x4xf32, #tpu.memory_space<hbm>>
        %dma_start3A_329 = arith.constant 0 : i32
        %dma_start3A_330 = tpu.memref_slice %arg6[%add3A_51, %dma_start3A_329] : memref<1200128x4xf32, #tpu.memory_space<hbm>> -> memref<2344x4xf32, #tpu.memory_space<hbm>>
        tpu.enqueue_dma source(%arg14 : memref<2344x4xf32, #tpu.memory_space<vmem>>) target(%dma_start3A_330 : memref<2344x4xf32, #tpu.memory_space<hbm>>) target_semaphore(%run_scoped3A_326 : memref<!tpu.dma_semaphore, #tpu.memory_space<semaphore_mem>>)
        %dma_wait3A_331 = arith.constant 0 : i32
        %dma_wait3A_332 = tpu.memref_slice %arg6[%add3A_51, %dma_wait3A_331] : memref<1200128x4xf32, #tpu.memory_space<hbm>> -> memref<2344x4xf32, #tpu.memory_space<hbm>>
        %dma_wait3A_333 = arith.constant 0 : i32
        %dma_wait3A_334 = tpu.memref_slice %arg6[%add3A_51, %dma_wait3A_333] : memref<1200128x4xf32, #tpu.memory_space<hbm>> -> memref<2344x4xf32, #tpu.memory_space<hbm>>
        tpu.wait_dma2 semaphore(%run_scoped3A_326 : memref<!tpu.dma_semaphore, #tpu.memory_space<semaphore_mem>>) src(%arg14 : memref<2344x4xf32, #tpu.memory_space<vmem>>) dst(%dma_wait3A_334 : memref<2344x4xf32, #tpu.memory_space<hbm>>)
        tpu.yield
      }) : () -> ()
    }
    %scan3A_28 = arith.constant 16 : i32
    return
  }
}

#map = affine_map<(d0, d1) -> (0)>
#map1 = affine_map<(d0, d1) -> (0, 0)>
module attributes {stable_mosaic.version = 14 : i64} {
  func.func @_gather_kernel(%arg0: i32, %arg1: i32, %arg2: memref<8000000xi32, #tpu.memory_space<hbm>>, %arg3: memref<1200128x4xf32, #tpu.memory_space<hbm>>, %arg4: memref<4x8000000xf32, #tpu.memory_space<hbm>>, %arg5: memref<2000xi32, #tpu.memory_space<vmem>>, %arg6: memref<2000x4xf32, #tpu.memory_space<vmem>>, %arg7: memref<2000xf32, #tpu.memory_space<vmem>>, %arg8: memref<2000xf32, #tpu.memory_space<vmem>>, %arg9: memref<2000xf32, #tpu.memory_space<vmem>>, %arg10: memref<2000xf32, #tpu.memory_space<vmem>>, %arg11: memref<!tpu.dma_semaphore, #tpu.memory_space<semaphore_mem>>) attributes {dimension_semantics = [#tpu.dimension_semantics<core_parallel>, #tpu.dimension_semantics<subcore_parallel>], iteration_bounds = array<i64: 2, 16>, scalar_prefetch = 0 : i64, scratch_operands = 7 : i64, tpu.core_type = #tpu.core_type<sc_vector_subcore>, window_params = [{transform_indices = #map}, {transform_indices = #map1}, {transform_indices = #map1}]} {
    %mul3A = arith.constant 2 : i32
    %mul3A_0 = arith.muli %arg1, %mul3A : i32
    %add3A = arith.addi %mul3A_0, %arg0 : i32
    %iota3A = tpu.iota {dimensions = array<i32: 0>} : vector<16xi32>
    %broadcast_in_dim3A = arith.constant 0 : i32
    %broadcast_in_dim3A_1 = vector.broadcast %broadcast_in_dim3A : i32 to vector<16xi32>
    %broadcast_in_dim3A_2 = arith.constant 1 : i32
    %broadcast_in_dim3A_3 = vector.broadcast %broadcast_in_dim3A_2 : i32 to vector<16xi32>
    %broadcast_in_dim3A_4 = arith.constant 2 : i32
    %broadcast_in_dim3A_5 = vector.broadcast %broadcast_in_dim3A_4 : i32 to vector<16xi32>
    %broadcast_in_dim3A_6 = arith.constant 3 : i32
    %broadcast_in_dim3A_7 = vector.broadcast %broadcast_in_dim3A_6 : i32 to vector<16xi32>
    %scan3A = arith.constant 0 : i32
    %scan3A_8 = arith.constant 0 : i32
    %scan3A_9 = arith.constant 125 : i32
    %scan3A_10 = arith.addi %scan3A_8, %scan3A_9 : i32
    %scan3A_11 = arith.constant 1 : i32
    scf.for %scan3A_13 = %scan3A_8 to %scan3A_10 step %scan3A_11  : i32 {
      %mul3A_14 = arith.constant 250000 : i32
      %mul3A_15 = arith.muli %add3A, %mul3A_14 : i32
      %mul3A_16 = arith.constant 2000 : i32
      %mul3A_17 = arith.muli %scan3A_13, %mul3A_16 : i32
      %add3A_18 = arith.addi %mul3A_15, %mul3A_17 : i32
      "tpu.region"() ({
        %run_scoped3A_56 = tpu.sem_alloc : memref<!tpu.dma_semaphore, #tpu.memory_space<semaphore_mem>>
        %dma_start3A_57 = tpu.memref_slice %arg2[%add3A_18] : memref<8000000xi32, #tpu.memory_space<hbm>> -> memref<2000xi32, #tpu.memory_space<hbm>>
        %dma_start3A_58 = tpu.memref_slice %arg2[%add3A_18] : memref<8000000xi32, #tpu.memory_space<hbm>> -> memref<2000xi32, #tpu.memory_space<hbm>>
        tpu.enqueue_dma source(%dma_start3A_58 : memref<2000xi32, #tpu.memory_space<hbm>>) target(%arg5 : memref<2000xi32, #tpu.memory_space<vmem>>) target_semaphore(%run_scoped3A_56 : memref<!tpu.dma_semaphore, #tpu.memory_space<semaphore_mem>>)
        %dma_wait3A_59 = tpu.memref_slice %arg2[%add3A_18] : memref<8000000xi32, #tpu.memory_space<hbm>> -> memref<2000xi32, #tpu.memory_space<hbm>>
        %dma_wait3A_60 = tpu.memref_slice %arg2[%add3A_18] : memref<8000000xi32, #tpu.memory_space<hbm>> -> memref<2000xi32, #tpu.memory_space<hbm>>
        tpu.wait_dma2 semaphore(%run_scoped3A_56 : memref<!tpu.dma_semaphore, #tpu.memory_space<semaphore_mem>>) src(%dma_wait3A_60 : memref<2000xi32, #tpu.memory_space<hbm>>) dst(%arg5 : memref<2000xi32, #tpu.memory_space<vmem>>)
        tpu.yield
      }) : () -> ()
      %dma_start3A = arith.constant 0 : i32
      %dma_start3A_19 = arith.constant 0 : i32
      %dma_start3A_20 = tpu.memref_slice %arg3[%dma_start3A, %dma_start3A_19] : memref<1200128x4xf32, #tpu.memory_space<hbm>> -> memref<1200128x4xf32, #tpu.memory_space<hbm>>
      tpu.enqueue_indirect_dma source(%dma_start3A_20 : memref<1200128x4xf32, #tpu.memory_space<hbm>>) target(%arg6 : memref<2000x4xf32, #tpu.memory_space<vmem>>) offsets(%arg5 : memref<2000xi32, #tpu.memory_space<vmem>>) semaphore(%arg11 : memref<!tpu.dma_semaphore, #tpu.memory_space<semaphore_mem>>)
      %dma_wait3A = arith.constant 0 : i32
      %dma_wait3A_21 = arith.constant 0 : i32
      %dma_wait3A_22 = tpu.memref_slice %arg3[%dma_wait3A, %dma_wait3A_21] : memref<1200128x4xf32, #tpu.memory_space<hbm>> -> memref<1200128x4xf32, #tpu.memory_space<hbm>>
      tpu.wait_indirect_dma semaphore(%arg11 : memref<!tpu.dma_semaphore, #tpu.memory_space<semaphore_mem>>) src(%dma_wait3A_22 : memref<1200128x4xf32, #tpu.memory_space<hbm>>) dst(%arg6 : memref<2000x4xf32, #tpu.memory_space<vmem>>)
      %scan3A_23 = arith.constant 0 : i32
      %scan3A_24 = arith.constant 0 : i32
      %scan3A_25 = arith.constant 124 : i32
      %scan3A_26 = arith.addi %scan3A_24, %scan3A_25 : i32
      %scan3A_27 = arith.constant 4 : i32
      scf.for %scan3A_56 = %scan3A_24 to %scan3A_26 step %scan3A_27  : i32 {
        %mul3A_57 = arith.constant 16 : i32
        %mul3A_58 = arith.muli %scan3A_56, %mul3A_57 : i32
        %add3A_59 = vector.broadcast %mul3A_58 : i32 to vector<16xi32>
        %add3A_60 = arith.addi %add3A_59, %iota3A : vector<16xi32>
        %gather3A_61 = tpu.vector_load_idx %arg6[%add3A_60, %broadcast_in_dim3A_1] : memref<2000x4xf32, #tpu.memory_space<vmem>>[vector<16xi32>, vector<16xi32>], vector<16xf32>,
        %mul3A_62 = arith.constant 16 : i32
        %mul3A_63 = arith.muli %scan3A_56, %mul3A_62 : i32
        %swap3A_64 = arith.index_cast %mul3A_63 : i32 to index
        %swap3A_65 = tpu.vector_load %arg7[%swap3A_64] {strides = array<i32>} : memref<2000xf32, #tpu.memory_space<vmem>>, vector<16xf32>,
        tpu.vector_store %arg7[%swap3A_64], %gather3A_61 {strides = array<i32>} : memref<2000xf32, #tpu.memory_space<vmem>>, vector<16xf32>,
        %gather3A_66 = tpu.vector_load_idx %arg6[%add3A_60, %broadcast_in_dim3A_3] : memref<2000x4xf32, #tpu.memory_space<vmem>>[vector<16xi32>, vector<16xi32>], vector<16xf32>,
        %mul3A_67 = arith.constant 16 : i32
        %mul3A_68 = arith.muli %scan3A_56, %mul3A_67 : i32
        %swap3A_69 = arith.index_cast %mul3A_68 : i32 to index
        %swap3A_70 = tpu.vector_load %arg8[%swap3A_69] {strides = array<i32>} : memref<2000xf32, #tpu.memory_space<vmem>>, vector<16xf32>,
        tpu.vector_store %arg8[%swap3A_69], %gather3A_66 {strides = array<i32>} : memref<2000xf32, #tpu.memory_space<vmem>>, vector<16xf32>,
        %gather3A_71 = tpu.vector_load_idx %arg6[%add3A_60, %broadcast_in_dim3A_5] : memref<2000x4xf32, #tpu.memory_space<vmem>>[vector<16xi32>, vector<16xi32>], vector<16xf32>,
        %mul3A_72 = arith.constant 16 : i32
        %mul3A_73 = arith.muli %scan3A_56, %mul3A_72 : i32
        %swap3A_74 = arith.index_cast %mul3A_73 : i32 to index
        %swap3A_75 = tpu.vector_load %arg9[%swap3A_74] {strides = array<i32>} : memref<2000xf32, #tpu.memory_space<vmem>>, vector<16xf32>,
        tpu.vector_store %arg9[%swap3A_74], %gather3A_71 {strides = array<i32>} : memref<2000xf32, #tpu.memory_space<vmem>>, vector<16xf32>,
        %gather3A_76 = tpu.vector_load_idx %arg6[%add3A_60, %broadcast_in_dim3A_7] : memref<2000x4xf32, #tpu.memory_space<vmem>>[vector<16xi32>, vector<16xi32>], vector<16xf32>,
        %mul3A_77 = arith.constant 16 : i32
        %mul3A_78 = arith.muli %scan3A_56, %mul3A_77 : i32
        %swap3A_79 = arith.index_cast %mul3A_78 : i32 to index
        %swap3A_80 = tpu.vector_load %arg10[%swap3A_79] {strides = array<i32>} : memref<2000xf32, #tpu.memory_space<vmem>>, vector<16xf32>,
        tpu.vector_store %arg10[%swap3A_79], %gather3A_76 {strides = array<i32>} : memref<2000xf32, #tpu.memory_space<vmem>>, vector<16xf32>,
        %scan3A_81 = arith.constant 1 : i32
        %scan3A_82 = arith.addi %scan3A_56, %scan3A_81 : i32
        %mul3A_83 = arith.constant 16 : i32
        %mul3A_84 = arith.muli %scan3A_82, %mul3A_83 : i32
        %add3A_85 = vector.broadcast %mul3A_84 : i32 to vector<16xi32>
        %add3A_86 = arith.addi %add3A_85, %iota3A : vector<16xi32>
        %gather3A_87 = tpu.vector_load_idx %arg6[%add3A_86, %broadcast_in_dim3A_1] : memref<2000x4xf32, #tpu.memory_space<vmem>>[vector<16xi32>, vector<16xi32>], vector<16xf32>,
        %mul3A_88 = arith.constant 16 : i32
        %mul3A_89 = arith.muli %scan3A_82, %mul3A_88 : i32
        %swap3A_90 = arith.index_cast %mul3A_89 : i32 to index
        %swap3A_91 = tpu.vector_load %arg7[%swap3A_90] {strides = array<i32>} : memref<2000xf32, #tpu.memory_space<vmem>>, vector<16xf32>,
        tpu.vector_store %arg7[%swap3A_90], %gather3A_87 {strides = array<i32>} : memref<2000xf32, #tpu.memory_space<vmem>>, vector<16xf32>,
        %gather3A_92 = tpu.vector_load_idx %arg6[%add3A_86, %broadcast_in_dim3A_3] : memref<2000x4xf32, #tpu.memory_space<vmem>>[vector<16xi32>, vector<16xi32>], vector<16xf32>,
        %mul3A_93 = arith.constant 16 : i32
        %mul3A_94 = arith.muli %scan3A_82, %mul3A_93 : i32
        %swap3A_95 = arith.index_cast %mul3A_94 : i32 to index
        %swap3A_96 = tpu.vector_load %arg8[%swap3A_95] {strides = array<i32>} : memref<2000xf32, #tpu.memory_space<vmem>>, vector<16xf32>,
        tpu.vector_store %arg8[%swap3A_95], %gather3A_92 {strides = array<i32>} : memref<2000xf32, #tpu.memory_space<vmem>>, vector<16xf32>,
        %gather3A_97 = tpu.vector_load_idx %arg6[%add3A_86, %broadcast_in_dim3A_5] : memref<2000x4xf32, #tpu.memory_space<vmem>>[vector<16xi32>, vector<16xi32>], vector<16xf32>,
        %mul3A_98 = arith.constant 16 : i32
        %mul3A_99 = arith.muli %scan3A_82, %mul3A_98 : i32
        %swap3A_100 = arith.index_cast %mul3A_99 : i32 to index
        %swap3A_101 = tpu.vector_load %arg9[%swap3A_100] {strides = array<i32>} : memref<2000xf32, #tpu.memory_space<vmem>>, vector<16xf32>,
        tpu.vector_store %arg9[%swap3A_100], %gather3A_97 {strides = array<i32>} : memref<2000xf32, #tpu.memory_space<vmem>>, vector<16xf32>,
        %gather3A_102 = tpu.vector_load_idx %arg6[%add3A_86, %broadcast_in_dim3A_7] : memref<2000x4xf32, #tpu.memory_space<vmem>>[vector<16xi32>, vector<16xi32>], vector<16xf32>,
        %mul3A_103 = arith.constant 16 : i32
        %mul3A_104 = arith.muli %scan3A_82, %mul3A_103 : i32
        %swap3A_105 = arith.index_cast %mul3A_104 : i32 to index
        %swap3A_106 = tpu.vector_load %arg10[%swap3A_105] {strides = array<i32>} : memref<2000xf32, #tpu.memory_space<vmem>>, vector<16xf32>,
        tpu.vector_store %arg10[%swap3A_105], %gather3A_102 {strides = array<i32>} : memref<2000xf32, #tpu.memory_space<vmem>>, vector<16xf32>,
        %scan3A_107 = arith.constant 2 : i32
        %scan3A_108 = arith.addi %scan3A_56, %scan3A_107 : i32
        %mul3A_109 = arith.constant 16 : i32
        %mul3A_110 = arith.muli %scan3A_108, %mul3A_109 : i32
        %add3A_111 = vector.broadcast %mul3A_110 : i32 to vector<16xi32>
        %add3A_112 = arith.addi %add3A_111, %iota3A : vector<16xi32>
        %gather3A_113 = tpu.vector_load_idx %arg6[%add3A_112, %broadcast_in_dim3A_1] : memref<2000x4xf32, #tpu.memory_space<vmem>>[vector<16xi32>, vector<16xi32>], vector<16xf32>,
        %mul3A_114 = arith.constant 16 : i32
        %mul3A_115 = arith.muli %scan3A_108, %mul3A_114 : i32
        %swap3A_116 = arith.index_cast %mul3A_115 : i32 to index
        %swap3A_117 = tpu.vector_load %arg7[%swap3A_116] {strides = array<i32>} : memref<2000xf32, #tpu.memory_space<vmem>>, vector<16xf32>,
        tpu.vector_store %arg7[%swap3A_116], %gather3A_113 {strides = array<i32>} : memref<2000xf32, #tpu.memory_space<vmem>>, vector<16xf32>,
        %gather3A_118 = tpu.vector_load_idx %arg6[%add3A_112, %broadcast_in_dim3A_3] : memref<2000x4xf32, #tpu.memory_space<vmem>>[vector<16xi32>, vector<16xi32>], vector<16xf32>,
        %mul3A_119 = arith.constant 16 : i32
        %mul3A_120 = arith.muli %scan3A_108, %mul3A_119 : i32
        %swap3A_121 = arith.index_cast %mul3A_120 : i32 to index
        %swap3A_122 = tpu.vector_load %arg8[%swap3A_121] {strides = array<i32>} : memref<2000xf32, #tpu.memory_space<vmem>>, vector<16xf32>,
        tpu.vector_store %arg8[%swap3A_121], %gather3A_118 {strides = array<i32>} : memref<2000xf32, #tpu.memory_space<vmem>>, vector<16xf32>,
        %gather3A_123 = tpu.vector_load_idx %arg6[%add3A_112, %broadcast_in_dim3A_5] : memref<2000x4xf32, #tpu.memory_space<vmem>>[vector<16xi32>, vector<16xi32>], vector<16xf32>,
        %mul3A_124 = arith.constant 16 : i32
        %mul3A_125 = arith.muli %scan3A_108, %mul3A_124 : i32
        %swap3A_126 = arith.index_cast %mul3A_125 : i32 to index
        %swap3A_127 = tpu.vector_load %arg9[%swap3A_126] {strides = array<i32>} : memref<2000xf32, #tpu.memory_space<vmem>>, vector<16xf32>,
        tpu.vector_store %arg9[%swap3A_126], %gather3A_123 {strides = array<i32>} : memref<2000xf32, #tpu.memory_space<vmem>>, vector<16xf32>,
        %gather3A_128 = tpu.vector_load_idx %arg6[%add3A_112, %broadcast_in_dim3A_7] : memref<2000x4xf32, #tpu.memory_space<vmem>>[vector<16xi32>, vector<16xi32>], vector<16xf32>,
        %mul3A_129 = arith.constant 16 : i32
        %mul3A_130 = arith.muli %scan3A_108, %mul3A_129 : i32
        %swap3A_131 = arith.index_cast %mul3A_130 : i32 to index
        %swap3A_132 = tpu.vector_load %arg10[%swap3A_131] {strides = array<i32>} : memref<2000xf32, #tpu.memory_space<vmem>>, vector<16xf32>,
        tpu.vector_store %arg10[%swap3A_131], %gather3A_128 {strides = array<i32>} : memref<2000xf32, #tpu.memory_space<vmem>>, vector<16xf32>,
        %scan3A_133 = arith.constant 3 : i32
        %scan3A_134 = arith.addi %scan3A_56, %scan3A_133 : i32
        %mul3A_135 = arith.constant 16 : i32
        %mul3A_136 = arith.muli %scan3A_134, %mul3A_135 : i32
        %add3A_137 = vector.broadcast %mul3A_136 : i32 to vector<16xi32>
        %add3A_138 = arith.addi %add3A_137, %iota3A : vector<16xi32>
        %gather3A_139 = tpu.vector_load_idx %arg6[%add3A_138, %broadcast_in_dim3A_1] : memref<2000x4xf32, #tpu.memory_space<vmem>>[vector<16xi32>, vector<16xi32>], vector<16xf32>,
        %mul3A_140 = arith.constant 16 : i32
        %mul3A_141 = arith.muli %scan3A_134, %mul3A_140 : i32
        %swap3A_142 = arith.index_cast %mul3A_141 : i32 to index
        %swap3A_143 = tpu.vector_load %arg7[%swap3A_142] {strides = array<i32>} : memref<2000xf32, #tpu.memory_space<vmem>>, vector<16xf32>,
        tpu.vector_store %arg7[%swap3A_142], %gather3A_139 {strides = array<i32>} : memref<2000xf32, #tpu.memory_space<vmem>>, vector<16xf32>,
        %gather3A_144 = tpu.vector_load_idx %arg6[%add3A_138, %broadcast_in_dim3A_3] : memref<2000x4xf32, #tpu.memory_space<vmem>>[vector<16xi32>, vector<16xi32>], vector<16xf32>,
        %mul3A_145 = arith.constant 16 : i32
        %mul3A_146 = arith.muli %scan3A_134, %mul3A_145 : i32
        %swap3A_147 = arith.index_cast %mul3A_146 : i32 to index
        %swap3A_148 = tpu.vector_load %arg8[%swap3A_147] {strides = array<i32>} : memref<2000xf32, #tpu.memory_space<vmem>>, vector<16xf32>,
        tpu.vector_store %arg8[%swap3A_147], %gather3A_144 {strides = array<i32>} : memref<2000xf32, #tpu.memory_space<vmem>>, vector<16xf32>,
        %gather3A_149 = tpu.vector_load_idx %arg6[%add3A_138, %broadcast_in_dim3A_5] : memref<2000x4xf32, #tpu.memory_space<vmem>>[vector<16xi32>, vector<16xi32>], vector<16xf32>,
        %mul3A_150 = arith.constant 16 : i32
        %mul3A_151 = arith.muli %scan3A_134, %mul3A_150 : i32
        %swap3A_152 = arith.index_cast %mul3A_151 : i32 to index
        %swap3A_153 = tpu.vector_load %arg9[%swap3A_152] {strides = array<i32>} : memref<2000xf32, #tpu.memory_space<vmem>>, vector<16xf32>,
        tpu.vector_store %arg9[%swap3A_152], %gather3A_149 {strides = array<i32>} : memref<2000xf32, #tpu.memory_space<vmem>>, vector<16xf32>,
        %gather3A_154 = tpu.vector_load_idx %arg6[%add3A_138, %broadcast_in_dim3A_7] : memref<2000x4xf32, #tpu.memory_space<vmem>>[vector<16xi32>, vector<16xi32>], vector<16xf32>,
        %mul3A_155 = arith.constant 16 : i32
        %mul3A_156 = arith.muli %scan3A_134, %mul3A_155 : i32
        %swap3A_157 = arith.index_cast %mul3A_156 : i32 to index
        %swap3A_158 = tpu.vector_load %arg10[%swap3A_157] {strides = array<i32>} : memref<2000xf32, #tpu.memory_space<vmem>>, vector<16xf32>,
        tpu.vector_store %arg10[%swap3A_157], %gather3A_154 {strides = array<i32>} : memref<2000xf32, #tpu.memory_space<vmem>>, vector<16xf32>,
      }
      %scan3A_28 = arith.constant 124 : i32
      %scan3A_29 = arith.addi %scan3A_24, %scan3A_28 : i32
      %mul3A_30 = arith.constant 16 : i32
      %mul3A_31 = arith.muli %scan3A_29, %mul3A_30 : i32
      %add3A_32 = vector.broadcast %mul3A_31 : i32 to vector<16xi32>
      %add3A_33 = arith.addi %add3A_32, %iota3A : vector<16xi32>
      %gather3A = tpu.vector_load_idx %arg6[%add3A_33, %broadcast_in_dim3A_1] : memref<2000x4xf32, #tpu.memory_space<vmem>>[vector<16xi32>, vector<16xi32>], vector<16xf32>,
      %mul3A_34 = arith.constant 16 : i32
      %mul3A_35 = arith.muli %scan3A_29, %mul3A_34 : i32
      %swap3A = arith.index_cast %mul3A_35 : i32 to index
      %swap3A_36 = tpu.vector_load %arg7[%swap3A] {strides = array<i32>} : memref<2000xf32, #tpu.memory_space<vmem>>, vector<16xf32>,
      tpu.vector_store %arg7[%swap3A], %gather3A {strides = array<i32>} : memref<2000xf32, #tpu.memory_space<vmem>>, vector<16xf32>,
      %gather3A_37 = tpu.vector_load_idx %arg6[%add3A_33, %broadcast_in_dim3A_3] : memref<2000x4xf32, #tpu.memory_space<vmem>>[vector<16xi32>, vector<16xi32>], vector<16xf32>,
      %mul3A_38 = arith.constant 16 : i32
      %mul3A_39 = arith.muli %scan3A_29, %mul3A_38 : i32
      %swap3A_40 = arith.index_cast %mul3A_39 : i32 to index
      %swap3A_41 = tpu.vector_load %arg8[%swap3A_40] {strides = array<i32>} : memref<2000xf32, #tpu.memory_space<vmem>>, vector<16xf32>,
      tpu.vector_store %arg8[%swap3A_40], %gather3A_37 {strides = array<i32>} : memref<2000xf32, #tpu.memory_space<vmem>>, vector<16xf32>,
      %gather3A_42 = tpu.vector_load_idx %arg6[%add3A_33, %broadcast_in_dim3A_5] : memref<2000x4xf32, #tpu.memory_space<vmem>>[vector<16xi32>, vector<16xi32>], vector<16xf32>,
      %mul3A_43 = arith.constant 16 : i32
      %mul3A_44 = arith.muli %scan3A_29, %mul3A_43 : i32
      %swap3A_45 = arith.index_cast %mul3A_44 : i32 to index
      %swap3A_46 = tpu.vector_load %arg9[%swap3A_45] {strides = array<i32>} : memref<2000xf32, #tpu.memory_space<vmem>>, vector<16xf32>,
      tpu.vector_store %arg9[%swap3A_45], %gather3A_42 {strides = array<i32>} : memref<2000xf32, #tpu.memory_space<vmem>>, vector<16xf32>,
      %gather3A_47 = tpu.vector_load_idx %arg6[%add3A_33, %broadcast_in_dim3A_7] : memref<2000x4xf32, #tpu.memory_space<vmem>>[vector<16xi32>, vector<16xi32>], vector<16xf32>,
      %mul3A_48 = arith.constant 16 : i32
      %mul3A_49 = arith.muli %scan3A_29, %mul3A_48 : i32
      %swap3A_50 = arith.index_cast %mul3A_49 : i32 to index
      %swap3A_51 = tpu.vector_load %arg10[%swap3A_50] {strides = array<i32>} : memref<2000xf32, #tpu.memory_space<vmem>>, vector<16xf32>,
      tpu.vector_store %arg10[%swap3A_50], %gather3A_47 {strides = array<i32>} : memref<2000xf32, #tpu.memory_space<vmem>>, vector<16xf32>,
      %scan3A_52 = arith.constant 125 : i32
      %run_scoped3A = arith.constant 0 : i32
      "tpu.region"() ({
        %run_scoped3A_56 = tpu.sem_alloc : memref<!tpu.dma_semaphore, #tpu.memory_space<semaphore_mem>>
        %dma_start3A_57 = tpu.memref_slice %arg4[%run_scoped3A, %add3A_18] : memref<4x8000000xf32, #tpu.memory_space<hbm>> -> memref<1x2000xf32, #tpu.memory_space<hbm>>
        %dma_start3A_58 = tpu.memref_squeeze %dma_start3A_57 : memref<1x2000xf32, #tpu.memory_space<hbm>> -> memref<2000xf32, #tpu.memory_space<hbm>>
        %dma_start3A_59 = tpu.memref_slice %arg4[%run_scoped3A, %add3A_18] : memref<4x8000000xf32, #tpu.memory_space<hbm>> -> memref<1x2000xf32, #tpu.memory_space<hbm>>
        %dma_start3A_60 = tpu.memref_squeeze %dma_start3A_59 : memref<1x2000xf32, #tpu.memory_space<hbm>> -> memref<2000xf32, #tpu.memory_space<hbm>>
        tpu.enqueue_dma source(%arg7 : memref<2000xf32, #tpu.memory_space<vmem>>) target(%dma_start3A_60 : memref<2000xf32, #tpu.memory_space<hbm>>) target_semaphore(%run_scoped3A_56 : memref<!tpu.dma_semaphore, #tpu.memory_space<semaphore_mem>>)
        %dma_wait3A_61 = tpu.memref_slice %arg4[%run_scoped3A, %add3A_18] : memref<4x8000000xf32, #tpu.memory_space<hbm>> -> memref<1x2000xf32, #tpu.memory_space<hbm>>
        %dma_wait3A_62 = tpu.memref_squeeze %dma_wait3A_61 : memref<1x2000xf32, #tpu.memory_space<hbm>> -> memref<2000xf32, #tpu.memory_space<hbm>>
        %dma_wait3A_63 = tpu.memref_slice %arg4[%run_scoped3A, %add3A_18] : memref<4x8000000xf32, #tpu.memory_space<hbm>> -> memref<1x2000xf32, #tpu.memory_space<hbm>>
        %dma_wait3A_64 = tpu.memref_squeeze %dma_wait3A_63 : memref<1x2000xf32, #tpu.memory_space<hbm>> -> memref<2000xf32, #tpu.memory_space<hbm>>
        tpu.wait_dma2 semaphore(%run_scoped3A_56 : memref<!tpu.dma_semaphore, #tpu.memory_space<semaphore_mem>>) src(%arg7 : memref<2000xf32, #tpu.memory_space<vmem>>) dst(%dma_wait3A_64 : memref<2000xf32, #tpu.memory_space<hbm>>)
        tpu.yield
      }) : () -> ()
      %run_scoped3A_53 = arith.constant 1 : i32
      "tpu.region"() ({
        %run_scoped3A_56 = tpu.sem_alloc : memref<!tpu.dma_semaphore, #tpu.memory_space<semaphore_mem>>
        %dma_start3A_57 = tpu.memref_slice %arg4[%run_scoped3A_53, %add3A_18] : memref<4x8000000xf32, #tpu.memory_space<hbm>> -> memref<1x2000xf32, #tpu.memory_space<hbm>>
        %dma_start3A_58 = tpu.memref_squeeze %dma_start3A_57 : memref<1x2000xf32, #tpu.memory_space<hbm>> -> memref<2000xf32, #tpu.memory_space<hbm>>
        %dma_start3A_59 = tpu.memref_slice %arg4[%run_scoped3A_53, %add3A_18] : memref<4x8000000xf32, #tpu.memory_space<hbm>> -> memref<1x2000xf32, #tpu.memory_space<hbm>>
        %dma_start3A_60 = tpu.memref_squeeze %dma_start3A_59 : memref<1x2000xf32, #tpu.memory_space<hbm>> -> memref<2000xf32, #tpu.memory_space<hbm>>
        tpu.enqueue_dma source(%arg8 : memref<2000xf32, #tpu.memory_space<vmem>>) target(%dma_start3A_60 : memref<2000xf32, #tpu.memory_space<hbm>>) target_semaphore(%run_scoped3A_56 : memref<!tpu.dma_semaphore, #tpu.memory_space<semaphore_mem>>)
        %dma_wait3A_61 = tpu.memref_slice %arg4[%run_scoped3A_53, %add3A_18] : memref<4x8000000xf32, #tpu.memory_space<hbm>> -> memref<1x2000xf32, #tpu.memory_space<hbm>>
        %dma_wait3A_62 = tpu.memref_squeeze %dma_wait3A_61 : memref<1x2000xf32, #tpu.memory_space<hbm>> -> memref<2000xf32, #tpu.memory_space<hbm>>
        %dma_wait3A_63 = tpu.memref_slice %arg4[%run_scoped3A_53, %add3A_18] : memref<4x8000000xf32, #tpu.memory_space<hbm>> -> memref<1x2000xf32, #tpu.memory_space<hbm>>
        %dma_wait3A_64 = tpu.memref_squeeze %dma_wait3A_63 : memref<1x2000xf32, #tpu.memory_space<hbm>> -> memref<2000xf32, #tpu.memory_space<hbm>>
        tpu.wait_dma2 semaphore(%run_scoped3A_56 : memref<!tpu.dma_semaphore, #tpu.memory_space<semaphore_mem>>) src(%arg8 : memref<2000xf32, #tpu.memory_space<vmem>>) dst(%dma_wait3A_64 : memref<2000xf32, #tpu.memory_space<hbm>>)
        tpu.yield
      }) : () -> ()
      %run_scoped3A_54 = arith.constant 2 : i32
      "tpu.region"() ({
        %run_scoped3A_56 = tpu.sem_alloc : memref<!tpu.dma_semaphore, #tpu.memory_space<semaphore_mem>>
        %dma_start3A_57 = tpu.memref_slice %arg4[%run_scoped3A_54, %add3A_18] : memref<4x8000000xf32, #tpu.memory_space<hbm>> -> memref<1x2000xf32, #tpu.memory_space<hbm>>
        %dma_start3A_58 = tpu.memref_squeeze %dma_start3A_57 : memref<1x2000xf32, #tpu.memory_space<hbm>> -> memref<2000xf32, #tpu.memory_space<hbm>>
        %dma_start3A_59 = tpu.memref_slice %arg4[%run_scoped3A_54, %add3A_18] : memref<4x8000000xf32, #tpu.memory_space<hbm>> -> memref<1x2000xf32, #tpu.memory_space<hbm>>
        %dma_start3A_60 = tpu.memref_squeeze %dma_start3A_59 : memref<1x2000xf32, #tpu.memory_space<hbm>> -> memref<2000xf32, #tpu.memory_space<hbm>>
        tpu.enqueue_dma source(%arg9 : memref<2000xf32, #tpu.memory_space<vmem>>) target(%dma_start3A_60 : memref<2000xf32, #tpu.memory_space<hbm>>) target_semaphore(%run_scoped3A_56 : memref<!tpu.dma_semaphore, #tpu.memory_space<semaphore_mem>>)
        %dma_wait3A_61 = tpu.memref_slice %arg4[%run_scoped3A_54, %add3A_18] : memref<4x8000000xf32, #tpu.memory_space<hbm>> -> memref<1x2000xf32, #tpu.memory_space<hbm>>
        %dma_wait3A_62 = tpu.memref_squeeze %dma_wait3A_61 : memref<1x2000xf32, #tpu.memory_space<hbm>> -> memref<2000xf32, #tpu.memory_space<hbm>>
        %dma_wait3A_63 = tpu.memref_slice %arg4[%run_scoped3A_54, %add3A_18] : memref<4x8000000xf32, #tpu.memory_space<hbm>> -> memref<1x2000xf32, #tpu.memory_space<hbm>>
        %dma_wait3A_64 = tpu.memref_squeeze %dma_wait3A_63 : memref<1x2000xf32, #tpu.memory_space<hbm>> -> memref<2000xf32, #tpu.memory_space<hbm>>
        tpu.wait_dma2 semaphore(%run_scoped3A_56 : memref<!tpu.dma_semaphore, #tpu.memory_space<semaphore_mem>>) src(%arg9 : memref<2000xf32, #tpu.memory_space<vmem>>) dst(%dma_wait3A_64 : memref<2000xf32, #tpu.memory_space<hbm>>)
        tpu.yield
      }) : () -> ()
      %run_scoped3A_55 = arith.constant 3 : i32
      "tpu.region"() ({
        %run_scoped3A_56 = tpu.sem_alloc : memref<!tpu.dma_semaphore, #tpu.memory_space<semaphore_mem>>
        %dma_start3A_57 = tpu.memref_slice %arg4[%run_scoped3A_55, %add3A_18] : memref<4x8000000xf32, #tpu.memory_space<hbm>> -> memref<1x2000xf32, #tpu.memory_space<hbm>>
        %dma_start3A_58 = tpu.memref_squeeze %dma_start3A_57 : memref<1x2000xf32, #tpu.memory_space<hbm>> -> memref<2000xf32, #tpu.memory_space<hbm>>
        %dma_start3A_59 = tpu.memref_slice %arg4[%run_scoped3A_55, %add3A_18] : memref<4x8000000xf32, #tpu.memory_space<hbm>> -> memref<1x2000xf32, #tpu.memory_space<hbm>>
        %dma_start3A_60 = tpu.memref_squeeze %dma_start3A_59 : memref<1x2000xf32, #tpu.memory_space<hbm>> -> memref<2000xf32, #tpu.memory_space<hbm>>
        tpu.enqueue_dma source(%arg10 : memref<2000xf32, #tpu.memory_space<vmem>>) target(%dma_start3A_60 : memref<2000xf32, #tpu.memory_space<hbm>>) target_semaphore(%run_scoped3A_56 : memref<!tpu.dma_semaphore, #tpu.memory_space<semaphore_mem>>)
        %dma_wait3A_61 = tpu.memref_slice %arg4[%run_scoped3A_55, %add3A_18] : memref<4x8000000xf32, #tpu.memory_space<hbm>> -> memref<1x2000xf32, #tpu.memory_space<hbm>>
        %dma_wait3A_62 = tpu.memref_squeeze %dma_wait3A_61 : memref<1x2000xf32, #tpu.memory_space<hbm>> -> memref<2000xf32, #tpu.memory_space<hbm>>
        %dma_wait3A_63 = tpu.memref_slice %arg4[%run_scoped3A_55, %add3A_18] : memref<4x8000000xf32, #tpu.memory_space<hbm>> -> memref<1x2000xf32, #tpu.memory_space<hbm>>
        %dma_wait3A_64 = tpu.memref_squeeze %dma_wait3A_63 : memref<1x2000xf32, #tpu.memory_space<hbm>> -> memref<2000xf32, #tpu.memory_space<hbm>>
        tpu.wait_dma2 semaphore(%run_scoped3A_56 : memref<!tpu.dma_semaphore, #tpu.memory_space<semaphore_mem>>) src(%arg10 : memref<2000xf32, #tpu.memory_space<vmem>>) dst(%dma_wait3A_64 : memref<2000xf32, #tpu.memory_space<hbm>>)
        tpu.yield
      }) : () -> ()
    }
    %scan3A_12 = arith.constant 125 : i32
    return
  }
}

#map = affine_map<(d0, d1) -> (0)>
module attributes {stable_mosaic.version = 14 : i64} {
  func.func @_scan_kernel(%arg0: i32, %arg1: i32, %arg2: memref<8000000xi32, #tpu.memory_space<hbm>>, %arg3: memref<2400256xi32, #tpu.memory_space<hbm>>, %arg4: memref<75008xi32, #tpu.memory_space<vmem>>, %arg5: memref<20000xi32, #tpu.memory_space<vmem>>) attributes {dimension_semantics = [#tpu.dimension_semantics<core_parallel>, #tpu.dimension_semantics<subcore_parallel>], iteration_bounds = array<i64: 2, 16>, scalar_prefetch = 0 : i64, scratch_operands = 2 : i64, tpu.core_type = #tpu.core_type<sc_vector_subcore>, window_params = [{transform_indices = #map}, {transform_indices = #map}]} {
    %mul3A = arith.constant 75008 : i32
    %mul3A_0 = arith.muli %arg1, %mul3A : i32
    %scan3A = arith.constant 0 : i32
    %scan3A_1 = arith.constant 0 : i32
    %scan3A_2 = arith.constant 4688 : i32
    %scan3A_3 = arith.addi %scan3A_1, %scan3A_2 : i32
    %scan3A_4 = arith.constant 4 : i32
    scf.for %scan3A_16 = %scan3A_1 to %scan3A_3 step %scan3A_4  : i32 {
      %broadcast_in_dim3A = arith.constant -1 : i32
      %broadcast_in_dim3A_17 = vector.broadcast %broadcast_in_dim3A : i32 to vector<16xi32>
      %mul3A_18 = arith.constant 16 : i32
      %mul3A_19 = arith.muli %scan3A_16, %mul3A_18 : i32
      %swap3A = arith.index_cast %mul3A_19 : i32 to index
      %swap3A_20 = tpu.vector_load %arg4[%swap3A] {strides = array<i32>} : memref<75008xi32, #tpu.memory_space<vmem>>, vector<16xi32>,
      tpu.vector_store %arg4[%swap3A], %broadcast_in_dim3A_17 {strides = array<i32>} : memref<75008xi32, #tpu.memory_space<vmem>>, vector<16xi32>,
      %scan3A_21 = arith.constant 1 : i32
      %scan3A_22 = arith.addi %scan3A_16, %scan3A_21 : i32
      %broadcast_in_dim3A_23 = arith.constant -1 : i32
      %broadcast_in_dim3A_24 = vector.broadcast %broadcast_in_dim3A_23 : i32 to vector<16xi32>
      %mul3A_25 = arith.constant 16 : i32
      %mul3A_26 = arith.muli %scan3A_22, %mul3A_25 : i32
      %swap3A_27 = arith.index_cast %mul3A_26 : i32 to index
      %swap3A_28 = tpu.vector_load %arg4[%swap3A_27] {strides = array<i32>} : memref<75008xi32, #tpu.memory_space<vmem>>, vector<16xi32>,
      tpu.vector_store %arg4[%swap3A_27], %broadcast_in_dim3A_24 {strides = array<i32>} : memref<75008xi32, #tpu.memory_space<vmem>>, vector<16xi32>,
      %scan3A_29 = arith.constant 2 : i32
      %scan3A_30 = arith.addi %scan3A_16, %scan3A_29 : i32
      %broadcast_in_dim3A_31 = arith.constant -1 : i32
      %broadcast_in_dim3A_32 = vector.broadcast %broadcast_in_dim3A_31 : i32 to vector<16xi32>
      %mul3A_33 = arith.constant 16 : i32
      %mul3A_34 = arith.muli %scan3A_30, %mul3A_33 : i32
      %swap3A_35 = arith.index_cast %mul3A_34 : i32 to index
      %swap3A_36 = tpu.vector_load %arg4[%swap3A_35] {strides = array<i32>} : memref<75008xi32, #tpu.memory_space<vmem>>, vector<16xi32>,
      tpu.vector_store %arg4[%swap3A_35], %broadcast_in_dim3A_32 {strides = array<i32>} : memref<75008xi32, #tpu.memory_space<vmem>>, vector<16xi32>,
      %scan3A_37 = arith.constant 3 : i32
      %scan3A_38 = arith.addi %scan3A_16, %scan3A_37 : i32
      %broadcast_in_dim3A_39 = arith.constant -1 : i32
      %broadcast_in_dim3A_40 = vector.broadcast %broadcast_in_dim3A_39 : i32 to vector<16xi32>
      %mul3A_41 = arith.constant 16 : i32
      %mul3A_42 = arith.muli %scan3A_38, %mul3A_41 : i32
      %swap3A_43 = arith.index_cast %mul3A_42 : i32 to index
      %swap3A_44 = tpu.vector_load %arg4[%swap3A_43] {strides = array<i32>} : memref<75008xi32, #tpu.memory_space<vmem>>, vector<16xi32>,
      tpu.vector_store %arg4[%swap3A_43], %broadcast_in_dim3A_40 {strides = array<i32>} : memref<75008xi32, #tpu.memory_space<vmem>>, vector<16xi32>,
    }
    %scan3A_5 = arith.constant 4688 : i32
    %iota3A = tpu.iota {dimensions = array<i32: 0>} : vector<16xi32>
    %scan3A_6 = arith.constant 0 : i32
    %scan3A_7 = arith.constant 0 : i32
    %scan3A_8 = arith.constant 200 : i32
    %scan3A_9 = arith.addi %scan3A_7, %scan3A_8 : i32
    %scan3A_10 = arith.constant 1 : i32
    scf.for %scan3A_16 = %scan3A_7 to %scan3A_9 step %scan3A_10  : i32 {
      %mul3A_17 = arith.constant 4000000 : i32
      %mul3A_18 = arith.muli %arg0, %mul3A_17 : i32
      %mul3A_19 = arith.constant 20000 : i32
      %mul3A_20 = arith.muli %scan3A_16, %mul3A_19 : i32
      %add3A_21 = arith.addi %mul3A_18, %mul3A_20 : i32
      "tpu.region"() ({
        %run_scoped3A = tpu.sem_alloc : memref<!tpu.dma_semaphore, #tpu.memory_space<semaphore_mem>>
        %dma_start3A = tpu.memref_slice %arg2[%add3A_21] : memref<8000000xi32, #tpu.memory_space<hbm>> -> memref<20000xi32, #tpu.memory_space<hbm>>
        %dma_start3A_87 = tpu.memref_slice %arg2[%add3A_21] : memref<8000000xi32, #tpu.memory_space<hbm>> -> memref<20000xi32, #tpu.memory_space<hbm>>
        tpu.enqueue_dma source(%dma_start3A_87 : memref<20000xi32, #tpu.memory_space<hbm>>) target(%arg5 : memref<20000xi32, #tpu.memory_space<vmem>>) target_semaphore(%run_scoped3A : memref<!tpu.dma_semaphore, #tpu.memory_space<semaphore_mem>>)
        %dma_wait3A = tpu.memref_slice %arg2[%add3A_21] : memref<8000000xi32, #tpu.memory_space<hbm>> -> memref<20000xi32, #tpu.memory_space<hbm>>
        %dma_wait3A_88 = tpu.memref_slice %arg2[%add3A_21] : memref<8000000xi32, #tpu.memory_space<hbm>> -> memref<20000xi32, #tpu.memory_space<hbm>>
        tpu.wait_dma2 semaphore(%run_scoped3A : memref<!tpu.dma_semaphore, #tpu.memory_space<semaphore_mem>>) src(%dma_wait3A_88 : memref<20000xi32, #tpu.memory_space<hbm>>) dst(%arg5 : memref<20000xi32, #tpu.memory_space<vmem>>)
        tpu.yield
      }) : () -> ()
      %jit3A = arith.constant 1000000 : i32
      %div3A = arith.divsi %add3A_21, %jit3A : i32
      %sign3A = arith.constant 0 : i32
      %sign3A_22 = arith.cmpi sgt, %add3A_21, %sign3A : i32
      %sign3A_23 = arith.extui %sign3A_22 : i1 to i32
      %sign3A_24 = arith.constant 0 : i32
      %sign3A_25 = arith.cmpi slt, %add3A_21, %sign3A_24 : i32
      %sign3A_26 = arith.extui %sign3A_25 : i1 to i32
      %sign3A_27 = arith.subi %sign3A_23, %sign3A_26 : i32
      %sign3A_28 = arith.constant 0 : i32
      %sign3A_29 = arith.cmpi sgt, %jit3A, %sign3A_28 : i32
      %sign3A_30 = arith.extui %sign3A_29 : i1 to i32
      %sign3A_31 = arith.constant 0 : i32
      %sign3A_32 = arith.cmpi slt, %jit3A, %sign3A_31 : i32
      %sign3A_33 = arith.extui %sign3A_32 : i1 to i32
      %sign3A_34 = arith.subi %sign3A_30, %sign3A_33 : i32
      %ne3A = arith.cmpi ne, %sign3A_27, %sign3A_34 : i32
      %rem3A = arith.remsi %add3A_21, %jit3A : i32
      %ne3A_35 = arith.constant 0 : i32
      %ne3A_36 = arith.cmpi ne, %rem3A, %ne3A_35 : i32
      %and3A = arith.andi %ne3A, %ne3A_36 : i1
      %sub3A = arith.constant 1 : i32
      %sub3A_37 = arith.subi %div3A, %sub3A : i32
      %select_n3A = arith.select %and3A, %sub3A_37, %div3A : i32
      %mul3A_38 = arith.constant 1000000 : i32
      %mul3A_39 = arith.muli %select_n3A, %mul3A_38 : i32
      %sub3A_40 = arith.subi %add3A_21, %mul3A_39 : i32
      %add3A_41 = vector.broadcast %sub3A_40 : i32 to vector<16xi32>
      %add3A_42 = arith.addi %add3A_41, %iota3A : vector<16xi32>
      %mul3A_43 = arith.constant 8 : i32
      %mul3A_44 = vector.broadcast %mul3A_43 : i32 to vector<16xi32>
      %mul3A_45 = arith.muli %add3A_42, %mul3A_44 : vector<16xi32>
      %add3A_46 = vector.broadcast %select_n3A : i32 to vector<16xi32>
      %add3A_47 = arith.addi %mul3A_45, %add3A_46 : vector<16xi32>
      %scan3A_48 = arith.constant 0 : i32
      %scan3A_49 = arith.constant 0 : i32
      %scan3A_50 = arith.constant 1248 : i32
      %scan3A_51 = arith.addi %scan3A_49, %scan3A_50 : i32
      %scan3A_52 = arith.constant 16 : i32
      scf.for %scan3A_87 = %scan3A_49 to %scan3A_51 step %scan3A_52  : i32 {
        %mul3A_88 = arith.constant 16 : i32
        %mul3A_89 = arith.muli %scan3A_87, %mul3A_88 : i32
        %get3A_90 = arith.index_cast %mul3A_89 : i32 to index
        %get3A_91 = tpu.vector_load %arg5[%get3A_90] {strides = array<i32>} : memref<20000xi32, #tpu.memory_space<vmem>>, vector<16xi32>,
        %sub3A_92 = vector.broadcast %mul3A_0 : i32 to vector<16xi32>
        %sub3A_93 = arith.subi %get3A_91, %sub3A_92 : vector<16xi32>
        %bitcast3A_94 = vector.bitcast %sub3A_93 : vector<16xi32> to vector<16xi32>
        %lt3A_95 = arith.constant 75008 : i32
        %lt3A_96 = vector.broadcast %lt3A_95 : i32 to vector<16xi32>
        %lt3A_97 = arith.cmpi ult, %bitcast3A_94, %lt3A_96 : vector<16xi32>
        %gather3A_98 = tpu.vector_load_idx %arg4[%sub3A_93] masked %lt3A_97 : memref<75008xi32, #tpu.memory_space<vmem>>[vector<16xi32>], vector<16xi32>, vector<16xi1>
        %mul3A_99 = arith.constant 128 : i32
        %mul3A_100 = arith.muli %scan3A_87, %mul3A_99 : i32
        %add3A_101 = vector.broadcast %mul3A_100 : i32 to vector<16xi32>
        %add3A_102 = arith.addi %add3A_47, %add3A_101 : vector<16xi32>
        %gt3A_103 = arith.cmpi sgt, %add3A_102, %gather3A_98 : vector<16xi32>
        %and3A_104 = arith.andi %lt3A_97, %gt3A_103 : vector<16xi1>
        tpu.vector_store_idx %arg4[%sub3A_93], %add3A_102 masked %and3A_104 : memref<75008xi32, #tpu.memory_space<vmem>>[vector<16xi32>], vector<16xi32>, vector<16xi1>
        %scan3A_105 = arith.constant 1 : i32
        %scan3A_106 = arith.addi %scan3A_87, %scan3A_105 : i32
        %mul3A_107 = arith.constant 16 : i32
        %mul3A_108 = arith.muli %scan3A_106, %mul3A_107 : i32
        %get3A_109 = arith.index_cast %mul3A_108 : i32 to index
        %get3A_110 = tpu.vector_load %arg5[%get3A_109] {strides = array<i32>} : memref<20000xi32, #tpu.memory_space<vmem>>, vector<16xi32>,
        %sub3A_111 = vector.broadcast %mul3A_0 : i32 to vector<16xi32>
        %sub3A_112 = arith.subi %get3A_110, %sub3A_111 : vector<16xi32>
        %bitcast3A_113 = vector.bitcast %sub3A_112 : vector<16xi32> to vector<16xi32>
        %lt3A_114 = arith.constant 75008 : i32
        %lt3A_115 = vector.broadcast %lt3A_114 : i32 to vector<16xi32>
        %lt3A_116 = arith.cmpi ult, %bitcast3A_113, %lt3A_115 : vector<16xi32>
        %gather3A_117 = tpu.vector_load_idx %arg4[%sub3A_112] masked %lt3A_116 : memref<75008xi32, #tpu.memory_space<vmem>>[vector<16xi32>], vector<16xi32>, vector<16xi1>
        %mul3A_118 = arith.constant 128 : i32
        %mul3A_119 = arith.muli %scan3A_106, %mul3A_118 : i32
        %add3A_120 = vector.broadcast %mul3A_119 : i32 to vector<16xi32>
        %add3A_121 = arith.addi %add3A_47, %add3A_120 : vector<16xi32>
        %gt3A_122 = arith.cmpi sgt, %add3A_121, %gather3A_117 : vector<16xi32>
        %and3A_123 = arith.andi %lt3A_116, %gt3A_122 : vector<16xi1>
        tpu.vector_store_idx %arg4[%sub3A_112], %add3A_121 masked %and3A_123 : memref<75008xi32, #tpu.memory_space<vmem>>[vector<16xi32>], vector<16xi32>, vector<16xi1>
        %scan3A_124 = arith.constant 2 : i32
        %scan3A_125 = arith.addi %scan3A_87, %scan3A_124 : i32
        %mul3A_126 = arith.constant 16 : i32
        %mul3A_127 = arith.muli %scan3A_125, %mul3A_126 : i32
        %get3A_128 = arith.index_cast %mul3A_127 : i32 to index
        %get3A_129 = tpu.vector_load %arg5[%get3A_128] {strides = array<i32>} : memref<20000xi32, #tpu.memory_space<vmem>>, vector<16xi32>,
        %sub3A_130 = vector.broadcast %mul3A_0 : i32 to vector<16xi32>
        %sub3A_131 = arith.subi %get3A_129, %sub3A_130 : vector<16xi32>
        %bitcast3A_132 = vector.bitcast %sub3A_131 : vector<16xi32> to vector<16xi32>
        %lt3A_133 = arith.constant 75008 : i32
        %lt3A_134 = vector.broadcast %lt3A_133 : i32 to vector<16xi32>
        %lt3A_135 = arith.cmpi ult, %bitcast3A_132, %lt3A_134 : vector<16xi32>
        %gather3A_136 = tpu.vector_load_idx %arg4[%sub3A_131] masked %lt3A_135 : memref<75008xi32, #tpu.memory_space<vmem>>[vector<16xi32>], vector<16xi32>, vector<16xi1>
        %mul3A_137 = arith.constant 128 : i32
        %mul3A_138 = arith.muli %scan3A_125, %mul3A_137 : i32
        %add3A_139 = vector.broadcast %mul3A_138 : i32 to vector<16xi32>
        %add3A_140 = arith.addi %add3A_47, %add3A_139 : vector<16xi32>
        %gt3A_141 = arith.cmpi sgt, %add3A_140, %gather3A_136 : vector<16xi32>
        %and3A_142 = arith.andi %lt3A_135, %gt3A_141 : vector<16xi1>
        tpu.vector_store_idx %arg4[%sub3A_131], %add3A_140 masked %and3A_142 : memref<75008xi32, #tpu.memory_space<vmem>>[vector<16xi32>], vector<16xi32>, vector<16xi1>
        %scan3A_143 = arith.constant 3 : i32
        %scan3A_144 = arith.addi %scan3A_87, %scan3A_143 : i32
        %mul3A_145 = arith.constant 16 : i32
        %mul3A_146 = arith.muli %scan3A_144, %mul3A_145 : i32
        %get3A_147 = arith.index_cast %mul3A_146 : i32 to index
        %get3A_148 = tpu.vector_load %arg5[%get3A_147] {strides = array<i32>} : memref<20000xi32, #tpu.memory_space<vmem>>, vector<16xi32>,
        %sub3A_149 = vector.broadcast %mul3A_0 : i32 to vector<16xi32>
        %sub3A_150 = arith.subi %get3A_148, %sub3A_149 : vector<16xi32>
        %bitcast3A_151 = vector.bitcast %sub3A_150 : vector<16xi32> to vector<16xi32>
        %lt3A_152 = arith.constant 75008 : i32
        %lt3A_153 = vector.broadcast %lt3A_152 : i32 to vector<16xi32>
        %lt3A_154 = arith.cmpi ult, %bitcast3A_151, %lt3A_153 : vector<16xi32>
        %gather3A_155 = tpu.vector_load_idx %arg4[%sub3A_150] masked %lt3A_154 : memref<75008xi32, #tpu.memory_space<vmem>>[vector<16xi32>], vector<16xi32>, vector<16xi1>
        %mul3A_156 = arith.constant 128 : i32
        %mul3A_157 = arith.muli %scan3A_144, %mul3A_156 : i32
        %add3A_158 = vector.broadcast %mul3A_157 : i32 to vector<16xi32>
        %add3A_159 = arith.addi %add3A_47, %add3A_158 : vector<16xi32>
        %gt3A_160 = arith.cmpi sgt, %add3A_159, %gather3A_155 : vector<16xi32>
        %and3A_161 = arith.andi %lt3A_154, %gt3A_160 : vector<16xi1>
        tpu.vector_store_idx %arg4[%sub3A_150], %add3A_159 masked %and3A_161 : memref<75008xi32, #tpu.memory_space<vmem>>[vector<16xi32>], vector<16xi32>, vector<16xi1>
        %scan3A_162 = arith.constant 4 : i32
        %scan3A_163 = arith.addi %scan3A_87, %scan3A_162 : i32
        %mul3A_164 = arith.constant 16 : i32
        %mul3A_165 = arith.muli %scan3A_163, %mul3A_164 : i32
        %get3A_166 = arith.index_cast %mul3A_165 : i32 to index
        %get3A_167 = tpu.vector_load %arg5[%get3A_166] {strides = array<i32>} : memref<20000xi32, #tpu.memory_space<vmem>>, vector<16xi32>,
        %sub3A_168 = vector.broadcast %mul3A_0 : i32 to vector<16xi32>
        %sub3A_169 = arith.subi %get3A_167, %sub3A_168 : vector<16xi32>
        %bitcast3A_170 = vector.bitcast %sub3A_169 : vector<16xi32> to vector<16xi32>
        %lt3A_171 = arith.constant 75008 : i32
        %lt3A_172 = vector.broadcast %lt3A_171 : i32 to vector<16xi32>
        %lt3A_173 = arith.cmpi ult, %bitcast3A_170, %lt3A_172 : vector<16xi32>
        %gather3A_174 = tpu.vector_load_idx %arg4[%sub3A_169] masked %lt3A_173 : memref<75008xi32, #tpu.memory_space<vmem>>[vector<16xi32>], vector<16xi32>, vector<16xi1>
        %mul3A_175 = arith.constant 128 : i32
        %mul3A_176 = arith.muli %scan3A_163, %mul3A_175 : i32
        %add3A_177 = vector.broadcast %mul3A_176 : i32 to vector<16xi32>
        %add3A_178 = arith.addi %add3A_47, %add3A_177 : vector<16xi32>
        %gt3A_179 = arith.cmpi sgt, %add3A_178, %gather3A_174 : vector<16xi32>
        %and3A_180 = arith.andi %lt3A_173, %gt3A_179 : vector<16xi1>
        tpu.vector_store_idx %arg4[%sub3A_169], %add3A_178 masked %and3A_180 : memref<75008xi32, #tpu.memory_space<vmem>>[vector<16xi32>], vector<16xi32>, vector<16xi1>
        %scan3A_181 = arith.constant 5 : i32
        %scan3A_182 = arith.addi %scan3A_87, %scan3A_181 : i32
        %mul3A_183 = arith.constant 16 : i32
        %mul3A_184 = arith.muli %scan3A_182, %mul3A_183 : i32
        %get3A_185 = arith.index_cast %mul3A_184 : i32 to index
        %get3A_186 = tpu.vector_load %arg5[%get3A_185] {strides = array<i32>} : memref<20000xi32, #tpu.memory_space<vmem>>, vector<16xi32>,
        %sub3A_187 = vector.broadcast %mul3A_0 : i32 to vector<16xi32>
        %sub3A_188 = arith.subi %get3A_186, %sub3A_187 : vector<16xi32>
        %bitcast3A_189 = vector.bitcast %sub3A_188 : vector<16xi32> to vector<16xi32>
        %lt3A_190 = arith.constant 75008 : i32
        %lt3A_191 = vector.broadcast %lt3A_190 : i32 to vector<16xi32>
        %lt3A_192 = arith.cmpi ult, %bitcast3A_189, %lt3A_191 : vector<16xi32>
        %gather3A_193 = tpu.vector_load_idx %arg4[%sub3A_188] masked %lt3A_192 : memref<75008xi32, #tpu.memory_space<vmem>>[vector<16xi32>], vector<16xi32>, vector<16xi1>
        %mul3A_194 = arith.constant 128 : i32
        %mul3A_195 = arith.muli %scan3A_182, %mul3A_194 : i32
        %add3A_196 = vector.broadcast %mul3A_195 : i32 to vector<16xi32>
        %add3A_197 = arith.addi %add3A_47, %add3A_196 : vector<16xi32>
        %gt3A_198 = arith.cmpi sgt, %add3A_197, %gather3A_193 : vector<16xi32>
        %and3A_199 = arith.andi %lt3A_192, %gt3A_198 : vector<16xi1>
        tpu.vector_store_idx %arg4[%sub3A_188], %add3A_197 masked %and3A_199 : memref<75008xi32, #tpu.memory_space<vmem>>[vector<16xi32>], vector<16xi32>, vector<16xi1>
        %scan3A_200 = arith.constant 6 : i32
        %scan3A_201 = arith.addi %scan3A_87, %scan3A_200 : i32
        %mul3A_202 = arith.constant 16 : i32
        %mul3A_203 = arith.muli %scan3A_201, %mul3A_202 : i32
        %get3A_204 = arith.index_cast %mul3A_203 : i32 to index
        %get3A_205 = tpu.vector_load %arg5[%get3A_204] {strides = array<i32>} : memref<20000xi32, #tpu.memory_space<vmem>>, vector<16xi32>,
        %sub3A_206 = vector.broadcast %mul3A_0 : i32 to vector<16xi32>
        %sub3A_207 = arith.subi %get3A_205, %sub3A_206 : vector<16xi32>
        %bitcast3A_208 = vector.bitcast %sub3A_207 : vector<16xi32> to vector<16xi32>
        %lt3A_209 = arith.constant 75008 : i32
        %lt3A_210 = vector.broadcast %lt3A_209 : i32 to vector<16xi32>
        %lt3A_211 = arith.cmpi ult, %bitcast3A_208, %lt3A_210 : vector<16xi32>
        %gather3A_212 = tpu.vector_load_idx %arg4[%sub3A_207] masked %lt3A_211 : memref<75008xi32, #tpu.memory_space<vmem>>[vector<16xi32>], vector<16xi32>, vector<16xi1>
        %mul3A_213 = arith.constant 128 : i32
        %mul3A_214 = arith.muli %scan3A_201, %mul3A_213 : i32
        %add3A_215 = vector.broadcast %mul3A_214 : i32 to vector<16xi32>
        %add3A_216 = arith.addi %add3A_47, %add3A_215 : vector<16xi32>
        %gt3A_217 = arith.cmpi sgt, %add3A_216, %gather3A_212 : vector<16xi32>
        %and3A_218 = arith.andi %lt3A_211, %gt3A_217 : vector<16xi1>
        tpu.vector_store_idx %arg4[%sub3A_207], %add3A_216 masked %and3A_218 : memref<75008xi32, #tpu.memory_space<vmem>>[vector<16xi32>], vector<16xi32>, vector<16xi1>
        %scan3A_219 = arith.constant 7 : i32
        %scan3A_220 = arith.addi %scan3A_87, %scan3A_219 : i32
        %mul3A_221 = arith.constant 16 : i32
        %mul3A_222 = arith.muli %scan3A_220, %mul3A_221 : i32
        %get3A_223 = arith.index_cast %mul3A_222 : i32 to index
        %get3A_224 = tpu.vector_load %arg5[%get3A_223] {strides = array<i32>} : memref<20000xi32, #tpu.memory_space<vmem>>, vector<16xi32>,
        %sub3A_225 = vector.broadcast %mul3A_0 : i32 to vector<16xi32>
        %sub3A_226 = arith.subi %get3A_224, %sub3A_225 : vector<16xi32>
        %bitcast3A_227 = vector.bitcast %sub3A_226 : vector<16xi32> to vector<16xi32>
        %lt3A_228 = arith.constant 75008 : i32
        %lt3A_229 = vector.broadcast %lt3A_228 : i32 to vector<16xi32>
        %lt3A_230 = arith.cmpi ult, %bitcast3A_227, %lt3A_229 : vector<16xi32>
        %gather3A_231 = tpu.vector_load_idx %arg4[%sub3A_226] masked %lt3A_230 : memref<75008xi32, #tpu.memory_space<vmem>>[vector<16xi32>], vector<16xi32>, vector<16xi1>
        %mul3A_232 = arith.constant 128 : i32
        %mul3A_233 = arith.muli %scan3A_220, %mul3A_232 : i32
        %add3A_234 = vector.broadcast %mul3A_233 : i32 to vector<16xi32>
        %add3A_235 = arith.addi %add3A_47, %add3A_234 : vector<16xi32>
        %gt3A_236 = arith.cmpi sgt, %add3A_235, %gather3A_231 : vector<16xi32>
        %and3A_237 = arith.andi %lt3A_230, %gt3A_236 : vector<16xi1>
        tpu.vector_store_idx %arg4[%sub3A_226], %add3A_235 masked %and3A_237 : memref<75008xi32, #tpu.memory_space<vmem>>[vector<16xi32>], vector<16xi32>, vector<16xi1>
        %scan3A_238 = arith.constant 8 : i32
        %scan3A_239 = arith.addi %scan3A_87, %scan3A_238 : i32
        %mul3A_240 = arith.constant 16 : i32
        %mul3A_241 = arith.muli %scan3A_239, %mul3A_240 : i32
        %get3A_242 = arith.index_cast %mul3A_241 : i32 to index
        %get3A_243 = tpu.vector_load %arg5[%get3A_242] {strides = array<i32>} : memref<20000xi32, #tpu.memory_space<vmem>>, vector<16xi32>,
        %sub3A_244 = vector.broadcast %mul3A_0 : i32 to vector<16xi32>
        %sub3A_245 = arith.subi %get3A_243, %sub3A_244 : vector<16xi32>
        %bitcast3A_246 = vector.bitcast %sub3A_245 : vector<16xi32> to vector<16xi32>
        %lt3A_247 = arith.constant 75008 : i32
        %lt3A_248 = vector.broadcast %lt3A_247 : i32 to vector<16xi32>
        %lt3A_249 = arith.cmpi ult, %bitcast3A_246, %lt3A_248 : vector<16xi32>
        %gather3A_250 = tpu.vector_load_idx %arg4[%sub3A_245] masked %lt3A_249 : memref<75008xi32, #tpu.memory_space<vmem>>[vector<16xi32>], vector<16xi32>, vector<16xi1>
        %mul3A_251 = arith.constant 128 : i32
        %mul3A_252 = arith.muli %scan3A_239, %mul3A_251 : i32
        %add3A_253 = vector.broadcast %mul3A_252 : i32 to vector<16xi32>
        %add3A_254 = arith.addi %add3A_47, %add3A_253 : vector<16xi32>
        %gt3A_255 = arith.cmpi sgt, %add3A_254, %gather3A_250 : vector<16xi32>
        %and3A_256 = arith.andi %lt3A_249, %gt3A_255 : vector<16xi1>
        tpu.vector_store_idx %arg4[%sub3A_245], %add3A_254 masked %and3A_256 : memref<75008xi32, #tpu.memory_space<vmem>>[vector<16xi32>], vector<16xi32>, vector<16xi1>
        %scan3A_257 = arith.constant 9 : i32
        %scan3A_258 = arith.addi %scan3A_87, %scan3A_257 : i32
        %mul3A_259 = arith.constant 16 : i32
        %mul3A_260 = arith.muli %scan3A_258, %mul3A_259 : i32
        %get3A_261 = arith.index_cast %mul3A_260 : i32 to index
        %get3A_262 = tpu.vector_load %arg5[%get3A_261] {strides = array<i32>} : memref<20000xi32, #tpu.memory_space<vmem>>, vector<16xi32>,
        %sub3A_263 = vector.broadcast %mul3A_0 : i32 to vector<16xi32>
        %sub3A_264 = arith.subi %get3A_262, %sub3A_263 : vector<16xi32>
        %bitcast3A_265 = vector.bitcast %sub3A_264 : vector<16xi32> to vector<16xi32>
        %lt3A_266 = arith.constant 75008 : i32
        %lt3A_267 = vector.broadcast %lt3A_266 : i32 to vector<16xi32>
        %lt3A_268 = arith.cmpi ult, %bitcast3A_265, %lt3A_267 : vector<16xi32>
        %gather3A_269 = tpu.vector_load_idx %arg4[%sub3A_264] masked %lt3A_268 : memref<75008xi32, #tpu.memory_space<vmem>>[vector<16xi32>], vector<16xi32>, vector<16xi1>
        %mul3A_270 = arith.constant 128 : i32
        %mul3A_271 = arith.muli %scan3A_258, %mul3A_270 : i32
        %add3A_272 = vector.broadcast %mul3A_271 : i32 to vector<16xi32>
        %add3A_273 = arith.addi %add3A_47, %add3A_272 : vector<16xi32>
        %gt3A_274 = arith.cmpi sgt, %add3A_273, %gather3A_269 : vector<16xi32>
        %and3A_275 = arith.andi %lt3A_268, %gt3A_274 : vector<16xi1>
        tpu.vector_store_idx %arg4[%sub3A_264], %add3A_273 masked %and3A_275 : memref<75008xi32, #tpu.memory_space<vmem>>[vector<16xi32>], vector<16xi32>, vector<16xi1>
        %scan3A_276 = arith.constant 10 : i32
        %scan3A_277 = arith.addi %scan3A_87, %scan3A_276 : i32
        %mul3A_278 = arith.constant 16 : i32
        %mul3A_279 = arith.muli %scan3A_277, %mul3A_278 : i32
        %get3A_280 = arith.index_cast %mul3A_279 : i32 to index
        %get3A_281 = tpu.vector_load %arg5[%get3A_280] {strides = array<i32>} : memref<20000xi32, #tpu.memory_space<vmem>>, vector<16xi32>,
        %sub3A_282 = vector.broadcast %mul3A_0 : i32 to vector<16xi32>
        %sub3A_283 = arith.subi %get3A_281, %sub3A_282 : vector<16xi32>
        %bitcast3A_284 = vector.bitcast %sub3A_283 : vector<16xi32> to vector<16xi32>
        %lt3A_285 = arith.constant 75008 : i32
        %lt3A_286 = vector.broadcast %lt3A_285 : i32 to vector<16xi32>
        %lt3A_287 = arith.cmpi ult, %bitcast3A_284, %lt3A_286 : vector<16xi32>
        %gather3A_288 = tpu.vector_load_idx %arg4[%sub3A_283] masked %lt3A_287 : memref<75008xi32, #tpu.memory_space<vmem>>[vector<16xi32>], vector<16xi32>, vector<16xi1>
        %mul3A_289 = arith.constant 128 : i32
        %mul3A_290 = arith.muli %scan3A_277, %mul3A_289 : i32
        %add3A_291 = vector.broadcast %mul3A_290 : i32 to vector<16xi32>
        %add3A_292 = arith.addi %add3A_47, %add3A_291 : vector<16xi32>
        %gt3A_293 = arith.cmpi sgt, %add3A_292, %gather3A_288 : vector<16xi32>
        %and3A_294 = arith.andi %lt3A_287, %gt3A_293 : vector<16xi1>
        tpu.vector_store_idx %arg4[%sub3A_283], %add3A_292 masked %and3A_294 : memref<75008xi32, #tpu.memory_space<vmem>>[vector<16xi32>], vector<16xi32>, vector<16xi1>
        %scan3A_295 = arith.constant 11 : i32
        %scan3A_296 = arith.addi %scan3A_87, %scan3A_295 : i32
        %mul3A_297 = arith.constant 16 : i32
        %mul3A_298 = arith.muli %scan3A_296, %mul3A_297 : i32
        %get3A_299 = arith.index_cast %mul3A_298 : i32 to index
        %get3A_300 = tpu.vector_load %arg5[%get3A_299] {strides = array<i32>} : memref<20000xi32, #tpu.memory_space<vmem>>, vector<16xi32>,
        %sub3A_301 = vector.broadcast %mul3A_0 : i32 to vector<16xi32>
        %sub3A_302 = arith.subi %get3A_300, %sub3A_301 : vector<16xi32>
        %bitcast3A_303 = vector.bitcast %sub3A_302 : vector<16xi32> to vector<16xi32>
        %lt3A_304 = arith.constant 75008 : i32
        %lt3A_305 = vector.broadcast %lt3A_304 : i32 to vector<16xi32>
        %lt3A_306 = arith.cmpi ult, %bitcast3A_303, %lt3A_305 : vector<16xi32>
        %gather3A_307 = tpu.vector_load_idx %arg4[%sub3A_302] masked %lt3A_306 : memref<75008xi32, #tpu.memory_space<vmem>>[vector<16xi32>], vector<16xi32>, vector<16xi1>
        %mul3A_308 = arith.constant 128 : i32
        %mul3A_309 = arith.muli %scan3A_296, %mul3A_308 : i32
        %add3A_310 = vector.broadcast %mul3A_309 : i32 to vector<16xi32>
        %add3A_311 = arith.addi %add3A_47, %add3A_310 : vector<16xi32>
        %gt3A_312 = arith.cmpi sgt, %add3A_311, %gather3A_307 : vector<16xi32>
        %and3A_313 = arith.andi %lt3A_306, %gt3A_312 : vector<16xi1>
        tpu.vector_store_idx %arg4[%sub3A_302], %add3A_311 masked %and3A_313 : memref<75008xi32, #tpu.memory_space<vmem>>[vector<16xi32>], vector<16xi32>, vector<16xi1>
        %scan3A_314 = arith.constant 12 : i32
        %scan3A_315 = arith.addi %scan3A_87, %scan3A_314 : i32
        %mul3A_316 = arith.constant 16 : i32
        %mul3A_317 = arith.muli %scan3A_315, %mul3A_316 : i32
        %get3A_318 = arith.index_cast %mul3A_317 : i32 to index
        %get3A_319 = tpu.vector_load %arg5[%get3A_318] {strides = array<i32>} : memref<20000xi32, #tpu.memory_space<vmem>>, vector<16xi32>,
        %sub3A_320 = vector.broadcast %mul3A_0 : i32 to vector<16xi32>
        %sub3A_321 = arith.subi %get3A_319, %sub3A_320 : vector<16xi32>
        %bitcast3A_322 = vector.bitcast %sub3A_321 : vector<16xi32> to vector<16xi32>
        %lt3A_323 = arith.constant 75008 : i32
        %lt3A_324 = vector.broadcast %lt3A_323 : i32 to vector<16xi32>
        %lt3A_325 = arith.cmpi ult, %bitcast3A_322, %lt3A_324 : vector<16xi32>
        %gather3A_326 = tpu.vector_load_idx %arg4[%sub3A_321] masked %lt3A_325 : memref<75008xi32, #tpu.memory_space<vmem>>[vector<16xi32>], vector<16xi32>, vector<16xi1>
        %mul3A_327 = arith.constant 128 : i32
        %mul3A_328 = arith.muli %scan3A_315, %mul3A_327 : i32
        %add3A_329 = vector.broadcast %mul3A_328 : i32 to vector<16xi32>
        %add3A_330 = arith.addi %add3A_47, %add3A_329 : vector<16xi32>
        %gt3A_331 = arith.cmpi sgt, %add3A_330, %gather3A_326 : vector<16xi32>
        %and3A_332 = arith.andi %lt3A_325, %gt3A_331 : vector<16xi1>
        tpu.vector_store_idx %arg4[%sub3A_321], %add3A_330 masked %and3A_332 : memref<75008xi32, #tpu.memory_space<vmem>>[vector<16xi32>], vector<16xi32>, vector<16xi1>
        %scan3A_333 = arith.constant 13 : i32
        %scan3A_334 = arith.addi %scan3A_87, %scan3A_333 : i32
        %mul3A_335 = arith.constant 16 : i32
        %mul3A_336 = arith.muli %scan3A_334, %mul3A_335 : i32
        %get3A_337 = arith.index_cast %mul3A_336 : i32 to index
        %get3A_338 = tpu.vector_load %arg5[%get3A_337] {strides = array<i32>} : memref<20000xi32, #tpu.memory_space<vmem>>, vector<16xi32>,
        %sub3A_339 = vector.broadcast %mul3A_0 : i32 to vector<16xi32>
        %sub3A_340 = arith.subi %get3A_338, %sub3A_339 : vector<16xi32>
        %bitcast3A_341 = vector.bitcast %sub3A_340 : vector<16xi32> to vector<16xi32>
        %lt3A_342 = arith.constant 75008 : i32
        %lt3A_343 = vector.broadcast %lt3A_342 : i32 to vector<16xi32>
        %lt3A_344 = arith.cmpi ult, %bitcast3A_341, %lt3A_343 : vector<16xi32>
        %gather3A_345 = tpu.vector_load_idx %arg4[%sub3A_340] masked %lt3A_344 : memref<75008xi32, #tpu.memory_space<vmem>>[vector<16xi32>], vector<16xi32>, vector<16xi1>
        %mul3A_346 = arith.constant 128 : i32
        %mul3A_347 = arith.muli %scan3A_334, %mul3A_346 : i32
        %add3A_348 = vector.broadcast %mul3A_347 : i32 to vector<16xi32>
        %add3A_349 = arith.addi %add3A_47, %add3A_348 : vector<16xi32>
        %gt3A_350 = arith.cmpi sgt, %add3A_349, %gather3A_345 : vector<16xi32>
        %and3A_351 = arith.andi %lt3A_344, %gt3A_350 : vector<16xi1>
        tpu.vector_store_idx %arg4[%sub3A_340], %add3A_349 masked %and3A_351 : memref<75008xi32, #tpu.memory_space<vmem>>[vector<16xi32>], vector<16xi32>, vector<16xi1>
        %scan3A_352 = arith.constant 14 : i32
        %scan3A_353 = arith.addi %scan3A_87, %scan3A_352 : i32
        %mul3A_354 = arith.constant 16 : i32
        %mul3A_355 = arith.muli %scan3A_353, %mul3A_354 : i32
        %get3A_356 = arith.index_cast %mul3A_355 : i32 to index
        %get3A_357 = tpu.vector_load %arg5[%get3A_356] {strides = array<i32>} : memref<20000xi32, #tpu.memory_space<vmem>>, vector<16xi32>,
        %sub3A_358 = vector.broadcast %mul3A_0 : i32 to vector<16xi32>
        %sub3A_359 = arith.subi %get3A_357, %sub3A_358 : vector<16xi32>
        %bitcast3A_360 = vector.bitcast %sub3A_359 : vector<16xi32> to vector<16xi32>
        %lt3A_361 = arith.constant 75008 : i32
        %lt3A_362 = vector.broadcast %lt3A_361 : i32 to vector<16xi32>
        %lt3A_363 = arith.cmpi ult, %bitcast3A_360, %lt3A_362 : vector<16xi32>
        %gather3A_364 = tpu.vector_load_idx %arg4[%sub3A_359] masked %lt3A_363 : memref<75008xi32, #tpu.memory_space<vmem>>[vector<16xi32>], vector<16xi32>, vector<16xi1>
        %mul3A_365 = arith.constant 128 : i32
        %mul3A_366 = arith.muli %scan3A_353, %mul3A_365 : i32
        %add3A_367 = vector.broadcast %mul3A_366 : i32 to vector<16xi32>
        %add3A_368 = arith.addi %add3A_47, %add3A_367 : vector<16xi32>
        %gt3A_369 = arith.cmpi sgt, %add3A_368, %gather3A_364 : vector<16xi32>
        %and3A_370 = arith.andi %lt3A_363, %gt3A_369 : vector<16xi1>
        tpu.vector_store_idx %arg4[%sub3A_359], %add3A_368 masked %and3A_370 : memref<75008xi32, #tpu.memory_space<vmem>>[vector<16xi32>], vector<16xi32>, vector<16xi1>
        %scan3A_371 = arith.constant 15 : i32
        %scan3A_372 = arith.addi %scan3A_87, %scan3A_371 : i32
        %mul3A_373 = arith.constant 16 : i32
        %mul3A_374 = arith.muli %scan3A_372, %mul3A_373 : i32
        %get3A_375 = arith.index_cast %mul3A_374 : i32 to index
        %get3A_376 = tpu.vector_load %arg5[%get3A_375] {strides = array<i32>} : memref<20000xi32, #tpu.memory_space<vmem>>, vector<16xi32>,
        %sub3A_377 = vector.broadcast %mul3A_0 : i32 to vector<16xi32>
        %sub3A_378 = arith.subi %get3A_376, %sub3A_377 : vector<16xi32>
        %bitcast3A_379 = vector.bitcast %sub3A_378 : vector<16xi32> to vector<16xi32>
        %lt3A_380 = arith.constant 75008 : i32
        %lt3A_381 = vector.broadcast %lt3A_380 : i32 to vector<16xi32>
        %lt3A_382 = arith.cmpi ult, %bitcast3A_379, %lt3A_381 : vector<16xi32>
        %gather3A_383 = tpu.vector_load_idx %arg4[%sub3A_378] masked %lt3A_382 : memref<75008xi32, #tpu.memory_space<vmem>>[vector<16xi32>], vector<16xi32>, vector<16xi1>
        %mul3A_384 = arith.constant 128 : i32
        %mul3A_385 = arith.muli %scan3A_372, %mul3A_384 : i32
        %add3A_386 = vector.broadcast %mul3A_385 : i32 to vector<16xi32>
        %add3A_387 = arith.addi %add3A_47, %add3A_386 : vector<16xi32>
        %gt3A_388 = arith.cmpi sgt, %add3A_387, %gather3A_383 : vector<16xi32>
        %and3A_389 = arith.andi %lt3A_382, %gt3A_388 : vector<16xi1>
        tpu.vector_store_idx %arg4[%sub3A_378], %add3A_387 masked %and3A_389 : memref<75008xi32, #tpu.memory_space<vmem>>[vector<16xi32>], vector<16xi32>, vector<16xi1>
      }
      %scan3A_53 = arith.constant 1248 : i32
      %scan3A_54 = arith.addi %scan3A_49, %scan3A_53 : i32
      %mul3A_55 = arith.constant 16 : i32
      %mul3A_56 = arith.muli %scan3A_54, %mul3A_55 : i32
      %get3A = arith.index_cast %mul3A_56 : i32 to index
      %get3A_57 = tpu.vector_load %arg5[%get3A] {strides = array<i32>} : memref<20000xi32, #tpu.memory_space<vmem>>, vector<16xi32>,
      %sub3A_58 = vector.broadcast %mul3A_0 : i32 to vector<16xi32>
      %sub3A_59 = arith.subi %get3A_57, %sub3A_58 : vector<16xi32>
      %bitcast3A = vector.bitcast %sub3A_59 : vector<16xi32> to vector<16xi32>
      %lt3A = arith.constant 75008 : i32
      %lt3A_60 = vector.broadcast %lt3A : i32 to vector<16xi32>
      %lt3A_61 = arith.cmpi ult, %bitcast3A, %lt3A_60 : vector<16xi32>
      %gather3A = tpu.vector_load_idx %arg4[%sub3A_59] masked %lt3A_61 : memref<75008xi32, #tpu.memory_space<vmem>>[vector<16xi32>], vector<16xi32>, vector<16xi1>
      %mul3A_62 = arith.constant 128 : i32
      %mul3A_63 = arith.muli %scan3A_54, %mul3A_62 : i32
      %add3A_64 = vector.broadcast %mul3A_63 : i32 to vector<16xi32>
      %add3A_65 = arith.addi %add3A_47, %add3A_64 : vector<16xi32>
      %gt3A = arith.cmpi sgt, %add3A_65, %gather3A : vector<16xi32>
      %and3A_66 = arith.andi %lt3A_61, %gt3A : vector<16xi1>
      tpu.vector_store_idx %arg4[%sub3A_59], %add3A_65 masked %and3A_66 : memref<75008xi32, #tpu.memory_space<vmem>>[vector<16xi32>], vector<16xi32>, vector<16xi1>
      %scan3A_67 = arith.constant 1249 : i32
      %scan3A_68 = arith.addi %scan3A_49, %scan3A_67 : i32
      %mul3A_69 = arith.constant 16 : i32
      %mul3A_70 = arith.muli %scan3A_68, %mul3A_69 : i32
      %get3A_71 = arith.index_cast %mul3A_70 : i32 to index
      %get3A_72 = tpu.vector_load %arg5[%get3A_71] {strides = array<i32>} : memref<20000xi32, #tpu.memory_space<vmem>>, vector<16xi32>,
      %sub3A_73 = vector.broadcast %mul3A_0 : i32 to vector<16xi32>
      %sub3A_74 = arith.subi %get3A_72, %sub3A_73 : vector<16xi32>
      %bitcast3A_75 = vector.bitcast %sub3A_74 : vector<16xi32> to vector<16xi32>
      %lt3A_76 = arith.constant 75008 : i32
      %lt3A_77 = vector.broadcast %lt3A_76 : i32 to vector<16xi32>
      %lt3A_78 = arith.cmpi ult, %bitcast3A_75, %lt3A_77 : vector<16xi32>
      %gather3A_79 = tpu.vector_load_idx %arg4[%sub3A_74] masked %lt3A_78 : memref<75008xi32, #tpu.memory_space<vmem>>[vector<16xi32>], vector<16xi32>, vector<16xi1>
      %mul3A_80 = arith.constant 128 : i32
      %mul3A_81 = arith.muli %scan3A_68, %mul3A_80 : i32
      %add3A_82 = vector.broadcast %mul3A_81 : i32 to vector<16xi32>
      %add3A_83 = arith.addi %add3A_47, %add3A_82 : vector<16xi32>
      %gt3A_84 = arith.cmpi sgt, %add3A_83, %gather3A_79 : vector<16xi32>
      %and3A_85 = arith.andi %lt3A_78, %gt3A_84 : vector<16xi1>
      tpu.vector_store_idx %arg4[%sub3A_74], %add3A_83 masked %and3A_85 : memref<75008xi32, #tpu.memory_space<vmem>>[vector<16xi32>], vector<16xi32>, vector<16xi1>
      %scan3A_86 = arith.constant 1250 : i32
    }
    %scan3A_11 = arith.constant 200 : i32
    %mul3A_12 = arith.constant 16 : i32
    %mul3A_13 = arith.muli %arg0, %mul3A_12 : i32
    %add3A = arith.addi %mul3A_13, %arg1 : i32
    %mul3A_14 = arith.constant 75008 : i32
    %mul3A_15 = arith.muli %add3A, %mul3A_14 : i32
    "tpu.region"() ({
      %run_scoped3A = tpu.sem_alloc : memref<!tpu.dma_semaphore, #tpu.memory_space<semaphore_mem>>
      %dma_start3A = tpu.memref_slice %arg3[%mul3A_15] : memref<2400256xi32, #tpu.memory_space<hbm>> -> memref<75008xi32, #tpu.memory_space<hbm>>
      %dma_start3A_16 = tpu.memref_slice %arg3[%mul3A_15] : memref<2400256xi32, #tpu.memory_space<hbm>> -> memref<75008xi32, #tpu.memory_space<hbm>>
      tpu.enqueue_dma source(%arg4 : memref<75008xi32, #tpu.memory_space<vmem>>) target(%dma_start3A_16 : memref<75008xi32, #tpu.memory_space<hbm>>) target_semaphore(%run_scoped3A : memref<!tpu.dma_semaphore, #tpu.memory_space<semaphore_mem>>)
      %dma_wait3A = tpu.memref_slice %arg3[%mul3A_15] : memref<2400256xi32, #tpu.memory_space<hbm>> -> memref<75008xi32, #tpu.memory_space<hbm>>
      %dma_wait3A_17 = tpu.memref_slice %arg3[%mul3A_15] : memref<2400256xi32, #tpu.memory_space<hbm>> -> memref<75008xi32, #tpu.memory_space<hbm>>
      tpu.wait_dma2 semaphore(%run_scoped3A : memref<!tpu.dma_semaphore, #tpu.memory_space<semaphore_mem>>) src(%arg4 : memref<75008xi32, #tpu.memory_space<vmem>>) dst(%dma_wait3A_17 : memref<75008xi32, #tpu.memory_space<hbm>>)
      tpu.yield
    }) : () -> ()
    return
  }
}

module attributes {stable_mosaic.version = 14 : i64} {
  func.func @_dense_kernel(%arg0: i32, %arg1: memref<32x2048xf32, #tpu.memory_space<vmem>>, %arg2: memref<12x2048xf32, #tpu.memory_space<vmem>>, %arg3: memref<8x2048xf32, #tpu.memory_space<vmem>>, %arg4: memref<1x2048xf32, #tpu.memory_space<vmem>>, %arg5: memref<8x128xf32, #tpu.memory_space<vmem>>, %arg6: memref<3x2048xf32, #tpu.memory_space<vmem>>) attributes {dimension_semantics = [#tpu.dimension_semantics<arbitrary>], iteration_bounds = array<i64: 489>, scalar_prefetch = 0 : i64, scratch_operands = 0 : i64, tpu.core_type = #tpu.core_type<tc>, window_params = [{transform_indices = @transform_0, window_bounds = array<i64: 32, 2048>}, {transform_indices = @transform_1, window_bounds = array<i64: 12, 2048>}, {transform_indices = @transform_2, window_bounds = array<i64: 8, 2048>}, {transform_indices = @transform_3, window_bounds = array<i64: 1, 2048>}, {pipeline_mode = #tpu.pipeline_mode<synchronous>, transform_indices = @transform_4, window_bounds = array<i64: 8, 128>}, {transform_indices = @transform_5, window_bounds = array<i64: 3, 2048>}]} {
    %get3A = arith.constant 0 : index
    %get3A_0 = arith.constant 0 : index
    %get3A_1 = vector.load %arg5[%get3A, %get3A_0] : memref<8x128xf32, #tpu.memory_space<vmem>>, vector<1x1xf32>
    %get3A_2 = vector.extract %get3A_1[0, 0] : f32 from vector<1x1xf32>
    %get3A_3 = arith.constant 24 : index
    %get3A_4 = arith.constant 0 : index
    %get3A_5 = vector.load %arg1[%get3A_3, %get3A_4] : memref<32x2048xf32, #tpu.memory_space<vmem>>, vector<1x2048xf32>
    %get3A_6 = vector.shape_cast %get3A_5 : vector<1x2048xf32> to vector<2048xf32>
    %get3A_7 = arith.constant 25 : index
    %get3A_8 = arith.constant 0 : index
    %get3A_9 = vector.load %arg1[%get3A_7, %get3A_8] : memref<32x2048xf32, #tpu.memory_space<vmem>>, vector<1x2048xf32>
    %get3A_10 = vector.shape_cast %get3A_9 : vector<1x2048xf32> to vector<2048xf32>
    %get3A_11 = arith.constant 26 : index
    %get3A_12 = arith.constant 0 : index
    %get3A_13 = vector.load %arg1[%get3A_11, %get3A_12] : memref<32x2048xf32, #tpu.memory_space<vmem>>, vector<1x2048xf32>
    %get3A_14 = vector.shape_cast %get3A_13 : vector<1x2048xf32> to vector<2048xf32>
    %get3A_15 = arith.constant 27 : index
    %get3A_16 = arith.constant 0 : index
    %get3A_17 = vector.load %arg1[%get3A_15, %get3A_16] : memref<32x2048xf32, #tpu.memory_space<vmem>>, vector<1x2048xf32>
    %get3A_18 = vector.shape_cast %get3A_17 : vector<1x2048xf32> to vector<2048xf32>
    %get3A_19 = arith.constant 28 : index
    %get3A_20 = arith.constant 0 : index
    %get3A_21 = vector.load %arg1[%get3A_19, %get3A_20] : memref<32x2048xf32, #tpu.memory_space<vmem>>, vector<1x2048xf32>
    %get3A_22 = vector.shape_cast %get3A_21 : vector<1x2048xf32> to vector<2048xf32>
    %get3A_23 = arith.constant 29 : index
    %get3A_24 = arith.constant 0 : index
    %get3A_25 = vector.load %arg1[%get3A_23, %get3A_24] : memref<32x2048xf32, #tpu.memory_space<vmem>>, vector<1x2048xf32>
    %get3A_26 = vector.shape_cast %get3A_25 : vector<1x2048xf32> to vector<2048xf32>
    %get3A_27 = arith.constant 30 : index
    %get3A_28 = arith.constant 0 : index
    %get3A_29 = vector.load %arg1[%get3A_27, %get3A_28] : memref<32x2048xf32, #tpu.memory_space<vmem>>, vector<1x2048xf32>
    %get3A_30 = vector.shape_cast %get3A_29 : vector<1x2048xf32> to vector<2048xf32>
    %get3A_31 = arith.constant 31 : index
    %get3A_32 = arith.constant 0 : index
    %get3A_33 = vector.load %arg1[%get3A_31, %get3A_32] : memref<32x2048xf32, #tpu.memory_space<vmem>>, vector<1x2048xf32>
    %get3A_34 = vector.shape_cast %get3A_33 : vector<1x2048xf32> to vector<2048xf32>
    %get3A_35 = arith.constant 0 : index
    %get3A_36 = arith.constant 0 : index
    %get3A_37 = vector.load %arg1[%get3A_35, %get3A_36] : memref<32x2048xf32, #tpu.memory_space<vmem>>, vector<1x2048xf32>
    %get3A_38 = vector.shape_cast %get3A_37 : vector<1x2048xf32> to vector<2048xf32>
    %add3A = arith.constant 5.000000e-01 : f32
    %add3A_39 = vector.broadcast %add3A : f32 to vector<2048xf32>
    %add3A_40 = arith.addf %get3A_38, %add3A_39 : vector<2048xf32>
    %mul3A = vector.broadcast %get3A_2 : f32 to vector<2048xf32>
    %mul3A_41 = arith.mulf %add3A_40, %mul3A : vector<2048xf32>
    %sub3A = arith.constant 1.000000e+00 : f32
    %sub3A_42 = vector.broadcast %sub3A : f32 to vector<2048xf32>
    %sub3A_43 = arith.subf %mul3A_41, %sub3A_42 : vector<2048xf32>
    %get3A_44 = arith.constant 1 : index
    %get3A_45 = arith.constant 0 : index
    %get3A_46 = vector.load %arg1[%get3A_44, %get3A_45] : memref<32x2048xf32, #tpu.memory_space<vmem>>, vector<1x2048xf32>
    %get3A_47 = vector.shape_cast %get3A_46 : vector<1x2048xf32> to vector<2048xf32>
    %add3A_48 = arith.constant 5.000000e-01 : f32
    %add3A_49 = vector.broadcast %add3A_48 : f32 to vector<2048xf32>
    %add3A_50 = arith.addf %get3A_47, %add3A_49 : vector<2048xf32>
    %mul3A_51 = vector.broadcast %get3A_2 : f32 to vector<2048xf32>
    %mul3A_52 = arith.mulf %add3A_50, %mul3A_51 : vector<2048xf32>
    %sub3A_53 = arith.constant 1.000000e+00 : f32
    %sub3A_54 = vector.broadcast %sub3A_53 : f32 to vector<2048xf32>
    %sub3A_55 = arith.subf %mul3A_52, %sub3A_54 : vector<2048xf32>
    %get3A_56 = arith.constant 2 : index
    %get3A_57 = arith.constant 0 : index
    %get3A_58 = vector.load %arg1[%get3A_56, %get3A_57] : memref<32x2048xf32, #tpu.memory_space<vmem>>, vector<1x2048xf32>
    %get3A_59 = vector.shape_cast %get3A_58 : vector<1x2048xf32> to vector<2048xf32>
    %add3A_60 = arith.constant 5.000000e-01 : f32
    %add3A_61 = vector.broadcast %add3A_60 : f32 to vector<2048xf32>
    %add3A_62 = arith.addf %get3A_59, %add3A_61 : vector<2048xf32>
    %mul3A_63 = vector.broadcast %get3A_2 : f32 to vector<2048xf32>
    %mul3A_64 = arith.mulf %add3A_62, %mul3A_63 : vector<2048xf32>
    %sub3A_65 = arith.constant 1.000000e+00 : f32
    %sub3A_66 = vector.broadcast %sub3A_65 : f32 to vector<2048xf32>
    %sub3A_67 = arith.subf %mul3A_64, %sub3A_66 : vector<2048xf32>
    %get3A_68 = arith.constant 3 : index
    %get3A_69 = arith.constant 0 : index
    %get3A_70 = vector.load %arg1[%get3A_68, %get3A_69] : memref<32x2048xf32, #tpu.memory_space<vmem>>, vector<1x2048xf32>
    %get3A_71 = vector.shape_cast %get3A_70 : vector<1x2048xf32> to vector<2048xf32>
    %add3A_72 = arith.constant 5.000000e-01 : f32
    %add3A_73 = vector.broadcast %add3A_72 : f32 to vector<2048xf32>
    %add3A_74 = arith.addf %get3A_71, %add3A_73 : vector<2048xf32>
    %mul3A_75 = vector.broadcast %get3A_2 : f32 to vector<2048xf32>
    %mul3A_76 = arith.mulf %add3A_74, %mul3A_75 : vector<2048xf32>
    %sub3A_77 = arith.constant 1.000000e+00 : f32
    %sub3A_78 = vector.broadcast %sub3A_77 : f32 to vector<2048xf32>
    %sub3A_79 = arith.subf %mul3A_76, %sub3A_78 : vector<2048xf32>
    %get3A_80 = arith.constant 4 : index
    %get3A_81 = arith.constant 0 : index
    %get3A_82 = vector.load %arg1[%get3A_80, %get3A_81] : memref<32x2048xf32, #tpu.memory_space<vmem>>, vector<1x2048xf32>
    %get3A_83 = vector.shape_cast %get3A_82 : vector<1x2048xf32> to vector<2048xf32>
    %add3A_84 = arith.constant 5.000000e-01 : f32
    %add3A_85 = vector.broadcast %add3A_84 : f32 to vector<2048xf32>
    %add3A_86 = arith.addf %get3A_83, %add3A_85 : vector<2048xf32>
    %mul3A_87 = vector.broadcast %get3A_2 : f32 to vector<2048xf32>
    %mul3A_88 = arith.mulf %add3A_86, %mul3A_87 : vector<2048xf32>
    %sub3A_89 = arith.constant 1.000000e+00 : f32
    %sub3A_90 = vector.broadcast %sub3A_89 : f32 to vector<2048xf32>
    %sub3A_91 = arith.subf %mul3A_88, %sub3A_90 : vector<2048xf32>
    %get3A_92 = arith.constant 5 : index
    %get3A_93 = arith.constant 0 : index
    %get3A_94 = vector.load %arg1[%get3A_92, %get3A_93] : memref<32x2048xf32, #tpu.memory_space<vmem>>, vector<1x2048xf32>
    %get3A_95 = vector.shape_cast %get3A_94 : vector<1x2048xf32> to vector<2048xf32>
    %add3A_96 = arith.constant 5.000000e-01 : f32
    %add3A_97 = vector.broadcast %add3A_96 : f32 to vector<2048xf32>
    %add3A_98 = arith.addf %get3A_95, %add3A_97 : vector<2048xf32>
    %mul3A_99 = vector.broadcast %get3A_2 : f32 to vector<2048xf32>
    %mul3A_100 = arith.mulf %add3A_98, %mul3A_99 : vector<2048xf32>
    %sub3A_101 = arith.constant 1.000000e+00 : f32
    %sub3A_102 = vector.broadcast %sub3A_101 : f32 to vector<2048xf32>
    %sub3A_103 = arith.subf %mul3A_100, %sub3A_102 : vector<2048xf32>
    %get3A_104 = arith.constant 6 : index
    %get3A_105 = arith.constant 0 : index
    %get3A_106 = vector.load %arg1[%get3A_104, %get3A_105] : memref<32x2048xf32, #tpu.memory_space<vmem>>, vector<1x2048xf32>
    %get3A_107 = vector.shape_cast %get3A_106 : vector<1x2048xf32> to vector<2048xf32>
    %add3A_108 = arith.constant 5.000000e-01 : f32
    %add3A_109 = vector.broadcast %add3A_108 : f32 to vector<2048xf32>
    %add3A_110 = arith.addf %get3A_107, %add3A_109 : vector<2048xf32>
    %mul3A_111 = vector.broadcast %get3A_2 : f32 to vector<2048xf32>
    %mul3A_112 = arith.mulf %add3A_110, %mul3A_111 : vector<2048xf32>
    %sub3A_113 = arith.constant 1.000000e+00 : f32
    %sub3A_114 = vector.broadcast %sub3A_113 : f32 to vector<2048xf32>
    %sub3A_115 = arith.subf %mul3A_112, %sub3A_114 : vector<2048xf32>
    %get3A_116 = arith.constant 7 : index
    %get3A_117 = arith.constant 0 : index
    %get3A_118 = vector.load %arg1[%get3A_116, %get3A_117] : memref<32x2048xf32, #tpu.memory_space<vmem>>, vector<1x2048xf32>
    %get3A_119 = vector.shape_cast %get3A_118 : vector<1x2048xf32> to vector<2048xf32>
    %add3A_120 = arith.constant 5.000000e-01 : f32
    %add3A_121 = vector.broadcast %add3A_120 : f32 to vector<2048xf32>
    %add3A_122 = arith.addf %get3A_119, %add3A_121 : vector<2048xf32>
    %mul3A_123 = vector.broadcast %get3A_2 : f32 to vector<2048xf32>
    %mul3A_124 = arith.mulf %add3A_122, %mul3A_123 : vector<2048xf32>
    %sub3A_125 = arith.constant 1.000000e+00 : f32
    %sub3A_126 = vector.broadcast %sub3A_125 : f32 to vector<2048xf32>
    %sub3A_127 = arith.subf %mul3A_124, %sub3A_126 : vector<2048xf32>
    %get3A_128 = arith.constant 8 : index
    %get3A_129 = arith.constant 0 : index
    %get3A_130 = vector.load %arg1[%get3A_128, %get3A_129] : memref<32x2048xf32, #tpu.memory_space<vmem>>, vector<1x2048xf32>
    %get3A_131 = vector.shape_cast %get3A_130 : vector<1x2048xf32> to vector<2048xf32>
    %add3A_132 = arith.constant 5.000000e-01 : f32
    %add3A_133 = vector.broadcast %add3A_132 : f32 to vector<2048xf32>
    %add3A_134 = arith.addf %get3A_131, %add3A_133 : vector<2048xf32>
    %mul3A_135 = vector.broadcast %get3A_2 : f32 to vector<2048xf32>
    %mul3A_136 = arith.mulf %add3A_134, %mul3A_135 : vector<2048xf32>
    %sub3A_137 = arith.constant 1.000000e+00 : f32
    %sub3A_138 = vector.broadcast %sub3A_137 : f32 to vector<2048xf32>
    %sub3A_139 = arith.subf %mul3A_136, %sub3A_138 : vector<2048xf32>
    %get3A_140 = arith.constant 9 : index
    %get3A_141 = arith.constant 0 : index
    %get3A_142 = vector.load %arg1[%get3A_140, %get3A_141] : memref<32x2048xf32, #tpu.memory_space<vmem>>, vector<1x2048xf32>
    %get3A_143 = vector.shape_cast %get3A_142 : vector<1x2048xf32> to vector<2048xf32>
    %add3A_144 = arith.constant 5.000000e-01 : f32
    %add3A_145 = vector.broadcast %add3A_144 : f32 to vector<2048xf32>
    %add3A_146 = arith.addf %get3A_143, %add3A_145 : vector<2048xf32>
    %mul3A_147 = vector.broadcast %get3A_2 : f32 to vector<2048xf32>
    %mul3A_148 = arith.mulf %add3A_146, %mul3A_147 : vector<2048xf32>
    %sub3A_149 = arith.constant 1.000000e+00 : f32
    %sub3A_150 = vector.broadcast %sub3A_149 : f32 to vector<2048xf32>
    %sub3A_151 = arith.subf %mul3A_148, %sub3A_150 : vector<2048xf32>
    %get3A_152 = arith.constant 10 : index
    %get3A_153 = arith.constant 0 : index
    %get3A_154 = vector.load %arg1[%get3A_152, %get3A_153] : memref<32x2048xf32, #tpu.memory_space<vmem>>, vector<1x2048xf32>
    %get3A_155 = vector.shape_cast %get3A_154 : vector<1x2048xf32> to vector<2048xf32>
    %add3A_156 = arith.constant 5.000000e-01 : f32
    %add3A_157 = vector.broadcast %add3A_156 : f32 to vector<2048xf32>
    %add3A_158 = arith.addf %get3A_155, %add3A_157 : vector<2048xf32>
    %mul3A_159 = vector.broadcast %get3A_2 : f32 to vector<2048xf32>
    %mul3A_160 = arith.mulf %add3A_158, %mul3A_159 : vector<2048xf32>
    %sub3A_161 = arith.constant 1.000000e+00 : f32
    %sub3A_162 = vector.broadcast %sub3A_161 : f32 to vector<2048xf32>
    %sub3A_163 = arith.subf %mul3A_160, %sub3A_162 : vector<2048xf32>
    %get3A_164 = arith.constant 11 : index
    %get3A_165 = arith.constant 0 : index
    %get3A_166 = vector.load %arg1[%get3A_164, %get3A_165] : memref<32x2048xf32, #tpu.memory_space<vmem>>, vector<1x2048xf32>
    %get3A_167 = vector.shape_cast %get3A_166 : vector<1x2048xf32> to vector<2048xf32>
    %add3A_168 = arith.constant 5.000000e-01 : f32
    %add3A_169 = vector.broadcast %add3A_168 : f32 to vector<2048xf32>
    %add3A_170 = arith.addf %get3A_167, %add3A_169 : vector<2048xf32>
    %mul3A_171 = vector.broadcast %get3A_2 : f32 to vector<2048xf32>
    %mul3A_172 = arith.mulf %add3A_170, %mul3A_171 : vector<2048xf32>
    %sub3A_173 = arith.constant 1.000000e+00 : f32
    %sub3A_174 = vector.broadcast %sub3A_173 : f32 to vector<2048xf32>
    %sub3A_175 = arith.subf %mul3A_172, %sub3A_174 : vector<2048xf32>
    %get3A_176 = arith.constant 12 : index
    %get3A_177 = arith.constant 0 : index
    %get3A_178 = vector.load %arg1[%get3A_176, %get3A_177] : memref<32x2048xf32, #tpu.memory_space<vmem>>, vector<1x2048xf32>
    %get3A_179 = vector.shape_cast %get3A_178 : vector<1x2048xf32> to vector<2048xf32>
    %add3A_180 = arith.constant 5.000000e-01 : f32
    %add3A_181 = vector.broadcast %add3A_180 : f32 to vector<2048xf32>
    %add3A_182 = arith.addf %get3A_179, %add3A_181 : vector<2048xf32>
    %mul3A_183 = vector.broadcast %get3A_2 : f32 to vector<2048xf32>
    %mul3A_184 = arith.mulf %add3A_182, %mul3A_183 : vector<2048xf32>
    %sub3A_185 = arith.constant 1.000000e+00 : f32
    %sub3A_186 = vector.broadcast %sub3A_185 : f32 to vector<2048xf32>
    %sub3A_187 = arith.subf %mul3A_184, %sub3A_186 : vector<2048xf32>
    %get3A_188 = arith.constant 13 : index
    %get3A_189 = arith.constant 0 : index
    %get3A_190 = vector.load %arg1[%get3A_188, %get3A_189] : memref<32x2048xf32, #tpu.memory_space<vmem>>, vector<1x2048xf32>
    %get3A_191 = vector.shape_cast %get3A_190 : vector<1x2048xf32> to vector<2048xf32>
    %add3A_192 = arith.constant 5.000000e-01 : f32
    %add3A_193 = vector.broadcast %add3A_192 : f32 to vector<2048xf32>
    %add3A_194 = arith.addf %get3A_191, %add3A_193 : vector<2048xf32>
    %mul3A_195 = vector.broadcast %get3A_2 : f32 to vector<2048xf32>
    %mul3A_196 = arith.mulf %add3A_194, %mul3A_195 : vector<2048xf32>
    %sub3A_197 = arith.constant 1.000000e+00 : f32
    %sub3A_198 = vector.broadcast %sub3A_197 : f32 to vector<2048xf32>
    %sub3A_199 = arith.subf %mul3A_196, %sub3A_198 : vector<2048xf32>
    %get3A_200 = arith.constant 14 : index
    %get3A_201 = arith.constant 0 : index
    %get3A_202 = vector.load %arg1[%get3A_200, %get3A_201] : memref<32x2048xf32, #tpu.memory_space<vmem>>, vector<1x2048xf32>
    %get3A_203 = vector.shape_cast %get3A_202 : vector<1x2048xf32> to vector<2048xf32>
    %add3A_204 = arith.constant 5.000000e-01 : f32
    %add3A_205 = vector.broadcast %add3A_204 : f32 to vector<2048xf32>
    %add3A_206 = arith.addf %get3A_203, %add3A_205 : vector<2048xf32>
    %mul3A_207 = vector.broadcast %get3A_2 : f32 to vector<2048xf32>
    %mul3A_208 = arith.mulf %add3A_206, %mul3A_207 : vector<2048xf32>
    %sub3A_209 = arith.constant 1.000000e+00 : f32
    %sub3A_210 = vector.broadcast %sub3A_209 : f32 to vector<2048xf32>
    %sub3A_211 = arith.subf %mul3A_208, %sub3A_210 : vector<2048xf32>
    %get3A_212 = arith.constant 15 : index
    %get3A_213 = arith.constant 0 : index
    %get3A_214 = vector.load %arg1[%get3A_212, %get3A_213] : memref<32x2048xf32, #tpu.memory_space<vmem>>, vector<1x2048xf32>
    %get3A_215 = vector.shape_cast %get3A_214 : vector<1x2048xf32> to vector<2048xf32>
    %add3A_216 = arith.constant 5.000000e-01 : f32
    %add3A_217 = vector.broadcast %add3A_216 : f32 to vector<2048xf32>
    %add3A_218 = arith.addf %get3A_215, %add3A_217 : vector<2048xf32>
    %mul3A_219 = vector.broadcast %get3A_2 : f32 to vector<2048xf32>
    %mul3A_220 = arith.mulf %add3A_218, %mul3A_219 : vector<2048xf32>
    %sub3A_221 = arith.constant 1.000000e+00 : f32
    %sub3A_222 = vector.broadcast %sub3A_221 : f32 to vector<2048xf32>
    %sub3A_223 = arith.subf %mul3A_220, %sub3A_222 : vector<2048xf32>
    %get3A_224 = arith.constant 16 : index
    %get3A_225 = arith.constant 0 : index
    %get3A_226 = vector.load %arg1[%get3A_224, %get3A_225] : memref<32x2048xf32, #tpu.memory_space<vmem>>, vector<1x2048xf32>
    %get3A_227 = vector.shape_cast %get3A_226 : vector<1x2048xf32> to vector<2048xf32>
    %add3A_228 = arith.constant 5.000000e-01 : f32
    %add3A_229 = vector.broadcast %add3A_228 : f32 to vector<2048xf32>
    %add3A_230 = arith.addf %get3A_227, %add3A_229 : vector<2048xf32>
    %mul3A_231 = vector.broadcast %get3A_2 : f32 to vector<2048xf32>
    %mul3A_232 = arith.mulf %add3A_230, %mul3A_231 : vector<2048xf32>
    %sub3A_233 = arith.constant 1.000000e+00 : f32
    %sub3A_234 = vector.broadcast %sub3A_233 : f32 to vector<2048xf32>
    %sub3A_235 = arith.subf %mul3A_232, %sub3A_234 : vector<2048xf32>
    %get3A_236 = arith.constant 17 : index
    %get3A_237 = arith.constant 0 : index
    %get3A_238 = vector.load %arg1[%get3A_236, %get3A_237] : memref<32x2048xf32, #tpu.memory_space<vmem>>, vector<1x2048xf32>
    %get3A_239 = vector.shape_cast %get3A_238 : vector<1x2048xf32> to vector<2048xf32>
    %add3A_240 = arith.constant 5.000000e-01 : f32
    %add3A_241 = vector.broadcast %add3A_240 : f32 to vector<2048xf32>
    %add3A_242 = arith.addf %get3A_239, %add3A_241 : vector<2048xf32>
    %mul3A_243 = vector.broadcast %get3A_2 : f32 to vector<2048xf32>
    %mul3A_244 = arith.mulf %add3A_242, %mul3A_243 : vector<2048xf32>
    %sub3A_245 = arith.constant 1.000000e+00 : f32
    %sub3A_246 = vector.broadcast %sub3A_245 : f32 to vector<2048xf32>
    %sub3A_247 = arith.subf %mul3A_244, %sub3A_246 : vector<2048xf32>
    %get3A_248 = arith.constant 18 : index
    %get3A_249 = arith.constant 0 : index
    %get3A_250 = vector.load %arg1[%get3A_248, %get3A_249] : memref<32x2048xf32, #tpu.memory_space<vmem>>, vector<1x2048xf32>
    %get3A_251 = vector.shape_cast %get3A_250 : vector<1x2048xf32> to vector<2048xf32>
    %add3A_252 = arith.constant 5.000000e-01 : f32
    %add3A_253 = vector.broadcast %add3A_252 : f32 to vector<2048xf32>
    %add3A_254 = arith.addf %get3A_251, %add3A_253 : vector<2048xf32>
    %mul3A_255 = vector.broadcast %get3A_2 : f32 to vector<2048xf32>
    %mul3A_256 = arith.mulf %add3A_254, %mul3A_255 : vector<2048xf32>
    %sub3A_257 = arith.constant 1.000000e+00 : f32
    %sub3A_258 = vector.broadcast %sub3A_257 : f32 to vector<2048xf32>
    %sub3A_259 = arith.subf %mul3A_256, %sub3A_258 : vector<2048xf32>
    %get3A_260 = arith.constant 19 : index
    %get3A_261 = arith.constant 0 : index
    %get3A_262 = vector.load %arg1[%get3A_260, %get3A_261] : memref<32x2048xf32, #tpu.memory_space<vmem>>, vector<1x2048xf32>
    %get3A_263 = vector.shape_cast %get3A_262 : vector<1x2048xf32> to vector<2048xf32>
    %add3A_264 = arith.constant 5.000000e-01 : f32
    %add3A_265 = vector.broadcast %add3A_264 : f32 to vector<2048xf32>
    %add3A_266 = arith.addf %get3A_263, %add3A_265 : vector<2048xf32>
    %mul3A_267 = vector.broadcast %get3A_2 : f32 to vector<2048xf32>
    %mul3A_268 = arith.mulf %add3A_266, %mul3A_267 : vector<2048xf32>
    %sub3A_269 = arith.constant 1.000000e+00 : f32
    %sub3A_270 = vector.broadcast %sub3A_269 : f32 to vector<2048xf32>
    %sub3A_271 = arith.subf %mul3A_268, %sub3A_270 : vector<2048xf32>
    %get3A_272 = arith.constant 20 : index
    %get3A_273 = arith.constant 0 : index
    %get3A_274 = vector.load %arg1[%get3A_272, %get3A_273] : memref<32x2048xf32, #tpu.memory_space<vmem>>, vector<1x2048xf32>
    %get3A_275 = vector.shape_cast %get3A_274 : vector<1x2048xf32> to vector<2048xf32>
    %add3A_276 = arith.constant 5.000000e-01 : f32
    %add3A_277 = vector.broadcast %add3A_276 : f32 to vector<2048xf32>
    %add3A_278 = arith.addf %get3A_275, %add3A_277 : vector<2048xf32>
    %mul3A_279 = vector.broadcast %get3A_2 : f32 to vector<2048xf32>
    %mul3A_280 = arith.mulf %add3A_278, %mul3A_279 : vector<2048xf32>
    %sub3A_281 = arith.constant 1.000000e+00 : f32
    %sub3A_282 = vector.broadcast %sub3A_281 : f32 to vector<2048xf32>
    %sub3A_283 = arith.subf %mul3A_280, %sub3A_282 : vector<2048xf32>
    %get3A_284 = arith.constant 21 : index
    %get3A_285 = arith.constant 0 : index
    %get3A_286 = vector.load %arg1[%get3A_284, %get3A_285] : memref<32x2048xf32, #tpu.memory_space<vmem>>, vector<1x2048xf32>
    %get3A_287 = vector.shape_cast %get3A_286 : vector<1x2048xf32> to vector<2048xf32>
    %add3A_288 = arith.constant 5.000000e-01 : f32
    %add3A_289 = vector.broadcast %add3A_288 : f32 to vector<2048xf32>
    %add3A_290 = arith.addf %get3A_287, %add3A_289 : vector<2048xf32>
    %mul3A_291 = vector.broadcast %get3A_2 : f32 to vector<2048xf32>
    %mul3A_292 = arith.mulf %add3A_290, %mul3A_291 : vector<2048xf32>
    %sub3A_293 = arith.constant 1.000000e+00 : f32
    %sub3A_294 = vector.broadcast %sub3A_293 : f32 to vector<2048xf32>
    %sub3A_295 = arith.subf %mul3A_292, %sub3A_294 : vector<2048xf32>
    %get3A_296 = arith.constant 22 : index
    %get3A_297 = arith.constant 0 : index
    %get3A_298 = vector.load %arg1[%get3A_296, %get3A_297] : memref<32x2048xf32, #tpu.memory_space<vmem>>, vector<1x2048xf32>
    %get3A_299 = vector.shape_cast %get3A_298 : vector<1x2048xf32> to vector<2048xf32>
    %add3A_300 = arith.constant 5.000000e-01 : f32
    %add3A_301 = vector.broadcast %add3A_300 : f32 to vector<2048xf32>
    %add3A_302 = arith.addf %get3A_299, %add3A_301 : vector<2048xf32>
    %mul3A_303 = vector.broadcast %get3A_2 : f32 to vector<2048xf32>
    %mul3A_304 = arith.mulf %add3A_302, %mul3A_303 : vector<2048xf32>
    %sub3A_305 = arith.constant 1.000000e+00 : f32
    %sub3A_306 = vector.broadcast %sub3A_305 : f32 to vector<2048xf32>
    %sub3A_307 = arith.subf %mul3A_304, %sub3A_306 : vector<2048xf32>
    %get3A_308 = arith.constant 23 : index
    %get3A_309 = arith.constant 0 : index
    %get3A_310 = vector.load %arg1[%get3A_308, %get3A_309] : memref<32x2048xf32, #tpu.memory_space<vmem>>, vector<1x2048xf32>
    %get3A_311 = vector.shape_cast %get3A_310 : vector<1x2048xf32> to vector<2048xf32>
    %add3A_312 = arith.constant 5.000000e-01 : f32
    %add3A_313 = vector.broadcast %add3A_312 : f32 to vector<2048xf32>
    %add3A_314 = arith.addf %get3A_311, %add3A_313 : vector<2048xf32>
    %mul3A_315 = vector.broadcast %get3A_2 : f32 to vector<2048xf32>
    %mul3A_316 = arith.mulf %add3A_314, %mul3A_315 : vector<2048xf32>
    %sub3A_317 = arith.constant 1.000000e+00 : f32
    %sub3A_318 = vector.broadcast %sub3A_317 : f32 to vector<2048xf32>
    %sub3A_319 = arith.subf %mul3A_316, %sub3A_318 : vector<2048xf32>
    %lt3A = arith.constant 0.000000e+00 : f32
    %lt3A_320 = vector.broadcast %lt3A : f32 to vector<2048xf32>
    %lt3A_321 = arith.cmpf olt, %get3A_6, %lt3A_320 : vector<2048xf32>
    %convert_element_type3A = arith.extui %lt3A_321 : vector<2048xi1> to vector<2048xi32>
    %convert_element_type3A_322 = arith.sitofp %convert_element_type3A : vector<2048xi32> to vector<2048xf32>
    %add3A_323 = arith.constant 0.000000e+00 : f32
    %add3A_324 = vector.broadcast %add3A_323 : f32 to vector<2048xf32>
    %add3A_325 = arith.addf %add3A_324, %convert_element_type3A_322 : vector<2048xf32>
    %lt3A_326 = arith.constant 0.000000e+00 : f32
    %lt3A_327 = vector.broadcast %lt3A_326 : f32 to vector<2048xf32>
    %lt3A_328 = arith.cmpf olt, %get3A_10, %lt3A_327 : vector<2048xf32>
    %convert_element_type3A_329 = arith.extui %lt3A_328 : vector<2048xi1> to vector<2048xi32>
    %convert_element_type3A_330 = arith.sitofp %convert_element_type3A_329 : vector<2048xi32> to vector<2048xf32>
    %add3A_331 = arith.addf %add3A_325, %convert_element_type3A_330 : vector<2048xf32>
    %lt3A_332 = arith.constant 0.000000e+00 : f32
    %lt3A_333 = vector.broadcast %lt3A_332 : f32 to vector<2048xf32>
    %lt3A_334 = arith.cmpf olt, %get3A_14, %lt3A_333 : vector<2048xf32>
    %convert_element_type3A_335 = arith.extui %lt3A_334 : vector<2048xi1> to vector<2048xi32>
    %convert_element_type3A_336 = arith.sitofp %convert_element_type3A_335 : vector<2048xi32> to vector<2048xf32>
    %add3A_337 = arith.addf %add3A_331, %convert_element_type3A_336 : vector<2048xf32>
    %lt3A_338 = arith.constant 0.000000e+00 : f32
    %lt3A_339 = vector.broadcast %lt3A_338 : f32 to vector<2048xf32>
    %lt3A_340 = arith.cmpf olt, %get3A_18, %lt3A_339 : vector<2048xf32>
    %convert_element_type3A_341 = arith.extui %lt3A_340 : vector<2048xi1> to vector<2048xi32>
    %convert_element_type3A_342 = arith.sitofp %convert_element_type3A_341 : vector<2048xi32> to vector<2048xf32>
    %add3A_343 = arith.addf %add3A_337, %convert_element_type3A_342 : vector<2048xf32>
    %lt3A_344 = arith.constant 0.000000e+00 : f32
    %lt3A_345 = vector.broadcast %lt3A_344 : f32 to vector<2048xf32>
    %lt3A_346 = arith.cmpf olt, %get3A_22, %lt3A_345 : vector<2048xf32>
    %convert_element_type3A_347 = arith.extui %lt3A_346 : vector<2048xi1> to vector<2048xi32>
    %convert_element_type3A_348 = arith.sitofp %convert_element_type3A_347 : vector<2048xi32> to vector<2048xf32>
    %add3A_349 = arith.addf %add3A_343, %convert_element_type3A_348 : vector<2048xf32>
    %lt3A_350 = arith.constant 0.000000e+00 : f32
    %lt3A_351 = vector.broadcast %lt3A_350 : f32 to vector<2048xf32>
    %lt3A_352 = arith.cmpf olt, %get3A_26, %lt3A_351 : vector<2048xf32>
    %convert_element_type3A_353 = arith.extui %lt3A_352 : vector<2048xi1> to vector<2048xi32>
    %convert_element_type3A_354 = arith.sitofp %convert_element_type3A_353 : vector<2048xi32> to vector<2048xf32>
    %add3A_355 = arith.addf %add3A_349, %convert_element_type3A_354 : vector<2048xf32>
    %lt3A_356 = arith.constant 0.000000e+00 : f32
    %lt3A_357 = vector.broadcast %lt3A_356 : f32 to vector<2048xf32>
    %lt3A_358 = arith.cmpf olt, %get3A_30, %lt3A_357 : vector<2048xf32>
    %convert_element_type3A_359 = arith.extui %lt3A_358 : vector<2048xi1> to vector<2048xi32>
    %convert_element_type3A_360 = arith.sitofp %convert_element_type3A_359 : vector<2048xi32> to vector<2048xf32>
    %add3A_361 = arith.addf %add3A_355, %convert_element_type3A_360 : vector<2048xf32>
    %lt3A_362 = arith.constant 0.000000e+00 : f32
    %lt3A_363 = vector.broadcast %lt3A_362 : f32 to vector<2048xf32>
    %lt3A_364 = arith.cmpf olt, %get3A_34, %lt3A_363 : vector<2048xf32>
    %convert_element_type3A_365 = arith.extui %lt3A_364 : vector<2048xi1> to vector<2048xi32>
    %convert_element_type3A_366 = arith.sitofp %convert_element_type3A_365 : vector<2048xi32> to vector<2048xf32>
    %add3A_367 = arith.addf %add3A_361, %convert_element_type3A_366 : vector<2048xf32>
    %gt3A = arith.constant 0.000000e+00 : f32
    %gt3A_368 = vector.broadcast %gt3A : f32 to vector<2048xf32>
    %gt3A_369 = arith.cmpf ogt, %add3A_367, %gt3A_368 : vector<2048xf32>
    %lt3A_370 = arith.constant 8.000000e+00 : f32
    %lt3A_371 = vector.broadcast %lt3A_370 : f32 to vector<2048xf32>
    %lt3A_372 = arith.cmpf olt, %add3A_367, %lt3A_371 : vector<2048xf32>
    %and3A = arith.andi %gt3A_369, %lt3A_372 : vector<2048xi1>
    %convert_element_type3A_373 = arith.extui %and3A : vector<2048xi1> to vector<2048xi32>
    %convert_element_type3A_374 = arith.sitofp %convert_element_type3A_373 : vector<2048xi32> to vector<2048xf32>
    %get3A_375 = arith.constant 0 : index
    %get3A_376 = arith.constant 0 : index
    %get3A_377 = vector.load %arg3[%get3A_375, %get3A_376] : memref<8x2048xf32, #tpu.memory_space<vmem>>, vector<1x2048xf32>
    %get3A_378 = vector.shape_cast %get3A_377 : vector<1x2048xf32> to vector<2048xf32>
    %tanh3A = math.tanh %get3A_378 : vector<2048xf32>
    %mul3A_379 = arith.constant 9.900000e-01 : f32
    %mul3A_380 = vector.broadcast %mul3A_379 : f32 to vector<2048xf32>
    %mul3A_381 = arith.mulf %tanh3A, %mul3A_380 : vector<2048xf32>
    %add3A_382 = arith.constant 1.000000e+00 : f32
    %add3A_383 = vector.broadcast %add3A_382 : f32 to vector<2048xf32>
    %add3A_384 = arith.addf %mul3A_381, %add3A_383 : vector<2048xf32>
    %get3A_385 = arith.constant 1 : index
    %get3A_386 = arith.constant 0 : index
    %get3A_387 = vector.load %arg3[%get3A_385, %get3A_386] : memref<8x2048xf32, #tpu.memory_space<vmem>>, vector<1x2048xf32>
    %get3A_388 = vector.shape_cast %get3A_387 : vector<1x2048xf32> to vector<2048xf32>
    %tanh3A_389 = math.tanh %get3A_388 : vector<2048xf32>
    %mul3A_390 = arith.constant 9.900000e-01 : f32
    %mul3A_391 = vector.broadcast %mul3A_390 : f32 to vector<2048xf32>
    %mul3A_392 = arith.mulf %tanh3A_389, %mul3A_391 : vector<2048xf32>
    %add3A_393 = arith.constant 1.000000e+00 : f32
    %add3A_394 = vector.broadcast %add3A_393 : f32 to vector<2048xf32>
    %add3A_395 = arith.addf %mul3A_392, %add3A_394 : vector<2048xf32>
    %get3A_396 = arith.constant 2 : index
    %get3A_397 = arith.constant 0 : index
    %get3A_398 = vector.load %arg3[%get3A_396, %get3A_397] : memref<8x2048xf32, #tpu.memory_space<vmem>>, vector<1x2048xf32>
    %get3A_399 = vector.shape_cast %get3A_398 : vector<1x2048xf32> to vector<2048xf32>
    %tanh3A_400 = math.tanh %get3A_399 : vector<2048xf32>
    %mul3A_401 = arith.constant 9.900000e-01 : f32
    %mul3A_402 = vector.broadcast %mul3A_401 : f32 to vector<2048xf32>
    %mul3A_403 = arith.mulf %tanh3A_400, %mul3A_402 : vector<2048xf32>
    %add3A_404 = arith.constant 1.000000e+00 : f32
    %add3A_405 = vector.broadcast %add3A_404 : f32 to vector<2048xf32>
    %add3A_406 = arith.addf %mul3A_403, %add3A_405 : vector<2048xf32>
    %get3A_407 = arith.constant 3 : index
    %get3A_408 = arith.constant 0 : index
    %get3A_409 = vector.load %arg3[%get3A_407, %get3A_408] : memref<8x2048xf32, #tpu.memory_space<vmem>>, vector<1x2048xf32>
    %get3A_410 = vector.shape_cast %get3A_409 : vector<1x2048xf32> to vector<2048xf32>
    %tanh3A_411 = math.tanh %get3A_410 : vector<2048xf32>
    %mul3A_412 = arith.constant 9.900000e-01 : f32
    %mul3A_413 = vector.broadcast %mul3A_412 : f32 to vector<2048xf32>
    %mul3A_414 = arith.mulf %tanh3A_411, %mul3A_413 : vector<2048xf32>
    %add3A_415 = arith.constant 1.000000e+00 : f32
    %add3A_416 = vector.broadcast %add3A_415 : f32 to vector<2048xf32>
    %add3A_417 = arith.addf %mul3A_414, %add3A_416 : vector<2048xf32>
    %get3A_418 = arith.constant 4 : index
    %get3A_419 = arith.constant 0 : index
    %get3A_420 = vector.load %arg3[%get3A_418, %get3A_419] : memref<8x2048xf32, #tpu.memory_space<vmem>>, vector<1x2048xf32>
    %get3A_421 = vector.shape_cast %get3A_420 : vector<1x2048xf32> to vector<2048xf32>
    %tanh3A_422 = math.tanh %get3A_421 : vector<2048xf32>
    %mul3A_423 = arith.constant 9.900000e-01 : f32
    %mul3A_424 = vector.broadcast %mul3A_423 : f32 to vector<2048xf32>
    %mul3A_425 = arith.mulf %tanh3A_422, %mul3A_424 : vector<2048xf32>
    %add3A_426 = arith.constant 1.000000e+00 : f32
    %add3A_427 = vector.broadcast %add3A_426 : f32 to vector<2048xf32>
    %add3A_428 = arith.addf %mul3A_425, %add3A_427 : vector<2048xf32>
    %get3A_429 = arith.constant 5 : index
    %get3A_430 = arith.constant 0 : index
    %get3A_431 = vector.load %arg3[%get3A_429, %get3A_430] : memref<8x2048xf32, #tpu.memory_space<vmem>>, vector<1x2048xf32>
    %get3A_432 = vector.shape_cast %get3A_431 : vector<1x2048xf32> to vector<2048xf32>
    %tanh3A_433 = math.tanh %get3A_432 : vector<2048xf32>
    %mul3A_434 = arith.constant 9.900000e-01 : f32
    %mul3A_435 = vector.broadcast %mul3A_434 : f32 to vector<2048xf32>
    %mul3A_436 = arith.mulf %tanh3A_433, %mul3A_435 : vector<2048xf32>
    %add3A_437 = arith.constant 1.000000e+00 : f32
    %add3A_438 = vector.broadcast %add3A_437 : f32 to vector<2048xf32>
    %add3A_439 = arith.addf %mul3A_436, %add3A_438 : vector<2048xf32>
    %get3A_440 = arith.constant 6 : index
    %get3A_441 = arith.constant 0 : index
    %get3A_442 = vector.load %arg3[%get3A_440, %get3A_441] : memref<8x2048xf32, #tpu.memory_space<vmem>>, vector<1x2048xf32>
    %get3A_443 = vector.shape_cast %get3A_442 : vector<1x2048xf32> to vector<2048xf32>
    %tanh3A_444 = math.tanh %get3A_443 : vector<2048xf32>
    %mul3A_445 = arith.constant 9.900000e-01 : f32
    %mul3A_446 = vector.broadcast %mul3A_445 : f32 to vector<2048xf32>
    %mul3A_447 = arith.mulf %tanh3A_444, %mul3A_446 : vector<2048xf32>
    %add3A_448 = arith.constant 1.000000e+00 : f32
    %add3A_449 = vector.broadcast %add3A_448 : f32 to vector<2048xf32>
    %add3A_450 = arith.addf %mul3A_447, %add3A_449 : vector<2048xf32>
    %get3A_451 = arith.constant 7 : index
    %get3A_452 = arith.constant 0 : index
    %get3A_453 = vector.load %arg3[%get3A_451, %get3A_452] : memref<8x2048xf32, #tpu.memory_space<vmem>>, vector<1x2048xf32>
    %get3A_454 = vector.shape_cast %get3A_453 : vector<1x2048xf32> to vector<2048xf32>
    %tanh3A_455 = math.tanh %get3A_454 : vector<2048xf32>
    %mul3A_456 = arith.constant 9.900000e-01 : f32
    %mul3A_457 = vector.broadcast %mul3A_456 : f32 to vector<2048xf32>
    %mul3A_458 = arith.mulf %tanh3A_455, %mul3A_457 : vector<2048xf32>
    %add3A_459 = arith.constant 1.000000e+00 : f32
    %add3A_460 = vector.broadcast %add3A_459 : f32 to vector<2048xf32>
    %add3A_461 = arith.addf %mul3A_458, %add3A_460 : vector<2048xf32>
    %get3A_462 = arith.constant 0 : index
    %get3A_463 = arith.constant 0 : index
    %get3A_464 = vector.load %arg4[%get3A_462, %get3A_463] : memref<1x2048xf32, #tpu.memory_space<vmem>>, vector<1x2048xf32>
    %get3A_465 = vector.shape_cast %get3A_464 : vector<1x2048xf32> to vector<2048xf32>
    %neg3A = arith.constant 0.000000e+00 : f32
    %neg3A_466 = vector.broadcast %neg3A : f32 to vector<2048xf32>
    %neg3A_467 = arith.subf %neg3A_466, %get3A_465 : vector<2048xf32>
    %exp3A = math.exp %neg3A_467 : vector<2048xf32>
    %add3A_468 = arith.constant 1.000000e+00 : f32
    %add3A_469 = vector.broadcast %add3A_468 : f32 to vector<2048xf32>
    %add3A_470 = arith.addf %add3A_469, %exp3A : vector<2048xf32>
    %div3A = arith.constant 1.000000e+00 : f32
    %div3A_471 = vector.broadcast %div3A : f32 to vector<2048xf32>
    %div3A_472 = arith.divf %div3A_471, %add3A_470 : vector<2048xf32>
    %mul3A_473 = arith.constant 9.900000e-01 : f32
    %mul3A_474 = vector.broadcast %mul3A_473 : f32 to vector<2048xf32>
    %mul3A_475 = arith.mulf %div3A_472, %mul3A_474 : vector<2048xf32>
    %add3A_476 = arith.constant 5.000000e-03 : f32
    %add3A_477 = vector.broadcast %add3A_476 : f32 to vector<2048xf32>
    %add3A_478 = arith.addf %mul3A_475, %add3A_477 : vector<2048xf32>
    %broadcast_in_dim3A = arith.constant 0.000000e+00 : f32
    %broadcast_in_dim3A_479 = vector.broadcast %broadcast_in_dim3A : f32 to vector<2048xf32>
    %broadcast_in_dim3A_480 = arith.constant 0.000000e+00 : f32
    %broadcast_in_dim3A_481 = vector.broadcast %broadcast_in_dim3A_480 : f32 to vector<2048xf32>
    %broadcast_in_dim3A_482 = arith.constant 0.000000e+00 : f32
    %broadcast_in_dim3A_483 = vector.broadcast %broadcast_in_dim3A_482 : f32 to vector<2048xf32>
    %broadcast_in_dim3A_484 = arith.constant 0.000000e+00 : f32
    %broadcast_in_dim3A_485 = vector.broadcast %broadcast_in_dim3A_484 : f32 to vector<2048xf32>
    %get3A_486 = arith.constant 0 : index
    %get3A_487 = arith.constant 0 : index
    %get3A_488 = vector.load %arg2[%get3A_486, %get3A_487] : memref<12x2048xf32, #tpu.memory_space<vmem>>, vector<1x2048xf32>
    %get3A_489 = vector.shape_cast %get3A_488 : vector<1x2048xf32> to vector<2048xf32>
    %tanh3A_490 = math.tanh %get3A_489 : vector<2048xf32>
    %mul3A_491 = arith.constant 9.900000e-01 : f32
    %mul3A_492 = vector.broadcast %mul3A_491 : f32 to vector<2048xf32>
    %mul3A_493 = arith.mulf %tanh3A_490, %mul3A_492 : vector<2048xf32>
    %add3A_494 = arith.constant 1.000000e+00 : f32
    %add3A_495 = vector.broadcast %add3A_494 : f32 to vector<2048xf32>
    %add3A_496 = arith.addf %mul3A_493, %add3A_495 : vector<2048xf32>
    %sub3A_497 = arith.subf %get3A_6, %get3A_10 : vector<2048xf32>
    %abs3A = math.absf %sub3A_497 : vector<2048xf32>
    %lt3A_498 = arith.constant 9.99999993E-9 : f32
    %lt3A_499 = vector.broadcast %lt3A_498 : f32 to vector<2048xf32>
    %lt3A_500 = arith.cmpf olt, %abs3A, %lt3A_499 : vector<2048xf32>
    %jit3A = arith.constant 9.99999993E-9 : f32
    %broadcast_in_dim3A_501 = vector.broadcast %jit3A : f32 to vector<2048xf32>
    %select_n3A = arith.select %lt3A_500, %broadcast_in_dim3A_501, %sub3A_497 : vector<2048xi1>, vector<2048xf32>
    %div3A_502 = arith.divf %get3A_6, %select_n3A : vector<2048xf32>
    %jit3A_503 = arith.constant 0.000000e+00 : f32
    %jit3A_504 = arith.constant 1.000000e+00 : f32
    %max3A = vector.broadcast %jit3A_503 : f32 to vector<2048xf32>
    %max3A_505 = arith.maximumf %max3A, %div3A_502 : vector<2048xf32>
    %min3A = vector.broadcast %jit3A_504 : f32 to vector<2048xf32>
    %min3A_506 = arith.minimumf %min3A, %max3A_505 : vector<2048xf32>
    %mul3A_507 = arith.mulf %get3A_6, %get3A_10 : vector<2048xf32>
    %lt3A_508 = arith.constant 0.000000e+00 : f32
    %lt3A_509 = vector.broadcast %lt3A_508 : f32 to vector<2048xf32>
    %lt3A_510 = arith.cmpf olt, %mul3A_507, %lt3A_509 : vector<2048xf32>
    %convert_element_type3A_511 = arith.extui %lt3A_510 : vector<2048xi1> to vector<2048xi32>
    %convert_element_type3A_512 = arith.sitofp %convert_element_type3A_511 : vector<2048xi32> to vector<2048xf32>
    %mul3A_513 = arith.mulf %add3A_496, %convert_element_type3A_512 : vector<2048xf32>
    %add3A_514 = arith.constant 9.99999997E-7 : f32
    %add3A_515 = vector.broadcast %add3A_514 : f32 to vector<2048xf32>
    %add3A_516 = arith.addf %mul3A_513, %add3A_515 : vector<2048xf32>
    %add3A_517 = arith.addf %broadcast_in_dim3A_485, %add3A_516 : vector<2048xf32>
    %sub3A_518 = arith.subf %sub3A_55, %sub3A_43 : vector<2048xf32>
    %mul3A_519 = arith.mulf %min3A_506, %sub3A_518 : vector<2048xf32>
    %add3A_520 = arith.addf %sub3A_43, %mul3A_519 : vector<2048xf32>
    %mul3A_521 = arith.mulf %add3A_516, %add3A_520 : vector<2048xf32>
    %add3A_522 = arith.addf %broadcast_in_dim3A_479, %mul3A_521 : vector<2048xf32>
    %sub3A_523 = arith.subf %sub3A_151, %sub3A_139 : vector<2048xf32>
    %mul3A_524 = arith.mulf %min3A_506, %sub3A_523 : vector<2048xf32>
    %add3A_525 = arith.addf %sub3A_139, %mul3A_524 : vector<2048xf32>
    %mul3A_526 = arith.mulf %add3A_516, %add3A_525 : vector<2048xf32>
    %add3A_527 = arith.addf %broadcast_in_dim3A_481, %mul3A_526 : vector<2048xf32>
    %sub3A_528 = arith.subf %sub3A_247, %sub3A_235 : vector<2048xf32>
    %mul3A_529 = arith.mulf %min3A_506, %sub3A_528 : vector<2048xf32>
    %add3A_530 = arith.addf %sub3A_235, %mul3A_529 : vector<2048xf32>
    %mul3A_531 = arith.mulf %add3A_516, %add3A_530 : vector<2048xf32>
    %add3A_532 = arith.addf %broadcast_in_dim3A_483, %mul3A_531 : vector<2048xf32>
    %get3A_533 = arith.constant 1 : index
    %get3A_534 = arith.constant 0 : index
    %get3A_535 = vector.load %arg2[%get3A_533, %get3A_534] : memref<12x2048xf32, #tpu.memory_space<vmem>>, vector<1x2048xf32>
    %get3A_536 = vector.shape_cast %get3A_535 : vector<1x2048xf32> to vector<2048xf32>
    %tanh3A_537 = math.tanh %get3A_536 : vector<2048xf32>
    %mul3A_538 = arith.constant 9.900000e-01 : f32
    %mul3A_539 = vector.broadcast %mul3A_538 : f32 to vector<2048xf32>
    %mul3A_540 = arith.mulf %tanh3A_537, %mul3A_539 : vector<2048xf32>
    %add3A_541 = arith.constant 1.000000e+00 : f32
    %add3A_542 = vector.broadcast %add3A_541 : f32 to vector<2048xf32>
    %add3A_543 = arith.addf %mul3A_540, %add3A_542 : vector<2048xf32>
    %sub3A_544 = arith.subf %get3A_10, %get3A_26 : vector<2048xf32>
    %abs3A_545 = math.absf %sub3A_544 : vector<2048xf32>
    %lt3A_546 = arith.constant 9.99999993E-9 : f32
    %lt3A_547 = vector.broadcast %lt3A_546 : f32 to vector<2048xf32>
    %lt3A_548 = arith.cmpf olt, %abs3A_545, %lt3A_547 : vector<2048xf32>
    %jit3A_549 = arith.constant 9.99999993E-9 : f32
    %broadcast_in_dim3A_550 = vector.broadcast %jit3A_549 : f32 to vector<2048xf32>
    %select_n3A_551 = arith.select %lt3A_548, %broadcast_in_dim3A_550, %sub3A_544 : vector<2048xi1>, vector<2048xf32>
    %div3A_552 = arith.divf %get3A_10, %select_n3A_551 : vector<2048xf32>
    %jit3A_553 = arith.constant 0.000000e+00 : f32
    %jit3A_554 = arith.constant 1.000000e+00 : f32
    %max3A_555 = vector.broadcast %jit3A_553 : f32 to vector<2048xf32>
    %max3A_556 = arith.maximumf %max3A_555, %div3A_552 : vector<2048xf32>
    %min3A_557 = vector.broadcast %jit3A_554 : f32 to vector<2048xf32>
    %min3A_558 = arith.minimumf %min3A_557, %max3A_556 : vector<2048xf32>
    %mul3A_559 = arith.mulf %get3A_10, %get3A_26 : vector<2048xf32>
    %lt3A_560 = arith.constant 0.000000e+00 : f32
    %lt3A_561 = vector.broadcast %lt3A_560 : f32 to vector<2048xf32>
    %lt3A_562 = arith.cmpf olt, %mul3A_559, %lt3A_561 : vector<2048xf32>
    %convert_element_type3A_563 = arith.extui %lt3A_562 : vector<2048xi1> to vector<2048xi32>
    %convert_element_type3A_564 = arith.sitofp %convert_element_type3A_563 : vector<2048xi32> to vector<2048xf32>
    %mul3A_565 = arith.mulf %add3A_543, %convert_element_type3A_564 : vector<2048xf32>
    %add3A_566 = arith.constant 9.99999997E-7 : f32
    %add3A_567 = vector.broadcast %add3A_566 : f32 to vector<2048xf32>
    %add3A_568 = arith.addf %mul3A_565, %add3A_567 : vector<2048xf32>
    %add3A_569 = arith.addf %add3A_517, %add3A_568 : vector<2048xf32>
    %sub3A_570 = arith.subf %sub3A_103, %sub3A_55 : vector<2048xf32>
    %mul3A_571 = arith.mulf %min3A_558, %sub3A_570 : vector<2048xf32>
    %add3A_572 = arith.addf %sub3A_55, %mul3A_571 : vector<2048xf32>
    %mul3A_573 = arith.mulf %add3A_568, %add3A_572 : vector<2048xf32>
    %add3A_574 = arith.addf %add3A_522, %mul3A_573 : vector<2048xf32>
    %sub3A_575 = arith.subf %sub3A_199, %sub3A_151 : vector<2048xf32>
    %mul3A_576 = arith.mulf %min3A_558, %sub3A_575 : vector<2048xf32>
    %add3A_577 = arith.addf %sub3A_151, %mul3A_576 : vector<2048xf32>
    %mul3A_578 = arith.mulf %add3A_568, %add3A_577 : vector<2048xf32>
    %add3A_579 = arith.addf %add3A_527, %mul3A_578 : vector<2048xf32>
    %sub3A_580 = arith.subf %sub3A_295, %sub3A_247 : vector<2048xf32>
    %mul3A_581 = arith.mulf %min3A_558, %sub3A_580 : vector<2048xf32>
    %add3A_582 = arith.addf %sub3A_247, %mul3A_581 : vector<2048xf32>
    %mul3A_583 = arith.mulf %add3A_568, %add3A_582 : vector<2048xf32>
    %add3A_584 = arith.addf %add3A_532, %mul3A_583 : vector<2048xf32>
    %get3A_585 = arith.constant 2 : index
    %get3A_586 = arith.constant 0 : index
    %get3A_587 = vector.load %arg2[%get3A_585, %get3A_586] : memref<12x2048xf32, #tpu.memory_space<vmem>>, vector<1x2048xf32>
    %get3A_588 = vector.shape_cast %get3A_587 : vector<1x2048xf32> to vector<2048xf32>
    %tanh3A_589 = math.tanh %get3A_588 : vector<2048xf32>
    %mul3A_590 = arith.constant 9.900000e-01 : f32
    %mul3A_591 = vector.broadcast %mul3A_590 : f32 to vector<2048xf32>
    %mul3A_592 = arith.mulf %tanh3A_589, %mul3A_591 : vector<2048xf32>
    %add3A_593 = arith.constant 1.000000e+00 : f32
    %add3A_594 = vector.broadcast %add3A_593 : f32 to vector<2048xf32>
    %add3A_595 = arith.addf %mul3A_592, %add3A_594 : vector<2048xf32>
    %sub3A_596 = arith.subf %get3A_22, %get3A_26 : vector<2048xf32>
    %abs3A_597 = math.absf %sub3A_596 : vector<2048xf32>
    %lt3A_598 = arith.constant 9.99999993E-9 : f32
    %lt3A_599 = vector.broadcast %lt3A_598 : f32 to vector<2048xf32>
    %lt3A_600 = arith.cmpf olt, %abs3A_597, %lt3A_599 : vector<2048xf32>
    %jit3A_601 = arith.constant 9.99999993E-9 : f32
    %broadcast_in_dim3A_602 = vector.broadcast %jit3A_601 : f32 to vector<2048xf32>
    %select_n3A_603 = arith.select %lt3A_600, %broadcast_in_dim3A_602, %sub3A_596 : vector<2048xi1>, vector<2048xf32>
    %div3A_604 = arith.divf %get3A_22, %select_n3A_603 : vector<2048xf32>
    %jit3A_605 = arith.constant 0.000000e+00 : f32
    %jit3A_606 = arith.constant 1.000000e+00 : f32
    %max3A_607 = vector.broadcast %jit3A_605 : f32 to vector<2048xf32>
    %max3A_608 = arith.maximumf %max3A_607, %div3A_604 : vector<2048xf32>
    %min3A_609 = vector.broadcast %jit3A_606 : f32 to vector<2048xf32>
    %min3A_610 = arith.minimumf %min3A_609, %max3A_608 : vector<2048xf32>
    %mul3A_611 = arith.mulf %get3A_22, %get3A_26 : vector<2048xf32>
    %lt3A_612 = arith.constant 0.000000e+00 : f32
    %lt3A_613 = vector.broadcast %lt3A_612 : f32 to vector<2048xf32>
    %lt3A_614 = arith.cmpf olt, %mul3A_611, %lt3A_613 : vector<2048xf32>
    %convert_element_type3A_615 = arith.extui %lt3A_614 : vector<2048xi1> to vector<2048xi32>
    %convert_element_type3A_616 = arith.sitofp %convert_element_type3A_615 : vector<2048xi32> to vector<2048xf32>
    %mul3A_617 = arith.mulf %add3A_595, %convert_element_type3A_616 : vector<2048xf32>
    %add3A_618 = arith.constant 9.99999997E-7 : f32
    %add3A_619 = vector.broadcast %add3A_618 : f32 to vector<2048xf32>
    %add3A_620 = arith.addf %mul3A_617, %add3A_619 : vector<2048xf32>
    %add3A_621 = arith.addf %add3A_569, %add3A_620 : vector<2048xf32>
    %sub3A_622 = arith.subf %sub3A_103, %sub3A_91 : vector<2048xf32>
    %mul3A_623 = arith.mulf %min3A_610, %sub3A_622 : vector<2048xf32>
    %add3A_624 = arith.addf %sub3A_91, %mul3A_623 : vector<2048xf32>
    %mul3A_625 = arith.mulf %add3A_620, %add3A_624 : vector<2048xf32>
    %add3A_626 = arith.addf %add3A_574, %mul3A_625 : vector<2048xf32>
    %sub3A_627 = arith.subf %sub3A_199, %sub3A_187 : vector<2048xf32>
    %mul3A_628 = arith.mulf %min3A_610, %sub3A_627 : vector<2048xf32>
    %add3A_629 = arith.addf %sub3A_187, %mul3A_628 : vector<2048xf32>
    %mul3A_630 = arith.mulf %add3A_620, %add3A_629 : vector<2048xf32>
    %add3A_631 = arith.addf %add3A_579, %mul3A_630 : vector<2048xf32>
    %sub3A_632 = arith.subf %sub3A_295, %sub3A_283 : vector<2048xf32>
    %mul3A_633 = arith.mulf %min3A_610, %sub3A_632 : vector<2048xf32>
    %add3A_634 = arith.addf %sub3A_283, %mul3A_633 : vector<2048xf32>
    %mul3A_635 = arith.mulf %add3A_620, %add3A_634 : vector<2048xf32>
    %add3A_636 = arith.addf %add3A_584, %mul3A_635 : vector<2048xf32>
    %get3A_637 = arith.constant 3 : index
    %get3A_638 = arith.constant 0 : index
    %get3A_639 = vector.load %arg2[%get3A_637, %get3A_638] : memref<12x2048xf32, #tpu.memory_space<vmem>>, vector<1x2048xf32>
    %get3A_640 = vector.shape_cast %get3A_639 : vector<1x2048xf32> to vector<2048xf32>
    %tanh3A_641 = math.tanh %get3A_640 : vector<2048xf32>
    %mul3A_642 = arith.constant 9.900000e-01 : f32
    %mul3A_643 = vector.broadcast %mul3A_642 : f32 to vector<2048xf32>
    %mul3A_644 = arith.mulf %tanh3A_641, %mul3A_643 : vector<2048xf32>
    %add3A_645 = arith.constant 1.000000e+00 : f32
    %add3A_646 = vector.broadcast %add3A_645 : f32 to vector<2048xf32>
    %add3A_647 = arith.addf %mul3A_644, %add3A_646 : vector<2048xf32>
    %sub3A_648 = arith.subf %get3A_6, %get3A_22 : vector<2048xf32>
    %abs3A_649 = math.absf %sub3A_648 : vector<2048xf32>
    %lt3A_650 = arith.constant 9.99999993E-9 : f32
    %lt3A_651 = vector.broadcast %lt3A_650 : f32 to vector<2048xf32>
    %lt3A_652 = arith.cmpf olt, %abs3A_649, %lt3A_651 : vector<2048xf32>
    %jit3A_653 = arith.constant 9.99999993E-9 : f32
    %broadcast_in_dim3A_654 = vector.broadcast %jit3A_653 : f32 to vector<2048xf32>
    %select_n3A_655 = arith.select %lt3A_652, %broadcast_in_dim3A_654, %sub3A_648 : vector<2048xi1>, vector<2048xf32>
    %div3A_656 = arith.divf %get3A_6, %select_n3A_655 : vector<2048xf32>
    %jit3A_657 = arith.constant 0.000000e+00 : f32
    %jit3A_658 = arith.constant 1.000000e+00 : f32
    %max3A_659 = vector.broadcast %jit3A_657 : f32 to vector<2048xf32>
    %max3A_660 = arith.maximumf %max3A_659, %div3A_656 : vector<2048xf32>
    %min3A_661 = vector.broadcast %jit3A_658 : f32 to vector<2048xf32>
    %min3A_662 = arith.minimumf %min3A_661, %max3A_660 : vector<2048xf32>
    %mul3A_663 = arith.mulf %get3A_6, %get3A_22 : vector<2048xf32>
    %lt3A_664 = arith.constant 0.000000e+00 : f32
    %lt3A_665 = vector.broadcast %lt3A_664 : f32 to vector<2048xf32>
    %lt3A_666 = arith.cmpf olt, %mul3A_663, %lt3A_665 : vector<2048xf32>
    %convert_element_type3A_667 = arith.extui %lt3A_666 : vector<2048xi1> to vector<2048xi32>
    %convert_element_type3A_668 = arith.sitofp %convert_element_type3A_667 : vector<2048xi32> to vector<2048xf32>
    %mul3A_669 = arith.mulf %add3A_647, %convert_element_type3A_668 : vector<2048xf32>
    %add3A_670 = arith.constant 9.99999997E-7 : f32
    %add3A_671 = vector.broadcast %add3A_670 : f32 to vector<2048xf32>
    %add3A_672 = arith.addf %mul3A_669, %add3A_671 : vector<2048xf32>
    %add3A_673 = arith.addf %add3A_621, %add3A_672 : vector<2048xf32>
    %sub3A_674 = arith.subf %sub3A_91, %sub3A_43 : vector<2048xf32>
    %mul3A_675 = arith.mulf %min3A_662, %sub3A_674 : vector<2048xf32>
    %add3A_676 = arith.addf %sub3A_43, %mul3A_675 : vector<2048xf32>
    %mul3A_677 = arith.mulf %add3A_672, %add3A_676 : vector<2048xf32>
    %add3A_678 = arith.addf %add3A_626, %mul3A_677 : vector<2048xf32>
    %sub3A_679 = arith.subf %sub3A_187, %sub3A_139 : vector<2048xf32>
    %mul3A_680 = arith.mulf %min3A_662, %sub3A_679 : vector<2048xf32>
    %add3A_681 = arith.addf %sub3A_139, %mul3A_680 : vector<2048xf32>
    %mul3A_682 = arith.mulf %add3A_672, %add3A_681 : vector<2048xf32>
    %add3A_683 = arith.addf %add3A_631, %mul3A_682 : vector<2048xf32>
    %sub3A_684 = arith.subf %sub3A_283, %sub3A_235 : vector<2048xf32>
    %mul3A_685 = arith.mulf %min3A_662, %sub3A_684 : vector<2048xf32>
    %add3A_686 = arith.addf %sub3A_235, %mul3A_685 : vector<2048xf32>
    %mul3A_687 = arith.mulf %add3A_672, %add3A_686 : vector<2048xf32>
    %add3A_688 = arith.addf %add3A_636, %mul3A_687 : vector<2048xf32>
    %get3A_689 = arith.constant 4 : index
    %get3A_690 = arith.constant 0 : index
    %get3A_691 = vector.load %arg2[%get3A_689, %get3A_690] : memref<12x2048xf32, #tpu.memory_space<vmem>>, vector<1x2048xf32>
    %get3A_692 = vector.shape_cast %get3A_691 : vector<1x2048xf32> to vector<2048xf32>
    %tanh3A_693 = math.tanh %get3A_692 : vector<2048xf32>
    %mul3A_694 = arith.constant 9.900000e-01 : f32
    %mul3A_695 = vector.broadcast %mul3A_694 : f32 to vector<2048xf32>
    %mul3A_696 = arith.mulf %tanh3A_693, %mul3A_695 : vector<2048xf32>
    %add3A_697 = arith.constant 1.000000e+00 : f32
    %add3A_698 = vector.broadcast %add3A_697 : f32 to vector<2048xf32>
    %add3A_699 = arith.addf %mul3A_696, %add3A_698 : vector<2048xf32>
    %sub3A_700 = arith.subf %get3A_14, %get3A_18 : vector<2048xf32>
    %abs3A_701 = math.absf %sub3A_700 : vector<2048xf32>
    %lt3A_702 = arith.constant 9.99999993E-9 : f32
    %lt3A_703 = vector.broadcast %lt3A_702 : f32 to vector<2048xf32>
    %lt3A_704 = arith.cmpf olt, %abs3A_701, %lt3A_703 : vector<2048xf32>
    %jit3A_705 = arith.constant 9.99999993E-9 : f32
    %broadcast_in_dim3A_706 = vector.broadcast %jit3A_705 : f32 to vector<2048xf32>
    %select_n3A_707 = arith.select %lt3A_704, %broadcast_in_dim3A_706, %sub3A_700 : vector<2048xi1>, vector<2048xf32>
    %div3A_708 = arith.divf %get3A_14, %select_n3A_707 : vector<2048xf32>
    %jit3A_709 = arith.constant 0.000000e+00 : f32
    %jit3A_710 = arith.constant 1.000000e+00 : f32
    %max3A_711 = vector.broadcast %jit3A_709 : f32 to vector<2048xf32>
    %max3A_712 = arith.maximumf %max3A_711, %div3A_708 : vector<2048xf32>
    %min3A_713 = vector.broadcast %jit3A_710 : f32 to vector<2048xf32>
    %min3A_714 = arith.minimumf %min3A_713, %max3A_712 : vector<2048xf32>
    %mul3A_715 = arith.mulf %get3A_14, %get3A_18 : vector<2048xf32>
    %lt3A_716 = arith.constant 0.000000e+00 : f32
    %lt3A_717 = vector.broadcast %lt3A_716 : f32 to vector<2048xf32>
    %lt3A_718 = arith.cmpf olt, %mul3A_715, %lt3A_717 : vector<2048xf32>
    %convert_element_type3A_719 = arith.extui %lt3A_718 : vector<2048xi1> to vector<2048xi32>
    %convert_element_type3A_720 = arith.sitofp %convert_element_type3A_719 : vector<2048xi32> to vector<2048xf32>
    %mul3A_721 = arith.mulf %add3A_699, %convert_element_type3A_720 : vector<2048xf32>
    %add3A_722 = arith.constant 9.99999997E-7 : f32
    %add3A_723 = vector.broadcast %add3A_722 : f32 to vector<2048xf32>
    %add3A_724 = arith.addf %mul3A_721, %add3A_723 : vector<2048xf32>
    %add3A_725 = arith.addf %add3A_673, %add3A_724 : vector<2048xf32>
    %sub3A_726 = arith.subf %sub3A_79, %sub3A_67 : vector<2048xf32>
    %mul3A_727 = arith.mulf %min3A_714, %sub3A_726 : vector<2048xf32>
    %add3A_728 = arith.addf %sub3A_67, %mul3A_727 : vector<2048xf32>
    %mul3A_729 = arith.mulf %add3A_724, %add3A_728 : vector<2048xf32>
    %add3A_730 = arith.addf %add3A_678, %mul3A_729 : vector<2048xf32>
    %sub3A_731 = arith.subf %sub3A_175, %sub3A_163 : vector<2048xf32>
    %mul3A_732 = arith.mulf %min3A_714, %sub3A_731 : vector<2048xf32>
    %add3A_733 = arith.addf %sub3A_163, %mul3A_732 : vector<2048xf32>
    %mul3A_734 = arith.mulf %add3A_724, %add3A_733 : vector<2048xf32>
    %add3A_735 = arith.addf %add3A_683, %mul3A_734 : vector<2048xf32>
    %sub3A_736 = arith.subf %sub3A_271, %sub3A_259 : vector<2048xf32>
    %mul3A_737 = arith.mulf %min3A_714, %sub3A_736 : vector<2048xf32>
    %add3A_738 = arith.addf %sub3A_259, %mul3A_737 : vector<2048xf32>
    %mul3A_739 = arith.mulf %add3A_724, %add3A_738 : vector<2048xf32>
    %add3A_740 = arith.addf %add3A_688, %mul3A_739 : vector<2048xf32>
    %get3A_741 = arith.constant 5 : index
    %get3A_742 = arith.constant 0 : index
    %get3A_743 = vector.load %arg2[%get3A_741, %get3A_742] : memref<12x2048xf32, #tpu.memory_space<vmem>>, vector<1x2048xf32>
    %get3A_744 = vector.shape_cast %get3A_743 : vector<1x2048xf32> to vector<2048xf32>
    %tanh3A_745 = math.tanh %get3A_744 : vector<2048xf32>
    %mul3A_746 = arith.constant 9.900000e-01 : f32
    %mul3A_747 = vector.broadcast %mul3A_746 : f32 to vector<2048xf32>
    %mul3A_748 = arith.mulf %tanh3A_745, %mul3A_747 : vector<2048xf32>
    %add3A_749 = arith.constant 1.000000e+00 : f32
    %add3A_750 = vector.broadcast %add3A_749 : f32 to vector<2048xf32>
    %add3A_751 = arith.addf %mul3A_748, %add3A_750 : vector<2048xf32>
    %sub3A_752 = arith.subf %get3A_18, %get3A_34 : vector<2048xf32>
    %abs3A_753 = math.absf %sub3A_752 : vector<2048xf32>
    %lt3A_754 = arith.constant 9.99999993E-9 : f32
    %lt3A_755 = vector.broadcast %lt3A_754 : f32 to vector<2048xf32>
    %lt3A_756 = arith.cmpf olt, %abs3A_753, %lt3A_755 : vector<2048xf32>
    %jit3A_757 = arith.constant 9.99999993E-9 : f32
    %broadcast_in_dim3A_758 = vector.broadcast %jit3A_757 : f32 to vector<2048xf32>
    %select_n3A_759 = arith.select %lt3A_756, %broadcast_in_dim3A_758, %sub3A_752 : vector<2048xi1>, vector<2048xf32>
    %div3A_760 = arith.divf %get3A_18, %select_n3A_759 : vector<2048xf32>
    %jit3A_761 = arith.constant 0.000000e+00 : f32
    %jit3A_762 = arith.constant 1.000000e+00 : f32
    %max3A_763 = vector.broadcast %jit3A_761 : f32 to vector<2048xf32>
    %max3A_764 = arith.maximumf %max3A_763, %div3A_760 : vector<2048xf32>
    %min3A_765 = vector.broadcast %jit3A_762 : f32 to vector<2048xf32>
    %min3A_766 = arith.minimumf %min3A_765, %max3A_764 : vector<2048xf32>
    %mul3A_767 = arith.mulf %get3A_18, %get3A_34 : vector<2048xf32>
    %lt3A_768 = arith.constant 0.000000e+00 : f32
    %lt3A_769 = vector.broadcast %lt3A_768 : f32 to vector<2048xf32>
    %lt3A_770 = arith.cmpf olt, %mul3A_767, %lt3A_769 : vector<2048xf32>
    %convert_element_type3A_771 = arith.extui %lt3A_770 : vector<2048xi1> to vector<2048xi32>
    %convert_element_type3A_772 = arith.sitofp %convert_element_type3A_771 : vector<2048xi32> to vector<2048xf32>
    %mul3A_773 = arith.mulf %add3A_751, %convert_element_type3A_772 : vector<2048xf32>
    %add3A_774 = arith.constant 9.99999997E-7 : f32
    %add3A_775 = vector.broadcast %add3A_774 : f32 to vector<2048xf32>
    %add3A_776 = arith.addf %mul3A_773, %add3A_775 : vector<2048xf32>
    %add3A_777 = arith.addf %add3A_725, %add3A_776 : vector<2048xf32>
    %sub3A_778 = arith.subf %sub3A_127, %sub3A_79 : vector<2048xf32>
    %mul3A_779 = arith.mulf %min3A_766, %sub3A_778 : vector<2048xf32>
    %add3A_780 = arith.addf %sub3A_79, %mul3A_779 : vector<2048xf32>
    %mul3A_781 = arith.mulf %add3A_776, %add3A_780 : vector<2048xf32>
    %add3A_782 = arith.addf %add3A_730, %mul3A_781 : vector<2048xf32>
    %sub3A_783 = arith.subf %sub3A_223, %sub3A_175 : vector<2048xf32>
    %mul3A_784 = arith.mulf %min3A_766, %sub3A_783 : vector<2048xf32>
    %add3A_785 = arith.addf %sub3A_175, %mul3A_784 : vector<2048xf32>
    %mul3A_786 = arith.mulf %add3A_776, %add3A_785 : vector<2048xf32>
    %add3A_787 = arith.addf %add3A_735, %mul3A_786 : vector<2048xf32>
    %sub3A_788 = arith.subf %sub3A_319, %sub3A_271 : vector<2048xf32>
    %mul3A_789 = arith.mulf %min3A_766, %sub3A_788 : vector<2048xf32>
    %add3A_790 = arith.addf %sub3A_271, %mul3A_789 : vector<2048xf32>
    %mul3A_791 = arith.mulf %add3A_776, %add3A_790 : vector<2048xf32>
    %add3A_792 = arith.addf %add3A_740, %mul3A_791 : vector<2048xf32>
    %get3A_793 = arith.constant 6 : index
    %get3A_794 = arith.constant 0 : index
    %get3A_795 = vector.load %arg2[%get3A_793, %get3A_794] : memref<12x2048xf32, #tpu.memory_space<vmem>>, vector<1x2048xf32>
    %get3A_796 = vector.shape_cast %get3A_795 : vector<1x2048xf32> to vector<2048xf32>
    %tanh3A_797 = math.tanh %get3A_796 : vector<2048xf32>
    %mul3A_798 = arith.constant 9.900000e-01 : f32
    %mul3A_799 = vector.broadcast %mul3A_798 : f32 to vector<2048xf32>
    %mul3A_800 = arith.mulf %tanh3A_797, %mul3A_799 : vector<2048xf32>
    %add3A_801 = arith.constant 1.000000e+00 : f32
    %add3A_802 = vector.broadcast %add3A_801 : f32 to vector<2048xf32>
    %add3A_803 = arith.addf %mul3A_800, %add3A_802 : vector<2048xf32>
    %sub3A_804 = arith.subf %get3A_30, %get3A_34 : vector<2048xf32>
    %abs3A_805 = math.absf %sub3A_804 : vector<2048xf32>
    %lt3A_806 = arith.constant 9.99999993E-9 : f32
    %lt3A_807 = vector.broadcast %lt3A_806 : f32 to vector<2048xf32>
    %lt3A_808 = arith.cmpf olt, %abs3A_805, %lt3A_807 : vector<2048xf32>
    %jit3A_809 = arith.constant 9.99999993E-9 : f32
    %broadcast_in_dim3A_810 = vector.broadcast %jit3A_809 : f32 to vector<2048xf32>
    %select_n3A_811 = arith.select %lt3A_808, %broadcast_in_dim3A_810, %sub3A_804 : vector<2048xi1>, vector<2048xf32>
    %div3A_812 = arith.divf %get3A_30, %select_n3A_811 : vector<2048xf32>
    %jit3A_813 = arith.constant 0.000000e+00 : f32
    %jit3A_814 = arith.constant 1.000000e+00 : f32
    %max3A_815 = vector.broadcast %jit3A_813 : f32 to vector<2048xf32>
    %max3A_816 = arith.maximumf %max3A_815, %div3A_812 : vector<2048xf32>
    %min3A_817 = vector.broadcast %jit3A_814 : f32 to vector<2048xf32>
    %min3A_818 = arith.minimumf %min3A_817, %max3A_816 : vector<2048xf32>
    %mul3A_819 = arith.mulf %get3A_30, %get3A_34 : vector<2048xf32>
    %lt3A_820 = arith.constant 0.000000e+00 : f32
    %lt3A_821 = vector.broadcast %lt3A_820 : f32 to vector<2048xf32>
    %lt3A_822 = arith.cmpf olt, %mul3A_819, %lt3A_821 : vector<2048xf32>
    %convert_element_type3A_823 = arith.extui %lt3A_822 : vector<2048xi1> to vector<2048xi32>
    %convert_element_type3A_824 = arith.sitofp %convert_element_type3A_823 : vector<2048xi32> to vector<2048xf32>
    %mul3A_825 = arith.mulf %add3A_803, %convert_element_type3A_824 : vector<2048xf32>
    %add3A_826 = arith.constant 9.99999997E-7 : f32
    %add3A_827 = vector.broadcast %add3A_826 : f32 to vector<2048xf32>
    %add3A_828 = arith.addf %mul3A_825, %add3A_827 : vector<2048xf32>
    %add3A_829 = arith.addf %add3A_777, %add3A_828 : vector<2048xf32>
    %sub3A_830 = arith.subf %sub3A_127, %sub3A_115 : vector<2048xf32>
    %mul3A_831 = arith.mulf %min3A_818, %sub3A_830 : vector<2048xf32>
    %add3A_832 = arith.addf %sub3A_115, %mul3A_831 : vector<2048xf32>
    %mul3A_833 = arith.mulf %add3A_828, %add3A_832 : vector<2048xf32>
    %add3A_834 = arith.addf %add3A_782, %mul3A_833 : vector<2048xf32>
    %sub3A_835 = arith.subf %sub3A_223, %sub3A_211 : vector<2048xf32>
    %mul3A_836 = arith.mulf %min3A_818, %sub3A_835 : vector<2048xf32>
    %add3A_837 = arith.addf %sub3A_211, %mul3A_836 : vector<2048xf32>
    %mul3A_838 = arith.mulf %add3A_828, %add3A_837 : vector<2048xf32>
    %add3A_839 = arith.addf %add3A_787, %mul3A_838 : vector<2048xf32>
    %sub3A_840 = arith.subf %sub3A_319, %sub3A_307 : vector<2048xf32>
    %mul3A_841 = arith.mulf %min3A_818, %sub3A_840 : vector<2048xf32>
    %add3A_842 = arith.addf %sub3A_307, %mul3A_841 : vector<2048xf32>
    %mul3A_843 = arith.mulf %add3A_828, %add3A_842 : vector<2048xf32>
    %add3A_844 = arith.addf %add3A_792, %mul3A_843 : vector<2048xf32>
    %get3A_845 = arith.constant 7 : index
    %get3A_846 = arith.constant 0 : index
    %get3A_847 = vector.load %arg2[%get3A_845, %get3A_846] : memref<12x2048xf32, #tpu.memory_space<vmem>>, vector<1x2048xf32>
    %get3A_848 = vector.shape_cast %get3A_847 : vector<1x2048xf32> to vector<2048xf32>
    %tanh3A_849 = math.tanh %get3A_848 : vector<2048xf32>
    %mul3A_850 = arith.constant 9.900000e-01 : f32
    %mul3A_851 = vector.broadcast %mul3A_850 : f32 to vector<2048xf32>
    %mul3A_852 = arith.mulf %tanh3A_849, %mul3A_851 : vector<2048xf32>
    %add3A_853 = arith.constant 1.000000e+00 : f32
    %add3A_854 = vector.broadcast %add3A_853 : f32 to vector<2048xf32>
    %add3A_855 = arith.addf %mul3A_852, %add3A_854 : vector<2048xf32>
    %sub3A_856 = arith.subf %get3A_14, %get3A_30 : vector<2048xf32>
    %abs3A_857 = math.absf %sub3A_856 : vector<2048xf32>
    %lt3A_858 = arith.constant 9.99999993E-9 : f32
    %lt3A_859 = vector.broadcast %lt3A_858 : f32 to vector<2048xf32>
    %lt3A_860 = arith.cmpf olt, %abs3A_857, %lt3A_859 : vector<2048xf32>
    %jit3A_861 = arith.constant 9.99999993E-9 : f32
    %broadcast_in_dim3A_862 = vector.broadcast %jit3A_861 : f32 to vector<2048xf32>
    %select_n3A_863 = arith.select %lt3A_860, %broadcast_in_dim3A_862, %sub3A_856 : vector<2048xi1>, vector<2048xf32>
    %div3A_864 = arith.divf %get3A_14, %select_n3A_863 : vector<2048xf32>
    %jit3A_865 = arith.constant 0.000000e+00 : f32
    %jit3A_866 = arith.constant 1.000000e+00 : f32
    %max3A_867 = vector.broadcast %jit3A_865 : f32 to vector<2048xf32>
    %max3A_868 = arith.maximumf %max3A_867, %div3A_864 : vector<2048xf32>
    %min3A_869 = vector.broadcast %jit3A_866 : f32 to vector<2048xf32>
    %min3A_870 = arith.minimumf %min3A_869, %max3A_868 : vector<2048xf32>
    %mul3A_871 = arith.mulf %get3A_14, %get3A_30 : vector<2048xf32>
    %lt3A_872 = arith.constant 0.000000e+00 : f32
    %lt3A_873 = vector.broadcast %lt3A_872 : f32 to vector<2048xf32>
    %lt3A_874 = arith.cmpf olt, %mul3A_871, %lt3A_873 : vector<2048xf32>
    %convert_element_type3A_875 = arith.extui %lt3A_874 : vector<2048xi1> to vector<2048xi32>
    %convert_element_type3A_876 = arith.sitofp %convert_element_type3A_875 : vector<2048xi32> to vector<2048xf32>
    %mul3A_877 = arith.mulf %add3A_855, %convert_element_type3A_876 : vector<2048xf32>
    %add3A_878 = arith.constant 9.99999997E-7 : f32
    %add3A_879 = vector.broadcast %add3A_878 : f32 to vector<2048xf32>
    %add3A_880 = arith.addf %mul3A_877, %add3A_879 : vector<2048xf32>
    %add3A_881 = arith.addf %add3A_829, %add3A_880 : vector<2048xf32>
    %sub3A_882 = arith.subf %sub3A_115, %sub3A_67 : vector<2048xf32>
    %mul3A_883 = arith.mulf %min3A_870, %sub3A_882 : vector<2048xf32>
    %add3A_884 = arith.addf %sub3A_67, %mul3A_883 : vector<2048xf32>
    %mul3A_885 = arith.mulf %add3A_880, %add3A_884 : vector<2048xf32>
    %add3A_886 = arith.addf %add3A_834, %mul3A_885 : vector<2048xf32>
    %sub3A_887 = arith.subf %sub3A_211, %sub3A_163 : vector<2048xf32>
    %mul3A_888 = arith.mulf %min3A_870, %sub3A_887 : vector<2048xf32>
    %add3A_889 = arith.addf %sub3A_163, %mul3A_888 : vector<2048xf32>
    %mul3A_890 = arith.mulf %add3A_880, %add3A_889 : vector<2048xf32>
    %add3A_891 = arith.addf %add3A_839, %mul3A_890 : vector<2048xf32>
    %sub3A_892 = arith.subf %sub3A_307, %sub3A_259 : vector<2048xf32>
    %mul3A_893 = arith.mulf %min3A_870, %sub3A_892 : vector<2048xf32>
    %add3A_894 = arith.addf %sub3A_259, %mul3A_893 : vector<2048xf32>
    %mul3A_895 = arith.mulf %add3A_880, %add3A_894 : vector<2048xf32>
    %add3A_896 = arith.addf %add3A_844, %mul3A_895 : vector<2048xf32>
    %get3A_897 = arith.constant 8 : index
    %get3A_898 = arith.constant 0 : index
    %get3A_899 = vector.load %arg2[%get3A_897, %get3A_898] : memref<12x2048xf32, #tpu.memory_space<vmem>>, vector<1x2048xf32>
    %get3A_900 = vector.shape_cast %get3A_899 : vector<1x2048xf32> to vector<2048xf32>
    %tanh3A_901 = math.tanh %get3A_900 : vector<2048xf32>
    %mul3A_902 = arith.constant 9.900000e-01 : f32
    %mul3A_903 = vector.broadcast %mul3A_902 : f32 to vector<2048xf32>
    %mul3A_904 = arith.mulf %tanh3A_901, %mul3A_903 : vector<2048xf32>
    %add3A_905 = arith.constant 1.000000e+00 : f32
    %add3A_906 = vector.broadcast %add3A_905 : f32 to vector<2048xf32>
    %add3A_907 = arith.addf %mul3A_904, %add3A_906 : vector<2048xf32>
    %sub3A_908 = arith.subf %get3A_14, %get3A_6 : vector<2048xf32>
    %abs3A_909 = math.absf %sub3A_908 : vector<2048xf32>
    %lt3A_910 = arith.constant 9.99999993E-9 : f32
    %lt3A_911 = vector.broadcast %lt3A_910 : f32 to vector<2048xf32>
    %lt3A_912 = arith.cmpf olt, %abs3A_909, %lt3A_911 : vector<2048xf32>
    %jit3A_913 = arith.constant 9.99999993E-9 : f32
    %broadcast_in_dim3A_914 = vector.broadcast %jit3A_913 : f32 to vector<2048xf32>
    %select_n3A_915 = arith.select %lt3A_912, %broadcast_in_dim3A_914, %sub3A_908 : vector<2048xi1>, vector<2048xf32>
    %div3A_916 = arith.divf %get3A_14, %select_n3A_915 : vector<2048xf32>
    %jit3A_917 = arith.constant 0.000000e+00 : f32
    %jit3A_918 = arith.constant 1.000000e+00 : f32
    %max3A_919 = vector.broadcast %jit3A_917 : f32 to vector<2048xf32>
    %max3A_920 = arith.maximumf %max3A_919, %div3A_916 : vector<2048xf32>
    %min3A_921 = vector.broadcast %jit3A_918 : f32 to vector<2048xf32>
    %min3A_922 = arith.minimumf %min3A_921, %max3A_920 : vector<2048xf32>
    %mul3A_923 = arith.mulf %get3A_14, %get3A_6 : vector<2048xf32>
    %lt3A_924 = arith.constant 0.000000e+00 : f32
    %lt3A_925 = vector.broadcast %lt3A_924 : f32 to vector<2048xf32>
    %lt3A_926 = arith.cmpf olt, %mul3A_923, %lt3A_925 : vector<2048xf32>
    %convert_element_type3A_927 = arith.extui %lt3A_926 : vector<2048xi1> to vector<2048xi32>
    %convert_element_type3A_928 = arith.sitofp %convert_element_type3A_927 : vector<2048xi32> to vector<2048xf32>
    %mul3A_929 = arith.mulf %add3A_907, %convert_element_type3A_928 : vector<2048xf32>
    %add3A_930 = arith.constant 9.99999997E-7 : f32
    %add3A_931 = vector.broadcast %add3A_930 : f32 to vector<2048xf32>
    %add3A_932 = arith.addf %mul3A_929, %add3A_931 : vector<2048xf32>
    %add3A_933 = arith.addf %add3A_881, %add3A_932 : vector<2048xf32>
    %sub3A_934 = arith.subf %sub3A_43, %sub3A_67 : vector<2048xf32>
    %mul3A_935 = arith.mulf %min3A_922, %sub3A_934 : vector<2048xf32>
    %add3A_936 = arith.addf %sub3A_67, %mul3A_935 : vector<2048xf32>
    %mul3A_937 = arith.mulf %add3A_932, %add3A_936 : vector<2048xf32>
    %add3A_938 = arith.addf %add3A_886, %mul3A_937 : vector<2048xf32>
    %sub3A_939 = arith.subf %sub3A_139, %sub3A_163 : vector<2048xf32>
    %mul3A_940 = arith.mulf %min3A_922, %sub3A_939 : vector<2048xf32>
    %add3A_941 = arith.addf %sub3A_163, %mul3A_940 : vector<2048xf32>
    %mul3A_942 = arith.mulf %add3A_932, %add3A_941 : vector<2048xf32>
    %add3A_943 = arith.addf %add3A_891, %mul3A_942 : vector<2048xf32>
    %sub3A_944 = arith.subf %sub3A_235, %sub3A_259 : vector<2048xf32>
    %mul3A_945 = arith.mulf %min3A_922, %sub3A_944 : vector<2048xf32>
    %add3A_946 = arith.addf %sub3A_259, %mul3A_945 : vector<2048xf32>
    %mul3A_947 = arith.mulf %add3A_932, %add3A_946 : vector<2048xf32>
    %add3A_948 = arith.addf %add3A_896, %mul3A_947 : vector<2048xf32>
    %get3A_949 = arith.constant 9 : index
    %get3A_950 = arith.constant 0 : index
    %get3A_951 = vector.load %arg2[%get3A_949, %get3A_950] : memref<12x2048xf32, #tpu.memory_space<vmem>>, vector<1x2048xf32>
    %get3A_952 = vector.shape_cast %get3A_951 : vector<1x2048xf32> to vector<2048xf32>
    %tanh3A_953 = math.tanh %get3A_952 : vector<2048xf32>
    %mul3A_954 = arith.constant 9.900000e-01 : f32
    %mul3A_955 = vector.broadcast %mul3A_954 : f32 to vector<2048xf32>
    %mul3A_956 = arith.mulf %tanh3A_953, %mul3A_955 : vector<2048xf32>
    %add3A_957 = arith.constant 1.000000e+00 : f32
    %add3A_958 = vector.broadcast %add3A_957 : f32 to vector<2048xf32>
    %add3A_959 = arith.addf %mul3A_956, %add3A_958 : vector<2048xf32>
    %sub3A_960 = arith.subf %get3A_18, %get3A_10 : vector<2048xf32>
    %abs3A_961 = math.absf %sub3A_960 : vector<2048xf32>
    %lt3A_962 = arith.constant 9.99999993E-9 : f32
    %lt3A_963 = vector.broadcast %lt3A_962 : f32 to vector<2048xf32>
    %lt3A_964 = arith.cmpf olt, %abs3A_961, %lt3A_963 : vector<2048xf32>
    %jit3A_965 = arith.constant 9.99999993E-9 : f32
    %broadcast_in_dim3A_966 = vector.broadcast %jit3A_965 : f32 to vector<2048xf32>
    %select_n3A_967 = arith.select %lt3A_964, %broadcast_in_dim3A_966, %sub3A_960 : vector<2048xi1>, vector<2048xf32>
    %div3A_968 = arith.divf %get3A_18, %select_n3A_967 : vector<2048xf32>
    %jit3A_969 = arith.constant 0.000000e+00 : f32
    %jit3A_970 = arith.constant 1.000000e+00 : f32
    %max3A_971 = vector.broadcast %jit3A_969 : f32 to vector<2048xf32>
    %max3A_972 = arith.maximumf %max3A_971, %div3A_968 : vector<2048xf32>
    %min3A_973 = vector.broadcast %jit3A_970 : f32 to vector<2048xf32>
    %min3A_974 = arith.minimumf %min3A_973, %max3A_972 : vector<2048xf32>
    %mul3A_975 = arith.mulf %get3A_18, %get3A_10 : vector<2048xf32>
    %lt3A_976 = arith.constant 0.000000e+00 : f32
    %lt3A_977 = vector.broadcast %lt3A_976 : f32 to vector<2048xf32>
    %lt3A_978 = arith.cmpf olt, %mul3A_975, %lt3A_977 : vector<2048xf32>
    %convert_element_type3A_979 = arith.extui %lt3A_978 : vector<2048xi1> to vector<2048xi32>
    %convert_element_type3A_980 = arith.sitofp %convert_element_type3A_979 : vector<2048xi32> to vector<2048xf32>
    %mul3A_981 = arith.mulf %add3A_959, %convert_element_type3A_980 : vector<2048xf32>
    %add3A_982 = arith.constant 9.99999997E-7 : f32
    %add3A_983 = vector.broadcast %add3A_982 : f32 to vector<2048xf32>
    %add3A_984 = arith.addf %mul3A_981, %add3A_983 : vector<2048xf32>
    %add3A_985 = arith.addf %add3A_933, %add3A_984 : vector<2048xf32>
    %sub3A_986 = arith.subf %sub3A_55, %sub3A_79 : vector<2048xf32>
    %mul3A_987 = arith.mulf %min3A_974, %sub3A_986 : vector<2048xf32>
    %add3A_988 = arith.addf %sub3A_79, %mul3A_987 : vector<2048xf32>
    %mul3A_989 = arith.mulf %add3A_984, %add3A_988 : vector<2048xf32>
    %add3A_990 = arith.addf %add3A_938, %mul3A_989 : vector<2048xf32>
    %sub3A_991 = arith.subf %sub3A_151, %sub3A_175 : vector<2048xf32>
    %mul3A_992 = arith.mulf %min3A_974, %sub3A_991 : vector<2048xf32>
    %add3A_993 = arith.addf %sub3A_175, %mul3A_992 : vector<2048xf32>
    %mul3A_994 = arith.mulf %add3A_984, %add3A_993 : vector<2048xf32>
    %add3A_995 = arith.addf %add3A_943, %mul3A_994 : vector<2048xf32>
    %sub3A_996 = arith.subf %sub3A_247, %sub3A_271 : vector<2048xf32>
    %mul3A_997 = arith.mulf %min3A_974, %sub3A_996 : vector<2048xf32>
    %add3A_998 = arith.addf %sub3A_271, %mul3A_997 : vector<2048xf32>
    %mul3A_999 = arith.mulf %add3A_984, %add3A_998 : vector<2048xf32>
    %add3A_1000 = arith.addf %add3A_948, %mul3A_999 : vector<2048xf32>
    %get3A_1001 = arith.constant 10 : index
    %get3A_1002 = arith.constant 0 : index
    %get3A_1003 = vector.load %arg2[%get3A_1001, %get3A_1002] : memref<12x2048xf32, #tpu.memory_space<vmem>>, vector<1x2048xf32>
    %get3A_1004 = vector.shape_cast %get3A_1003 : vector<1x2048xf32> to vector<2048xf32>
    %tanh3A_1005 = math.tanh %get3A_1004 : vector<2048xf32>
    %mul3A_1006 = arith.constant 9.900000e-01 : f32
    %mul3A_1007 = vector.broadcast %mul3A_1006 : f32 to vector<2048xf32>
    %mul3A_1008 = arith.mulf %tanh3A_1005, %mul3A_1007 : vector<2048xf32>
    %add3A_1009 = arith.constant 1.000000e+00 : f32
    %add3A_1010 = vector.broadcast %add3A_1009 : f32 to vector<2048xf32>
    %add3A_1011 = arith.addf %mul3A_1008, %add3A_1010 : vector<2048xf32>
    %sub3A_1012 = arith.subf %get3A_34, %get3A_26 : vector<2048xf32>
    %abs3A_1013 = math.absf %sub3A_1012 : vector<2048xf32>
    %lt3A_1014 = arith.constant 9.99999993E-9 : f32
    %lt3A_1015 = vector.broadcast %lt3A_1014 : f32 to vector<2048xf32>
    %lt3A_1016 = arith.cmpf olt, %abs3A_1013, %lt3A_1015 : vector<2048xf32>
    %jit3A_1017 = arith.constant 9.99999993E-9 : f32
    %broadcast_in_dim3A_1018 = vector.broadcast %jit3A_1017 : f32 to vector<2048xf32>
    %select_n3A_1019 = arith.select %lt3A_1016, %broadcast_in_dim3A_1018, %sub3A_1012 : vector<2048xi1>, vector<2048xf32>
    %div3A_1020 = arith.divf %get3A_34, %select_n3A_1019 : vector<2048xf32>
    %jit3A_1021 = arith.constant 0.000000e+00 : f32
    %jit3A_1022 = arith.constant 1.000000e+00 : f32
    %max3A_1023 = vector.broadcast %jit3A_1021 : f32 to vector<2048xf32>
    %max3A_1024 = arith.maximumf %max3A_1023, %div3A_1020 : vector<2048xf32>
    %min3A_1025 = vector.broadcast %jit3A_1022 : f32 to vector<2048xf32>
    %min3A_1026 = arith.minimumf %min3A_1025, %max3A_1024 : vector<2048xf32>
    %mul3A_1027 = arith.mulf %get3A_34, %get3A_26 : vector<2048xf32>
    %lt3A_1028 = arith.constant 0.000000e+00 : f32
    %lt3A_1029 = vector.broadcast %lt3A_1028 : f32 to vector<2048xf32>
    %lt3A_1030 = arith.cmpf olt, %mul3A_1027, %lt3A_1029 : vector<2048xf32>
    %convert_element_type3A_1031 = arith.extui %lt3A_1030 : vector<2048xi1> to vector<2048xi32>
    %convert_element_type3A_1032 = arith.sitofp %convert_element_type3A_1031 : vector<2048xi32> to vector<2048xf32>
    %mul3A_1033 = arith.mulf %add3A_1011, %convert_element_type3A_1032 : vector<2048xf32>
    %add3A_1034 = arith.constant 9.99999997E-7 : f32
    %add3A_1035 = vector.broadcast %add3A_1034 : f32 to vector<2048xf32>
    %add3A_1036 = arith.addf %mul3A_1033, %add3A_1035 : vector<2048xf32>
    %add3A_1037 = arith.addf %add3A_985, %add3A_1036 : vector<2048xf32>
    %sub3A_1038 = arith.subf %sub3A_103, %sub3A_127 : vector<2048xf32>
    %mul3A_1039 = arith.mulf %min3A_1026, %sub3A_1038 : vector<2048xf32>
    %add3A_1040 = arith.addf %sub3A_127, %mul3A_1039 : vector<2048xf32>
    %mul3A_1041 = arith.mulf %add3A_1036, %add3A_1040 : vector<2048xf32>
    %add3A_1042 = arith.addf %add3A_990, %mul3A_1041 : vector<2048xf32>
    %sub3A_1043 = arith.subf %sub3A_199, %sub3A_223 : vector<2048xf32>
    %mul3A_1044 = arith.mulf %min3A_1026, %sub3A_1043 : vector<2048xf32>
    %add3A_1045 = arith.addf %sub3A_223, %mul3A_1044 : vector<2048xf32>
    %mul3A_1046 = arith.mulf %add3A_1036, %add3A_1045 : vector<2048xf32>
    %add3A_1047 = arith.addf %add3A_995, %mul3A_1046 : vector<2048xf32>
    %sub3A_1048 = arith.subf %sub3A_295, %sub3A_319 : vector<2048xf32>
    %mul3A_1049 = arith.mulf %min3A_1026, %sub3A_1048 : vector<2048xf32>
    %add3A_1050 = arith.addf %sub3A_319, %mul3A_1049 : vector<2048xf32>
    %mul3A_1051 = arith.mulf %add3A_1036, %add3A_1050 : vector<2048xf32>
    %add3A_1052 = arith.addf %add3A_1000, %mul3A_1051 : vector<2048xf32>
    %get3A_1053 = arith.constant 11 : index
    %get3A_1054 = arith.constant 0 : index
    %get3A_1055 = vector.load %arg2[%get3A_1053, %get3A_1054] : memref<12x2048xf32, #tpu.memory_space<vmem>>, vector<1x2048xf32>
    %get3A_1056 = vector.shape_cast %get3A_1055 : vector<1x2048xf32> to vector<2048xf32>
    %tanh3A_1057 = math.tanh %get3A_1056 : vector<2048xf32>
    %mul3A_1058 = arith.constant 9.900000e-01 : f32
    %mul3A_1059 = vector.broadcast %mul3A_1058 : f32 to vector<2048xf32>
    %mul3A_1060 = arith.mulf %tanh3A_1057, %mul3A_1059 : vector<2048xf32>
    %add3A_1061 = arith.constant 1.000000e+00 : f32
    %add3A_1062 = vector.broadcast %add3A_1061 : f32 to vector<2048xf32>
    %add3A_1063 = arith.addf %mul3A_1060, %add3A_1062 : vector<2048xf32>
    %sub3A_1064 = arith.subf %get3A_30, %get3A_22 : vector<2048xf32>
    %abs3A_1065 = math.absf %sub3A_1064 : vector<2048xf32>
    %lt3A_1066 = arith.constant 9.99999993E-9 : f32
    %lt3A_1067 = vector.broadcast %lt3A_1066 : f32 to vector<2048xf32>
    %lt3A_1068 = arith.cmpf olt, %abs3A_1065, %lt3A_1067 : vector<2048xf32>
    %jit3A_1069 = arith.constant 9.99999993E-9 : f32
    %broadcast_in_dim3A_1070 = vector.broadcast %jit3A_1069 : f32 to vector<2048xf32>
    %select_n3A_1071 = arith.select %lt3A_1068, %broadcast_in_dim3A_1070, %sub3A_1064 : vector<2048xi1>, vector<2048xf32>
    %div3A_1072 = arith.divf %get3A_30, %select_n3A_1071 : vector<2048xf32>
    %jit3A_1073 = arith.constant 0.000000e+00 : f32
    %jit3A_1074 = arith.constant 1.000000e+00 : f32
    %max3A_1075 = vector.broadcast %jit3A_1073 : f32 to vector<2048xf32>
    %max3A_1076 = arith.maximumf %max3A_1075, %div3A_1072 : vector<2048xf32>
    %min3A_1077 = vector.broadcast %jit3A_1074 : f32 to vector<2048xf32>
    %min3A_1078 = arith.minimumf %min3A_1077, %max3A_1076 : vector<2048xf32>
    %mul3A_1079 = arith.mulf %get3A_30, %get3A_22 : vector<2048xf32>
    %lt3A_1080 = arith.constant 0.000000e+00 : f32
    %lt3A_1081 = vector.broadcast %lt3A_1080 : f32 to vector<2048xf32>
    %lt3A_1082 = arith.cmpf olt, %mul3A_1079, %lt3A_1081 : vector<2048xf32>
    %convert_element_type3A_1083 = arith.extui %lt3A_1082 : vector<2048xi1> to vector<2048xi32>
    %convert_element_type3A_1084 = arith.sitofp %convert_element_type3A_1083 : vector<2048xi32> to vector<2048xf32>
    %mul3A_1085 = arith.mulf %add3A_1063, %convert_element_type3A_1084 : vector<2048xf32>
    %add3A_1086 = arith.constant 9.99999997E-7 : f32
    %add3A_1087 = vector.broadcast %add3A_1086 : f32 to vector<2048xf32>
    %add3A_1088 = arith.addf %mul3A_1085, %add3A_1087 : vector<2048xf32>
    %add3A_1089 = arith.addf %add3A_1037, %add3A_1088 : vector<2048xf32>
    %sub3A_1090 = arith.subf %sub3A_91, %sub3A_115 : vector<2048xf32>
    %mul3A_1091 = arith.mulf %min3A_1078, %sub3A_1090 : vector<2048xf32>
    %add3A_1092 = arith.addf %sub3A_115, %mul3A_1091 : vector<2048xf32>
    %mul3A_1093 = arith.mulf %add3A_1088, %add3A_1092 : vector<2048xf32>
    %add3A_1094 = arith.addf %add3A_1042, %mul3A_1093 : vector<2048xf32>
    %sub3A_1095 = arith.subf %sub3A_187, %sub3A_211 : vector<2048xf32>
    %mul3A_1096 = arith.mulf %min3A_1078, %sub3A_1095 : vector<2048xf32>
    %add3A_1097 = arith.addf %sub3A_211, %mul3A_1096 : vector<2048xf32>
    %mul3A_1098 = arith.mulf %add3A_1088, %add3A_1097 : vector<2048xf32>
    %add3A_1099 = arith.addf %add3A_1047, %mul3A_1098 : vector<2048xf32>
    %sub3A_1100 = arith.subf %sub3A_283, %sub3A_307 : vector<2048xf32>
    %mul3A_1101 = arith.mulf %min3A_1078, %sub3A_1100 : vector<2048xf32>
    %add3A_1102 = arith.addf %sub3A_307, %mul3A_1101 : vector<2048xf32>
    %mul3A_1103 = arith.mulf %add3A_1088, %add3A_1102 : vector<2048xf32>
    %add3A_1104 = arith.addf %add3A_1052, %mul3A_1103 : vector<2048xf32>
    %div3A_1105 = arith.divf %add3A_1094, %add3A_1089 : vector<2048xf32>
    %div3A_1106 = arith.divf %add3A_1099, %add3A_1089 : vector<2048xf32>
    %div3A_1107 = arith.divf %add3A_1104, %add3A_1089 : vector<2048xf32>
    %add3A_1108 = arith.constant 0.000000e+00 : f32
    %add3A_1109 = vector.broadcast %add3A_1108 : f32 to vector<2048xf32>
    %add3A_1110 = arith.addf %add3A_1109, %add3A_384 : vector<2048xf32>
    %add3A_1111 = arith.addf %add3A_1110, %add3A_395 : vector<2048xf32>
    %add3A_1112 = arith.addf %add3A_1111, %add3A_406 : vector<2048xf32>
    %add3A_1113 = arith.addf %add3A_1112, %add3A_417 : vector<2048xf32>
    %add3A_1114 = arith.addf %add3A_1113, %add3A_428 : vector<2048xf32>
    %add3A_1115 = arith.addf %add3A_1114, %add3A_439 : vector<2048xf32>
    %add3A_1116 = arith.addf %add3A_1115, %add3A_450 : vector<2048xf32>
    %add3A_1117 = arith.addf %add3A_1116, %add3A_461 : vector<2048xf32>
    %mul3A_1118 = arith.mulf %add3A_384, %sub3A_43 : vector<2048xf32>
    %add3A_1119 = arith.constant 0.000000e+00 : f32
    %add3A_1120 = vector.broadcast %add3A_1119 : f32 to vector<2048xf32>
    %add3A_1121 = arith.addf %add3A_1120, %mul3A_1118 : vector<2048xf32>
    %mul3A_1122 = arith.mulf %add3A_395, %sub3A_55 : vector<2048xf32>
    %add3A_1123 = arith.addf %add3A_1121, %mul3A_1122 : vector<2048xf32>
    %mul3A_1124 = arith.mulf %add3A_406, %sub3A_67 : vector<2048xf32>
    %add3A_1125 = arith.addf %add3A_1123, %mul3A_1124 : vector<2048xf32>
    %mul3A_1126 = arith.mulf %add3A_417, %sub3A_79 : vector<2048xf32>
    %add3A_1127 = arith.addf %add3A_1125, %mul3A_1126 : vector<2048xf32>
    %mul3A_1128 = arith.mulf %add3A_428, %sub3A_91 : vector<2048xf32>
    %add3A_1129 = arith.addf %add3A_1127, %mul3A_1128 : vector<2048xf32>
    %mul3A_1130 = arith.mulf %add3A_439, %sub3A_103 : vector<2048xf32>
    %add3A_1131 = arith.addf %add3A_1129, %mul3A_1130 : vector<2048xf32>
    %mul3A_1132 = arith.mulf %add3A_450, %sub3A_115 : vector<2048xf32>
    %add3A_1133 = arith.addf %add3A_1131, %mul3A_1132 : vector<2048xf32>
    %mul3A_1134 = arith.mulf %add3A_461, %sub3A_127 : vector<2048xf32>
    %add3A_1135 = arith.addf %add3A_1133, %mul3A_1134 : vector<2048xf32>
    %div3A_1136 = arith.divf %add3A_1135, %add3A_1117 : vector<2048xf32>
    %mul3A_1137 = arith.mulf %add3A_384, %sub3A_139 : vector<2048xf32>
    %add3A_1138 = arith.constant 0.000000e+00 : f32
    %add3A_1139 = vector.broadcast %add3A_1138 : f32 to vector<2048xf32>
    %add3A_1140 = arith.addf %add3A_1139, %mul3A_1137 : vector<2048xf32>
    %mul3A_1141 = arith.mulf %add3A_395, %sub3A_151 : vector<2048xf32>
    %add3A_1142 = arith.addf %add3A_1140, %mul3A_1141 : vector<2048xf32>
    %mul3A_1143 = arith.mulf %add3A_406, %sub3A_163 : vector<2048xf32>
    %add3A_1144 = arith.addf %add3A_1142, %mul3A_1143 : vector<2048xf32>
    %mul3A_1145 = arith.mulf %add3A_417, %sub3A_175 : vector<2048xf32>
    %add3A_1146 = arith.addf %add3A_1144, %mul3A_1145 : vector<2048xf32>
    %mul3A_1147 = arith.mulf %add3A_428, %sub3A_187 : vector<2048xf32>
    %add3A_1148 = arith.addf %add3A_1146, %mul3A_1147 : vector<2048xf32>
    %mul3A_1149 = arith.mulf %add3A_439, %sub3A_199 : vector<2048xf32>
    %add3A_1150 = arith.addf %add3A_1148, %mul3A_1149 : vector<2048xf32>
    %mul3A_1151 = arith.mulf %add3A_450, %sub3A_211 : vector<2048xf32>
    %add3A_1152 = arith.addf %add3A_1150, %mul3A_1151 : vector<2048xf32>
    %mul3A_1153 = arith.mulf %add3A_461, %sub3A_223 : vector<2048xf32>
    %add3A_1154 = arith.addf %add3A_1152, %mul3A_1153 : vector<2048xf32>
    %div3A_1155 = arith.divf %add3A_1154, %add3A_1117 : vector<2048xf32>
    %mul3A_1156 = arith.mulf %add3A_384, %sub3A_235 : vector<2048xf32>
    %add3A_1157 = arith.constant 0.000000e+00 : f32
    %add3A_1158 = vector.broadcast %add3A_1157 : f32 to vector<2048xf32>
    %add3A_1159 = arith.addf %add3A_1158, %mul3A_1156 : vector<2048xf32>
    %mul3A_1160 = arith.mulf %add3A_395, %sub3A_247 : vector<2048xf32>
    %add3A_1161 = arith.addf %add3A_1159, %mul3A_1160 : vector<2048xf32>
    %mul3A_1162 = arith.mulf %add3A_406, %sub3A_259 : vector<2048xf32>
    %add3A_1163 = arith.addf %add3A_1161, %mul3A_1162 : vector<2048xf32>
    %mul3A_1164 = arith.mulf %add3A_417, %sub3A_271 : vector<2048xf32>
    %add3A_1165 = arith.addf %add3A_1163, %mul3A_1164 : vector<2048xf32>
    %mul3A_1166 = arith.mulf %add3A_428, %sub3A_283 : vector<2048xf32>
    %add3A_1167 = arith.addf %add3A_1165, %mul3A_1166 : vector<2048xf32>
    %mul3A_1168 = arith.mulf %add3A_439, %sub3A_295 : vector<2048xf32>
    %add3A_1169 = arith.addf %add3A_1167, %mul3A_1168 : vector<2048xf32>
    %mul3A_1170 = arith.mulf %add3A_450, %sub3A_307 : vector<2048xf32>
    %add3A_1171 = arith.addf %add3A_1169, %mul3A_1170 : vector<2048xf32>
    %mul3A_1172 = arith.mulf %add3A_461, %sub3A_319 : vector<2048xf32>
    %add3A_1173 = arith.addf %add3A_1171, %mul3A_1172 : vector<2048xf32>
    %div3A_1174 = arith.divf %add3A_1173, %add3A_1117 : vector<2048xf32>
    %mul3A_1175 = arith.mulf %add3A_478, %div3A_1105 : vector<2048xf32>
    %sub3A_1176 = arith.constant 1.000000e+00 : f32
    %sub3A_1177 = vector.broadcast %sub3A_1176 : f32 to vector<2048xf32>
    %sub3A_1178 = arith.subf %sub3A_1177, %add3A_478 : vector<2048xf32>
    %mul3A_1179 = arith.mulf %sub3A_1178, %div3A_1136 : vector<2048xf32>
    %add3A_1180 = arith.addf %mul3A_1175, %mul3A_1179 : vector<2048xf32>
    %mul3A_1181 = arith.mulf %add3A_1180, %convert_element_type3A_374 : vector<2048xf32>
    %swap3A = arith.constant 0 : index
    %swap3A_1182 = arith.constant 0 : index
    %swap3A_1183 = vector.load %arg6[%swap3A, %swap3A_1182] : memref<3x2048xf32, #tpu.memory_space<vmem>>, vector<1x2048xf32>
    %swap3A_1184 = vector.shape_cast %swap3A_1183 : vector<1x2048xf32> to vector<2048xf32>
    %swap3A_1185 = vector.shape_cast %mul3A_1181 : vector<2048xf32> to vector<1x2048xf32>
    tpu.vector_store %arg6[%swap3A, %swap3A_1182], %swap3A_1185 {strides = array<i32>} : memref<3x2048xf32, #tpu.memory_space<vmem>>, vector<1x2048xf32>,
    %mul3A_1186 = arith.mulf %add3A_478, %div3A_1106 : vector<2048xf32>
    %sub3A_1187 = arith.constant 1.000000e+00 : f32
    %sub3A_1188 = vector.broadcast %sub3A_1187 : f32 to vector<2048xf32>
    %sub3A_1189 = arith.subf %sub3A_1188, %add3A_478 : vector<2048xf32>
    %mul3A_1190 = arith.mulf %sub3A_1189, %div3A_1155 : vector<2048xf32>
    %add3A_1191 = arith.addf %mul3A_1186, %mul3A_1190 : vector<2048xf32>
    %mul3A_1192 = arith.mulf %add3A_1191, %convert_element_type3A_374 : vector<2048xf32>
    %swap3A_1193 = arith.constant 1 : index
    %swap3A_1194 = arith.constant 0 : index
    %swap3A_1195 = vector.load %arg6[%swap3A_1193, %swap3A_1194] : memref<3x2048xf32, #tpu.memory_space<vmem>>, vector<1x2048xf32>
    %swap3A_1196 = vector.shape_cast %swap3A_1195 : vector<1x2048xf32> to vector<2048xf32>
    %swap3A_1197 = vector.shape_cast %mul3A_1192 : vector<2048xf32> to vector<1x2048xf32>
    tpu.vector_store %arg6[%swap3A_1193, %swap3A_1194], %swap3A_1197 {strides = array<i32>} : memref<3x2048xf32, #tpu.memory_space<vmem>>, vector<1x2048xf32>,
    %mul3A_1198 = arith.mulf %add3A_478, %div3A_1107 : vector<2048xf32>
    %sub3A_1199 = arith.constant 1.000000e+00 : f32
    %sub3A_1200 = vector.broadcast %sub3A_1199 : f32 to vector<2048xf32>
    %sub3A_1201 = arith.subf %sub3A_1200, %add3A_478 : vector<2048xf32>
    %mul3A_1202 = arith.mulf %sub3A_1201, %div3A_1174 : vector<2048xf32>
    %add3A_1203 = arith.addf %mul3A_1198, %mul3A_1202 : vector<2048xf32>
    %mul3A_1204 = arith.mulf %add3A_1203, %convert_element_type3A_374 : vector<2048xf32>
    %swap3A_1205 = arith.constant 2 : index
    %swap3A_1206 = arith.constant 0 : index
    %swap3A_1207 = vector.load %arg6[%swap3A_1205, %swap3A_1206] : memref<3x2048xf32, #tpu.memory_space<vmem>>, vector<1x2048xf32>
    %swap3A_1208 = vector.shape_cast %swap3A_1207 : vector<1x2048xf32> to vector<2048xf32>
    %swap3A_1209 = vector.shape_cast %mul3A_1204 : vector<2048xf32> to vector<1x2048xf32>
    tpu.vector_store %arg6[%swap3A_1205, %swap3A_1206], %swap3A_1209 {strides = array<i32>} : memref<3x2048xf32, #tpu.memory_space<vmem>>, vector<1x2048xf32>,
    return
  }
  func.func @transform_0(%arg0: i32) -> (i32, i32) {
    %c0_i32 = arith.constant 0 : i32
    %c0_i32_0 = arith.constant 0 : i32
    return %c0_i32, %arg0 : i32, i32
  }
  func.func @transform_1(%arg0: i32) -> (i32, i32) {
    %c0_i32 = arith.constant 0 : i32
    %c0_i32_0 = arith.constant 0 : i32
    return %c0_i32, %arg0 : i32, i32
  }
  func.func @transform_2(%arg0: i32) -> (i32, i32) {
    %c0_i32 = arith.constant 0 : i32
    %c0_i32_0 = arith.constant 0 : i32
    return %c0_i32, %arg0 : i32, i32
  }
  func.func @transform_3(%arg0: i32) -> (i32, i32) {
    %c0_i32 = arith.constant 0 : i32
    %c0_i32_0 = arith.constant 0 : i32
    return %c0_i32, %arg0 : i32, i32
  }
  func.func @transform_4(%arg0: i32) -> (i32, i32) {
    %c0_i32 = arith.constant 0 : i32
    %c0_i32_0 = arith.constant 0 : i32
    %c0_i32_1 = arith.constant 0 : i32
    return %c0_i32, %c0_i32_0 : i32, i32
  }
  func.func @transform_5(%arg0: i32) -> (i32, i32) {
    %c0_i32 = arith.constant 0 : i32
    %c0_i32_0 = arith.constant 0 : i32
    return %c0_i32, %arg0 : i32, i32
  }
}

</mosaic_0001>

<sc_bundles>
// kernel: kernel.12.cloned.1.call-start
scs
__scs_entry_jumppad:
0x0: {  	(pc) =	sbr.rel $0x88, $3  }
0x1: {  	(tag) =	ssettag $0x0;
	lr =	simm.s32 $0x1  }
0x2: {  	[smem:$0x3F99] =	sst lr;
	_ =	strace $0xD0000000  }
0x3: {  	_ = 	snop  }
0x4: {  	_ = 	snop  }
0x5: {  	_ = 	snop  }
0x6: {  	_ = 	snop  }
0x7: {  	_ = 	snop  }
__scs_overlays_trampoline_lowered:
0x8: {  	[smem:$0x3FA8] =	sst s0  }
0x9: {  	[smem:$0x3FA9] =	sst s1  }
0xa: {  	[smem:$0x3FAA] =	sst s2  }
0xb: {  	[smem:$0x3FAB] =	sst s3  }
0xc: {  	[smem:$0x3FAC] =	sst s4  }
0xd: {  	[smem:$0x3FAD] =	sst s5  }
0xe: {  	[smem:$0x3FAE] =	sst s6  }
0xf: {  	[smem:$0x3FAF] =	sst s7  }
0x10: {  	[smem:$0x3FB0] =	sst s8  }
0x11: {  	[smem:$0x3FB1] =	sst s9;
	s0 =	simm.s32 @!p0 $0x0  }
0x12: {  	s1 =	sld [smem:$0x3F97];
	s0 =	simm.s32 @p0 $0x1  }
0x13: {  	[smem:$0x3FB2] =	sst s0;
	s0 =	simm.s32 @!p1 $0x0  }
0x14: {  	s2 =	sld [smem:$0x3F96];
	s0 =	simm.s32 @p1 $0x1  }
0x15: {  	[smem:$0x3FB3] =	sst s0;
	s0 =	simm.s32 @!p2 $0x0  }
0x16: {  	s3 =	sld [smem:$0x3FDB];
	s0 =	simm.s32 @p2 $0x1  }
0x17: {  	s4 =	simm.s32 $0x1BF5;
	[smem:$0x3FB5] =	sst s0  }
0x18: {  	s0 =	sld [smem:$0x3F98];
	_ =	swait.ge [sflag:s4], $0x0  }
0x19: {  	s7 =	sld [smem:$0x3F99]  }
0x1a: {  	s8 =	sadd.s32 $0xFFFFE003, lr  }
0x1b: {  	s9 =	sadd.s32 $0xFFFFFEF7, lr;
	s5 =	simm.s32 $0xFFFFFFFF;
	p2 =	slt.u32 s8, $0xFFFFF086  }
0x1c: {  	p1 =	slt.u32 s9, $0xF7A;
	s5 =	simm.s32 @!p2 $0x0  }
0x1d: {  	s5 =	simm.s32 @p1 $0x1;
	p0 =	seq.s32 s7, s2  }
0x1e: {  	s7 =	smul.u32 @!p0 $0xF7A, s2;
	p2 =	seq.s32 @!p0 s5, $0x0  }
0x1f: {  	s9 =	smul.u32 $0xF7A, s1;
	s8 =	simm.s32 @!p0 $0x1BF5;
	p2 =	por !p2, p0  }
0x20: {  	[sflag:s8] =	ssyncset.s32 @!p0 $0xFFFFF086;
	s6 =	sadd.s32 @!p0 s3, s7;
	s7 =	simm.s32 @!p0 $0x108  }
0x21: {  	s3 =	sadd.s32 s3, s9;
	s6 =	sadd.s32 @!p0 $0x88, s6;
	s7 =	simm.s32 @p2 $0x1082  }
0x22: {  	[simem:s7], [sflag:s8] =	dma.local @!p0 [hbm:s6], $0xF7A  }
0x23: {  	s9 =	sor.u32 $0xD0000000, s2;
	s6 =	simm.s32 $0x108;
	_ =	swait.ge @!p0 [sflag:s8], $0x0  }
0x24: {  	s3 =	sadd.s32 $0x88, s3;
	s6 =	simm.s32 @!p1 $0x1082;
	[sflag:s4] =	ssyncset.s32 $0xFFFFF086  }
0x25: {  	[simem:s6], [sflag:s4] =	dma.local [hbm:s3], $0xF7A  }
0x26: {  	[smem:$0x3F99] =	sst s1;
	(tag) =	ssettag s2;
	_ =	strace s9  }
0x27: {  	s1 =	sld [smem:$0x3FA9]  }
0x28: {  	s2 =	sld [smem:$0x3FAA]  }
0x29: {  	s4 =	sld [smem:$0x3FAC]  }
0x2a: {  	p0 =	seq.s32 s5, $0x0;
	s5 =	sld [smem:$0x3FAD]  }
0x2b: {  	s6 =	sld [smem:$0x3FAE]  }
0x2c: {  	s7 =	sld [smem:$0x3FAF]  }
0x2d: {  	s3 =	simm.s32 $0x108;
	s8 =	sld [smem:$0x3FB0]  }
0x2e: {  	s3 =	simm.s32 @!p0 $0x1082;
	s9 =	sld [smem:$0x3FB1]  }
0x2f: {  	lr =	sadd.s32 s0, s3;
	s0 =	sld [smem:$0x3FA8]  }
0x30: {  	s3 =	sld [smem:$0x3FAB]  }
0x31: {  	[smem:$0x3FB4] =	sst s10  }
0x32: {  	s10 =	sld [smem:$0x3FB2];
	_ =	sdelay $0x3  }
0x33: {  	p0 =	seq.s32 s10, $0x1;
	s10 =	sld [smem:$0x3FB4];
	_ =	sdelay $0x3  }
0x34: {  	[smem:$0x3FB4] =	sst s10  }
0x35: {  	s10 =	sld [smem:$0x3FB3];
	_ =	sdelay $0x3  }
0x36: {  	p1 =	seq.s32 s10, $0x1;
	s10 =	sld [smem:$0x3FB4];
	_ =	sdelay $0x3  }
0x37: {  	[smem:$0x3FB4] =	sst s10  }
0x38: {  	s10 =	sld [smem:$0x3FB5]  }
0x39: {  	_ = 	snop;
	(pc) =	sbr.ind lr, $3  }
0x3a: {  	_ = 	snop  }
0x3b: {  	_ = 	snop  }
0x3c: {  	p2 =	seq.s32 s10, $0x1;
	s10 =	sld [smem:$0x3FB4]  }
0x3d: {  	_ =	shalt  }
0x3e: {  	_ =	shalt  }
0x3f: {  	_ =	shalt  }
0x40: {  	_ =	shalt  }
0x41: {  	_ =	shalt  }
0x42: {  	_ =	shalt  }
0x43: {  	_ =	shalt  }
0x44: {  	_ =	shalt  }
0x45: {  	_ =	shalt  }
0x46: {  	_ =	shalt  }
0x47: {  	_ =	shalt  }
0x48: {  	_ =	shalt  }
0x49: {  	_ =	shalt  }
0x4a: {  	_ =	shalt  }
0x4b: {  	_ =	shalt  }
0x4c: {  	_ =	shalt  }
0x4d: {  	_ =	shalt  }
0x4e: {  	_ =	shalt  }
0x4f: {  	_ =	shalt  }
0x50: {  	_ =	shalt  }
0x51: {  	_ =	shalt  }
0x52: {  	_ =	shalt  }
0x53: {  	_ =	shalt  }
0x54: {  	_ =	shalt  }
0x55: {  	_ =	shalt  }
0x56: {  	_ =	shalt  }
0x57: {  	_ =	shalt  }
0x58: {  	_ =	shalt  }
0x59: {  	_ =	shalt  }
0x5a: {  	_ =	shalt  }
0x5b: {  	_ =	shalt  }
0x5c: {  	_ =	shalt  }
0x5d: {  	_ =	shalt  }
0x5e: {  	_ =	shalt  }
0x5f: {  	_ =	shalt  }
0x60: {  	_ =	shalt  }
0x61: {  	_ =	shalt  }
0x62: {  	_ =	shalt  }
0x63: {  	_ =	shalt  }
0x64: {  	_ =	shalt  }
0x65: {  	_ =	shalt  }
0x66: {  	_ =	shalt  }
0x67: {  	_ =	shalt  }
0x68: {  	_ =	shalt  }
0x69: {  	_ =	shalt  }
0x6a: {  	_ =	shalt  }
0x6b: {  	_ =	shalt  }
0x6c: {  	_ =	shalt  }
0x6d: {  	_ =	shalt  }
0x6e: {  	_ =	shalt  }
0x6f: {  	_ =	shalt  }
0x70: {  	_ =	shalt  }
0x71: {  	_ =	shalt  }
0x72: {  	_ =	shalt  }
0x73: {  	_ =	shalt  }
0x74: {  	_ =	shalt  }
0x75: {  	_ =	shalt  }
0x76: {  	_ =	shalt  }
0x77: {  	_ =	shalt  }
0x78: {  	_ =	shalt  }
0x79: {  	_ =	shalt  }
0x7a: {  	_ =	shalt  }
0x7b: {  	_ =	shalt  }
0x7c: {  	_ =	shalt  }
0x7d: {  	_ =	shalt  }
0x7e: {  	_ =	shalt  }
0x7f: {  	_ =	shalt  }
0x80: {  	_ =	shalt  }
0x81: {  	_ =	shalt  }
0x82: {  	_ =	shalt  }
0x83: {  	_ =	shalt  }
0x84: {  	_ =	shalt  }
0x85: {  	_ =	shalt  }
0x86: {  	_ =	shalt  }
0x87: {  	_ =	shalt  }
.Lfunc_end0:
.L_simem_size_0:
called_computation.2_lowered:
.L_overlay_start_0:
0x88: {  	s2 =	sld [smem:$0x3FD9]  }
0x89: {  	s3 =	sld [smem:$0x3FFE];
	_ =	sdelay $0x1  }
0x8a: {  	s1 =	srdreg.scid  }
0x8b: {  	s0 =	sand.u32 $0x1, s1  }
0x8c: {  	s16 =	sshll.u32 s0, $0xA;
	s2 =	sadd.s32 s3, s2  }
0x8d: {  	s2 =	sadd.s32 s2, s16  }
0x8e: {  	[smem:$0x3FC0] =	sst s2  }
0x8f: {  	_ = 	snop  }
0x90: {  	(tm) =	ssettm $0x1  }
0x91: {  	s17 =	sld [smem:$0x3FFB];
	_ =	sdelay $0x3  }
0x92: {  	_ =	strace s17  }
0x93: {  	s2 =	sld [smem:$0x3FFC];
	_ =	sdelay $0x3  }
0x94: {  	_ =	strace s2  }
0x95: {  	s2 =	sld [smem:$0x3FFD];
	_ =	sdelay $0x3  }
0x96: {  	_ =	strace s2  }
0x97: {  	_ =	strace $0x8FFFFFFF  }
0x98: {  	s18 =	sld [smem:$0x3FDB];
	_ =	sdelay $0x1  }
0x99: {  	s19 =	simm.s32 $_scs_section_size  }
0x9a: {  	s4 =	simm.s32 $_size__tile_overlayer_lowered;
	s5 =	simm.s32 $_tile_overlayer_lowered  }
0x9b: {  	s22 =	simm.s32 $0x1BFF;
	s21 =	sshll.u32 s5, $0x1;
	s2 =	sadd.s32 s19, s18  }
0x9c: {  	s6 =	simm.s32 $0x0;
	s20 =	sshll.u32 s4, $0x1;
	s4 =	sadd.s32 s21, s2  }
0x9d: {  	[timem:s6], [sflag:s22] =	dma.local [hbm:s4], s20  }
0x9e: {  	_ =	swait.ge [sflag:s22], s20  }
0x9f: {  	s3 =	ssub.s32 $0x0, s20;
	[sflag:s22] =	ssyncset.done $0x0  }
0xa0: {  	[sflag:s22] =	ssyncadd.s32 s3;
	_ =	sdelay $0x1  }
0xa1: {  	s23 =	simm.s32 $0x1B8B  }
0xa2: {  	_ =	swait.ge [sflag:s23], $0x1  }
0xa3: {  	[sflag:s23] =	ssyncset.done $0x0  }
0xa4: {  	s25 =	simm.s32 $0x1B8E;
	s24 =	sld [smem:$0x3FFE];
	[sflag:s23] =	ssyncadd.s32 $0xFFFFFFFF  }
0xa5: {  	s26 =	simm.s32 $execute0_lowered;
	[smem:$0x3FD2] =	sst s25  }
0xa6: {  	s4 =	sshll.u32 s26, $0x1;
	_ =	strace $0x8000004C;
	[dreg:$0x1] =	wrdreg $0xFFFFFFFF  }
0xa7: {  	s28 =	simm.s32 $_size_execute0_lowered;
	s2 =	sadd.s32 s2, s4;
	[dreg:$0x0] =	wrdreg $0x0  }
0xa8: {  	s4 =	sshll.u32 s28, $0x1;
	[dreg:$0x2] =	wrdreg s2  }
0xa9: {  	[dreg:$0x3] =	wrdreg s4  }
0xaa: {  	[dreg:$0x4] =	wrdreg $0xC0  }
0xab: {  	_ =	task [dreg:s6], $0x5FFFF  }
0xac: {  	[dreg:$0x1] =	wrdreg $0xFFFFFFFF  }
0xad: {  	[dreg:$0x0] =	wrdreg $0x60  }
0xae: {  	[dreg:$0x2] =	wrdreg s24  }
0xaf: {  	[dreg:$0x3] =	wrdreg $0x9  }
0xb0: {  	_ =	task.clear_ibuf [dreg:s6], $0x4FFFF;
	_ =	strace $0x9000004C  }
0xb1: {  	s29 =	simm.s32 $0x9;
	_ =	strace $0x8000004E  }
0xb2: {  	_ =	swait.ge [sflag:s29], $0x1  }
0xb3: {  	[sflag:s29] =	ssyncadd.s32 $0xFFFFFFFF  }
0xb4: {  	_ =	strace $0x9000004E  }
0xb5: {  	_ =	sfence  }
0xb6: {  	s30 =	sld [smem:$0x0];
	_ =	sdelay $0x2  }
0xb7: {  	s31 =	sshll.u32 s1, $0xD;
	s1 =	sshrl.u32 s1, $0x2  }
0xb8: {  	s3 =	sand.u32 $0x4000, s31;
	s1 =	sadd.s32 s1, s30  }
0xb9: {  	s0 =	sor.u32 s3, s0;
	s1 =	sshll.u32 s1, $0x11  }
0xba: {  	s0 =	sor.u32 s1, s0  }
0xbb: {  	s0 =	sadd.s32 $0x8F2B, s0  }
0xbc: {  	[sflag:s0] =	ssyncadd.remote.s32 $0x1  }
0xbd: {  	_ =	sfence.sel $0xFFFF  }
0xbe: {  	[dreg:$0x0] =	wrdreg $0xFFFFFFFF;
	(pc) =	sbr.abs _section_cstart, $3  }
0xbf: {  	[dreg:$0x1] =	wrdreg $0xFFFFFFFF  }
0xc0: {  	_ =	task.clear_ibuf [dreg:s6], $0x2FFFF;
	_ =	strace $0x9FFFFFFF  }
0xc1: {  	(tm) =	ssettm $0x7FFFFFFF  }
tec
execute0_lowered:
.L_overlay_start_1:
0x0: {  	(tag) =	ssettag $0x1  }
0x1: {  	s5 =	rddreg [dreg:$0x0]  }
0x2: {  	s0 =	rddreg [dreg:$0x1]  }
0x3: {  	s2 =	simm.s32 $0x0;
	s3 =	srdreg.scid;
	s1 =	stileid.u32  }
0x4: {  	s10 =	simm.s32 $0x1;
	s11 =	simm.s32 $0x4650;
	s12 =	simm.s32 $0x4E20  }
0x5: {  	s13 =	simm.s32 $0x55F0;
	s14 =	simm.s32 $0x5DC0;
	s15 =	simm.s32 $0x0  }
0x6: {  	v0 =	vlaneseq.u32;
	[smem:$0x7FF] =	sst s2;
	s6 =	sand.u32 $0x1, s3;
	s3 =	sadd.s32 $0x2A00, s5  }
0x7: {  	s8 =	sshll.u32 s1, $0x1;
	s4 =	sadd.s32 $0x1C0800, s5;
	v0 =	vmul.u32 $0x8, v0;
	s7 =	ssub.s32 $0x2, s6  }
0x8: {  	s5 =	sadd.s32 $0x2E5800, s5;
	_ =	strace $0x8000004D;
	s9 =	sshrl.u32 s7, $0x1  }
0x9: {  	s6 =	sor.u32 s6, s8;
	s8 =	simm.s32 $0x2;
	v1 =	vor.u32 $0x3E00, v0;
	s7 =	ssub.s32 s7, s9  }
0xa: {  	s6 =	smul.u32 $0x3D090, s6;
	v2 =	vor.u32 $0x3E01, v0;
	v3 =	vor.u32 $0x3E02, v0;
	v4 =	vor.u32 $0x3E03, v0;
	s9 =	simm.s32 $0x7D0;
	s7 =	smax.u32 s7, $0x1  }
.LBB2_1:
0xb: {  	s16 =	simm.s32 $0x0  }
.LBB2_2:
0xc: {  	s17 =	smul.u32 $0x7D0, s16;
	_ =	sdelay $0x1  }
0xd: {  	s17 =	sadd.s32 s6, s17  }
0xe: {  	s17 =	sshrl.u32 s17, $0x3  }
0xf: {  	s19 =	simm.s32 $0x0;
	s18 =	sadd.s32 s3, s17  }
0x10: {  	[tilespmem:s19], [sflag:$0x2] =	stream.linear.gather [hbm4b:s18+s19], $0x7D0, $0x38;
	[tilespmem:$0x6590] =	vst v63  }
0x11: {  	v5 =	vmov s19;
	_ =	swait.ge [sflag:s8], $0x7D0  }
0x12: {  	v5 =	vshll.u32 v5, $0x3;
	[sflag:s8] =	ssyncset.done $0x0  }
0x13: {  	v5 =	vor.u32 v0, v5;
	[sflag:s8] =	ssyncadd.s32 $0xFFFFF830  }
0x14: {  	[tilespmem:s9], [sflag:$0x1] =	stream.indirect.gather [hbm4b:s4+s9], $0x4, s19, s9, $0xb8;
	[tilespmem:$0x6590] =	vst v63  }
0x15: {  	_ =	swait.ge [sflag:s10], $0x1F40  }
0x16: {  	[sflag:s10] =	ssyncset.done $0x0  }
0x17: {  	[sflag:s10] =	ssyncadd.s32 $0xFFFFE0C0  }
0x18: {  	v6 =	vld.idx.msk [tilespmem:v5+s9+$0x0], $0xffff  }
0x19: {  	v7 =	vor.u32 $0x1, v5;
	_ =	sdelay $0x2  }
0x1a: {  	s18 =	simm.s32 $0x4670  }
0x1b: {  	[tilespmem:s18+$0xFFFFFFE0] =	vst v6  }
0x1c: {  	v6 =	vld.idx.msk [tilespmem:v7+s9+$0x0], $0xffff  }
0x1d: {  	v7 =	vor.u32 $0x2, v5;
	_ =	sdelay $0x2  }
0x1e: {  	s20 =	simm.s32 $0x4E40  }
0x1f: {  	[tilespmem:s20+$0xFFFFFFE0] =	vst v6  }
0x20: {  	v6 =	vld.idx.msk [tilespmem:v7+s9+$0x0], $0xffff  }
0x21: {  	v5 =	vor.u32 $0x3, v5;
	_ =	sdelay $0x2  }
0x22: {  	s21 =	simm.s32 $0x5610;
	s30 =	simm.s32 $0x10  }
0x23: {  	[tilespmem:s21+$0xFFFFFFE0] =	vst v6;
	v6 =	vmov s30  }
0x24: {  	v5 =	vld.idx.msk [tilespmem:v5+s9+$0x0], $0xffff;
	v6 =	vshll.u32 v6, $0x3  }
0x25: {  	v6 =	vor.u32 v0, v6;
	_ =	sdelay $0x2  }
0x26: {  	s19 =	simm.s32 $0x5DE0  }
0x27: {  	[tilespmem:s19+$0xFFFFFFE0] =	vst v5  }
0x28: {  	v5 =	vld.idx.msk [tilespmem:v6+s9+$0x0], $0xffff  }
0x29: {  	v7 =	vor.u32 $0x1, v6;
	_ =	sdelay $0x3  }
0x2a: {  	[tilespmem:s18+$0xFFFFFFF0] =	vst v5  }
0x2b: {  	v5 =	vld.idx.msk [tilespmem:v7+s9+$0x0], $0xffff  }
0x2c: {  	v7 =	vor.u32 $0x2, v6;
	_ =	sdelay $0x3  }
0x2d: {  	[tilespmem:s20+$0xFFFFFFF0] =	vst v5  }
0x2e: {  	v5 =	vld.idx.msk [tilespmem:v7+s9+$0x0], $0xffff  }
0x2f: {  	v6 =	vor.u32 $0x3, v6;
	_ =	sdelay $0x2  }
0x30: {  	s22 =	simm.s32 $0x20  }
0x31: {  	[tilespmem:s21+$0xFFFFFFF0] =	vst v5;
	v5 =	vmov s22  }
0x32: {  	v6 =	vld.idx.msk [tilespmem:v6+s9+$0x0], $0xffff;
	v5 =	vshll.u32 v5, $0x3  }
0x33: {  	v5 =	vor.u32 v0, v5;
	_ =	sdelay $0x3  }
0x34: {  	[tilespmem:s19+$0xFFFFFFF0] =	vst v6  }
0x35: {  	v6 =	vld.idx.msk [tilespmem:v5+s9+$0x0], $0xffff  }
0x36: {  	v7 =	vor.u32 $0x1, v5;
	_ =	sdelay $0x3  }
0x37: {  	[tilespmem:s18+$0x0] =	vst v6  }
0x38: {  	v6 =	vld.idx.msk [tilespmem:v7+s9+$0x0], $0xffff  }
0x39: {  	v7 =	vor.u32 $0x2, v5;
	_ =	sdelay $0x3  }
0x3a: {  	[tilespmem:s20+$0x0] =	vst v6  }
0x3b: {  	v6 =	vld.idx.msk [tilespmem:v7+s9+$0x0], $0xffff  }
0x3c: {  	v5 =	vor.u32 $0x3, v5;
	_ =	sdelay $0x2  }
0x3d: {  	s31 =	simm.s32 $0x30  }
0x3e: {  	[tilespmem:s21+$0x0] =	vst v6;
	v6 =	vmov s31  }
0x3f: {  	v5 =	vld.idx.msk [tilespmem:v5+s9+$0x0], $0xffff;
	v6 =	vshll.u32 v6, $0x3  }
0x40: {  	v6 =	vor.u32 v0, v6;
	_ =	sdelay $0x3  }
0x41: {  	[tilespmem:s19+$0x0] =	vst v5  }
0x42: {  	v5 =	vld.idx.msk [tilespmem:v6+s9+$0x0], $0xffff  }
0x43: {  	v7 =	vor.u32 $0x1, v6;
	_ =	sdelay $0x3  }
0x44: {  	[tilespmem:s18+$0x10] =	vst v5  }
0x45: {  	v5 =	vld.idx.msk [tilespmem:v7+s9+$0x0], $0xffff  }
0x46: {  	v7 =	vor.u32 $0x2, v6;
	_ =	sdelay $0x3  }
0x47: {  	[tilespmem:s20+$0x10] =	vst v5  }
0x48: {  	v5 =	vld.idx.msk [tilespmem:v7+s9+$0x0], $0xffff  }
0x49: {  	v6 =	vor.u32 $0x3, v6;
	_ =	sdelay $0x2  }
0x4a: {  	s22 =	simm.s32 $0x40  }
0x4b: {  	v7 =	vmov s22;
	[tilespmem:s21+$0x10] =	vst v5  }
0x4c: {  	v5 =	vshll.u32 v7, $0x3;
	v6 =	vld.idx.msk [tilespmem:v6+s9+$0x0], $0xffff  }
0x4d: {  	v5 =	vor.u32 v0, v5;
	_ =	sdelay $0x2  }
0x4e: {  	s23 =	simm.s32 $0x4;
	s20 =	simm.s32 $0x5650;
	s21 =	simm.s32 $0x4E80  }
.LBB2_3:
0x4f: {  	s23 =	sadd.s32 $0x4, s23;
	[tilespmem:s19+$0x10] =	vst v6;
	s19 =	sadd.s32 $0x40, s19;
	s18 =	sadd.s32 $0x40, s18  }
0x50: {  	p0 =	slt.u32 s23, $0x78;
	v6 =	vld.idx.msk [tilespmem:v5+s9+$0x0], $0xffff;
	_ =	sdelay $0x1  }
0x51: {  	v7 =	vor.u32 $0x1, v5;
	_ =	sdelay $0x3  }
0x52: {  	[tilespmem:s18+$0xFFFFFFE0] =	vst v6  }
0x53: {  	v6 =	vld.idx.msk [tilespmem:v7+s9+$0x0], $0xffff;
	_ =	sdelay $0x1  }
0x54: {  	v7 =	vor.u32 $0x2, v5;
	_ =	sdelay $0x3  }
0x55: {  	[tilespmem:s21+$0xFFFFFFE0] =	vst v6  }
0x56: {  	v6 =	vld.idx.msk [tilespmem:v7+s9+$0x0], $0xffff;
	_ =	sdelay $0x1  }
0x57: {  	v5 =	vor.u32 $0x3, v5;
	_ =	sdelay $0x3  }
0x58: {  	s24 =	sadd.s32 $0x10, s22;
	[tilespmem:s20+$0xFFFFFFE0] =	vst v6  }
0x59: {  	v6 =	vmov s24;
	v5 =	vld.idx.msk [tilespmem:v5+s9+$0x0], $0xffff  }
0x5a: {  	v6 =	vshll.u32 v6, $0x3  }
0x5b: {  	v6 =	vor.u32 v0, v6;
	_ =	sdelay $0x3  }
0x5c: {  	[tilespmem:s19+$0xFFFFFFE0] =	vst v5  }
0x5d: {  	v5 =	vld.idx.msk [tilespmem:v6+s9+$0x0], $0xffff;
	_ =	sdelay $0x1  }
0x5e: {  	v7 =	vor.u32 $0x1, v6;
	_ =	sdelay $0x3  }
0x5f: {  	[tilespmem:s18+$0xFFFFFFF0] =	vst v5  }
0x60: {  	v5 =	vld.idx.msk [tilespmem:v7+s9+$0x0], $0xffff;
	_ =	sdelay $0x1  }
0x61: {  	v7 =	vor.u32 $0x2, v6;
	_ =	sdelay $0x3  }
0x62: {  	[tilespmem:s21+$0xFFFFFFF0] =	vst v5  }
0x63: {  	v5 =	vld.idx.msk [tilespmem:v7+s9+$0x0], $0xffff;
	_ =	sdelay $0x1  }
0x64: {  	v6 =	vor.u32 $0x3, v6;
	_ =	sdelay $0x3  }
0x65: {  	s24 =	sadd.s32 $0x20, s22;
	[tilespmem:s20+$0xFFFFFFF0] =	vst v5  }
0x66: {  	v5 =	vld.idx.msk [tilespmem:v6+s9+$0x0], $0xffff;
	v6 =	vmov s24  }
0x67: {  	v6 =	vshll.u32 v6, $0x3  }
0x68: {  	v6 =	vor.u32 v0, v6;
	_ =	sdelay $0x3  }
0x69: {  	[tilespmem:s19+$0xFFFFFFF0] =	vst v5  }
0x6a: {  	v5 =	vld.idx.msk [tilespmem:v6+s9+$0x0], $0xffff;
	_ =	sdelay $0x1  }
0x6b: {  	v7 =	vor.u32 $0x1, v6;
	_ =	sdelay $0x3  }
0x6c: {  	[tilespmem:s18+$0x0] =	vst v5  }
0x6d: {  	v5 =	vld.idx.msk [tilespmem:v7+s9+$0x0], $0xffff;
	_ =	sdelay $0x1  }
0x6e: {  	v7 =	vor.u32 $0x2, v6;
	_ =	sdelay $0x3  }
0x6f: {  	[tilespmem:s21+$0x0] =	vst v5  }
0x70: {  	v5 =	vld.idx.msk [tilespmem:v7+s9+$0x0], $0xffff;
	_ =	sdelay $0x1  }
0x71: {  	v6 =	vor.u32 $0x3, v6;
	_ =	sdelay $0x3  }
0x72: {  	s24 =	sadd.s32 $0x30, s22;
	[tilespmem:s20+$0x0] =	vst v5  }
0x73: {  	v5 =	vld.idx.msk [tilespmem:v6+s9+$0x0], $0xffff;
	v6 =	vmov s24  }
0x74: {  	v6 =	vshll.u32 v6, $0x3  }
0x75: {  	v6 =	vor.u32 v0, v6;
	_ =	sdelay $0x3  }
0x76: {  	[tilespmem:s19+$0x0] =	vst v5  }
0x77: {  	v5 =	vld.idx.msk [tilespmem:v6+s9+$0x0], $0xffff;
	_ =	sdelay $0x1  }
0x78: {  	v7 =	vor.u32 $0x1, v6;
	_ =	sdelay $0x3  }
0x79: {  	[tilespmem:s18+$0x10] =	vst v5  }
0x7a: {  	v5 =	vld.idx.msk [tilespmem:v7+s9+$0x0], $0xffff;
	_ =	sdelay $0x1  }
0x7b: {  	v7 =	vor.u32 $0x2, v6;
	_ =	sdelay $0x3  }
0x7c: {  	[tilespmem:s21+$0x10] =	vst v5  }
0x7d: {  	v5 =	vld.idx.msk [tilespmem:v7+s9+$0x0], $0xffff;
	_ =	sdelay $0x1  }
0x7e: {  	v6 =	vor.u32 $0x3, v6;
	_ =	sdelay $0x3  }
0x7f: {  	s22 =	sadd.s32 $0x40, s22;
	[tilespmem:s20+$0x10] =	vst v5  }
0x80: {  	v5 =	vmov s22;
	v6 =	vld.idx.msk [tilespmem:v6+s9+$0x0], $0xffff  }
.Ltmp0:
0x81: {  	v5 =	vshll.u32 v5, $0x3;
	(pc) =	sbr.rel @p0 .LBB2_3-.Ltmp0, $2  }
0x82: {  	v5 =	vor.u32 v0, v5;
	_ =	sdelay $0x2  }
0x83: {  	s21 =	sadd.s32 $0x40, s21;
	s20 =	sadd.s32 $0x40, s20  }
0x84: {  	_ =	sdelay $0x2  }
0x85: {  	[tilespmem:s19+$0x10] =	vst v6  }
0x86: {  	v6 =	vld.idx.msk [tilespmem:v5+s9+$0x0], $0xffff  }
0x87: {  	v7 =	vor.u32 $0x1, v5;
	_ =	sdelay $0x2  }
0x88: {  	s18 =	sadd.s32 $0x40, s18  }
0x89: {  	[tilespmem:s18+$0xFFFFFFE0] =	vst v6  }
0x8a: {  	v6 =	vld.idx.msk [tilespmem:v7+s9+$0x0], $0xffff  }
0x8b: {  	v7 =	vor.u32 $0x2, v5;
	_ =	sdelay $0x3  }
0x8c: {  	[tilespmem:s21+$0xFFFFFFE0] =	vst v6  }
0x8d: {  	v6 =	vld.idx.msk [tilespmem:v7+s9+$0x0], $0xffff  }
0x8e: {  	v5 =	vor.u32 $0x3, v5;
	_ =	sdelay $0x2  }
0x8f: {  	s23 =	sadd.s32 $0x10, s22  }
0x90: {  	[tilespmem:s20+$0xFFFFFFE0] =	vst v6;
	v6 =	vmov s23  }
0x91: {  	v5 =	vld.idx.msk [tilespmem:v5+s9+$0x0], $0xffff;
	v6 =	vshll.u32 v6, $0x3  }
0x92: {  	v6 =	vor.u32 v0, v6;
	_ =	sdelay $0x2  }
0x93: {  	s26 =	sadd.s32 $0x40, s19  }
0x94: {  	[tilespmem:s26+$0xFFFFFFE0] =	vst v5  }
0x95: {  	v5 =	vld.idx.msk [tilespmem:v6+s9+$0x0], $0xffff  }
0x96: {  	v7 =	vor.u32 $0x1, v6;
	_ =	sdelay $0x3  }
0x97: {  	[tilespmem:s18+$0xFFFFFFF0] =	vst v5  }
0x98: {  	v5 =	vld.idx.msk [tilespmem:v7+s9+$0x0], $0xffff  }
0x99: {  	v7 =	vor.u32 $0x2, v6;
	_ =	sdelay $0x3  }
0x9a: {  	[tilespmem:s21+$0xFFFFFFF0] =	vst v5  }
0x9b: {  	v5 =	vld.idx.msk [tilespmem:v7+s9+$0x0], $0xffff  }
0x9c: {  	v6 =	vor.u32 $0x3, v6;
	_ =	sdelay $0x2  }
0x9d: {  	s28 =	sadd.s32 $0x20, s22  }
0x9e: {  	[tilespmem:s20+$0xFFFFFFF0] =	vst v5;
	v5 =	vmov s28  }
0x9f: {  	v6 =	vld.idx.msk [tilespmem:v6+s9+$0x0], $0xffff;
	v5 =	vshll.u32 v5, $0x3  }
0xa0: {  	v5 =	vor.u32 v0, v5;
	_ =	sdelay $0x3  }
0xa1: {  	[tilespmem:s26+$0xFFFFFFF0] =	vst v6  }
0xa2: {  	v6 =	vld.idx.msk [tilespmem:v5+s9+$0x0], $0xffff  }
0xa3: {  	v7 =	vor.u32 $0x1, v5;
	_ =	sdelay $0x3  }
0xa4: {  	[tilespmem:s18+$0x0] =	vst v6  }
0xa5: {  	v6 =	vld.idx.msk [tilespmem:v7+s9+$0x0], $0xffff  }
0xa6: {  	v7 =	vor.u32 $0x2, v5;
	_ =	sdelay $0x3  }
0xa7: {  	[tilespmem:s21+$0x0] =	vst v6  }
0xa8: {  	v6 =	vld.idx.msk [tilespmem:v7+s9+$0x0], $0xffff  }
0xa9: {  	v5 =	vor.u32 $0x3, v5;
	_ =	sdelay $0x2  }
0xaa: {  	s29 =	sadd.s32 $0x30, s22  }
0xab: {  	[tilespmem:s20+$0x0] =	vst v6;
	v6 =	vmov s29  }
0xac: {  	v5 =	vld.idx.msk [tilespmem:v5+s9+$0x0], $0xffff;
	v6 =	vshll.u32 v6, $0x3  }
0xad: {  	v6 =	vor.u32 v0, v6;
	_ =	sdelay $0x3  }
0xae: {  	[tilespmem:s26+$0x0] =	vst v5  }
0xaf: {  	v5 =	vld.idx.msk [tilespmem:v6+s9+$0x0], $0xffff  }
0xb0: {  	v7 =	vor.u32 $0x1, v6;
	_ =	sdelay $0x3  }
0xb1: {  	[tilespmem:s18+$0x10] =	vst v5  }
0xb2: {  	v5 =	vld.idx.msk [tilespmem:v7+s9+$0x0], $0xffff  }
0xb3: {  	v7 =	vor.u32 $0x2, v6;
	_ =	sdelay $0x3  }
0xb4: {  	[tilespmem:s21+$0x10] =	vst v5  }
0xb5: {  	v5 =	vld.idx.msk [tilespmem:v7+s9+$0x0], $0xffff  }
0xb6: {  	v6 =	vor.u32 $0x3, v6;
	_ =	sdelay $0x3  }
0xb7: {  	[tilespmem:s20+$0x10] =	vst v5  }
0xb8: {  	v5 =	vld.idx.msk [tilespmem:v6+s9+$0x0], $0xffff;
	_ =	sdelay $0x4  }
0xb9: {  	[tilespmem:s26+$0x10] =	vst v5  }
0xba: {  	v5 =	vld.idx.msk [tilespmem:v1+s9+$0x0], $0xffff;
	_ =	sdelay $0x4  }
0xbb: {  	[tilespmem:$0x4E10] =	vst v5  }
0xbc: {  	v5 =	vld.idx.msk [tilespmem:v2+s9+$0x0], $0xffff;
	_ =	sdelay $0x4  }
0xbd: {  	[tilespmem:$0x55E0] =	vst v5  }
0xbe: {  	v5 =	vld.idx.msk [tilespmem:v3+s9+$0x0], $0xffff;
	_ =	sdelay $0x4  }
0xbf: {  	[tilespmem:$0x5DB0] =	vst v5  }
0xc0: {  	v5 =	vld.idx.msk [tilespmem:v4+s9+$0x0], $0xffff;
	_ =	sdelay $0x4  }
0xc1: {  	s17 =	sadd.s32 s5, s17;
	[tilespmem:$0x6580] =	vst v5  }
0xc2: {  	[hbm4b:s17+s2] =	stream.linear.scatter [tilespmem:s11], [sflag:$0x2], $0x7D0, $0x38;
	[tilespmem:$0x6590] =	vst v63  }
0xc3: {  	_ =	swait.ge [sflag:s8], $0x7D0  }
0xc4: {  	[sflag:s8] =	ssyncset.done $0x0  }
0xc5: {  	s30 =	sadd.s32 $0xF4240, s17;
	[sflag:s8] =	ssyncadd.s32 $0xFFFFF830  }
0xc6: {  	[hbm4b:s30+s2] =	stream.linear.scatter [tilespmem:s12], [sflag:$0x2], $0x7D0, $0x38;
	[tilespmem:$0x6590] =	vst v63  }
0xc7: {  	_ =	swait.ge [sflag:s8], $0x7D0  }
0xc8: {  	[sflag:s8] =	ssyncset.done $0x0  }
0xc9: {  	s31 =	sadd.s32 $0x1E8480, s17;
	[sflag:s8] =	ssyncadd.s32 $0xFFFFF830  }
0xca: {  	[hbm4b:s31+s2] =	stream.linear.scatter [tilespmem:s13], [sflag:$0x2], $0x7D0, $0x38;
	[tilespmem:$0x6590] =	vst v63  }
0xcb: {  	s16 =	sadd.s32 $0x1, s16;
	_ =	swait.ge [sflag:s8], $0x7D0  }
0xcc: {  	p0 =	sne.s32 s16, $0x7D;
	[sflag:s8] =	ssyncset.done $0x0  }
.Ltmp1:
0xcd: {  	s17 =	sadd.s32 $0x2DC6C0, s17;
	[sflag:s8] =	ssyncadd.s32 $0xFFFFF830;
	(pc) =	sbr.rel @p0 .LBB2_2-.Ltmp1, $4  }
0xce: {  	[hbm4b:s17+s2] =	stream.linear.scatter [tilespmem:s14], [sflag:$0x2], $0x7D0, $0x38;
	[tilespmem:$0x6590] =	vst v63  }
0xcf: {  	_ =	swait.ge [sflag:s8], $0x7D0  }
0xd0: {  	[sflag:s8] =	ssyncset.done $0x0  }
0xd1: {  	[sflag:s8] =	ssyncadd.s32 $0xFFFFF830  }
0xd2: {  	s15 =	sadd.s32 $0x1, s15  }
0xd3: {  	p0 =	sne.s32 s15, s7  }
.Ltmp2:
0xd4: {  	_ = 	snop;
	(pc) =	sbr.rel @p0 .LBB2_1-.Ltmp2, $1  }
0xd5: {  	_ =	sdelay $0x3  }
0xd6: {  	_ =	sfence.sel $0x180000  }
0xd7: {  	[bflag:$0x0] =	sbarrier.arrive $0xFFFF  }
0xd8: {  	p0 =	sne.s32 s1, $0x0;
	_ =	strace $0x9000004D  }
0xd9: {  	s0 =	sadd.s32 @!p0 $0x100000, s0;
	[bflag:$0x2] =	sbarrier.arrive $0xFFFF  }
0xda: {  	[sflag:s0] =	ssyncadd.tile.s32 @!p0 $0x1;
	_ =	shalt  }
.Lfunc_end2:
_tile_overlayer_lowered:
.L_overlay_start_2:
0xdb: {  	(tag) =	ssettag $0x2  }
0xdc: {  	s0 =	rddreg [dreg:$0x0];
	s2 =	stileid.u32  }
0xdd: {  	s1 =	rddreg [dreg:$0x1];
	p0 =	sne.s32 s2, $0x0  }
0xde: {  	s3 =	rddreg [dreg:$0x2];
	[bflag:$0x3] =	sbarrier.arrive $0xFFFF;
	s2 =	simm.s32 @!p0 $0x1C02  }
0xdf: {  	[timem:s3], [sflag:s2] =	dma.local @!p0 [hbm:s0], s1  }
0xe0: {  	s0 =	simm.s32 @!p0 $0x2  }
0xe1: {  	_ =	swait.ge @!p0 [sflag:s0], s1  }
0xe2: {  	s1 =	ssub.s32 @!p0 $0x0, s1;
	[sflag:s0] =	ssyncset.done @!p0 $0x0  }
0xe3: {  	[sflag:s0] =	ssyncadd.s32 @!p0 s1  }
0xe4: {  	[bflag:$0x3] =	sbarrier.arrive $0xFFFF  }
0xe5: {  	_ =	shalt  }

// kernel: kernel.6.cloned.1.call-start
scs
__scs_entry_jumppad:
0x0: {  	(pc) =	sbr.rel $0x88, $3  }
0x1: {  	(tag) =	ssettag $0x0;
	lr =	simm.s32 $0x1  }
0x2: {  	[smem:$0x3F99] =	sst lr;
	_ =	strace $0xD0000000  }
0x3: {  	_ = 	snop  }
0x4: {  	_ = 	snop  }
0x5: {  	_ = 	snop  }
0x6: {  	_ = 	snop  }
0x7: {  	_ = 	snop  }
__scs_overlays_trampoline_lowered:
0x8: {  	[smem:$0x3FA8] =	sst s0  }
0x9: {  	[smem:$0x3FA9] =	sst s1  }
0xa: {  	[smem:$0x3FAA] =	sst s2  }
0xb: {  	[smem:$0x3FAB] =	sst s3  }
0xc: {  	[smem:$0x3FAC] =	sst s4  }
0xd: {  	[smem:$0x3FAD] =	sst s5  }
0xe: {  	[smem:$0x3FAE] =	sst s6  }
0xf: {  	[smem:$0x3FAF] =	sst s7  }
0x10: {  	[smem:$0x3FB0] =	sst s8  }
0x11: {  	[smem:$0x3FB1] =	sst s9;
	s0 =	simm.s32 @!p0 $0x0  }
0x12: {  	s1 =	sld [smem:$0x3F97];
	s0 =	simm.s32 @p0 $0x1  }
0x13: {  	[smem:$0x3FB2] =	sst s0;
	s0 =	simm.s32 @!p1 $0x0  }
0x14: {  	s2 =	sld [smem:$0x3F96];
	s0 =	simm.s32 @p1 $0x1  }
0x15: {  	[smem:$0x3FB3] =	sst s0;
	s0 =	simm.s32 @!p2 $0x0  }
0x16: {  	s3 =	sld [smem:$0x3FDB];
	s0 =	simm.s32 @p2 $0x1  }
0x17: {  	s4 =	simm.s32 $0x1BF5;
	[smem:$0x3FB5] =	sst s0  }
0x18: {  	s0 =	sld [smem:$0x3F98];
	_ =	swait.ge [sflag:s4], $0x0  }
0x19: {  	s7 =	sld [smem:$0x3F99]  }
0x1a: {  	s8 =	sadd.s32 $0xFFFFE003, lr  }
0x1b: {  	s9 =	sadd.s32 $0xFFFFFEF7, lr;
	s5 =	simm.s32 $0xFFFFFFFF;
	p2 =	slt.u32 s8, $0xFFFFF086  }
0x1c: {  	p1 =	slt.u32 s9, $0xF7A;
	s5 =	simm.s32 @!p2 $0x0  }
0x1d: {  	s5 =	simm.s32 @p1 $0x1;
	p0 =	seq.s32 s7, s2  }
0x1e: {  	s7 =	smul.u32 @!p0 $0xF7A, s2;
	p2 =	seq.s32 @!p0 s5, $0x0  }
0x1f: {  	s9 =	smul.u32 $0xF7A, s1;
	s8 =	simm.s32 @!p0 $0x1BF5;
	p2 =	por !p2, p0  }
0x20: {  	[sflag:s8] =	ssyncset.s32 @!p0 $0xFFFFF086;
	s6 =	sadd.s32 @!p0 s3, s7;
	s7 =	simm.s32 @!p0 $0x108  }
0x21: {  	s3 =	sadd.s32 s3, s9;
	s6 =	sadd.s32 @!p0 $0x88, s6;
	s7 =	simm.s32 @p2 $0x1082  }
0x22: {  	[simem:s7], [sflag:s8] =	dma.local @!p0 [hbm:s6], $0xF7A  }
0x23: {  	s9 =	sor.u32 $0xD0000000, s2;
	s6 =	simm.s32 $0x108;
	_ =	swait.ge @!p0 [sflag:s8], $0x0  }
0x24: {  	s3 =	sadd.s32 $0x88, s3;
	s6 =	simm.s32 @!p1 $0x1082;
	[sflag:s4] =	ssyncset.s32 $0xFFFFF086  }
0x25: {  	[simem:s6], [sflag:s4] =	dma.local [hbm:s3], $0xF7A  }
0x26: {  	[smem:$0x3F99] =	sst s1;
	(tag) =	ssettag s2;
	_ =	strace s9  }
0x27: {  	s1 =	sld [smem:$0x3FA9]  }
0x28: {  	s2 =	sld [smem:$0x3FAA]  }
0x29: {  	s4 =	sld [smem:$0x3FAC]  }
0x2a: {  	p0 =	seq.s32 s5, $0x0;
	s5 =	sld [smem:$0x3FAD]  }
0x2b: {  	s6 =	sld [smem:$0x3FAE]  }
0x2c: {  	s7 =	sld [smem:$0x3FAF]  }
0x2d: {  	s3 =	simm.s32 $0x108;
	s8 =	sld [smem:$0x3FB0]  }
0x2e: {  	s3 =	simm.s32 @!p0 $0x1082;
	s9 =	sld [smem:$0x3FB1]  }
0x2f: {  	lr =	sadd.s32 s0, s3;
	s0 =	sld [smem:$0x3FA8]  }
0x30: {  	s3 =	sld [smem:$0x3FAB]  }
0x31: {  	[smem:$0x3FB4] =	sst s10  }
0x32: {  	s10 =	sld [smem:$0x3FB2];
	_ =	sdelay $0x3  }
0x33: {  	p0 =	seq.s32 s10, $0x1;
	s10 =	sld [smem:$0x3FB4];
	_ =	sdelay $0x3  }
0x34: {  	[smem:$0x3FB4] =	sst s10  }
0x35: {  	s10 =	sld [smem:$0x3FB3];
	_ =	sdelay $0x3  }
0x36: {  	p1 =	seq.s32 s10, $0x1;
	s10 =	sld [smem:$0x3FB4];
	_ =	sdelay $0x3  }
0x37: {  	[smem:$0x3FB4] =	sst s10  }
0x38: {  	s10 =	sld [smem:$0x3FB5]  }
0x39: {  	_ = 	snop;
	(pc) =	sbr.ind lr, $3  }
0x3a: {  	_ = 	snop  }
0x3b: {  	_ = 	snop  }
0x3c: {  	p2 =	seq.s32 s10, $0x1;
	s10 =	sld [smem:$0x3FB4]  }
0x3d: {  	_ =	shalt  }
0x3e: {  	_ =	shalt  }
0x3f: {  	_ =	shalt  }
0x40: {  	_ =	shalt  }
0x41: {  	_ =	shalt  }
0x42: {  	_ =	shalt  }
0x43: {  	_ =	shalt  }
0x44: {  	_ =	shalt  }
0x45: {  	_ =	shalt  }
0x46: {  	_ =	shalt  }
0x47: {  	_ =	shalt  }
0x48: {  	_ =	shalt  }
0x49: {  	_ =	shalt  }
0x4a: {  	_ =	shalt  }
0x4b: {  	_ =	shalt  }
0x4c: {  	_ =	shalt  }
0x4d: {  	_ =	shalt  }
0x4e: {  	_ =	shalt  }
0x4f: {  	_ =	shalt  }
0x50: {  	_ =	shalt  }
0x51: {  	_ =	shalt  }
0x52: {  	_ =	shalt  }
0x53: {  	_ =	shalt  }
0x54: {  	_ =	shalt  }
0x55: {  	_ =	shalt  }
0x56: {  	_ =	shalt  }
0x57: {  	_ =	shalt  }
0x58: {  	_ =	shalt  }
0x59: {  	_ =	shalt  }
0x5a: {  	_ =	shalt  }
0x5b: {  	_ =	shalt  }
0x5c: {  	_ =	shalt  }
0x5d: {  	_ =	shalt  }
0x5e: {  	_ =	shalt  }
0x5f: {  	_ =	shalt  }
0x60: {  	_ =	shalt  }
0x61: {  	_ =	shalt  }
0x62: {  	_ =	shalt  }
0x63: {  	_ =	shalt  }
0x64: {  	_ =	shalt  }
0x65: {  	_ =	shalt  }
0x66: {  	_ =	shalt  }
0x67: {  	_ =	shalt  }
0x68: {  	_ =	shalt  }
0x69: {  	_ =	shalt  }
0x6a: {  	_ =	shalt  }
0x6b: {  	_ =	shalt  }
0x6c: {  	_ =	shalt  }
0x6d: {  	_ =	shalt  }
0x6e: {  	_ =	shalt  }
0x6f: {  	_ =	shalt  }
0x70: {  	_ =	shalt  }
0x71: {  	_ =	shalt  }
0x72: {  	_ =	shalt  }
0x73: {  	_ =	shalt  }
0x74: {  	_ =	shalt  }
0x75: {  	_ =	shalt  }
0x76: {  	_ =	shalt  }
0x77: {  	_ =	shalt  }
0x78: {  	_ =	shalt  }
0x79: {  	_ =	shalt  }
0x7a: {  	_ =	shalt  }
0x7b: {  	_ =	shalt  }
0x7c: {  	_ =	shalt  }
0x7d: {  	_ =	shalt  }
0x7e: {  	_ =	shalt  }
0x7f: {  	_ =	shalt  }
0x80: {  	_ =	shalt  }
0x81: {  	_ =	shalt  }
0x82: {  	_ =	shalt  }
0x83: {  	_ =	shalt  }
0x84: {  	_ =	shalt  }
0x85: {  	_ =	shalt  }
0x86: {  	_ =	shalt  }
0x87: {  	_ =	shalt  }
.Lfunc_end0:
.L_simem_size_0:
called_computation_lowered:
.L_overlay_start_0:
0x88: {  	s2 =	sld [smem:$0x3FD9]  }
0x89: {  	s3 =	sld [smem:$0x3FFE];
	_ =	sdelay $0x1  }
0x8a: {  	s1 =	srdreg.scid  }
0x8b: {  	s0 =	sand.u32 $0x1, s1  }
0x8c: {  	s16 =	sshll.u32 s0, $0xA;
	s2 =	sadd.s32 s3, s2  }
0x8d: {  	s2 =	sadd.s32 s2, s16  }
0x8e: {  	[smem:$0x3FC0] =	sst s2  }
0x8f: {  	_ = 	snop  }
0x90: {  	(tm) =	ssettm $0x1  }
0x91: {  	s17 =	sld [smem:$0x3FFB];
	_ =	sdelay $0x3  }
0x92: {  	_ =	strace s17  }
0x93: {  	s2 =	sld [smem:$0x3FFC];
	_ =	sdelay $0x3  }
0x94: {  	_ =	strace s2  }
0x95: {  	s2 =	sld [smem:$0x3FFD];
	_ =	sdelay $0x3  }
0x96: {  	_ =	strace s2  }
0x97: {  	_ =	strace $0x8FFFFFFF  }
0x98: {  	s18 =	sld [smem:$0x3FDB];
	_ =	sdelay $0x1  }
0x99: {  	s19 =	simm.s32 $_scs_section_size  }
0x9a: {  	s4 =	simm.s32 $_size__tile_overlayer_lowered;
	s5 =	simm.s32 $_tile_overlayer_lowered  }
0x9b: {  	s22 =	simm.s32 $0x1BFF;
	s21 =	sshll.u32 s5, $0x1;
	s2 =	sadd.s32 s19, s18  }
0x9c: {  	s6 =	simm.s32 $0x0;
	s20 =	sshll.u32 s4, $0x1;
	s4 =	sadd.s32 s21, s2  }
0x9d: {  	[timem:s6], [sflag:s22] =	dma.local [hbm:s4], s20  }
0x9e: {  	_ =	swait.ge [sflag:s22], s20  }
0x9f: {  	s3 =	ssub.s32 $0x0, s20;
	[sflag:s22] =	ssyncset.done $0x0  }
0xa0: {  	[sflag:s22] =	ssyncadd.s32 s3;
	_ =	sdelay $0x1  }
0xa1: {  	s23 =	simm.s32 $0x1B8B  }
0xa2: {  	_ =	swait.ge [sflag:s23], $0x1  }
0xa3: {  	[sflag:s23] =	ssyncset.done $0x0  }
0xa4: {  	s25 =	simm.s32 $0x1B8E;
	s24 =	sld [smem:$0x3FFE];
	[sflag:s23] =	ssyncadd.s32 $0xFFFFFFFF  }
0xa5: {  	s26 =	simm.s32 $execute0_lowered;
	[smem:$0x3FD2] =	sst s25  }
0xa6: {  	s4 =	sshll.u32 s26, $0x1;
	_ =	strace $0x80000046;
	[dreg:$0x1] =	wrdreg $0xFFFFFFFF  }
0xa7: {  	s28 =	simm.s32 $_size_execute0_lowered;
	s2 =	sadd.s32 s2, s4;
	[dreg:$0x0] =	wrdreg $0x0  }
0xa8: {  	s4 =	sshll.u32 s28, $0x1;
	[dreg:$0x2] =	wrdreg s2  }
0xa9: {  	[dreg:$0x3] =	wrdreg s4  }
0xaa: {  	[dreg:$0x4] =	wrdreg $0xC0  }
0xab: {  	_ =	task [dreg:s6], $0x5FFFF  }
0xac: {  	[dreg:$0x1] =	wrdreg $0xFFFFFFFF  }
0xad: {  	[dreg:$0x0] =	wrdreg $0x60  }
0xae: {  	[dreg:$0x2] =	wrdreg s24  }
0xaf: {  	[dreg:$0x3] =	wrdreg $0x9  }
0xb0: {  	_ =	task.clear_ibuf [dreg:s6], $0x4FFFF;
	_ =	strace $0x90000046  }
0xb1: {  	s29 =	simm.s32 $0x9;
	_ =	strace $0x80000048  }
0xb2: {  	_ =	swait.ge [sflag:s29], $0x1  }
0xb3: {  	[sflag:s29] =	ssyncadd.s32 $0xFFFFFFFF  }
0xb4: {  	_ =	strace $0x90000048  }
0xb5: {  	_ =	sfence  }
0xb6: {  	s30 =	sld [smem:$0x0];
	_ =	sdelay $0x2  }
0xb7: {  	s31 =	sshll.u32 s1, $0xD;
	s1 =	sshrl.u32 s1, $0x2  }
0xb8: {  	s3 =	sand.u32 $0x4000, s31;
	s1 =	sadd.s32 s1, s30  }
0xb9: {  	s0 =	sor.u32 s3, s0;
	s1 =	sshll.u32 s1, $0x11  }
0xba: {  	s0 =	sor.u32 s1, s0  }
0xbb: {  	s0 =	sadd.s32 $0x8F2B, s0  }
0xbc: {  	[sflag:s0] =	ssyncadd.remote.s32 $0x1  }
0xbd: {  	_ =	sfence.sel $0xFFFF  }
0xbe: {  	[dreg:$0x0] =	wrdreg $0xFFFFFFFF;
	(pc) =	sbr.abs _section_cstart, $3  }
0xbf: {  	[dreg:$0x1] =	wrdreg $0xFFFFFFFF  }
0xc0: {  	_ =	task.clear_ibuf [dreg:s6], $0x2FFFF;
	_ =	strace $0x9FFFFFFF  }
0xc1: {  	(tm) =	ssettm $0x7FFFFFFF  }
tec
execute0_lowered:
.L_overlay_start_1:
0x0: {  	(tag) =	ssettag $0x1  }
0x1: {  	s0 =	srdreg.scid;
	s5 =	rddreg [dreg:$0x0]  }
0x2: {  	s1 =	stileid.u32;
	s2 =	simm.s32 $0x0;
	s4 =	sand.u32 $0x1, s0  }
0x3: {  	s9 =	simm.s32 $0x0;
	s0 =	rddreg [dreg:$0x1];
	s3 =	sshll.u32 s4, $0x4  }
0x4: {  	[smem:$0x7FF] =	sst s2;
	s31 =	smul.u32 $0x12500, s1;
	s3 =	sor.u32 s1, s3  }
0x5: {  	s7 =	ssub.s32 $0x2, s4;
	_ =	strace $0x80000047;
	s6 =	smul.u32 $0x24A0, s3  }
0x6: {  	s4 =	smul.u32 $0x3D0900, s4;
	s8 =	sshrl.u32 s7, $0x1;
	s3 =	sadd.s32 $0x2A00, s5  }
0x7: {  	v2 =	vlaneseq.u32;
	s30 =	ssub.s32 s7, s8;
	s7 =	simm.s32 $0x12500;
	s5 =	sadd.s32 s6, s5  }
0x8: {  	v1 =	vimm.s32 $0xFFFFFFFF;
	v2 =	vmul.u32 $0x8, v2;
	v0 =	vmov s31;
	s8 =	simm.s32 $0x1;
	s6 =	smax.u32 s30, $0x1;
	s5 =	sadd.s32 $0xF7000, s5  }
.LBB2_1:
0x9: {  	s10 =	simm.s32 $0x20  }
0xa: {  	[tilespmem:s10+$0xFFFFFFE0] =	vst v1  }
0xb: {  	[tilespmem:s10+$0x10] =	vst v1  }
0xc: {  	s11 =	simm.s32 $0x0;
	[tilespmem:s10+$0x0] =	vst v1  }
.LBB2_2:
0xd: {  	s11 =	sadd.s32 $0x4, s11  }
0xe: {  	[tilespmem:s10+$0xFFFFFFF0] =	vst v1;
	s10 =	sadd.s32 $0x40, s10;
	p0 =	slt.u32 s11, $0x124C  }
.Ltmp0:
0xf: {  	[tilespmem:s10+$0xFFFFFFE0] =	vst v1;
	(pc) =	sbr.rel @p0 .LBB2_2-.Ltmp0, $3  }
0x10: {  	_ =	sdelay $0x1  }
0x11: {  	[tilespmem:s10+$0x10] =	vst v1  }
0x12: {  	[tilespmem:s10+$0x0] =	vst v1  }
0x13: {  	[tilespmem:s10+$0xFFFFFFF0] =	vst v1;
	s10 =	simm.s32 $0x0  }
.LBB2_4:
0x14: {  	s11 =	smul.u32 $0x4E20, s10;
	_ =	sdelay $0x1  }
0x15: {  	s11 =	sadd.s32 s4, s11  }
0x16: {  	s12 =	smulhi.u32 $0x431BDE83, s11;
	_ =	sdelay $0x1  }
0x17: {  	s12 =	sshrl.u32 s12, $0x12  }
0x18: {  	s14 =	smul.u32 $0xFFF0BDC0, s12  }
0x19: {  	s13 =	sshrl.u32 s11, $0x3  }
0x1a: {  	s13 =	sadd.s32 s3, s13;
	s11 =	sadd.s32 s11, s14  }
0x1b: {  	[tilespmem:s7], [sflag:$0x1] =	stream.linear.gather [hbm4b:s13+s2], $0x4E20, $0x38;
	v3 =	vmov s11;
	[tilespmem:$0x17320] =	vst v63  }
0x1c: {  	_ =	swait.ge [sflag:s8], $0x4E20;
	v3 =	vshll.u32 v3, $0x3  }
0x1d: {  	s13 =	simm.s32 $0x12580;
	[sflag:s8] =	ssyncset.done $0x0;
	v3 =	vor.u32 v2, v3  }
0x1e: {  	[sflag:s8] =	ssyncadd.s32 $0xFFFFB1E0;
	s11 =	simm.s32 $0xFFFFFFF0;
	v3 =	vadd.s32 s12, v3;
	s12 =	simm.s32 $0x780  }
.LBB2_5:
0x1f: {  	v4 =	vld [tilespmem:s13+$0xFFFFFF80];
	_ =	sdelay $0x4  }
0x20: {  	v5 =	vsub.s32 v4, v0  }
0x21: {  	v4 =	vand.u32 $0x7, v4;
	vm0 =	vlt.u32 v5, $0x12500;
	v5 =	vand.u32 $0xFFFFFFF8, v5  }
0x22: {  	v4 =	vor.u32 v4, v5;
	_ =	sdelay $0x4  }
0x23: {  	v5 =	vld.idx.msk [tilespmem:v4+s2+$0x0], vm0;
	_ =	sdelay $0x2  }
0x24: {  	s14 =	sadd.s32 $0xFFFFF880, s12  }
0x25: {  	v6 =	vadd.s32 s14, v3  }
0x26: {  	vm1 =	vgt.s32 v6, v5  }
0x27: {  	vm0 =	vmand vm0, vm1;
	_ =	sdelay $0x5  }
0x28: {  	[tilespmem:v4+s2+$0x0] =	vst.idx.msk vm0, v6  }
0x29: {  	v4 =	vld [tilespmem:s13+$0xFFFFFF90];
	_ =	sdelay $0x4  }
0x2a: {  	v5 =	vsub.s32 v4, v0  }
0x2b: {  	v4 =	vand.u32 $0x7, v4;
	vm10 =	vlt.u32 v5, $0x12500;
	v5 =	vand.u32 $0xFFFFFFF8, v5  }
0x2c: {  	v4 =	vor.u32 v4, v5;
	_ =	sdelay $0x4  }
0x2d: {  	v5 =	vld.idx.msk [tilespmem:v4+s2+$0x0], vm10;
	_ =	sdelay $0x2  }
0x2e: {  	s17 =	sadd.s32 $0xFFFFF900, s12  }
0x2f: {  	v49 =	vadd.s32 s17, v3  }
0x30: {  	vm11 =	vgt.s32 v49, v5  }
0x31: {  	vm0 =	vmand vm10, vm11;
	_ =	sdelay $0x5  }
0x32: {  	[tilespmem:v4+s2+$0x0] =	vst.idx.msk vm0, v49  }
0x33: {  	v4 =	vld [tilespmem:s13+$0xFFFFFFA0];
	_ =	sdelay $0x4  }
0x34: {  	v5 =	vsub.s32 v4, v0  }
0x35: {  	v4 =	vand.u32 $0x7, v4;
	vm12 =	vlt.u32 v5, $0x12500;
	v5 =	vand.u32 $0xFFFFFFF8, v5  }
0x36: {  	v4 =	vor.u32 v4, v5;
	_ =	sdelay $0x4  }
0x37: {  	v5 =	vld.idx.msk [tilespmem:v4+s2+$0x0], vm12;
	_ =	sdelay $0x2  }
0x38: {  	s18 =	sadd.s32 $0xFFFFF980, s12  }
0x39: {  	v50 =	vadd.s32 s18, v3  }
0x3a: {  	vm13 =	vgt.s32 v50, v5  }
0x3b: {  	vm0 =	vmand vm12, vm13;
	_ =	sdelay $0x5  }
0x3c: {  	[tilespmem:v4+s2+$0x0] =	vst.idx.msk vm0, v50  }
0x3d: {  	v4 =	vld [tilespmem:s13+$0xFFFFFFB0];
	_ =	sdelay $0x4  }
0x3e: {  	v5 =	vsub.s32 v4, v0  }
0x3f: {  	v4 =	vand.u32 $0x7, v4;
	vm14 =	vlt.u32 v5, $0x12500;
	v5 =	vand.u32 $0xFFFFFFF8, v5  }
0x40: {  	v4 =	vor.u32 v4, v5;
	_ =	sdelay $0x4  }
0x41: {  	v5 =	vld.idx.msk [tilespmem:v4+s2+$0x0], vm14;
	_ =	sdelay $0x2  }
0x42: {  	s19 =	sadd.s32 $0xFFFFFA00, s12  }
0x43: {  	v51 =	vadd.s32 s19, v3  }
0x44: {  	vm15 =	vgt.s32 v51, v5  }
0x45: {  	vm0 =	vmand vm14, vm15;
	_ =	sdelay $0x5  }
0x46: {  	[tilespmem:v4+s2+$0x0] =	vst.idx.msk vm0, v51  }
0x47: {  	v4 =	vld [tilespmem:s13+$0xFFFFFFC0];
	_ =	sdelay $0x4  }
0x48: {  	v5 =	vsub.s32 v4, v0  }
0x49: {  	v4 =	vand.u32 $0x7, v4;
	vm4 =	vlt.u32 v5, $0x12500;
	v5 =	vand.u32 $0xFFFFFFF8, v5  }
0x4a: {  	v4 =	vor.u32 v4, v5;
	_ =	sdelay $0x4  }
0x4b: {  	v5 =	vld.idx.msk [tilespmem:v4+s2+$0x0], vm4;
	_ =	sdelay $0x2  }
0x4c: {  	s20 =	sadd.s32 $0xFFFFFA80, s12  }
0x4d: {  	v52 =	vadd.s32 s20, v3  }
0x4e: {  	vm5 =	vgt.s32 v52, v5  }
0x4f: {  	vm0 =	vmand vm4, vm5;
	_ =	sdelay $0x5  }
0x50: {  	[tilespmem:v4+s2+$0x0] =	vst.idx.msk vm0, v52  }
0x51: {  	v4 =	vld [tilespmem:s13+$0xFFFFFFD0];
	_ =	sdelay $0x4  }
0x52: {  	v5 =	vsub.s32 v4, v0  }
0x53: {  	v4 =	vand.u32 $0x7, v4;
	vm6 =	vlt.u32 v5, $0x12500;
	v5 =	vand.u32 $0xFFFFFFF8, v5  }
0x54: {  	v4 =	vor.u32 v4, v5;
	_ =	sdelay $0x4  }
0x55: {  	v5 =	vld.idx.msk [tilespmem:v4+s2+$0x0], vm6;
	_ =	sdelay $0x2  }
0x56: {  	s21 =	sadd.s32 $0xFFFFFB00, s12  }
0x57: {  	v53 =	vadd.s32 s21, v3  }
0x58: {  	vm7 =	vgt.s32 v53, v5  }
0x59: {  	vm0 =	vmand vm6, vm7;
	_ =	sdelay $0x5  }
0x5a: {  	[tilespmem:v4+s2+$0x0] =	vst.idx.msk vm0, v53  }
0x5b: {  	v4 =	vld [tilespmem:s13+$0xFFFFFFE0];
	_ =	sdelay $0x4  }
0x5c: {  	v5 =	vsub.s32 v4, v0  }
0x5d: {  	v4 =	vand.u32 $0x7, v4;
	vm8 =	vlt.u32 v5, $0x12500;
	v5 =	vand.u32 $0xFFFFFFF8, v5  }
0x5e: {  	v4 =	vor.u32 v4, v5;
	_ =	sdelay $0x4  }
0x5f: {  	v5 =	vld.idx.msk [tilespmem:v4+s2+$0x0], vm8;
	_ =	sdelay $0x2  }
0x60: {  	s22 =	sadd.s32 $0xFFFFFB80, s12  }
0x61: {  	v54 =	vadd.s32 s22, v3  }
0x62: {  	vm9 =	vgt.s32 v54, v5  }
0x63: {  	vm0 =	vmand vm8, vm9;
	_ =	sdelay $0x5  }
0x64: {  	[tilespmem:v4+s2+$0x0] =	vst.idx.msk vm0, v54  }
0x65: {  	v4 =	vld [tilespmem:s13+$0xFFFFFFF0];
	_ =	sdelay $0x4  }
0x66: {  	v5 =	vsub.s32 v4, v0  }
0x67: {  	v4 =	vand.u32 $0x7, v4;
	vm10 =	vlt.u32 v5, $0x12500;
	v5 =	vand.u32 $0xFFFFFFF8, v5  }
0x68: {  	v4 =	vor.u32 v4, v5;
	_ =	sdelay $0x4  }
0x69: {  	v5 =	vld.idx.msk [tilespmem:v4+s2+$0x0], vm10;
	_ =	sdelay $0x2  }
0x6a: {  	s23 =	sadd.s32 $0xFFFFFC00, s12  }
0x6b: {  	v55 =	vadd.s32 s23, v3  }
0x6c: {  	vm11 =	vgt.s32 v55, v5  }
0x6d: {  	vm0 =	vmand vm10, vm11;
	_ =	sdelay $0x5  }
0x6e: {  	[tilespmem:v4+s2+$0x0] =	vst.idx.msk vm0, v55  }
0x6f: {  	v4 =	vld [tilespmem:s13+$0x0];
	_ =	sdelay $0x4  }
0x70: {  	v5 =	vsub.s32 v4, v0  }
0x71: {  	v4 =	vand.u32 $0x7, v4;
	vm12 =	vlt.u32 v5, $0x12500;
	v5 =	vand.u32 $0xFFFFFFF8, v5  }
0x72: {  	v4 =	vor.u32 v4, v5;
	_ =	sdelay $0x4  }
0x73: {  	v5 =	vld.idx.msk [tilespmem:v4+s2+$0x0], vm12;
	_ =	sdelay $0x2  }
0x74: {  	s24 =	sadd.s32 $0xFFFFFC80, s12  }
0x75: {  	v56 =	vadd.s32 s24, v3  }
0x76: {  	vm13 =	vgt.s32 v56, v5  }
0x77: {  	vm0 =	vmand vm12, vm13;
	_ =	sdelay $0x5  }
0x78: {  	[tilespmem:v4+s2+$0x0] =	vst.idx.msk vm0, v56  }
0x79: {  	v4 =	vld [tilespmem:s13+$0x10];
	_ =	sdelay $0x4  }
0x7a: {  	v5 =	vsub.s32 v4, v0  }
0x7b: {  	v4 =	vand.u32 $0x7, v4;
	vm14 =	vlt.u32 v5, $0x12500;
	v5 =	vand.u32 $0xFFFFFFF8, v5  }
0x7c: {  	v4 =	vor.u32 v4, v5;
	_ =	sdelay $0x4  }
0x7d: {  	v5 =	vld.idx.msk [tilespmem:v4+s2+$0x0], vm14;
	_ =	sdelay $0x2  }
0x7e: {  	s25 =	sadd.s32 $0xFFFFFD00, s12  }
0x7f: {  	v57 =	vadd.s32 s25, v3  }
0x80: {  	vm15 =	vgt.s32 v57, v5  }
0x81: {  	vm0 =	vmand vm14, vm15;
	_ =	sdelay $0x5  }
0x82: {  	[tilespmem:v4+s2+$0x0] =	vst.idx.msk vm0, v57  }
0x83: {  	v4 =	vld [tilespmem:s13+$0x20];
	_ =	sdelay $0x4  }
0x84: {  	v5 =	vsub.s32 v4, v0  }
0x85: {  	v4 =	vand.u32 $0x7, v4;
	vm4 =	vlt.u32 v5, $0x12500;
	v5 =	vand.u32 $0xFFFFFFF8, v5  }
0x86: {  	v4 =	vor.u32 v4, v5;
	_ =	sdelay $0x4  }
0x87: {  	v5 =	vld.idx.msk [tilespmem:v4+s2+$0x0], vm4;
	_ =	sdelay $0x2  }
0x88: {  	s26 =	sadd.s32 $0xFFFFFD80, s12  }
0x89: {  	v58 =	vadd.s32 s26, v3  }
0x8a: {  	vm5 =	vgt.s32 v58, v5  }
0x8b: {  	vm0 =	vmand vm4, vm5;
	_ =	sdelay $0x5  }
0x8c: {  	[tilespmem:v4+s2+$0x0] =	vst.idx.msk vm0, v58  }
0x8d: {  	v4 =	vld [tilespmem:s13+$0x30];
	_ =	sdelay $0x4  }
0x8e: {  	v5 =	vsub.s32 v4, v0  }
0x8f: {  	v4 =	vand.u32 $0x7, v4;
	vm6 =	vlt.u32 v5, $0x12500;
	v5 =	vand.u32 $0xFFFFFFF8, v5  }
0x90: {  	v4 =	vor.u32 v4, v5;
	_ =	sdelay $0x4  }
0x91: {  	v5 =	vld.idx.msk [tilespmem:v4+s2+$0x0], vm6;
	_ =	sdelay $0x2  }
0x92: {  	s28 =	sadd.s32 $0xFFFFFE00, s12  }
0x93: {  	v59 =	vadd.s32 s28, v3  }
0x94: {  	vm7 =	vgt.s32 v59, v5  }
0x95: {  	vm0 =	vmand vm6, vm7;
	_ =	sdelay $0x5  }
0x96: {  	[tilespmem:v4+s2+$0x0] =	vst.idx.msk vm0, v59  }
0x97: {  	v4 =	vld [tilespmem:s13+$0x40];
	_ =	sdelay $0x4  }
0x98: {  	v5 =	vsub.s32 v4, v0  }
0x99: {  	v4 =	vand.u32 $0x7, v4;
	vm8 =	vlt.u32 v5, $0x12500;
	v5 =	vand.u32 $0xFFFFFFF8, v5  }
0x9a: {  	v4 =	vor.u32 v4, v5;
	_ =	sdelay $0x4  }
0x9b: {  	v5 =	vld.idx.msk [tilespmem:v4+s2+$0x0], vm8;
	_ =	sdelay $0x2  }
0x9c: {  	s29 =	sadd.s32 $0xFFFFFE80, s12  }
0x9d: {  	v60 =	vadd.s32 s29, v3  }
0x9e: {  	vm9 =	vgt.s32 v60, v5  }
0x9f: {  	vm0 =	vmand vm8, vm9;
	_ =	sdelay $0x5  }
0xa0: {  	[tilespmem:v4+s2+$0x0] =	vst.idx.msk vm0, v60  }
0xa1: {  	v4 =	vld [tilespmem:s13+$0x50];
	_ =	sdelay $0x4  }
0xa2: {  	v5 =	vsub.s32 v4, v0  }
0xa3: {  	v4 =	vand.u32 $0x7, v4;
	vm10 =	vlt.u32 v5, $0x12500;
	v5 =	vand.u32 $0xFFFFFFF8, v5  }
0xa4: {  	v4 =	vor.u32 v4, v5;
	_ =	sdelay $0x4  }
0xa5: {  	v5 =	vld.idx.msk [tilespmem:v4+s2+$0x0], vm10;
	_ =	sdelay $0x2  }
0xa6: {  	s30 =	sadd.s32 $0xFFFFFF00, s12  }
0xa7: {  	v61 =	vadd.s32 s30, v3  }
0xa8: {  	vm11 =	vgt.s32 v61, v5  }
0xa9: {  	vm0 =	vmand vm10, vm11;
	_ =	sdelay $0x5  }
0xaa: {  	[tilespmem:v4+s2+$0x0] =	vst.idx.msk vm0, v61  }
0xab: {  	v4 =	vld [tilespmem:s13+$0x60];
	_ =	sdelay $0x4  }
0xac: {  	v5 =	vsub.s32 v4, v0  }
0xad: {  	v4 =	vand.u32 $0x7, v4;
	vm12 =	vlt.u32 v5, $0x12500;
	v5 =	vand.u32 $0xFFFFFFF8, v5  }
0xae: {  	v4 =	vor.u32 v4, v5;
	_ =	sdelay $0x4  }
0xaf: {  	v5 =	vld.idx.msk [tilespmem:v4+s2+$0x0], vm12;
	_ =	sdelay $0x2  }
0xb0: {  	s31 =	sadd.s32 $0xFFFFFF80, s12  }
0xb1: {  	v62 =	vadd.s32 s31, v3  }
0xb2: {  	vm13 =	vgt.s32 v62, v5  }
0xb3: {  	vm0 =	vmand vm12, vm13;
	_ =	sdelay $0x5  }
0xb4: {  	[tilespmem:v4+s2+$0x0] =	vst.idx.msk vm0, v62  }
0xb5: {  	v4 =	vld [tilespmem:s13+$0x70];
	_ =	sdelay $0x4  }
0xb6: {  	v5 =	vsub.s32 v4, v0  }
0xb7: {  	v4 =	vand.u32 $0x7, v4;
	vm14 =	vlt.u32 v5, $0x12500;
	v5 =	vand.u32 $0xFFFFFFF8, v5  }
0xb8: {  	v4 =	vor.u32 v4, v5;
	_ =	sdelay $0x4  }
0xb9: {  	v5 =	vld.idx.msk [tilespmem:v4+s2+$0x0], vm14;
	_ =	sdelay $0x3  }
0xba: {  	v63 =	vadd.s32 s12, v3  }
0xbb: {  	vm15 =	vgt.s32 v63, v5  }
0xbc: {  	s11 =	sadd.s32 $0x10, s11;
	vm0 =	vmand vm14, vm15  }
0xbd: {  	p0 =	slt.u32 s11, $0x4D0  }
.Ltmp1:
0xbe: {  	_ = 	snop;
	(pc) =	sbr.rel @p0 .LBB2_5-.Ltmp1, $2  }
0xbf: {  	_ =	sdelay $0x2  }
0xc0: {  	s12 =	sadd.s32 $0x800, s12;
	s13 =	sadd.s32 $0x100, s13;
	[tilespmem:v4+s2+$0x0] =	vst.idx.msk vm0, v63  }
0xc1: {  	v4 =	vld [tilespmem:$0x17300];
	_ =	sdelay $0x4  }
0xc2: {  	v5 =	vsub.s32 v4, v0  }
0xc3: {  	v4 =	vand.u32 $0x7, v4;
	vm0 =	vlt.u32 v5, $0x12500;
	v5 =	vand.u32 $0xFFFFFFF8, v5  }
0xc4: {  	v4 =	vor.u32 v4, v5;
	_ =	sdelay $0x4  }
0xc5: {  	v5 =	vld.idx.msk [tilespmem:v4+s2+$0x0], vm0;
	_ =	sdelay $0x3  }
0xc6: {  	v6 =	vadd.s32 $0x27000, v3  }
0xc7: {  	vm1 =	vgt.s32 v6, v5  }
0xc8: {  	vm0 =	vmand vm0, vm1;
	_ =	sdelay $0x5  }
0xc9: {  	[tilespmem:v4+s2+$0x0] =	vst.idx.msk vm0, v6  }
0xca: {  	v4 =	vld [tilespmem:$0x17310];
	_ =	sdelay $0x4  }
0xcb: {  	v63 =	vsub.s32 v4, v0  }
0xcc: {  	v4 =	vand.u32 $0x7, v4;
	vm14 =	vlt.u32 v63, $0x12500;
	v5 =	vand.u32 $0xFFFFFFF8, v63  }
0xcd: {  	v4 =	vor.u32 v4, v5;
	_ =	sdelay $0x4  }
0xce: {  	v5 =	vld.idx.msk [tilespmem:v4+s2+$0x0], vm14;
	_ =	sdelay $0x3  }
0xcf: {  	v3 =	vadd.s32 $0x27080, v3  }
0xd0: {  	vm15 =	vgt.s32 v3, v5  }
0xd1: {  	s10 =	sadd.s32 $0x1, s10;
	vm0 =	vmand vm14, vm15  }
0xd2: {  	p0 =	sne.s32 s10, $0xC8  }
.Ltmp2:
0xd3: {  	_ = 	snop;
	(pc) =	sbr.rel @p0 .LBB2_4-.Ltmp2, $2  }
0xd4: {  	_ =	sdelay $0x2  }
0xd5: {  	[tilespmem:v4+s2+$0x0] =	vst.idx.msk vm0, v3  }
0xd6: {  	s9 =	sadd.s32 $0x1, s9  }
0xd7: {  	p0 =	sne.s32 s9, s6  }
.Ltmp3:
0xd8: {  	_ = 	snop;
	(pc) =	sbr.rel @p0 .LBB2_1-.Ltmp3, $4  }
0xd9: {  	[hbm4b:s5+s2] =	stream.linear.scatter [tilespmem:s2], [sflag:$0x1], $0x12500, $0x38;
	[tilespmem:$0x17320] =	vst v63  }
0xda: {  	_ =	swait.ge [sflag:s8], $0x12500  }
0xdb: {  	[sflag:s8] =	ssyncset.done $0x0  }
0xdc: {  	[sflag:s8] =	ssyncadd.s32 $0xFFFEDB00  }
0xdd: {  	_ =	sfence.sel $0x180000  }
0xde: {  	[bflag:$0x0] =	sbarrier.arrive $0xFFFF  }
0xdf: {  	p0 =	sne.s32 s1, $0x0;
	_ =	strace $0x90000047  }
0xe0: {  	s0 =	sadd.s32 @!p0 $0x100000, s0;
	[bflag:$0x2] =	sbarrier.arrive $0xFFFF  }
0xe1: {  	[sflag:s0] =	ssyncadd.tile.s32 @!p0 $0x1;
	_ =	shalt  }
.Lfunc_end2:
_tile_overlayer_lowered:
.L_overlay_start_2:
0xe2: {  	(tag) =	ssettag $0x2  }
0xe3: {  	s0 =	rddreg [dreg:$0x0];
	s2 =	stileid.u32  }
0xe4: {  	s1 =	rddreg [dreg:$0x1];
	p0 =	sne.s32 s2, $0x0  }
0xe5: {  	s3 =	rddreg [dreg:$0x2];
	[bflag:$0x3] =	sbarrier.arrive $0xFFFF;
	s2 =	simm.s32 @!p0 $0x1C01  }
0xe6: {  	[timem:s3], [sflag:s2] =	dma.local @!p0 [hbm:s0], s1  }
0xe7: {  	s0 =	simm.s32 @!p0 $0x1  }
0xe8: {  	_ =	swait.ge @!p0 [sflag:s0], s1  }
0xe9: {  	s1 =	ssub.s32 @!p0 $0x0, s1;
	[sflag:s0] =	ssyncset.done @!p0 $0x0  }
0xea: {  	[sflag:s0] =	ssyncadd.s32 @!p0 s1  }
0xeb: {  	[bflag:$0x3] =	sbarrier.arrive $0xFFFF  }
0xec: {  	_ =	shalt  }

// kernel: kernel.9.cloned.1.call-start
scs
__scs_entry_jumppad:
0x0: {  	(pc) =	sbr.rel $0x88, $3  }
0x1: {  	(tag) =	ssettag $0x0;
	lr =	simm.s32 $0x1  }
0x2: {  	[smem:$0x3F99] =	sst lr;
	_ =	strace $0xD0000000  }
0x3: {  	_ = 	snop  }
0x4: {  	_ = 	snop  }
0x5: {  	_ = 	snop  }
0x6: {  	_ = 	snop  }
0x7: {  	_ = 	snop  }
__scs_overlays_trampoline_lowered:
0x8: {  	[smem:$0x3FA8] =	sst s0  }
0x9: {  	[smem:$0x3FA9] =	sst s1  }
0xa: {  	[smem:$0x3FAA] =	sst s2  }
0xb: {  	[smem:$0x3FAB] =	sst s3  }
0xc: {  	[smem:$0x3FAC] =	sst s4  }
0xd: {  	[smem:$0x3FAD] =	sst s5  }
0xe: {  	[smem:$0x3FAE] =	sst s6  }
0xf: {  	[smem:$0x3FAF] =	sst s7  }
0x10: {  	[smem:$0x3FB0] =	sst s8  }
0x11: {  	[smem:$0x3FB1] =	sst s9;
	s0 =	simm.s32 @!p0 $0x0  }
0x12: {  	s1 =	sld [smem:$0x3F97];
	s0 =	simm.s32 @p0 $0x1  }
0x13: {  	[smem:$0x3FB2] =	sst s0;
	s0 =	simm.s32 @!p1 $0x0  }
0x14: {  	s2 =	sld [smem:$0x3F96];
	s0 =	simm.s32 @p1 $0x1  }
0x15: {  	[smem:$0x3FB3] =	sst s0;
	s0 =	simm.s32 @!p2 $0x0  }
0x16: {  	s3 =	sld [smem:$0x3FDB];
	s0 =	simm.s32 @p2 $0x1  }
0x17: {  	s4 =	simm.s32 $0x1BF5;
	[smem:$0x3FB5] =	sst s0  }
0x18: {  	s0 =	sld [smem:$0x3F98];
	_ =	swait.ge [sflag:s4], $0x0  }
0x19: {  	s7 =	sld [smem:$0x3F99]  }
0x1a: {  	s8 =	sadd.s32 $0xFFFFE003, lr  }
0x1b: {  	s9 =	sadd.s32 $0xFFFFFEF7, lr;
	s5 =	simm.s32 $0xFFFFFFFF;
	p2 =	slt.u32 s8, $0xFFFFF086  }
0x1c: {  	p1 =	slt.u32 s9, $0xF7A;
	s5 =	simm.s32 @!p2 $0x0  }
0x1d: {  	s5 =	simm.s32 @p1 $0x1;
	p0 =	seq.s32 s7, s2  }
0x1e: {  	s7 =	smul.u32 @!p0 $0xF7A, s2;
	p2 =	seq.s32 @!p0 s5, $0x0  }
0x1f: {  	s9 =	smul.u32 $0xF7A, s1;
	s8 =	simm.s32 @!p0 $0x1BF5;
	p2 =	por !p2, p0  }
0x20: {  	[sflag:s8] =	ssyncset.s32 @!p0 $0xFFFFF086;
	s6 =	sadd.s32 @!p0 s3, s7;
	s7 =	simm.s32 @!p0 $0x108  }
0x21: {  	s3 =	sadd.s32 s3, s9;
	s6 =	sadd.s32 @!p0 $0x88, s6;
	s7 =	simm.s32 @p2 $0x1082  }
0x22: {  	[simem:s7], [sflag:s8] =	dma.local @!p0 [hbm:s6], $0xF7A  }
0x23: {  	s9 =	sor.u32 $0xD0000000, s2;
	s6 =	simm.s32 $0x108;
	_ =	swait.ge @!p0 [sflag:s8], $0x0  }
0x24: {  	s3 =	sadd.s32 $0x88, s3;
	s6 =	simm.s32 @!p1 $0x1082;
	[sflag:s4] =	ssyncset.s32 $0xFFFFF086  }
0x25: {  	[simem:s6], [sflag:s4] =	dma.local [hbm:s3], $0xF7A  }
0x26: {  	[smem:$0x3F99] =	sst s1;
	(tag) =	ssettag s2;
	_ =	strace s9  }
0x27: {  	s1 =	sld [smem:$0x3FA9]  }
0x28: {  	s2 =	sld [smem:$0x3FAA]  }
0x29: {  	s4 =	sld [smem:$0x3FAC]  }
0x2a: {  	p0 =	seq.s32 s5, $0x0;
	s5 =	sld [smem:$0x3FAD]  }
0x2b: {  	s6 =	sld [smem:$0x3FAE]  }
0x2c: {  	s7 =	sld [smem:$0x3FAF]  }
0x2d: {  	s3 =	simm.s32 $0x108;
	s8 =	sld [smem:$0x3FB0]  }
0x2e: {  	s3 =	simm.s32 @!p0 $0x1082;
	s9 =	sld [smem:$0x3FB1]  }
0x2f: {  	lr =	sadd.s32 s0, s3;
	s0 =	sld [smem:$0x3FA8]  }
0x30: {  	s3 =	sld [smem:$0x3FAB]  }
0x31: {  	[smem:$0x3FB4] =	sst s10  }
0x32: {  	s10 =	sld [smem:$0x3FB2];
	_ =	sdelay $0x3  }
0x33: {  	p0 =	seq.s32 s10, $0x1;
	s10 =	sld [smem:$0x3FB4];
	_ =	sdelay $0x3  }
0x34: {  	[smem:$0x3FB4] =	sst s10  }
0x35: {  	s10 =	sld [smem:$0x3FB3];
	_ =	sdelay $0x3  }
0x36: {  	p1 =	seq.s32 s10, $0x1;
	s10 =	sld [smem:$0x3FB4];
	_ =	sdelay $0x3  }
0x37: {  	[smem:$0x3FB4] =	sst s10  }
0x38: {  	s10 =	sld [smem:$0x3FB5]  }
0x39: {  	_ = 	snop;
	(pc) =	sbr.ind lr, $3  }
0x3a: {  	_ = 	snop  }
0x3b: {  	_ = 	snop  }
0x3c: {  	p2 =	seq.s32 s10, $0x1;
	s10 =	sld [smem:$0x3FB4]  }
0x3d: {  	_ =	shalt  }
0x3e: {  	_ =	shalt  }
0x3f: {  	_ =	shalt  }
0x40: {  	_ =	shalt  }
0x41: {  	_ =	shalt  }
0x42: {  	_ =	shalt  }
0x43: {  	_ =	shalt  }
0x44: {  	_ =	shalt  }
0x45: {  	_ =	shalt  }
0x46: {  	_ =	shalt  }
0x47: {  	_ =	shalt  }
0x48: {  	_ =	shalt  }
0x49: {  	_ =	shalt  }
0x4a: {  	_ =	shalt  }
0x4b: {  	_ =	shalt  }
0x4c: {  	_ =	shalt  }
0x4d: {  	_ =	shalt  }
0x4e: {  	_ =	shalt  }
0x4f: {  	_ =	shalt  }
0x50: {  	_ =	shalt  }
0x51: {  	_ =	shalt  }
0x52: {  	_ =	shalt  }
0x53: {  	_ =	shalt  }
0x54: {  	_ =	shalt  }
0x55: {  	_ =	shalt  }
0x56: {  	_ =	shalt  }
0x57: {  	_ =	shalt  }
0x58: {  	_ =	shalt  }
0x59: {  	_ =	shalt  }
0x5a: {  	_ =	shalt  }
0x5b: {  	_ =	shalt  }
0x5c: {  	_ =	shalt  }
0x5d: {  	_ =	shalt  }
0x5e: {  	_ =	shalt  }
0x5f: {  	_ =	shalt  }
0x60: {  	_ =	shalt  }
0x61: {  	_ =	shalt  }
0x62: {  	_ =	shalt  }
0x63: {  	_ =	shalt  }
0x64: {  	_ =	shalt  }
0x65: {  	_ =	shalt  }
0x66: {  	_ =	shalt  }
0x67: {  	_ =	shalt  }
0x68: {  	_ =	shalt  }
0x69: {  	_ =	shalt  }
0x6a: {  	_ =	shalt  }
0x6b: {  	_ =	shalt  }
0x6c: {  	_ =	shalt  }
0x6d: {  	_ =	shalt  }
0x6e: {  	_ =	shalt  }
0x6f: {  	_ =	shalt  }
0x70: {  	_ =	shalt  }
0x71: {  	_ =	shalt  }
0x72: {  	_ =	shalt  }
0x73: {  	_ =	shalt  }
0x74: {  	_ =	shalt  }
0x75: {  	_ =	shalt  }
0x76: {  	_ =	shalt  }
0x77: {  	_ =	shalt  }
0x78: {  	_ =	shalt  }
0x79: {  	_ =	shalt  }
0x7a: {  	_ =	shalt  }
0x7b: {  	_ =	shalt  }
0x7c: {  	_ =	shalt  }
0x7d: {  	_ =	shalt  }
0x7e: {  	_ =	shalt  }
0x7f: {  	_ =	shalt  }
0x80: {  	_ =	shalt  }
0x81: {  	_ =	shalt  }
0x82: {  	_ =	shalt  }
0x83: {  	_ =	shalt  }
0x84: {  	_ =	shalt  }
0x85: {  	_ =	shalt  }
0x86: {  	_ =	shalt  }
0x87: {  	_ =	shalt  }
.Lfunc_end0:
.L_simem_size_0:
called_computation.1_lowered:
.L_overlay_start_0:
0x88: {  	s2 =	sld [smem:$0x3FD9]  }
0x89: {  	s3 =	sld [smem:$0x3FFE];
	_ =	sdelay $0x1  }
0x8a: {  	s1 =	srdreg.scid  }
0x8b: {  	s0 =	sand.u32 $0x1, s1  }
0x8c: {  	s17 =	sshll.u32 s0, $0xA;
	s2 =	sadd.s32 s3, s2  }
0x8d: {  	s2 =	sadd.s32 s2, s17  }
0x8e: {  	[smem:$0x3FC0] =	sst s2  }
0x8f: {  	_ = 	snop  }
0x90: {  	s2 =	sld [smem:$0x3FD0];
	(tm) =	ssettm $0x1  }
0x91: {  	s18 =	sld [smem:$0x3FFB];
	_ =	sdelay $0x3  }
0x92: {  	_ =	strace s18  }
0x93: {  	s3 =	sld [smem:$0x3FFC];
	_ =	sdelay $0x3  }
0x94: {  	_ =	strace s3  }
0x95: {  	s3 =	sld [smem:$0x3FFD];
	_ =	sdelay $0x3  }
0x96: {  	_ =	strace s3  }
0x97: {  	_ =	strace $0x8FFFFFFF  }
0x98: {  	s19 =	sld [smem:$0x3FDB];
	_ =	sdelay $0x1  }
0x99: {  	s4 =	simm.s32 $_scs_section_size  }
0x9a: {  	s5 =	simm.s32 $_size__tile_overlayer_lowered;
	s6 =	simm.s32 $_tile_overlayer_lowered  }
0x9b: {  	s22 =	simm.s32 $0x1BFF;
	s21 =	sshll.u32 s6, $0x1;
	s3 =	sadd.s32 s4, s19  }
0x9c: {  	s7 =	simm.s32 $0x0;
	s20 =	sshll.u32 s5, $0x1;
	s5 =	sadd.s32 s21, s3  }
0x9d: {  	[timem:s7], [sflag:s22] =	dma.local [hbm:s5], s20  }
0x9e: {  	_ =	swait.ge [sflag:s22], s20  }
0x9f: {  	s4 =	ssub.s32 $0x0, s20;
	[sflag:s22] =	ssyncset.done $0x0  }
0xa0: {  	[sflag:s22] =	ssyncadd.s32 s4;
	_ =	sdelay $0x1  }
0xa1: {  	s23 =	simm.s32 $0x1B8B  }
0xa2: {  	_ =	swait.ge [sflag:s23], $0x1  }
0xa3: {  	[sflag:s23] =	ssyncset.done $0x0  }
0xa4: {  	s25 =	simm.s32 $0x1B8E;
	s24 =	sld [smem:$0x3FFE];
	[sflag:s23] =	ssyncadd.s32 $0xFFFFFFFF  }
0xa5: {  	s26 =	simm.s32 $execute0_lowered;
	[smem:$0x3FD2] =	sst s25  }
0xa6: {  	s5 =	sshll.u32 s26, $0x1;
	_ =	strace $0x80000049;
	[dreg:$0x1] =	wrdreg $0xFFFFFFFF  }
0xa7: {  	s28 =	simm.s32 $_size_execute0_lowered;
	s3 =	sadd.s32 s3, s5;
	[dreg:$0x0] =	wrdreg $0x0  }
0xa8: {  	s5 =	sshll.u32 s28, $0x1;
	[dreg:$0x2] =	wrdreg s3  }
0xa9: {  	[dreg:$0x3] =	wrdreg s5  }
0xaa: {  	[dreg:$0x4] =	wrdreg $0xC0  }
0xab: {  	_ =	task [dreg:s7], $0x5FFFF  }
0xac: {  	[dreg:$0x1] =	wrdreg $0xFFFFFFFF  }
0xad: {  	[dreg:$0x0] =	wrdreg $0x60  }
0xae: {  	[dreg:$0x2] =	wrdreg s24  }
0xaf: {  	[dreg:$0x3] =	wrdreg s2  }
0xb0: {  	[dreg:$0x4] =	wrdreg $0x9  }
0xb1: {  	_ =	task.clear_ibuf [dreg:s7], $0x5FFFF;
	_ =	strace $0x90000049  }
0xb2: {  	s29 =	simm.s32 $0x9;
	_ =	strace $0x8000004B  }
0xb3: {  	_ =	swait.ge [sflag:s29], $0x1  }
0xb4: {  	[sflag:s29] =	ssyncadd.s32 $0xFFFFFFFF  }
0xb5: {  	_ =	strace $0x9000004B  }
0xb6: {  	_ =	sfence  }
0xb7: {  	s30 =	sld [smem:$0x0];
	_ =	sdelay $0x2  }
0xb8: {  	s31 =	sshll.u32 s1, $0xD;
	s1 =	sshrl.u32 s1, $0x2  }
0xb9: {  	s3 =	sand.u32 $0x4000, s31;
	s1 =	sadd.s32 s1, s30  }
0xba: {  	s0 =	sor.u32 s3, s0;
	s1 =	sshll.u32 s1, $0x11  }
0xbb: {  	s0 =	sor.u32 s1, s0  }
0xbc: {  	s0 =	sadd.s32 $0x8F2B, s0  }
0xbd: {  	[sflag:s0] =	ssyncadd.remote.s32 $0x1  }
0xbe: {  	_ =	sfence.sel $0xFFFF  }
0xbf: {  	[dreg:$0x0] =	wrdreg $0xFFFFFFFF;
	(pc) =	sbr.abs _section_cstart, $3  }
0xc0: {  	[dreg:$0x1] =	wrdreg $0xFFFFFFFF  }
0xc1: {  	_ =	task.clear_ibuf [dreg:s7], $0x2FFFF;
	_ =	strace $0x9FFFFFFF  }
0xc2: {  	(tm) =	ssettm $0x7FFFFFFF  }
0xc3: {  	_ =	shalt  }
tec
execute0_lowered:
.L_overlay_start_1:
0x0: {  	(tag) =	ssettag $0x1  }
0x1: {  	s0 =	rddreg [dreg:$0x0]  }
0x2: {  	s1 =	srdreg.scid;
	s2 =	rddreg [dreg:$0x1]  }
0x3: {  	s9 =	stileid.u32;
	s3 =	simm.s32 $0x0;
	s8 =	simm.s32 $0x1  }
0x4: {  	s13 =	simm.s32 $0x2;
	s15 =	simm.s32 $0x5268;
	s16 =	simm.s32 $0x5B90  }
0x5: {  	s17 =	simm.s32 $0x64B8;
	s18 =	simm.s32 $0x6DE0;
	s1 =	sand.u32 $0x1, s1  }
0x6: {  	s19 =	simm.s32 $0x1B78;
	s20 =	simm.s32 $0x36F0;
	s4 =	sor.u32 s1, s9  }
0x7: {  	s21 =	simm.s32 $0x7708;
	p0 =	seq.s32 s1, $0x1;
	p1 =	seq.s32 s4, $0x0  }
0x8: {  	[smem:$0x7FF] =	sst s3;
	s5 =	sadd.s32 $0x140400, s0;
	p1 =	por !p1, !p0  }
0x9: {  	v0 =	vlaneseq.u32;
	s6 =	sadd.s32 $0x19BE00, s0;
	s7 =	sadd.s32 $0x1C0800, s0;
	p1 =	por !p1, !p1  }
0xa: {  	v0 =	vmul.u32 $0x8, v0;
	_ =	strace $0x8000004A;
	s30 =	ssub.s32 $0x2, s1;
	s8 =	simm.s32 @!p1 $0x0  }
0xb: {  	s1 =	simm.s32 $0x0;
	s10 =	sshrl.u32 s30, $0x1;
	s31 =	ssub.s32 s9, s8  }
0xc: {  	s4 =	sadd.s32 $0xF7000, s0;
	v1 =	vor.u32 $0x4800, v0;
	v2 =	vor.u32 $0x4801, v0;
	s0 =	ssub.s32 s30, s10;
	s9 =	smul.u32 $0x12500, s31  }
0xd: {  	v3 =	vor.u32 $0x4802, v0;
	v4 =	vor.u32 $0x4803, v0;
	v5 =	vor.u32 $0x4880, v0;
	s10 =	simm.s32 $0x1;
	s0 =	smax.u32 s0, $0x1;
	s8 =	simm.s32 $0x9280  }
0xe: {  	v6 =	vor.u32 $0x4881, v0;
	v7 =	vor.u32 $0x4882, v0;
	v8 =	vor.u32 $0x4883, v0;
	[dreg:$0x3] =	wrdreg s0;
	s8 =	simm.s32 @!p0 $0x0;
	s11 =	sadd.s32 $0x125000, s9  }
.LBB2_1:
0xf: {  	[dreg:$0x4] =	wrdreg s1;
	s23 =	simm.s32 $0x0  }
.LBB2_2:
0x10: {  	s0 =	smul.u32 $0x928, s23;
	_ =	sdelay $0x1  }
0x11: {  	s0 =	sadd.s32 s8, s0  }
0x12: {  	s24 =	sadd.s32 s9, s0  }
0x13: {  	s1 =	sshrl.u32 s24, $0x3  }
0x14: {  	s12 =	sadd.s32 s4, s1  }
0x15: {  	[tilespmem:s3], [sflag:$0x2] =	stream.linear.gather [hbm4b:s12+s3], $0x928, $0x38;
	[tilespmem:$0xC048] =	vst v63  }
0x16: {  	s0 =	sadd.s32 s11, s0;
	_ =	swait.ge [sflag:s13], $0x928  }
0x17: {  	s0 =	sshrl.u32 s0, $0x3;
	[sflag:s13] =	ssyncset.done $0x0  }
0x18: {  	s14 =	simm.s32 $0x928;
	s0 =	sadd.s32 s4, s0;
	[sflag:s13] =	ssyncadd.s32 $0xFFFFF6D8  }
0x19: {  	[tilespmem:s14], [sflag:$0x2] =	stream.linear.gather [hbm4b:s0+s3], $0x928, $0x38;
	[tilespmem:$0xC048] =	vst v63  }
0x1a: {  	_ =	swait.ge [sflag:s13], $0x928  }
0x1b: {  	[sflag:s13] =	ssyncset.done $0x0  }
0x1c: {  	s22 =	sadd.s32 s6, s1;
	[sflag:s13] =	ssyncadd.s32 $0xFFFFF6D8  }
0x1d: {  	[tilespmem:s15], [sflag:$0x2] =	stream.linear.gather [hbm4b:s22+s3], $0x928, $0x38;
	[tilespmem:$0xC048] =	vst v63  }
0x1e: {  	_ =	swait.ge [sflag:s13], $0x928  }
0x1f: {  	[sflag:s13] =	ssyncset.done $0x0  }
0x20: {  	s25 =	sadd.s32 s2, s1;
	[sflag:s13] =	ssyncadd.s32 $0xFFFFF6D8  }
0x21: {  	[tilespmem:s16], [sflag:$0x2] =	stream.linear.gather [hbm4b:s25+s3], $0x928, $0x38;
	[tilespmem:$0xC048] =	vst v63  }
0x22: {  	s26 =	sadd.s32 $0x125000, s24;
	_ =	swait.ge [sflag:s13], $0x928  }
0x23: {  	s0 =	sshrl.u32 s26, $0x3;
	[sflag:s13] =	ssyncset.done $0x0  }
0x24: {  	s0 =	sadd.s32 s2, s0;
	[sflag:s13] =	ssyncadd.s32 $0xFFFFF6D8  }
0x25: {  	[tilespmem:s17], [sflag:$0x2] =	stream.linear.gather [hbm4b:s0+s3], $0x928, $0x38;
	[tilespmem:$0xC048] =	vst v63  }
0x26: {  	s31 =	sadd.s32 $0x24A000, s24;
	_ =	swait.ge [sflag:s13], $0x928  }
0x27: {  	s0 =	sshrl.u32 s31, $0x3;
	[sflag:s13] =	ssyncset.done $0x0  }
0x28: {  	s0 =	sadd.s32 s2, s0;
	[sflag:s13] =	ssyncadd.s32 $0xFFFFF6D8  }
0x29: {  	[tilespmem:s18], [sflag:$0x2] =	stream.linear.gather [hbm4b:s0+s3], $0x928, $0x38;
	[tilespmem:$0xC048] =	vst v63  }
0x2a: {  	_ =	swait.ge [sflag:s13], $0x928  }
0x2b: {  	[sflag:s13] =	ssyncset.done $0x0  }
0x2c: {  	s26 =	simm.s32 $0x40;
	[sflag:s13] =	ssyncadd.s32 $0xFFFFF6D8  }
0x2d: {  	s29 =	simm.s32 $0x968;
	v9 =	vld [tilespmem:s26+$0xFFFFFFC0]  }
0x2e: {  	v10 =	vld [tilespmem:s29+$0xFFFFFFC0];
	_ =	sdelay $0x4  }
0x2f: {  	vm0 =	vgt.s32 v9, v10  }
0x30: {  	v9 =	vsel vm0, v9, v10  }
0x31: {  	vm0 =	vgt.s32 v9, $0x0  }
0x32: {  	s28 =	simm.s32 $0x1290;
	v10 =	vnsel vm0, $0x0, v9  }
0x33: {  	s25 =	simm.s32 $0x24E0;
	[tilespmem:s28+$0xFFFFFFC0] =	vst v9;
	v9 =	vshrl.u32 v10, $0x3  }
0x34: {  	[tilespmem:s25+$0xFFFFF698] =	vst v9;
	v10 =	vadd.s32 $0x1E8480, v9  }
0x35: {  	v9 =	vadd.s32 $0xF4240, v9;
	[tilespmem:s25+$0x8E8] =	vst v10  }
0x36: {  	[tilespmem:s25+$0xFFFFFFC0] =	vst v9  }
0x37: {  	v9 =	vld [tilespmem:s26+$0xFFFFFFD0]  }
0x38: {  	v10 =	vld [tilespmem:s29+$0xFFFFFFD0];
	_ =	sdelay $0x4  }
0x39: {  	vm10 =	vgt.s32 v9, v10  }
0x3a: {  	v9 =	vsel vm10, v9, v10  }
0x3b: {  	vm0 =	vgt.s32 v9, $0x0  }
0x3c: {  	v10 =	vnsel vm0, $0x0, v9  }
0x3d: {  	[tilespmem:s28+$0xFFFFFFD0] =	vst v9;
	v9 =	vshrl.u32 v10, $0x3  }
0x3e: {  	[tilespmem:s25+$0xFFFFF6A8] =	vst v9;
	v10 =	vadd.s32 $0xF4240, v9  }
0x3f: {  	v9 =	vadd.s32 $0x1E8480, v9;
	[tilespmem:s25+$0xFFFFFFD0] =	vst v10  }
0x40: {  	[tilespmem:s25+$0x8F8] =	vst v9  }
0x41: {  	v9 =	vld [tilespmem:s26+$0xFFFFFFE0]  }
0x42: {  	v10 =	vld [tilespmem:s29+$0xFFFFFFE0];
	_ =	sdelay $0x4  }
0x43: {  	vm11 =	vgt.s32 v9, v10  }
0x44: {  	v9 =	vsel vm11, v9, v10  }
0x45: {  	vm0 =	vgt.s32 v9, $0x0  }
0x46: {  	v10 =	vnsel vm0, $0x0, v9  }
0x47: {  	[tilespmem:s28+$0xFFFFFFE0] =	vst v9;
	v9 =	vshrl.u32 v10, $0x3  }
0x48: {  	[tilespmem:s25+$0xFFFFF6B8] =	vst v9;
	v10 =	vadd.s32 $0xF4240, v9  }
0x49: {  	v9 =	vadd.s32 $0x1E8480, v9;
	[tilespmem:s25+$0xFFFFFFE0] =	vst v10  }
0x4a: {  	[tilespmem:s25+$0x908] =	vst v9  }
0x4b: {  	v9 =	vld [tilespmem:s26+$0xFFFFFFF0]  }
0x4c: {  	v10 =	vld [tilespmem:s29+$0xFFFFFFF0];
	_ =	sdelay $0x4  }
0x4d: {  	vm12 =	vgt.s32 v9, v10  }
0x4e: {  	v9 =	vsel vm12, v9, v10  }
0x4f: {  	vm0 =	vgt.s32 v9, $0x0  }
0x50: {  	v10 =	vnsel vm0, $0x0, v9  }
0x51: {  	[tilespmem:s28+$0xFFFFFFF0] =	vst v9;
	v9 =	vshrl.u32 v10, $0x3  }
0x52: {  	[tilespmem:s25+$0xFFFFF6C8] =	vst v9;
	v10 =	vadd.s32 $0xF4240, v9  }
0x53: {  	v9 =	vadd.s32 $0x1E8480, v9;
	[tilespmem:s25+$0xFFFFFFF0] =	vst v10  }
0x54: {  	[tilespmem:s25+$0x918] =	vst v9  }
0x55: {  	v9 =	vld [tilespmem:s26+$0x0]  }
0x56: {  	v10 =	vld [tilespmem:s29+$0x0];
	_ =	sdelay $0x4  }
0x57: {  	vm13 =	vgt.s32 v9, v10  }
0x58: {  	v9 =	vsel vm13, v9, v10  }
0x59: {  	vm0 =	vgt.s32 v9, $0x0  }
0x5a: {  	v10 =	vnsel vm0, $0x0, v9  }
0x5b: {  	[tilespmem:s28+$0x0] =	vst v9;
	v9 =	vshrl.u32 v10, $0x3  }
0x5c: {  	[tilespmem:s25+$0xFFFFF6D8] =	vst v9;
	v10 =	vadd.s32 $0xF4240, v9  }
0x5d: {  	v9 =	vadd.s32 $0x1E8480, v9;
	[tilespmem:s25+$0x0] =	vst v10  }
0x5e: {  	[tilespmem:s25+$0x928] =	vst v9  }
0x5f: {  	v9 =	vld [tilespmem:s26+$0x10]  }
0x60: {  	v10 =	vld [tilespmem:s29+$0x10];
	_ =	sdelay $0x4  }
0x61: {  	vm14 =	vgt.s32 v9, v10  }
0x62: {  	v9 =	vsel vm14, v9, v10  }
0x63: {  	vm0 =	vgt.s32 v9, $0x0  }
0x64: {  	v10 =	vnsel vm0, $0x0, v9  }
0x65: {  	[tilespmem:s28+$0x10] =	vst v9;
	v9 =	vshrl.u32 v10, $0x3  }
0x66: {  	[tilespmem:s25+$0xFFFFF6E8] =	vst v9;
	v10 =	vadd.s32 $0xF4240, v9  }
0x67: {  	v9 =	vadd.s32 $0x1E8480, v9;
	[tilespmem:s25+$0x10] =	vst v10  }
0x68: {  	[tilespmem:s25+$0x938] =	vst v9  }
0x69: {  	v9 =	vld [tilespmem:s26+$0x20]  }
0x6a: {  	v10 =	vld [tilespmem:s29+$0x20];
	_ =	sdelay $0x4  }
0x6b: {  	vm15 =	vgt.s32 v9, v10  }
0x6c: {  	v9 =	vsel vm15, v9, v10  }
0x6d: {  	vm0 =	vgt.s32 v9, $0x0  }
0x6e: {  	v10 =	vnsel vm0, $0x0, v9  }
0x6f: {  	s30 =	simm.s32 $0x968;
	s1 =	simm.s32 $0x1310;
	[tilespmem:s28+$0x20] =	vst v9;
	v9 =	vshrl.u32 v10, $0x3  }
0x70: {  	s12 =	simm.s32 $0xC0;
	s22 =	simm.s32 $0x24E0;
	s0 =	simm.s32 $0x0;
	[tilespmem:s25+$0xFFFFF6F8] =	vst v9;
	v10 =	vadd.s32 $0xF4240, v9;
	v9 =	vadd.s32 $0x1E8480, v9  }
.LBB2_3:
0x71: {  	s0 =	sadd.s32 $0x8, s0;
	[tilespmem:s25+$0x20] =	vst v10;
	s22 =	sadd.s32 $0x80, s22;
	s29 =	sadd.s32 $0x80, s29  }
0x72: {  	p0 =	slt.u32 s0, $0x88;
	[tilespmem:s25+$0x948] =	vst v9  }
0x73: {  	v9 =	vld [tilespmem:s26+$0x30];
	s26 =	smov.u32 s12  }
0x74: {  	v10 =	vld [tilespmem:s30+$0x30];
	s30 =	smov.u32 s29;
	_ =	sdelay $0x4  }
0x75: {  	vm0 =	vgt.s32 v9, v10  }
0x76: {  	v9 =	vsel vm0, v9, v10  }
0x77: {  	[tilespmem:s28+$0x30] =	vst v9;
	vm0 =	vgt.s32 v9, $0x0;
	s28 =	smov.u32 s1  }
0x78: {  	v9 =	vnsel vm0, $0x0, v9  }
0x79: {  	v9 =	vshrl.u32 v9, $0x3  }
0x7a: {  	[tilespmem:s25+$0xFFFFF708] =	vst v9;
	v10 =	vadd.s32 $0xF4240, v9;
	v9 =	vadd.s32 $0x1E8480, v9  }
0x7b: {  	[tilespmem:s25+$0x30] =	vst v10  }
0x7c: {  	[tilespmem:s25+$0x958] =	vst v9;
	s25 =	smov.u32 s22  }
0x7d: {  	v9 =	vld [tilespmem:s12+$0xFFFFFFC0]  }
0x7e: {  	v10 =	vld [tilespmem:s29+$0xFFFFFFC0];
	_ =	sdelay $0x4  }
0x7f: {  	vm0 =	vgt.s32 v9, v10  }
0x80: {  	v9 =	vsel vm0, v9, v10  }
0x81: {  	vm0 =	vgt.s32 v9, $0x0  }
0x82: {  	v10 =	vnsel vm0, $0x0, v9  }
0x83: {  	[tilespmem:s1+$0xFFFFFFC0] =	vst v9;
	v9 =	vshrl.u32 v10, $0x3  }
0x84: {  	[tilespmem:s22+$0xFFFFF698] =	vst v9;
	v10 =	vadd.s32 $0xF4240, v9;
	v9 =	vadd.s32 $0x1E8480, v9  }
0x85: {  	[tilespmem:s22+$0x8E8] =	vst v9  }
0x86: {  	[tilespmem:s22+$0xFFFFFFC0] =	vst v10  }
0x87: {  	v9 =	vld [tilespmem:s12+$0xFFFFFFD0]  }
0x88: {  	v10 =	vld [tilespmem:s29+$0xFFFFFFD0];
	_ =	sdelay $0x4  }
0x89: {  	vm0 =	vgt.s32 v9, v10  }
0x8a: {  	v9 =	vsel vm0, v9, v10  }
0x8b: {  	vm0 =	vgt.s32 v9, $0x0  }
0x8c: {  	v10 =	vnsel vm0, $0x0, v9  }
0x8d: {  	[tilespmem:s1+$0xFFFFFFD0] =	vst v9;
	v9 =	vshrl.u32 v10, $0x3  }
0x8e: {  	[tilespmem:s22+$0xFFFFF6A8] =	vst v9;
	v10 =	vadd.s32 $0xF4240, v9;
	v9 =	vadd.s32 $0x1E8480, v9  }
0x8f: {  	[tilespmem:s22+$0xFFFFFFD0] =	vst v10  }
0x90: {  	[tilespmem:s22+$0x8F8] =	vst v9  }
0x91: {  	v9 =	vld [tilespmem:s12+$0xFFFFFFE0]  }
0x92: {  	v10 =	vld [tilespmem:s29+$0xFFFFFFE0];
	_ =	sdelay $0x4  }
0x93: {  	vm0 =	vgt.s32 v9, v10  }
0x94: {  	v9 =	vsel vm0, v9, v10  }
0x95: {  	[tilespmem:s1+$0xFFFFFFE0] =	vst v9;
	vm0 =	vgt.s32 v9, $0x0  }
0x96: {  	v9 =	vnsel vm0, $0x0, v9  }
0x97: {  	v9 =	vshrl.u32 v9, $0x3  }
0x98: {  	[tilespmem:s22+$0xFFFFF6B8] =	vst v9;
	v10 =	vadd.s32 $0xF4240, v9;
	v9 =	vadd.s32 $0x1E8480, v9  }
0x99: {  	[tilespmem:s22+$0xFFFFFFE0] =	vst v10  }
0x9a: {  	[tilespmem:s22+$0x908] =	vst v9  }
0x9b: {  	v9 =	vld [tilespmem:s12+$0xFFFFFFF0]  }
0x9c: {  	v10 =	vld [tilespmem:s29+$0xFFFFFFF0];
	_ =	sdelay $0x4  }
0x9d: {  	vm0 =	vgt.s32 v9, v10  }
0x9e: {  	v9 =	vsel vm0, v9, v10  }
0x9f: {  	[tilespmem:s1+$0xFFFFFFF0] =	vst v9;
	vm0 =	vgt.s32 v9, $0x0  }
0xa0: {  	v9 =	vnsel vm0, $0x0, v9  }
0xa1: {  	v9 =	vshrl.u32 v9, $0x3  }
0xa2: {  	[tilespmem:s22+$0xFFFFF6C8] =	vst v9;
	v10 =	vadd.s32 $0xF4240, v9;
	v9 =	vadd.s32 $0x1E8480, v9  }
0xa3: {  	[tilespmem:s22+$0xFFFFFFF0] =	vst v10  }
0xa4: {  	[tilespmem:s22+$0x918] =	vst v9  }
0xa5: {  	v9 =	vld [tilespmem:s12+$0x0]  }
0xa6: {  	v10 =	vld [tilespmem:s29+$0x0];
	_ =	sdelay $0x4  }
0xa7: {  	vm0 =	vgt.s32 v9, v10  }
0xa8: {  	v9 =	vsel vm0, v9, v10  }
0xa9: {  	[tilespmem:s1+$0x0] =	vst v9;
	vm0 =	vgt.s32 v9, $0x0  }
0xaa: {  	v9 =	vnsel vm0, $0x0, v9  }
0xab: {  	v9 =	vshrl.u32 v9, $0x3  }
0xac: {  	[tilespmem:s22+$0xFFFFF6D8] =	vst v9;
	v10 =	vadd.s32 $0xF4240, v9;
	v9 =	vadd.s32 $0x1E8480, v9  }
0xad: {  	[tilespmem:s22+$0x0] =	vst v10  }
0xae: {  	[tilespmem:s22+$0x928] =	vst v9  }
0xaf: {  	v9 =	vld [tilespmem:s12+$0x10]  }
0xb0: {  	v10 =	vld [tilespmem:s29+$0x10];
	_ =	sdelay $0x4  }
0xb1: {  	vm0 =	vgt.s32 v9, v10  }
0xb2: {  	v9 =	vsel vm0, v9, v10  }
0xb3: {  	[tilespmem:s1+$0x10] =	vst v9;
	vm0 =	vgt.s32 v9, $0x0  }
0xb4: {  	v9 =	vnsel vm0, $0x0, v9  }
0xb5: {  	v9 =	vshrl.u32 v9, $0x3  }
0xb6: {  	[tilespmem:s22+$0xFFFFF6E8] =	vst v9;
	v10 =	vadd.s32 $0xF4240, v9;
	v9 =	vadd.s32 $0x1E8480, v9  }
0xb7: {  	[tilespmem:s22+$0x10] =	vst v10  }
0xb8: {  	[tilespmem:s22+$0x938] =	vst v9  }
0xb9: {  	v9 =	vld [tilespmem:s12+$0x20]  }
0xba: {  	v10 =	vld [tilespmem:s29+$0x20];
	_ =	sdelay $0x4  }
0xbb: {  	vm0 =	vgt.s32 v9, v10  }
.Ltmp0:
0xbc: {  	v9 =	vsel vm0, v9, v10;
	(pc) =	sbr.rel @p0 .LBB2_3-.Ltmp0, $4  }
0xbd: {  	[tilespmem:s1+$0x20] =	vst v9;
	vm0 =	vgt.s32 v9, $0x0  }
0xbe: {  	v9 =	vnsel vm0, $0x0, v9  }
0xbf: {  	v9 =	vshrl.u32 v9, $0x3  }
0xc0: {  	s12 =	sadd.s32 $0x80, s12;
	s1 =	sadd.s32 $0x80, s1;
	[tilespmem:s22+$0xFFFFF6F8] =	vst v9;
	v10 =	vadd.s32 $0xF4240, v9;
	v9 =	vadd.s32 $0x1E8480, v9  }
0xc1: {  	[tilespmem:s25+$0x20] =	vst v10  }
0xc2: {  	[tilespmem:s25+$0x948] =	vst v9  }
0xc3: {  	v9 =	vld [tilespmem:s26+$0x30]  }
0xc4: {  	v10 =	vld [tilespmem:s30+$0x30];
	_ =	sdelay $0x4  }
0xc5: {  	vm0 =	vgt.s32 v9, v10  }
0xc6: {  	v9 =	vsel vm0, v9, v10  }
0xc7: {  	vm0 =	vgt.s32 v9, $0x0  }
0xc8: {  	v10 =	vnsel vm0, $0x0, v9  }
0xc9: {  	[tilespmem:s28+$0x30] =	vst v9;
	v9 =	vshrl.u32 v10, $0x3  }
0xca: {  	[tilespmem:s25+$0xFFFFF708] =	vst v9;
	v10 =	vadd.s32 $0xF4240, v9  }
0xcb: {  	v9 =	vadd.s32 $0x1E8480, v9;
	[tilespmem:s25+$0x30] =	vst v10  }
0xcc: {  	[tilespmem:s25+$0x958] =	vst v9  }
0xcd: {  	v9 =	vld [tilespmem:$0x900]  }
0xce: {  	v10 =	vld [tilespmem:$0x1228]  }
0xcf: {  	v11 =	vld [tilespmem:$0x910]  }
0xd0: {  	v12 =	vld [tilespmem:$0x1238];
	_ =	sdelay $0x2  }
0xd1: {  	vm12 =	vgt.s32 v9, v10  }
0xd2: {  	v9 =	vsel vm12, v9, v10  }
0xd3: {  	vm13 =	vgt.s32 v11, v12;
	vm0 =	vgt.s32 v9, $0x0  }
0xd4: {  	v11 =	vsel vm13, v11, v12;
	[tilespmem:$0x1B50] =	vst v9;
	v10 =	vnsel vm0, $0x0, v9  }
0xd5: {  	[tilespmem:$0x1B60] =	vst v11;
	v9 =	vshrl.u32 v10, $0x3  }
0xd6: {  	vm0 =	vgt.s32 v11, $0x0;
	[tilespmem:$0x2478] =	vst v9;
	v10 =	vadd.s32 $0xF4240, v9;
	v9 =	vadd.s32 $0x1E8480, v9  }
0xd7: {  	[tilespmem:$0x36C8] =	vst v9;
	v9 =	vnsel vm0, $0x0, v11  }
0xd8: {  	[tilespmem:$0x2DA0] =	vst v10;
	v9 =	vshrl.u32 v9, $0x3  }
0xd9: {  	[tilespmem:$0x2488] =	vst v9;
	v10 =	vadd.s32 $0xF4240, v9  }
0xda: {  	v9 =	vadd.s32 $0x1E8480, v9;
	[tilespmem:$0x2DB0] =	vst v10  }
0xdb: {  	[tilespmem:$0x36D8] =	vst v9  }
0xdc: {  	[tilespmem:s20], [sflag:$0x1] =	stream.indirect.gather [hbm4b:s5+s19], $0x1, s19, s19, $0xb8;
	[tilespmem:$0xC048] =	vst v63  }
0xdd: {  	_ =	swait.ge [sflag:s10], $0x1B78  }
0xde: {  	[sflag:s10] =	ssyncset.done $0x0  }
0xdf: {  	s28 =	simm.s32 $0x1270;
	[sflag:s10] =	ssyncadd.s32 $0xFFFFE488  }
0xe0: {  	s25 =	simm.s32 $0x4038;
	v9 =	vld [tilespmem:s28+$0xFFFFFFE0]  }
0xe1: {  	s29 =	simm.s32 $0x0;
	v10 =	vld [tilespmem:s25+$0xFFFFF6B8]  }
0xe2: {  	v11 =	vmov s29;
	v46 =	vld [tilespmem:s25+$0xFFFFFFE0]  }
0xe3: {  	v11 =	vshll.u32 v11, $0x3;
	v13 =	vld [tilespmem:s25+$0x908]  }
0xe4: {  	s26 =	simm.s32 $0x64D8;
	v11 =	vor.u32 v0, v11  }
0xe5: {  	v14 =	vor.u32 $0x1, v11;
	v17 =	vld [tilespmem:s26+$0xFFFFF6B8];
	v15 =	vand.u32 $0x1, v9;
	v16 =	vshrl.u32 v9, $0x1  }
0xe6: {  	v48 =	vld [tilespmem:s26+$0xFFFFFFE0];
	v18 =	vshrl.u32 v9, $0x2;
	v10 =	vadd.s32 v15, v10;
	v47 =	vand.u32 $0x1, v16  }
0xe7: {  	v49 =	vld [tilespmem:s26+$0x908];
	v18 =	vand.u32 $0x1, v18;
	v10 =	vcvt.s32.f32 v10;
	v12 =	vadd.s32 v47, v46  }
0xe8: {  	vm14 =	vgt.s32 v9, $0xFFFFFFFF;
	v13 =	vadd.s32 v18, v13;
	v9 =	vcvt.s32.f32 v12  }
0xe9: {  	s30 =	simm.s32 $0x5288;
	v50 =	vor.u32 $0x2, v11;
	v13 =	vcvt.s32.f32 v13;
	v10 =	vnsel vm14, $0x0, v10  }
0xea: {  	v51 =	vor.u32 $0x3, v11;
	v19 =	vld [tilespmem:s30+$0xFFFFFFE0];
	v9 =	vnsel vm14, $0x0, v9;
	v10 =	vadd.f32 v17, v10  }
0xeb: {  	v13 =	vnsel vm14, $0x0, v13;
	v9 =	vadd.f32 v48, v9  }
0xec: {  	[tilespmem:v11+s21+$0x0] =	vst.idx.msk $0xffff, v10;
	v10 =	vadd.f32 v49, v13  }
0xed: {  	[tilespmem:v14+s21+$0x0] =	vst.idx.msk $0xffff, v9  }
0xee: {  	[tilespmem:v50+s21+$0x0] =	vst.idx.msk $0xffff, v10  }
0xef: {  	[tilespmem:v51+s21+$0x0] =	vst.idx.msk $0xffff, v19  }
0xf0: {  	v9 =	vld [tilespmem:s28+$0xFFFFFFF0]  }
0xf1: {  	s0 =	simm.s32 $0x10;
	v10 =	vld [tilespmem:s25+$0xFFFFF6C8]  }
0xf2: {  	v11 =	vmov s0;
	v12 =	vld [tilespmem:s25+$0xFFFFFFF0]  }
0xf3: {  	v11 =	vshll.u32 v11, $0x3;
	v52 =	vld [tilespmem:s25+$0x918]  }
0xf4: {  	v11 =	vor.u32 v0, v11  }
0xf5: {  	v53 =	vor.u32 $0x1, v11;
	v56 =	vld [tilespmem:s26+$0xFFFFF6C8];
	v54 =	vand.u32 $0x1, v9;
	v55 =	vshrl.u32 v9, $0x1  }
0xf6: {  	v59 =	vld [tilespmem:s26+$0xFFFFFFF0];
	v57 =	vshrl.u32 v9, $0x2;
	v10 =	vadd.s32 v54, v10;
	v58 =	vand.u32 $0x1, v55  }
0xf7: {  	v60 =	vld [tilespmem:s26+$0x918];
	v18 =	vand.u32 $0x1, v57;
	v10 =	vcvt.s32.f32 v10;
	v12 =	vadd.s32 v58, v12  }
0xf8: {  	vm15 =	vgt.s32 v9, $0xFFFFFFFF;
	v61 =	vadd.s32 v18, v52;
	v9 =	vcvt.s32.f32 v12  }
0xf9: {  	v62 =	vor.u32 $0x2, v11;
	v12 =	vcvt.s32.f32 v61;
	v10 =	vnsel vm15, $0x0, v10  }
0xfa: {  	v63 =	vor.u32 $0x3, v11;
	v19 =	vld [tilespmem:s30+$0xFFFFFFF0];
	v9 =	vnsel vm15, $0x0, v9;
	v10 =	vadd.f32 v56, v10  }
0xfb: {  	v12 =	vnsel vm15, $0x0, v12;
	v9 =	vadd.f32 v59, v9  }
0xfc: {  	[tilespmem:v11+s21+$0x0] =	vst.idx.msk $0xffff, v10;
	v10 =	vadd.f32 v60, v12  }
0xfd: {  	[tilespmem:v53+s21+$0x0] =	vst.idx.msk $0xffff, v9  }
0xfe: {  	s1 =	simm.s32 $0x30;
	[tilespmem:v62+s21+$0x0] =	vst.idx.msk $0xffff, v10  }
0xff: {  	s12 =	simm.s32 $0x20;
	s22 =	simm.s32 $0x4078;
	s31 =	simm.s32 $0x5288;
	v9 =	vmov s1;
	[tilespmem:v63+s21+$0x0] =	vst.idx.msk $0xffff, v19  }
0x100: {  	s0 =	simm.s32 $0x0;
	v11 =	vmov s12;
	s12 =	simm.s32 $0x6518;
	s1 =	simm.s32 $0x12B0;
	v9 =	vshll.u32 v9, $0x3;
	v10 =	vld [tilespmem:s28+$0x0]  }
.LBB2_5:
0x101: {  	s0 =	sadd.s32 $0x4, s0;
	v11 =	vshll.u32 v11, $0x3;
	v12 =	vld [tilespmem:s25+$0xFFFFF6D8];
	s29 =	sadd.s32 $0x40, s29;
	s30 =	sadd.s32 $0x40, s30  }
0x102: {  	s14 =	sadd.s32 $0x30, s29;
	p0 =	slt.u32 s0, $0x8C;
	v13 =	vld [tilespmem:s25+$0x0];
	v11 =	vor.u32 v0, v11  }
0x103: {  	v14 =	vmov s14;
	v15 =	vld [tilespmem:s25+$0x928];
	v16 =	vor.u32 $0x1, v11;
	v17 =	vor.u32 $0x2, v11  }
0x104: {  	v14 =	vshll.u32 v14, $0x3  }
0x105: {  	v21 =	vor.u32 $0x3, v11;
	v18 =	vand.u32 $0x1, v10;
	v19 =	vshrl.u32 v10, $0x1;
	v20 =	vld [tilespmem:s26+$0xFFFFF6D8]  }
0x106: {  	v12 =	vadd.s32 v18, v12;
	v18 =	vand.u32 $0x1, v19;
	v19 =	vshrl.u32 v10, $0x2;
	v22 =	vld [tilespmem:s26+$0x0]  }
0x107: {  	v12 =	vcvt.s32.f32 v12;
	v13 =	vadd.s32 v18, v13;
	v18 =	vand.u32 $0x1, v19;
	v19 =	vld [tilespmem:s26+$0x928]  }
0x108: {  	vm0 =	vgt.s32 v10, $0xFFFFFFFF;
	v10 =	vcvt.s32.f32 v13;
	v13 =	vadd.s32 v18, v15  }
0x109: {  	v12 =	vnsel vm0, $0x0, v12;
	v13 =	vcvt.s32.f32 v13  }
0x10a: {  	v10 =	vnsel vm0, $0x0, v10;
	v15 =	vld [tilespmem:s31+$0x0];
	v12 =	vadd.f32 v20, v12  }
0x10b: {  	v13 =	vnsel vm0, $0x0, v13;
	v10 =	vadd.f32 v22, v10  }
0x10c: {  	[tilespmem:v11+s21+$0x0] =	vst.idx.msk $0xffff, v12;
	v11 =	vadd.f32 v19, v13  }
0x10d: {  	[tilespmem:v16+s21+$0x0] =	vst.idx.msk $0xffff, v10  }
0x10e: {  	[tilespmem:v17+s21+$0x0] =	vst.idx.msk $0xffff, v11  }
0x10f: {  	[tilespmem:v21+s21+$0x0] =	vst.idx.msk $0xffff, v15  }
0x110: {  	v10 =	vmov s29;
	v11 =	vld [tilespmem:s28+$0x10];
	s28 =	smov.u32 s1  }
0x111: {  	v12 =	vld [tilespmem:s25+$0xFFFFF6E8]  }
0x112: {  	v13 =	vld [tilespmem:s25+$0x10]  }
0x113: {  	v15 =	vld [tilespmem:s25+$0x938];
	s25 =	smov.u32 s22  }
0x114: {  	v10 =	vshll.u32 v10, $0x3;
	v16 =	vld [tilespmem:s26+$0xFFFFF6E8]  }
0x115: {  	v10 =	vor.u32 v0, v10;
	vm0 =	vgt.s32 v11, $0xFFFFFFFF;
	v17 =	vand.u32 $0x1, v11;
	v18 =	vld [tilespmem:s26+$0x10]  }
0x116: {  	v20 =	vor.u32 v0, v9;
	v9 =	vmovc v14;
	v19 =	vor.u32 $0x1, v10;
	v12 =	vadd.s32 v17, v12;
	v17 =	vld [tilespmem:s26+$0x938];
	s26 =	smov.u32 s12  }
0x117: {  	v22 =	vor.u32 $0x1, v20;
	v14 =	vor.u32 $0x2, v10;
	v12 =	vcvt.s32.f32 v12;
	v21 =	vld [tilespmem:s31+$0x10];
	s31 =	smov.u32 s30  }
0x118: {  	v23 =	vor.u32 $0x3, v10;
	v24 =	vshrl.u32 v11, $0x1;
	v11 =	vshrl.u32 v11, $0x2  }
0x119: {  	v24 =	vand.u32 $0x1, v24;
	v11 =	vand.u32 $0x1, v11;
	v12 =	vnsel vm0, $0x0, v12  }
0x11a: {  	v13 =	vadd.s32 v24, v13;
	v11 =	vadd.s32 v11, v15;
	v12 =	vadd.f32 v16, v12  }
0x11b: {  	v13 =	vcvt.s32.f32 v13;
	v11 =	vcvt.s32.f32 v11  }
0x11c: {  	[tilespmem:v20+s21+$0x0] =	vst.idx.msk $0xffff, v12;
	v12 =	vor.u32 $0x2, v20  }
0x11d: {  	v15 =	vor.u32 $0x3, v20;
	v13 =	vnsel vm0, $0x0, v13;
	v11 =	vnsel vm0, $0x0, v11  }
0x11e: {  	v13 =	vadd.f32 v18, v13;
	v11 =	vadd.f32 v17, v11;
	_ =	sdelay $0x1  }
0x11f: {  	[tilespmem:v22+s21+$0x0] =	vst.idx.msk $0xffff, v13  }
0x120: {  	[tilespmem:v12+s21+$0x0] =	vst.idx.msk $0xffff, v11  }
0x121: {  	[tilespmem:v15+s21+$0x0] =	vst.idx.msk $0xffff, v21  }
0x122: {  	v11 =	vld [tilespmem:s22+$0xFFFFF6B8]  }
0x123: {  	v12 =	vld [tilespmem:s1+$0xFFFFFFE0]  }
0x124: {  	v13 =	vld [tilespmem:s22+$0xFFFFFFE0]  }
0x125: {  	v15 =	vld [tilespmem:s22+$0x908];
	_ =	sdelay $0x2  }
0x126: {  	v16 =	vand.u32 $0x1, v12;
	v17 =	vshrl.u32 v12, $0x1;
	v18 =	vshrl.u32 v12, $0x2;
	v20 =	vld [tilespmem:s12+$0xFFFFF6B8]  }
0x127: {  	v11 =	vadd.s32 v16, v11;
	v16 =	vand.u32 $0x1, v17;
	v17 =	vand.u32 $0x1, v18;
	v18 =	vld [tilespmem:s12+$0xFFFFFFE0]  }
0x128: {  	v11 =	vcvt.s32.f32 v11;
	v13 =	vadd.s32 v16, v13;
	v15 =	vadd.s32 v17, v15;
	v16 =	vld [tilespmem:s12+$0x908]  }
0x129: {  	vm0 =	vgt.s32 v12, $0xFFFFFFFF;
	v12 =	vcvt.s32.f32 v13;
	v13 =	vcvt.s32.f32 v15  }
0x12a: {  	v11 =	vnsel vm0, $0x0, v11  }
0x12b: {  	s14 =	sadd.s32 $0x10, s29;
	v12 =	vnsel vm0, $0x0, v12;
	v13 =	vnsel vm0, $0x0, v13;
	v15 =	vld [tilespmem:s30+$0xFFFFFFE0];
	v11 =	vadd.f32 v20, v11  }
0x12c: {  	v12 =	vadd.f32 v18, v12  }
0x12d: {  	[tilespmem:v10+s21+$0x0] =	vst.idx.msk $0xffff, v11;
	v10 =	vadd.f32 v16, v13;
	v11 =	vmov s14  }
0x12e: {  	[tilespmem:v19+s21+$0x0] =	vst.idx.msk $0xffff, v12  }
0x12f: {  	[tilespmem:v14+s21+$0x0] =	vst.idx.msk $0xffff, v10;
	v10 =	vshll.u32 v11, $0x3  }
0x130: {  	[tilespmem:v23+s21+$0x0] =	vst.idx.msk $0xffff, v15;
	v10 =	vor.u32 v0, v10  }
0x131: {  	v11 =	vld [tilespmem:s1+$0xFFFFFFF0];
	v12 =	vor.u32 $0x1, v10  }
0x132: {  	v14 =	vor.u32 $0x2, v10;
	v13 =	vld [tilespmem:s22+$0xFFFFF6C8]  }
0x133: {  	v16 =	vor.u32 $0x3, v10;
	v15 =	vld [tilespmem:s22+$0xFFFFFFF0]  }
0x134: {  	v17 =	vld [tilespmem:s22+$0x918];
	_ =	sdelay $0x1  }
0x135: {  	v18 =	vand.u32 $0x1, v11;
	v19 =	vshrl.u32 v11, $0x1;
	v20 =	vshrl.u32 v11, $0x2;
	v21 =	vld [tilespmem:s12+$0xFFFFF6C8]  }
0x136: {  	v13 =	vadd.s32 v18, v13;
	v18 =	vand.u32 $0x1, v19;
	v19 =	vand.u32 $0x1, v20;
	v20 =	vld [tilespmem:s12+$0xFFFFFFF0]  }
0x137: {  	v13 =	vcvt.s32.f32 v13;
	v15 =	vadd.s32 v18, v15;
	v18 =	vld [tilespmem:s12+$0x918]  }
0x138: {  	vm0 =	vgt.s32 v11, $0xFFFFFFFF;
	v11 =	vcvt.s32.f32 v15;
	v15 =	vadd.s32 v19, v17  }
0x139: {  	v13 =	vnsel vm0, $0x0, v13;
	v15 =	vcvt.s32.f32 v15  }
0x13a: {  	v11 =	vnsel vm0, $0x0, v11;
	v17 =	vld [tilespmem:s30+$0xFFFFFFF0];
	v13 =	vadd.f32 v21, v13  }
0x13b: {  	v15 =	vnsel vm0, $0x0, v15;
	v11 =	vadd.f32 v20, v11  }
.Ltmp1:
0x13c: {  	[tilespmem:v10+s21+$0x0] =	vst.idx.msk $0xffff, v13;
	v10 =	vadd.f32 v18, v15;
	(pc) =	sbr.rel @p0 .LBB2_5-.Ltmp1, $4  }
0x13d: {  	s14 =	sadd.s32 $0x20, s29;
	[tilespmem:v12+s21+$0x0] =	vst.idx.msk $0xffff, v11  }
0x13e: {  	[tilespmem:v14+s21+$0x0] =	vst.idx.msk $0xffff, v10  }
0x13f: {  	[tilespmem:v16+s21+$0x0] =	vst.idx.msk $0xffff, v17  }
0x140: {  	s1 =	sadd.s32 $0x40, s1;
	s22 =	sadd.s32 $0x40, s22;
	s12 =	sadd.s32 $0x40, s12;
	v11 =	vmov s14;
	v10 =	vld [tilespmem:s28+$0x0]  }
0x141: {  	v12 =	vld [tilespmem:s25+$0xFFFFF6D8]  }
0x142: {  	v13 =	vld [tilespmem:s25+$0x0]  }
0x143: {  	v11 =	vshll.u32 v11, $0x3;
	v14 =	vld [tilespmem:s25+$0x928]  }
0x144: {  	v11 =	vor.u32 v0, v11  }
0x145: {  	v18 =	vld [tilespmem:s26+$0xFFFFF6D8];
	v15 =	vor.u32 $0x1, v11;
	v16 =	vand.u32 $0x1, v10;
	v17 =	vshrl.u32 v10, $0x1  }
0x146: {  	v19 =	vld [tilespmem:s26+$0x0];
	v33 =	vshrl.u32 v10, $0x2;
	v12 =	vadd.s32 v16, v12;
	v32 =	vand.u32 $0x1, v17  }
0x147: {  	v35 =	vld [tilespmem:s26+$0x928];
	v34 =	vand.u32 $0x1, v33;
	v12 =	vcvt.s32.f32 v12;
	v13 =	vadd.s32 v32, v13  }
0x148: {  	vm0 =	vgt.s32 v10, $0xFFFFFFFF;
	v36 =	vadd.s32 v34, v14;
	v10 =	vcvt.s32.f32 v13  }
0x149: {  	v37 =	vor.u32 $0x2, v11;
	v13 =	vcvt.s32.f32 v36;
	v12 =	vnsel vm0, $0x0, v12  }
0x14a: {  	v20 =	vld [tilespmem:s31+$0x0];
	v38 =	vor.u32 $0x3, v11;
	v10 =	vnsel vm0, $0x0, v10;
	v12 =	vadd.f32 v18, v12  }
0x14b: {  	v13 =	vnsel vm0, $0x0, v13;
	v10 =	vadd.f32 v19, v10  }
0x14c: {  	[tilespmem:v11+s21+$0x0] =	vst.idx.msk $0xffff, v12;
	v11 =	vadd.f32 v35, v13  }
0x14d: {  	[tilespmem:v15+s21+$0x0] =	vst.idx.msk $0xffff, v10  }
0x14e: {  	[tilespmem:v37+s21+$0x0] =	vst.idx.msk $0xffff, v11  }
0x14f: {  	[tilespmem:v38+s21+$0x0] =	vst.idx.msk $0xffff, v20  }
0x150: {  	v10 =	vld [tilespmem:s28+$0x10]  }
0x151: {  	v11 =	vld [tilespmem:s25+$0xFFFFF6E8]  }
0x152: {  	v12 =	vld [tilespmem:s25+$0x10]  }
0x153: {  	v39 =	vld [tilespmem:s25+$0x938]  }
0x154: {  	v9 =	vor.u32 v0, v9  }
0x155: {  	v15 =	vld [tilespmem:s26+$0xFFFFF6E8];
	v40 =	vand.u32 $0x1, v10;
	vm13 =	vgt.s32 v10, $0xFFFFFFFF;
	v41 =	vshrl.u32 v10, $0x1  }
0x156: {  	v16 =	vld [tilespmem:s26+$0x10];
	v10 =	vshrl.u32 v10, $0x2;
	v11 =	vadd.s32 v40, v11;
	v14 =	vand.u32 $0x1, v41  }
0x157: {  	v42 =	vld [tilespmem:s26+$0x938];
	v10 =	vand.u32 $0x1, v10;
	v11 =	vcvt.s32.f32 v11;
	v12 =	vadd.s32 v14, v12  }
0x158: {  	v43 =	vor.u32 $0x1, v9;
	v10 =	vadd.s32 v10, v39;
	v12 =	vcvt.s32.f32 v12  }
0x159: {  	v44 =	vor.u32 $0x2, v9;
	v10 =	vcvt.s32.f32 v10;
	v11 =	vnsel vm13, $0x0, v11  }
0x15a: {  	v46 =	vor.u32 $0x3, v9;
	v45 =	vld [tilespmem:s31+$0x10];
	v11 =	vadd.f32 v15, v11;
	v12 =	vnsel vm13, $0x0, v12  }
0x15b: {  	v10 =	vnsel vm13, $0x0, v10;
	v12 =	vadd.f32 v16, v12  }
0x15c: {  	[tilespmem:v9+s21+$0x0] =	vst.idx.msk $0xffff, v11;
	v9 =	vadd.f32 v42, v10  }
0x15d: {  	[tilespmem:v43+s21+$0x0] =	vst.idx.msk $0xffff, v12  }
0x15e: {  	[tilespmem:v44+s21+$0x0] =	vst.idx.msk $0xffff, v9  }
0x15f: {  	[tilespmem:v46+s21+$0x0] =	vst.idx.msk $0xffff, v45  }
0x160: {  	v9 =	vld [tilespmem:$0x1B50]  }
0x161: {  	v10 =	vld [tilespmem:$0x3FF0]  }
0x162: {  	v11 =	vld [tilespmem:$0x4918]  }
0x163: {  	v12 =	vld [tilespmem:$0x5240];
	_ =	sdelay $0x1  }
0x164: {  	v15 =	vld [tilespmem:$0x6490];
	v47 =	vand.u32 $0x1, v9;
	v48 =	vshrl.u32 v9, $0x1  }
0x165: {  	v51 =	vld [tilespmem:$0x6DB8];
	v50 =	vshrl.u32 v9, $0x2;
	v10 =	vadd.s32 v47, v10;
	v49 =	vand.u32 $0x1, v48  }
0x166: {  	v53 =	vld [tilespmem:$0x76E0];
	v52 =	vand.u32 $0x1, v50;
	v10 =	vcvt.s32.f32 v10;
	v11 =	vadd.s32 v49, v11  }
0x167: {  	vm14 =	vgt.s32 v9, $0xFFFFFFFF;
	v9 =	vcvt.s32.f32 v11;
	v11 =	vadd.s32 v52, v12  }
0x168: {  	v10 =	vnsel vm14, $0x0, v10;
	v11 =	vcvt.s32.f32 v11  }
0x169: {  	v54 =	vld [tilespmem:$0x5B68];
	v9 =	vnsel vm14, $0x0, v9;
	v10 =	vadd.f32 v15, v10  }
0x16a: {  	v11 =	vnsel vm14, $0x0, v11;
	v9 =	vadd.f32 v51, v9  }
0x16b: {  	[tilespmem:v1+s21+$0x0] =	vst.idx.msk $0xffff, v10;
	v10 =	vadd.f32 v53, v11  }
0x16c: {  	[tilespmem:v2+s21+$0x0] =	vst.idx.msk $0xffff, v9  }
0x16d: {  	[tilespmem:v3+s21+$0x0] =	vst.idx.msk $0xffff, v10  }
0x16e: {  	[tilespmem:v4+s21+$0x0] =	vst.idx.msk $0xffff, v54  }
0x16f: {  	v9 =	vld [tilespmem:$0x1B60]  }
0x170: {  	v10 =	vld [tilespmem:$0x4000]  }
0x171: {  	v11 =	vld [tilespmem:$0x4928]  }
0x172: {  	v12 =	vld [tilespmem:$0x5250];
	_ =	sdelay $0x1  }
0x173: {  	v57 =	vld [tilespmem:$0x64A0];
	v55 =	vand.u32 $0x1, v9;
	v56 =	vshrl.u32 v9, $0x1  }
0x174: {  	v60 =	vld [tilespmem:$0x6DC8];
	v59 =	vshrl.u32 v9, $0x2;
	v10 =	vadd.s32 v55, v10;
	v58 =	vand.u32 $0x1, v56  }
0x175: {  	v62 =	vld [tilespmem:$0x76F0];
	v61 =	vand.u32 $0x1, v59;
	v10 =	vcvt.s32.f32 v10;
	v11 =	vadd.s32 v58, v11  }
0x176: {  	vm15 =	vgt.s32 v9, $0xFFFFFFFF;
	v9 =	vcvt.s32.f32 v11;
	v11 =	vadd.s32 v61, v12  }
0x177: {  	v10 =	vnsel vm15, $0x0, v10;
	v11 =	vcvt.s32.f32 v11  }
0x178: {  	v63 =	vld [tilespmem:$0x5B78];
	v9 =	vnsel vm15, $0x0, v9;
	v10 =	vadd.f32 v57, v10  }
0x179: {  	v11 =	vnsel vm15, $0x0, v11;
	v9 =	vadd.f32 v60, v9  }
0x17a: {  	[tilespmem:v5+s21+$0x0] =	vst.idx.msk $0xffff, v10;
	v10 =	vadd.f32 v62, v11  }
0x17b: {  	s23 =	sadd.s32 $0x1, s23;
	[tilespmem:v6+s21+$0x0] =	vst.idx.msk $0xffff, v9  }
0x17c: {  	s0 =	sand.u32 $0x1FFFFFF8, s24;
	p0 =	sne.s32 s23, $0x10;
	[tilespmem:v7+s21+$0x0] =	vst.idx.msk $0xffff, v10  }
.Ltmp2:
0x17d: {  	s0 =	sadd.s32 s7, s0;
	[tilespmem:v8+s21+$0x0] =	vst.idx.msk $0xffff, v63;
	(pc) =	sbr.rel @p0 .LBB2_2-.Ltmp2, $4  }
0x17e: {  	[hbm4b:s0+s3] =	stream.linear.scatter [tilespmem:s21], [sflag:$0x2], $0x4940, $0x38;
	[tilespmem:$0xC048] =	vst v63  }
0x17f: {  	_ =	swait.ge [sflag:s13], $0x4940  }
0x180: {  	[sflag:s13] =	ssyncset.done $0x0  }
0x181: {  	[sflag:s13] =	ssyncadd.s32 $0xFFFFB6C0  }
0x182: {  	s1 =	rddreg [dreg:$0x4]  }
0x183: {  	s0 =	rddreg [dreg:$0x3];
	s1 =	sadd.s32 $0x1, s1  }
0x184: {  	p0 =	sne.s32 s1, s0  }
.Ltmp3:
0x185: {  	_ = 	snop;
	(pc) =	sbr.rel @p0 .LBB2_1-.Ltmp3, $1  }
0x186: {  	_ =	sdelay $0x3  }
0x187: {  	_ =	sfence.sel $0x180000  }
0x188: {  	[bflag:$0x0] =	sbarrier.arrive $0xFFFF  }
0x189: {  	_ =	strace $0x9000004A  }
0x18a: {  	s0 =	stileid.u32;
	[bflag:$0x2] =	sbarrier.arrive $0xFFFF  }
0x18b: {  	p0 =	sne.s32 s0, $0x0;
	s0 =	rddreg [dreg:$0x2]  }
0x18c: {  	s0 =	sadd.s32 @!p0 $0x100000, s0  }
0x18d: {  	[sflag:s0] =	ssyncadd.tile.s32 @!p0 $0x1;
	_ =	shalt  }
.Lfunc_end2:
_tile_overlayer_lowered:
.L_overlay_start_2:
0x18e: {  	(tag) =	ssettag $0x2  }
0x18f: {  	s0 =	rddreg [dreg:$0x0];
	s2 =	stileid.u32  }
0x190: {  	s1 =	rddreg [dreg:$0x1];
	p0 =	sne.s32 s2, $0x0  }
0x191: {  	s3 =	rddreg [dreg:$0x2];
	[bflag:$0x3] =	sbarrier.arrive $0xFFFF;
	s2 =	simm.s32 @!p0 $0x1C02  }
0x192: {  	[timem:s3], [sflag:s2] =	dma.local @!p0 [hbm:s0], s1  }
0x193: {  	s0 =	simm.s32 @!p0 $0x2  }
0x194: {  	_ =	swait.ge @!p0 [sflag:s0], s1  }
0x195: {  	s1 =	ssub.s32 @!p0 $0x0, s1;
	[sflag:s0] =	ssyncset.done @!p0 $0x0  }
0x196: {  	[sflag:s0] =	ssyncadd.s32 @!p0 s1  }
0x197: {  	[bflag:$0x3] =	sbarrier.arrive $0xFFFF  }
0x198: {  	_ =	shalt  }

</sc_bundles>
